<compile_context>
chip_gen: v7x
topology: tpu7x:2x2x1
jax: 0.10.2.dev20260603
libtpu: 0.0.44.dev20260713+nightly
codegen_flags: <defaults>
</compile_context>

<pallas_src>
import functools

import jax
import jax.numpy as jnp
from jax import lax
from jax.experimental import pallas as pl
from jax.experimental.pallas import tpu as pltpu
from jax.experimental.pallas import tpu_sc as plsc

ENT_TOT = 1000000
REL_TOT = 1000
DIM = 64
B = 16384

NC = 2
NS = 16
L = 16
NW = NC * NS
BPW = B // NW
CH = 128
NCHUNK = BPW // CH
GP = CH // L
PDIM = 2 * DIM

EQ = 1 << 18
RQ = 1 << 8

_HI = -65536


def _nrsqrt(x):
    xi = plsc.bitcast(x, jnp.int32)
    yi = jnp.int32(0x5F3759DF) - (xi >> 1)
    y = plsc.bitcast(yi, jnp.float32)
    half = x * jnp.float32(-0.5)
    for _ in range(3):
        y = y * (jnp.float32(1.5) + half * y * y)
    return y


def _scores_kernel(head_hbm, rel_hbm, tail_hbm, neg_hbm,
                   hcol_hbm, rcol_hbm, tcol_hbm, ncol_hbm,
                   hsel_hbm, rsel_hbm, tsel_hbm, nsel_hbm,
                   entq_hbm, relq_hbm,
                   pos_out, neg_out,
                   ih2, ir2, it2, in2, ihc, irc, itc, inc,
                   ihs, irs, its, ins,
                   hv, rv, tv, nv,
                   ps1, ps2, ns1, ns2, sem):
    wid = lax.axis_index("s") * NC + lax.axis_index("c")
    base = wid * BPW

    row_iota = lax.iota(jnp.int32, L)

    bsl = pl.ds(base, BPW)
    cps = [
        pltpu.async_copy(head_hbm.at[bsl], ih2, sem),
        pltpu.async_copy(rel_hbm.at[bsl], ir2, sem),
        pltpu.async_copy(tail_hbm.at[bsl], it2, sem),
        pltpu.async_copy(neg_hbm.at[bsl], in2, sem),
        pltpu.async_copy(hcol_hbm.at[bsl], ihc, sem),
        pltpu.async_copy(rcol_hbm.at[bsl], irc, sem),
        pltpu.async_copy(tcol_hbm.at[bsl], itc, sem),
        pltpu.async_copy(ncol_hbm.at[bsl], inc, sem),
        pltpu.async_copy(hsel_hbm.at[bsl], ihs, sem),
        pltpu.async_copy(rsel_hbm.at[bsl], irs, sem),
        pltpu.async_copy(tsel_hbm.at[bsl], its, sem),
        pltpu.async_copy(nsel_hbm.at[bsl], ins, sem),
    ]
    for cp in cps:
        cp.wait()

    for c in range(NCHUNK):
        csl = pl.ds(c * CH, CH)
        cp1 = pltpu.async_copy(entq_hbm.at[ih2.at[csl]], hv, sem)
        cp2 = pltpu.async_copy(relq_hbm.at[ir2.at[csl]], rv, sem)
        cp3 = pltpu.async_copy(entq_hbm.at[it2.at[csl]], tv, sem)
        cp4 = pltpu.async_copy(entq_hbm.at[in2.at[csl]], nv, sem)
        cp1.wait()
        cp2.wait()
        cp3.wait()
        cp4.wait()

        def group_body(g, _):
            rows = row_iota + g * L
            s = pl.ds(c * CH + g * L, L)
            hpar = ihc[s]
            rpar = irc[s]
            tpar = itc[s]
            npar = inc[s]
            hm = ihs[s] != 0
            rm = irs[s] != 0
            tm = its[s] != 0
            nm = ins[s] != 0
            zero = jnp.zeros((L,), jnp.float32)

            def unpack(w, m):
                return plsc.bitcast(
                    jnp.where(m, w & _HI, w << 16), jnp.float32)

            def d_body(d, carry):
                hh, tt, nn, sa, sb, sc_, sd = carry
                dvec = (d + row_iota) & (DIM - 1)
                h = unpack(plsc.load_gather(hv, [rows, hpar + dvec]), hm)
                r = unpack(plsc.load_gather(rv, [rows, rpar + dvec]), rm)
                t = unpack(plsc.load_gather(tv, [rows, tpar + dvec]), tm)
                n = unpack(plsc.load_gather(nv, [rows, npar + dvec]), nm)
                rt = r * t
                hrt = h * rt
                nrt = n * rt
                hrn = h * r * n
                hh = hh + h * h
                tt = tt + t * t
                nn = nn + n * n
                sa = sa + hrt
                sb = sb + hrt * hrt
                sc_ = sc_ + nrt
                sd = sd + hrn * hrn
                return (hh, tt, nn, sa, sb, sc_, sd)

            hh, tt, nn, sa, sb, sc_, sd = lax.fori_loop(
                0, DIM, d_body, (zero,) * 7, unroll=8)

            big = jnp.float32(1e12)
            inv_h = jnp.minimum(_nrsqrt(hh), big)
            inv_t = jnp.minimum(_nrsqrt(tt), big)
            inv_n = jnp.minimum(_nrsqrt(nn), big)
            norm_b = sb * _nrsqrt(sb)
            norm_d = sd * _nrsqrt(sd)
            ht = inv_h * inv_t
            off = c * CH + g * L
            ps1[pl.ds(off, L)] = -(sa * ht)
            ps2[pl.ds(off, L)] = -(norm_b * ht)
            ns1[pl.ds(off, L)] = -(sc_ * inv_n * inv_t)
            ns2[pl.ds(off, L)] = -(norm_d * inv_h * inv_n)
            return 0

        lax.fori_loop(0, GP, group_body, 0)

    pltpu.sync_copy(ps1, pos_out.at[pl.ds(base, BPW)])
    pltpu.sync_copy(ps2, pos_out.at[pl.ds(B + base, BPW)])
    pltpu.sync_copy(ns1, neg_out.at[pl.ds(base, BPW)])
    pltpu.sync_copy(ns2, neg_out.at[pl.ds(B + base, BPW)])


_sc_call = functools.partial(
    pl.kernel,
    out_type=(
        jax.ShapeDtypeStruct((2 * B,), jnp.float32),
        jax.ShapeDtypeStruct((2 * B,), jnp.float32),
    ),
    mesh=plsc.VectorSubcoreMesh(core_axis_name="c", subcore_axis_name="s"),
    compiler_params=pltpu.CompilerParams(
        needs_layout_passes=False, use_tc_tiling_on_sc=False),
    scratch_types=(
        [pltpu.VMEM((BPW,), jnp.int32)] * 12
        + [pltpu.VMEM((CH, PDIM), jnp.int32)] * 4
        + [pltpu.VMEM((BPW,), jnp.float32)] * 4
        + [pltpu.SemaphoreType.DMA]
    ),
)(_scores_kernel)


def _pack2(a, b):
    ia = lax.shift_right_logical(lax.bitcast_convert_type(a, jnp.int32), 16)
    ib = lax.bitcast_convert_type(b, jnp.int32) & _HI
    return ia | ib


def _quad_body(r0, r1, r2, r3, dst_ref):
    w1 = _pack2(r0[...], r1[...]).T
    w2 = _pack2(r2[...], r3[...]).T
    dst_ref[...] = jnp.concatenate([w1, w2], axis=1)


def _make_quad_transpose(split, tw, n_cols):
    nblk = split // tw
    last = (n_cols - 1) // tw

    def imap(q):
        return lambda g: (0, jnp.minimum(g + q * nblk, last))

    return pl.pallas_call(
        _quad_body,
        grid=(nblk,),
        in_specs=[pl.BlockSpec((DIM, tw), imap(q)) for q in range(4)],
        out_specs=pl.BlockSpec((tw, PDIM), lambda g: (g, 0)),
        out_shape=jax.ShapeDtypeStruct((split, PDIM), jnp.int32),
    )


_TW = 8192

_ent_quad = _make_quad_transpose(EQ, _TW, ENT_TOT)
_rel_quad = _make_quad_transpose(RQ, RQ, REL_TOT)


def kernel(batch_head, batch_rel, batch_tail, batch_negative,
           ent_embeddings, rel_embeddings):
    ent_t = ent_embeddings.T
    rel_t = rel_embeddings.T
    entq = _ent_quad(ent_t, ent_t, ent_t, ent_t)
    relq = _rel_quad(rel_t, rel_t, rel_t, rel_t)
    bh = batch_head.astype(jnp.int32)
    br = batch_rel.astype(jnp.int32)
    bt = batch_tail.astype(jnp.int32)
    bn = batch_negative.astype(jnp.int32)
    return _sc_call(
        bh & (EQ - 1),
        br & (RQ - 1),
        bt & (EQ - 1),
        bn & (EQ - 1),
        (bh >> 19) * DIM,
        (br >> 9) * DIM,
        (bt >> 19) * DIM,
        (bn >> 19) * DIM,
        (bh >> 18) & 1,
        (br >> 8) & 1,
        (bt >> 18) & 1,
        (bn >> 18) & 1,
        entq,
        relq,
    )

# --- scband reference (transcript-rebuilt; emitter-appended) ---
"""Pipeline reference for scband-dist-mult-79852031967561 (READ-ONLY COPY).

The authoritative reference and input builder live on the scoring server;
editing this copy changes nothing except your own understanding.
"""

import jax, jax.numpy as jnp
import numpy as np

ENT_TOT = 1000000
REL_TOT = 1000
DIM = 64
B = 16384


def _normalize(x):
    n = jnp.linalg.norm(x, ord=2, axis=-1, keepdims=True)
    return x / jnp.maximum(n, 1e-12)


def _calc_score_head(h, r, t):
    h = _normalize(h)
    t = _normalize(t)
    score = h * r * t
    return -1.0 * jnp.sum(score, axis=-1)


def _calc_score_tail(h, r, t):
    h = _normalize(h)
    t = _normalize(t)
    score = h * (r * t)
    return -1.0 * jnp.linalg.norm(score, ord=2, axis=-1)


def setup_inputs(seed: int = 0) -> dict:
    key = jax.random.key(seed)
    k1, k2, k3, k4, k5, k6 = jax.random.split(key, 6)
    ent_bound = float(np.sqrt(6.0 / (ENT_TOT + DIM)))
    rel_bound = float(np.sqrt(6.0 / (REL_TOT + DIM)))
    ent_embeddings = jax.random.uniform(k1, (ENT_TOT, DIM), dtype=jnp.float32, minval=-ent_bound, maxval=ent_bound)
    rel_embeddings = jax.random.uniform(k2, (REL_TOT, DIM), dtype=jnp.float32, minval=-rel_bound, maxval=rel_bound)
    batch_head = jax.random.randint(k3, (B,), 0, ENT_TOT, dtype=jnp.int64 if jax.config.jax_enable_x64 else jnp.int32)
    batch_rel = jax.random.randint(k4, (B,), 0, REL_TOT, dtype=jnp.int64 if jax.config.jax_enable_x64 else jnp.int32)
    batch_tail = jax.random.randint(k5, (B,), 0, ENT_TOT, dtype=jnp.int64 if jax.config.jax_enable_x64 else jnp.int32)
    batch_negative = jax.random.randint(k6, (B,), 0, ENT_TOT, dtype=jnp.int64 if jax.config.jax_enable_x64 else jnp.int32)
    return {
        "batch_head": batch_head,
        "batch_rel": batch_rel,
        "batch_tail": batch_tail,
        "batch_negative": batch_negative,
        "ent_embeddings": ent_embeddings,
        "rel_embeddings": rel_embeddings,
    }


def reference(batch_head, batch_rel, batch_tail, batch_negative, ent_embeddings, rel_embeddings):
    h = jnp.take(ent_embeddings, batch_head, axis=0)
    r = jnp.take(rel_embeddings, batch_rel, axis=0)
    t = jnp.take(ent_embeddings, batch_tail, axis=0)
    n = jnp.take(ent_embeddings, batch_negative, axis=0)
    pos_score_1 = _calc_score_head(h, r, t)
    pos_score_2 = _calc_score_tail(h, r, t)
    neg_score_1 = _calc_score_head(n, r, t)
    neg_score_2 = _calc_score_tail(h, r, n)
    pos_score = jnp.concatenate([pos_score_1, pos_score_2], axis=-1)
    neg_score = jnp.concatenate([neg_score_1, neg_score_2], axis=-1)
    return (pos_score, neg_score)

if __name__ == "__main__":
    import jax
    _d = setup_inputs()
    print(jax.jit(kernel)(*tuple(_d.values())))

</pallas_src>

<mosaic_0001>
#map = affine_map<(d0, d1) -> (0)>
#map1 = affine_map<(d0, d1) -> (0, 0)>
module attributes {stable_mosaic.version = 14 : i64} {
  func.func @_scores_kernel(%arg0: i32, %arg1: i32, %arg2: memref<16384xi32, #tpu.memory_space<hbm>>, %arg3: memref<16384xi32, #tpu.memory_space<hbm>>, %arg4: memref<16384xi32, #tpu.memory_space<hbm>>, %arg5: memref<16384xi32, #tpu.memory_space<hbm>>, %arg6: memref<16384xi32, #tpu.memory_space<hbm>>, %arg7: memref<16384xi32, #tpu.memory_space<hbm>>, %arg8: memref<16384xi32, #tpu.memory_space<hbm>>, %arg9: memref<16384xi32, #tpu.memory_space<hbm>>, %arg10: memref<16384xi32, #tpu.memory_space<hbm>>, %arg11: memref<16384xi32, #tpu.memory_space<hbm>>, %arg12: memref<16384xi32, #tpu.memory_space<hbm>>, %arg13: memref<16384xi32, #tpu.memory_space<hbm>>, %arg14: memref<262144x128xi32, #tpu.memory_space<hbm>>, %arg15: memref<256x128xi32, #tpu.memory_space<hbm>>, %arg16: memref<32768xf32, #tpu.memory_space<hbm>>, %arg17: memref<32768xf32, #tpu.memory_space<hbm>>, %arg18: memref<512xi32, #tpu.memory_space<vmem>>, %arg19: memref<512xi32, #tpu.memory_space<vmem>>, %arg20: memref<512xi32, #tpu.memory_space<vmem>>, %arg21: memref<512xi32, #tpu.memory_space<vmem>>, %arg22: memref<512xi32, #tpu.memory_space<vmem>>, %arg23: memref<512xi32, #tpu.memory_space<vmem>>, %arg24: memref<512xi32, #tpu.memory_space<vmem>>, %arg25: memref<512xi32, #tpu.memory_space<vmem>>, %arg26: memref<512xi32, #tpu.memory_space<vmem>>, %arg27: memref<512xi32, #tpu.memory_space<vmem>>, %arg28: memref<512xi32, #tpu.memory_space<vmem>>, %arg29: memref<512xi32, #tpu.memory_space<vmem>>, %arg30: memref<128x128xi32, #tpu.memory_space<vmem>>, %arg31: memref<128x128xi32, #tpu.memory_space<vmem>>, %arg32: memref<128x128xi32, #tpu.memory_space<vmem>>, %arg33: memref<128x128xi32, #tpu.memory_space<vmem>>, %arg34: memref<512xf32, #tpu.memory_space<vmem>>, %arg35: memref<512xf32, #tpu.memory_space<vmem>>, %arg36: memref<512xf32, #tpu.memory_space<vmem>>, %arg37: memref<512xf32, #tpu.memory_space<vmem>>, %arg38: memref<!tpu.dma_semaphore, #tpu.memory_space<semaphore_mem>>) attributes {dimension_semantics = [#tpu.dimension_semantics<core_parallel>, #tpu.dimension_semantics<subcore_parallel>], iteration_bounds = array<i64: 2, 16>, scalar_prefetch = 0 : i64, scratch_operands = 21 : i64, tpu.core_type = #tpu.core_type<sc_vector_subcore>, window_params = [{transform_indices = #map}, {transform_indices = #map}, {transform_indices = #map}, {transform_indices = #map}, {transform_indices = #map}, {transform_indices = #map}, {transform_indices = #map}, {transform_indices = #map}, {transform_indices = #map}, {transform_indices = #map}, {transform_indices = #map}, {transform_indices = #map}, {transform_indices = #map1}, {transform_indices = #map1}, {transform_indices = #map}, {transform_indices = #map}]} {
    %mul3A = arith.constant 2 : i32
    %mul3A_0 = arith.muli %arg1, %mul3A : i32
    %add3A = arith.addi %mul3A_0, %arg0 : i32
    %mul3A_1 = arith.constant 512 : i32
    %mul3A_2 = arith.muli %add3A, %mul3A_1 : i32
    %iota3A = tpu.iota {dimensions = array<i32: 0>} : vector<16xi32>
    %dma_start3A = tpu.memref_slice %arg2[%mul3A_2] : memref<16384xi32, #tpu.memory_space<hbm>> -> memref<512xi32, #tpu.memory_space<hbm>>
    %dma_start3A_3 = tpu.memref_slice %arg2[%mul3A_2] : memref<16384xi32, #tpu.memory_space<hbm>> -> memref<512xi32, #tpu.memory_space<hbm>>
    tpu.enqueue_dma source(%dma_start3A_3 : memref<512xi32, #tpu.memory_space<hbm>>) target(%arg18 : memref<512xi32, #tpu.memory_space<vmem>>) target_semaphore(%arg38 : memref<!tpu.dma_semaphore, #tpu.memory_space<semaphore_mem>>)
    %dma_start3A_4 = tpu.memref_slice %arg3[%mul3A_2] : memref<16384xi32, #tpu.memory_space<hbm>> -> memref<512xi32, #tpu.memory_space<hbm>>
    %dma_start3A_5 = tpu.memref_slice %arg3[%mul3A_2] : memref<16384xi32, #tpu.memory_space<hbm>> -> memref<512xi32, #tpu.memory_space<hbm>>
    tpu.enqueue_dma source(%dma_start3A_5 : memref<512xi32, #tpu.memory_space<hbm>>) target(%arg19 : memref<512xi32, #tpu.memory_space<vmem>>) target_semaphore(%arg38 : memref<!tpu.dma_semaphore, #tpu.memory_space<semaphore_mem>>)
    %dma_start3A_6 = tpu.memref_slice %arg4[%mul3A_2] : memref<16384xi32, #tpu.memory_space<hbm>> -> memref<512xi32, #tpu.memory_space<hbm>>
    %dma_start3A_7 = tpu.memref_slice %arg4[%mul3A_2] : memref<16384xi32, #tpu.memory_space<hbm>> -> memref<512xi32, #tpu.memory_space<hbm>>
    tpu.enqueue_dma source(%dma_start3A_7 : memref<512xi32, #tpu.memory_space<hbm>>) target(%arg20 : memref<512xi32, #tpu.memory_space<vmem>>) target_semaphore(%arg38 : memref<!tpu.dma_semaphore, #tpu.memory_space<semaphore_mem>>)
    %dma_start3A_8 = tpu.memref_slice %arg5[%mul3A_2] : memref<16384xi32, #tpu.memory_space<hbm>> -> memref<512xi32, #tpu.memory_space<hbm>>
    %dma_start3A_9 = tpu.memref_slice %arg5[%mul3A_2] : memref<16384xi32, #tpu.memory_space<hbm>> -> memref<512xi32, #tpu.memory_space<hbm>>
    tpu.enqueue_dma source(%dma_start3A_9 : memref<512xi32, #tpu.memory_space<hbm>>) target(%arg21 : memref<512xi32, #tpu.memory_space<vmem>>) target_semaphore(%arg38 : memref<!tpu.dma_semaphore, #tpu.memory_space<semaphore_mem>>)
    %dma_start3A_10 = tpu.memref_slice %arg6[%mul3A_2] : memref<16384xi32, #tpu.memory_space<hbm>> -> memref<512xi32, #tpu.memory_space<hbm>>
    %dma_start3A_11 = tpu.memref_slice %arg6[%mul3A_2] : memref<16384xi32, #tpu.memory_space<hbm>> -> memref<512xi32, #tpu.memory_space<hbm>>
    tpu.enqueue_dma source(%dma_start3A_11 : memref<512xi32, #tpu.memory_space<hbm>>) target(%arg22 : memref<512xi32, #tpu.memory_space<vmem>>) target_semaphore(%arg38 : memref<!tpu.dma_semaphore, #tpu.memory_space<semaphore_mem>>)
    %dma_start3A_12 = tpu.memref_slice %arg7[%mul3A_2] : memref<16384xi32, #tpu.memory_space<hbm>> -> memref<512xi32, #tpu.memory_space<hbm>>
    %dma_start3A_13 = tpu.memref_slice %arg7[%mul3A_2] : memref<16384xi32, #tpu.memory_space<hbm>> -> memref<512xi32, #tpu.memory_space<hbm>>
    tpu.enqueue_dma source(%dma_start3A_13 : memref<512xi32, #tpu.memory_space<hbm>>) target(%arg23 : memref<512xi32, #tpu.memory_space<vmem>>) target_semaphore(%arg38 : memref<!tpu.dma_semaphore, #tpu.memory_space<semaphore_mem>>)
    %dma_start3A_14 = tpu.memref_slice %arg8[%mul3A_2] : memref<16384xi32, #tpu.memory_space<hbm>> -> memref<512xi32, #tpu.memory_space<hbm>>
    %dma_start3A_15 = tpu.memref_slice %arg8[%mul3A_2] : memref<16384xi32, #tpu.memory_space<hbm>> -> memref<512xi32, #tpu.memory_space<hbm>>
    tpu.enqueue_dma source(%dma_start3A_15 : memref<512xi32, #tpu.memory_space<hbm>>) target(%arg24 : memref<512xi32, #tpu.memory_space<vmem>>) target_semaphore(%arg38 : memref<!tpu.dma_semaphore, #tpu.memory_space<semaphore_mem>>)
    %dma_start3A_16 = tpu.memref_slice %arg9[%mul3A_2] : memref<16384xi32, #tpu.memory_space<hbm>> -> memref<512xi32, #tpu.memory_space<hbm>>
    %dma_start3A_17 = tpu.memref_slice %arg9[%mul3A_2] : memref<16384xi32, #tpu.memory_space<hbm>> -> memref<512xi32, #tpu.memory_space<hbm>>
    tpu.enqueue_dma source(%dma_start3A_17 : memref<512xi32, #tpu.memory_space<hbm>>) target(%arg25 : memref<512xi32, #tpu.memory_space<vmem>>) target_semaphore(%arg38 : memref<!tpu.dma_semaphore, #tpu.memory_space<semaphore_mem>>)
    %dma_start3A_18 = tpu.memref_slice %arg10[%mul3A_2] : memref<16384xi32, #tpu.memory_space<hbm>> -> memref<512xi32, #tpu.memory_space<hbm>>
    %dma_start3A_19 = tpu.memref_slice %arg10[%mul3A_2] : memref<16384xi32, #tpu.memory_space<hbm>> -> memref<512xi32, #tpu.memory_space<hbm>>
    tpu.enqueue_dma source(%dma_start3A_19 : memref<512xi32, #tpu.memory_space<hbm>>) target(%arg26 : memref<512xi32, #tpu.memory_space<vmem>>) target_semaphore(%arg38 : memref<!tpu.dma_semaphore, #tpu.memory_space<semaphore_mem>>)
    %dma_start3A_20 = tpu.memref_slice %arg11[%mul3A_2] : memref<16384xi32, #tpu.memory_space<hbm>> -> memref<512xi32, #tpu.memory_space<hbm>>
    %dma_start3A_21 = tpu.memref_slice %arg11[%mul3A_2] : memref<16384xi32, #tpu.memory_space<hbm>> -> memref<512xi32, #tpu.memory_space<hbm>>
    tpu.enqueue_dma source(%dma_start3A_21 : memref<512xi32, #tpu.memory_space<hbm>>) target(%arg27 : memref<512xi32, #tpu.memory_space<vmem>>) target_semaphore(%arg38 : memref<!tpu.dma_semaphore, #tpu.memory_space<semaphore_mem>>)
    %dma_start3A_22 = tpu.memref_slice %arg12[%mul3A_2] : memref<16384xi32, #tpu.memory_space<hbm>> -> memref<512xi32, #tpu.memory_space<hbm>>
    %dma_start3A_23 = tpu.memref_slice %arg12[%mul3A_2] : memref<16384xi32, #tpu.memory_space<hbm>> -> memref<512xi32, #tpu.memory_space<hbm>>
    tpu.enqueue_dma source(%dma_start3A_23 : memref<512xi32, #tpu.memory_space<hbm>>) target(%arg28 : memref<512xi32, #tpu.memory_space<vmem>>) target_semaphore(%arg38 : memref<!tpu.dma_semaphore, #tpu.memory_space<semaphore_mem>>)
    %dma_start3A_24 = tpu.memref_slice %arg13[%mul3A_2] : memref<16384xi32, #tpu.memory_space<hbm>> -> memref<512xi32, #tpu.memory_space<hbm>>
    %dma_start3A_25 = tpu.memref_slice %arg13[%mul3A_2] : memref<16384xi32, #tpu.memory_space<hbm>> -> memref<512xi32, #tpu.memory_space<hbm>>
    tpu.enqueue_dma source(%dma_start3A_25 : memref<512xi32, #tpu.memory_space<hbm>>) target(%arg29 : memref<512xi32, #tpu.memory_space<vmem>>) target_semaphore(%arg38 : memref<!tpu.dma_semaphore, #tpu.memory_space<semaphore_mem>>)
    %dma_wait3A = tpu.memref_slice %arg2[%mul3A_2] : memref<16384xi32, #tpu.memory_space<hbm>> -> memref<512xi32, #tpu.memory_space<hbm>>
    %dma_wait3A_26 = tpu.memref_slice %arg2[%mul3A_2] : memref<16384xi32, #tpu.memory_space<hbm>> -> memref<512xi32, #tpu.memory_space<hbm>>
    tpu.wait_dma2 semaphore(%arg38 : memref<!tpu.dma_semaphore, #tpu.memory_space<semaphore_mem>>) src(%dma_wait3A_26 : memref<512xi32, #tpu.memory_space<hbm>>) dst(%arg18 : memref<512xi32, #tpu.memory_space<vmem>>)
    %dma_wait3A_27 = tpu.memref_slice %arg3[%mul3A_2] : memref<16384xi32, #tpu.memory_space<hbm>> -> memref<512xi32, #tpu.memory_space<hbm>>
    %dma_wait3A_28 = tpu.memref_slice %arg3[%mul3A_2] : memref<16384xi32, #tpu.memory_space<hbm>> -> memref<512xi32, #tpu.memory_space<hbm>>
    tpu.wait_dma2 semaphore(%arg38 : memref<!tpu.dma_semaphore, #tpu.memory_space<semaphore_mem>>) src(%dma_wait3A_28 : memref<512xi32, #tpu.memory_space<hbm>>) dst(%arg19 : memref<512xi32, #tpu.memory_space<vmem>>)
    %dma_wait3A_29 = tpu.memref_slice %arg4[%mul3A_2] : memref<16384xi32, #tpu.memory_space<hbm>> -> memref<512xi32, #tpu.memory_space<hbm>>
    %dma_wait3A_30 = tpu.memref_slice %arg4[%mul3A_2] : memref<16384xi32, #tpu.memory_space<hbm>> -> memref<512xi32, #tpu.memory_space<hbm>>
    tpu.wait_dma2 semaphore(%arg38 : memref<!tpu.dma_semaphore, #tpu.memory_space<semaphore_mem>>) src(%dma_wait3A_30 : memref<512xi32, #tpu.memory_space<hbm>>) dst(%arg20 : memref<512xi32, #tpu.memory_space<vmem>>)
    %dma_wait3A_31 = tpu.memref_slice %arg5[%mul3A_2] : memref<16384xi32, #tpu.memory_space<hbm>> -> memref<512xi32, #tpu.memory_space<hbm>>
    %dma_wait3A_32 = tpu.memref_slice %arg5[%mul3A_2] : memref<16384xi32, #tpu.memory_space<hbm>> -> memref<512xi32, #tpu.memory_space<hbm>>
    tpu.wait_dma2 semaphore(%arg38 : memref<!tpu.dma_semaphore, #tpu.memory_space<semaphore_mem>>) src(%dma_wait3A_32 : memref<512xi32, #tpu.memory_space<hbm>>) dst(%arg21 : memref<512xi32, #tpu.memory_space<vmem>>)
    %dma_wait3A_33 = tpu.memref_slice %arg6[%mul3A_2] : memref<16384xi32, #tpu.memory_space<hbm>> -> memref<512xi32, #tpu.memory_space<hbm>>
    %dma_wait3A_34 = tpu.memref_slice %arg6[%mul3A_2] : memref<16384xi32, #tpu.memory_space<hbm>> -> memref<512xi32, #tpu.memory_space<hbm>>
    tpu.wait_dma2 semaphore(%arg38 : memref<!tpu.dma_semaphore, #tpu.memory_space<semaphore_mem>>) src(%dma_wait3A_34 : memref<512xi32, #tpu.memory_space<hbm>>) dst(%arg22 : memref<512xi32, #tpu.memory_space<vmem>>)
    %dma_wait3A_35 = tpu.memref_slice %arg7[%mul3A_2] : memref<16384xi32, #tpu.memory_space<hbm>> -> memref<512xi32, #tpu.memory_space<hbm>>
    %dma_wait3A_36 = tpu.memref_slice %arg7[%mul3A_2] : memref<16384xi32, #tpu.memory_space<hbm>> -> memref<512xi32, #tpu.memory_space<hbm>>
    tpu.wait_dma2 semaphore(%arg38 : memref<!tpu.dma_semaphore, #tpu.memory_space<semaphore_mem>>) src(%dma_wait3A_36 : memref<512xi32, #tpu.memory_space<hbm>>) dst(%arg23 : memref<512xi32, #tpu.memory_space<vmem>>)
    %dma_wait3A_37 = tpu.memref_slice %arg8[%mul3A_2] : memref<16384xi32, #tpu.memory_space<hbm>> -> memref<512xi32, #tpu.memory_space<hbm>>
    %dma_wait3A_38 = tpu.memref_slice %arg8[%mul3A_2] : memref<16384xi32, #tpu.memory_space<hbm>> -> memref<512xi32, #tpu.memory_space<hbm>>
    tpu.wait_dma2 semaphore(%arg38 : memref<!tpu.dma_semaphore, #tpu.memory_space<semaphore_mem>>) src(%dma_wait3A_38 : memref<512xi32, #tpu.memory_space<hbm>>) dst(%arg24 : memref<512xi32, #tpu.memory_space<vmem>>)
    %dma_wait3A_39 = tpu.memref_slice %arg9[%mul3A_2] : memref<16384xi32, #tpu.memory_space<hbm>> -> memref<512xi32, #tpu.memory_space<hbm>>
    %dma_wait3A_40 = tpu.memref_slice %arg9[%mul3A_2] : memref<16384xi32, #tpu.memory_space<hbm>> -> memref<512xi32, #tpu.memory_space<hbm>>
    tpu.wait_dma2 semaphore(%arg38 : memref<!tpu.dma_semaphore, #tpu.memory_space<semaphore_mem>>) src(%dma_wait3A_40 : memref<512xi32, #tpu.memory_space<hbm>>) dst(%arg25 : memref<512xi32, #tpu.memory_space<vmem>>)
    %dma_wait3A_41 = tpu.memref_slice %arg10[%mul3A_2] : memref<16384xi32, #tpu.memory_space<hbm>> -> memref<512xi32, #tpu.memory_space<hbm>>
    %dma_wait3A_42 = tpu.memref_slice %arg10[%mul3A_2] : memref<16384xi32, #tpu.memory_space<hbm>> -> memref<512xi32, #tpu.memory_space<hbm>>
    tpu.wait_dma2 semaphore(%arg38 : memref<!tpu.dma_semaphore, #tpu.memory_space<semaphore_mem>>) src(%dma_wait3A_42 : memref<512xi32, #tpu.memory_space<hbm>>) dst(%arg26 : memref<512xi32, #tpu.memory_space<vmem>>)
    %dma_wait3A_43 = tpu.memref_slice %arg11[%mul3A_2] : memref<16384xi32, #tpu.memory_space<hbm>> -> memref<512xi32, #tpu.memory_space<hbm>>
    %dma_wait3A_44 = tpu.memref_slice %arg11[%mul3A_2] : memref<16384xi32, #tpu.memory_space<hbm>> -> memref<512xi32, #tpu.memory_space<hbm>>
    tpu.wait_dma2 semaphore(%arg38 : memref<!tpu.dma_semaphore, #tpu.memory_space<semaphore_mem>>) src(%dma_wait3A_44 : memref<512xi32, #tpu.memory_space<hbm>>) dst(%arg27 : memref<512xi32, #tpu.memory_space<vmem>>)
    %dma_wait3A_45 = tpu.memref_slice %arg12[%mul3A_2] : memref<16384xi32, #tpu.memory_space<hbm>> -> memref<512xi32, #tpu.memory_space<hbm>>
    %dma_wait3A_46 = tpu.memref_slice %arg12[%mul3A_2] : memref<16384xi32, #tpu.memory_space<hbm>> -> memref<512xi32, #tpu.memory_space<hbm>>
    tpu.wait_dma2 semaphore(%arg38 : memref<!tpu.dma_semaphore, #tpu.memory_space<semaphore_mem>>) src(%dma_wait3A_46 : memref<512xi32, #tpu.memory_space<hbm>>) dst(%arg28 : memref<512xi32, #tpu.memory_space<vmem>>)
    %dma_wait3A_47 = tpu.memref_slice %arg13[%mul3A_2] : memref<16384xi32, #tpu.memory_space<hbm>> -> memref<512xi32, #tpu.memory_space<hbm>>
    %dma_wait3A_48 = tpu.memref_slice %arg13[%mul3A_2] : memref<16384xi32, #tpu.memory_space<hbm>> -> memref<512xi32, #tpu.memory_space<hbm>>
    tpu.wait_dma2 semaphore(%arg38 : memref<!tpu.dma_semaphore, #tpu.memory_space<semaphore_mem>>) src(%dma_wait3A_48 : memref<512xi32, #tpu.memory_space<hbm>>) dst(%arg29 : memref<512xi32, #tpu.memory_space<vmem>>)
    %dma_start3A_49 = arith.constant 0 : i32
    %dma_start3A_50 = tpu.memref_slice %arg18[%dma_start3A_49] : memref<512xi32, #tpu.memory_space<vmem>> -> memref<128xi32, #tpu.memory_space<vmem>>
    %dma_start3A_51 = arith.constant 0 : i32
    %dma_start3A_52 = arith.constant 0 : i32
    %dma_start3A_53 = tpu.memref_slice %arg14[%dma_start3A_51, %dma_start3A_52] : memref<262144x128xi32, #tpu.memory_space<hbm>> -> memref<262144x128xi32, #tpu.memory_space<hbm>>
    tpu.enqueue_indirect_dma source(%dma_start3A_53 : memref<262144x128xi32, #tpu.memory_space<hbm>>) target(%arg30 : memref<128x128xi32, #tpu.memory_space<vmem>>) offsets(%dma_start3A_50 : memref<128xi32, #tpu.memory_space<vmem>>) semaphore(%arg38 : memref<!tpu.dma_semaphore, #tpu.memory_space<semaphore_mem>>)
    %dma_start3A_54 = arith.constant 0 : i32
    %dma_start3A_55 = tpu.memref_slice %arg19[%dma_start3A_54] : memref<512xi32, #tpu.memory_space<vmem>> -> memref<128xi32, #tpu.memory_space<vmem>>
    %dma_start3A_56 = arith.constant 0 : i32
    %dma_start3A_57 = arith.constant 0 : i32
    %dma_start3A_58 = tpu.memref_slice %arg15[%dma_start3A_56, %dma_start3A_57] : memref<256x128xi32, #tpu.memory_space<hbm>> -> memref<256x128xi32, #tpu.memory_space<hbm>>
    tpu.enqueue_indirect_dma source(%dma_start3A_58 : memref<256x128xi32, #tpu.memory_space<hbm>>) target(%arg31 : memref<128x128xi32, #tpu.memory_space<vmem>>) offsets(%dma_start3A_55 : memref<128xi32, #tpu.memory_space<vmem>>) semaphore(%arg38 : memref<!tpu.dma_semaphore, #tpu.memory_space<semaphore_mem>>)
    %dma_start3A_59 = arith.constant 0 : i32
    %dma_start3A_60 = tpu.memref_slice %arg20[%dma_start3A_59] : memref<512xi32, #tpu.memory_space<vmem>> -> memref<128xi32, #tpu.memory_space<vmem>>
    %dma_start3A_61 = arith.constant 0 : i32
    %dma_start3A_62 = arith.constant 0 : i32
    %dma_start3A_63 = tpu.memref_slice %arg14[%dma_start3A_61, %dma_start3A_62] : memref<262144x128xi32, #tpu.memory_space<hbm>> -> memref<262144x128xi32, #tpu.memory_space<hbm>>
    tpu.enqueue_indirect_dma source(%dma_start3A_63 : memref<262144x128xi32, #tpu.memory_space<hbm>>) target(%arg32 : memref<128x128xi32, #tpu.memory_space<vmem>>) offsets(%dma_start3A_60 : memref<128xi32, #tpu.memory_space<vmem>>) semaphore(%arg38 : memref<!tpu.dma_semaphore, #tpu.memory_space<semaphore_mem>>)
    %dma_start3A_64 = arith.constant 0 : i32
    %dma_start3A_65 = tpu.memref_slice %arg21[%dma_start3A_64] : memref<512xi32, #tpu.memory_space<vmem>> -> memref<128xi32, #tpu.memory_space<vmem>>
    %dma_start3A_66 = arith.constant 0 : i32
    %dma_start3A_67 = arith.constant 0 : i32
    %dma_start3A_68 = tpu.memref_slice %arg14[%dma_start3A_66, %dma_start3A_67] : memref<262144x128xi32, #tpu.memory_space<hbm>> -> memref<262144x128xi32, #tpu.memory_space<hbm>>
    tpu.enqueue_indirect_dma source(%dma_start3A_68 : memref<262144x128xi32, #tpu.memory_space<hbm>>) target(%arg33 : memref<128x128xi32, #tpu.memory_space<vmem>>) offsets(%dma_start3A_65 : memref<128xi32, #tpu.memory_space<vmem>>) semaphore(%arg38 : memref<!tpu.dma_semaphore, #tpu.memory_space<semaphore_mem>>)
    %dma_wait3A_69 = arith.constant 0 : i32
    %dma_wait3A_70 = tpu.memref_slice %arg18[%dma_wait3A_69] : memref<512xi32, #tpu.memory_space<vmem>> -> memref<128xi32, #tpu.memory_space<vmem>>
    %dma_wait3A_71 = arith.constant 0 : i32
    %dma_wait3A_72 = arith.constant 0 : i32
    %dma_wait3A_73 = tpu.memref_slice %arg14[%dma_wait3A_71, %dma_wait3A_72] : memref<262144x128xi32, #tpu.memory_space<hbm>> -> memref<262144x128xi32, #tpu.memory_space<hbm>>
    tpu.wait_indirect_dma semaphore(%arg38 : memref<!tpu.dma_semaphore, #tpu.memory_space<semaphore_mem>>) src(%dma_wait3A_73 : memref<262144x128xi32, #tpu.memory_space<hbm>>) dst(%arg30 : memref<128x128xi32, #tpu.memory_space<vmem>>)
    %dma_wait3A_74 = arith.constant 0 : i32
    %dma_wait3A_75 = tpu.memref_slice %arg19[%dma_wait3A_74] : memref<512xi32, #tpu.memory_space<vmem>> -> memref<128xi32, #tpu.memory_space<vmem>>
    %dma_wait3A_76 = arith.constant 0 : i32
    %dma_wait3A_77 = arith.constant 0 : i32
    %dma_wait3A_78 = tpu.memref_slice %arg15[%dma_wait3A_76, %dma_wait3A_77] : memref<256x128xi32, #tpu.memory_space<hbm>> -> memref<256x128xi32, #tpu.memory_space<hbm>>
    tpu.wait_indirect_dma semaphore(%arg38 : memref<!tpu.dma_semaphore, #tpu.memory_space<semaphore_mem>>) src(%dma_wait3A_78 : memref<256x128xi32, #tpu.memory_space<hbm>>) dst(%arg31 : memref<128x128xi32, #tpu.memory_space<vmem>>)
    %dma_wait3A_79 = arith.constant 0 : i32
    %dma_wait3A_80 = tpu.memref_slice %arg20[%dma_wait3A_79] : memref<512xi32, #tpu.memory_space<vmem>> -> memref<128xi32, #tpu.memory_space<vmem>>
    %dma_wait3A_81 = arith.constant 0 : i32
    %dma_wait3A_82 = arith.constant 0 : i32
    %dma_wait3A_83 = tpu.memref_slice %arg14[%dma_wait3A_81, %dma_wait3A_82] : memref<262144x128xi32, #tpu.memory_space<hbm>> -> memref<262144x128xi32, #tpu.memory_space<hbm>>
    tpu.wait_indirect_dma semaphore(%arg38 : memref<!tpu.dma_semaphore, #tpu.memory_space<semaphore_mem>>) src(%dma_wait3A_83 : memref<262144x128xi32, #tpu.memory_space<hbm>>) dst(%arg32 : memref<128x128xi32, #tpu.memory_space<vmem>>)
    %dma_wait3A_84 = arith.constant 0 : i32
    %dma_wait3A_85 = tpu.memref_slice %arg21[%dma_wait3A_84] : memref<512xi32, #tpu.memory_space<vmem>> -> memref<128xi32, #tpu.memory_space<vmem>>
    %dma_wait3A_86 = arith.constant 0 : i32
    %dma_wait3A_87 = arith.constant 0 : i32
    %dma_wait3A_88 = tpu.memref_slice %arg14[%dma_wait3A_86, %dma_wait3A_87] : memref<262144x128xi32, #tpu.memory_space<hbm>> -> memref<262144x128xi32, #tpu.memory_space<hbm>>
    tpu.wait_indirect_dma semaphore(%arg38 : memref<!tpu.dma_semaphore, #tpu.memory_space<semaphore_mem>>) src(%dma_wait3A_88 : memref<262144x128xi32, #tpu.memory_space<hbm>>) dst(%arg33 : memref<128x128xi32, #tpu.memory_space<vmem>>)
    %scan3A = arith.constant 0 : i32
    %scan3A_89 = arith.constant 0 : i32
    %scan3A_90 = arith.constant 8 : i32
    %scan3A_91 = arith.addi %scan3A_89, %scan3A_90 : i32
    %scan3A_92 = arith.constant 1 : i32
    %scan3A_93 = scf.for %scan3A_240 = %scan3A_89 to %scan3A_91 step %scan3A_92 iter_args(%scan3A_241 = %scan3A) -> (i32)  : i32 {
      %mul3A_242 = arith.constant 16 : i32
      %mul3A_243 = arith.muli %scan3A_240, %mul3A_242 : i32
      %add3A_244 = vector.broadcast %mul3A_243 : i32 to vector<16xi32>
      %add3A_245 = arith.addi %iota3A, %add3A_244 : vector<16xi32>
      %mul3A_246 = arith.constant 16 : i32
      %mul3A_247 = arith.muli %scan3A_240, %mul3A_246 : i32
      %add3A_248 = arith.constant 0 : i32
      %add3A_249 = arith.addi %add3A_248, %mul3A_247 : i32
      %get3A = arith.index_cast %add3A_249 : i32 to index
      %get3A_250 = tpu.vector_load %arg22[%get3A] {strides = array<i32>} : memref<512xi32, #tpu.memory_space<vmem>>, vector<16xi32>,
      %get3A_251 = arith.index_cast %add3A_249 : i32 to index
      %get3A_252 = tpu.vector_load %arg23[%get3A_251] {strides = array<i32>} : memref<512xi32, #tpu.memory_space<vmem>>, vector<16xi32>,
      %get3A_253 = arith.index_cast %add3A_249 : i32 to index
      %get3A_254 = tpu.vector_load %arg24[%get3A_253] {strides = array<i32>} : memref<512xi32, #tpu.memory_space<vmem>>, vector<16xi32>,
      %get3A_255 = arith.index_cast %add3A_249 : i32 to index
      %get3A_256 = tpu.vector_load %arg25[%get3A_255] {strides = array<i32>} : memref<512xi32, #tpu.memory_space<vmem>>, vector<16xi32>,
      %get3A_257 = arith.index_cast %add3A_249 : i32 to index
      %get3A_258 = tpu.vector_load %arg26[%get3A_257] {strides = array<i32>} : memref<512xi32, #tpu.memory_space<vmem>>, vector<16xi32>,
      %ne3A = arith.constant 0 : i32
      %ne3A_259 = vector.broadcast %ne3A : i32 to vector<16xi32>
      %ne3A_260 = arith.cmpi ne, %get3A_258, %ne3A_259 : vector<16xi32>
      %get3A_261 = arith.index_cast %add3A_249 : i32 to index
      %get3A_262 = tpu.vector_load %arg27[%get3A_261] {strides = array<i32>} : memref<512xi32, #tpu.memory_space<vmem>>, vector<16xi32>,
      %ne3A_263 = arith.constant 0 : i32
      %ne3A_264 = vector.broadcast %ne3A_263 : i32 to vector<16xi32>
      %ne3A_265 = arith.cmpi ne, %get3A_262, %ne3A_264 : vector<16xi32>
      %get3A_266 = arith.index_cast %add3A_249 : i32 to index
      %get3A_267 = tpu.vector_load %arg28[%get3A_266] {strides = array<i32>} : memref<512xi32, #tpu.memory_space<vmem>>, vector<16xi32>,
      %ne3A_268 = arith.constant 0 : i32
      %ne3A_269 = vector.broadcast %ne3A_268 : i32 to vector<16xi32>
      %ne3A_270 = arith.cmpi ne, %get3A_267, %ne3A_269 : vector<16xi32>
      %get3A_271 = arith.index_cast %add3A_249 : i32 to index
      %get3A_272 = tpu.vector_load %arg29[%get3A_271] {strides = array<i32>} : memref<512xi32, #tpu.memory_space<vmem>>, vector<16xi32>,
      %ne3A_273 = arith.constant 0 : i32
      %ne3A_274 = vector.broadcast %ne3A_273 : i32 to vector<16xi32>
      %ne3A_275 = arith.cmpi ne, %get3A_272, %ne3A_274 : vector<16xi32>
      %broadcast_in_dim3A = arith.constant 0.000000e+00 : f32
      %broadcast_in_dim3A_276 = vector.broadcast %broadcast_in_dim3A : f32 to vector<16xf32>
      %scan3A_277 = arith.constant 0 : i32
      %scan3A_278 = arith.constant 64 : i32
      %scan3A_279 = arith.addi %scan3A_277, %scan3A_278 : i32
      %scan3A_280 = arith.constant 8 : i32
      %scan3A_281:7 = scf.for %scan3A_465 = %scan3A_277 to %scan3A_279 step %scan3A_280 iter_args(%scan3A_466 = %broadcast_in_dim3A_276, %scan3A_467 = %broadcast_in_dim3A_276, %scan3A_468 = %broadcast_in_dim3A_276, %scan3A_469 = %broadcast_in_dim3A_276, %scan3A_470 = %broadcast_in_dim3A_276, %scan3A_471 = %broadcast_in_dim3A_276, %scan3A_472 = %broadcast_in_dim3A_276) -> (vector<16xf32>, vector<16xf32>, vector<16xf32>, vector<16xf32>, vector<16xf32>, vector<16xf32>, vector<16xf32>)  : i32 {
        %add3A_473 = vector.broadcast %scan3A_465 : i32 to vector<16xi32>
        %add3A_474 = arith.addi %add3A_473, %iota3A : vector<16xi32>
        %and3A = arith.constant 63 : i32
        %and3A_475 = vector.broadcast %and3A : i32 to vector<16xi32>
        %and3A_476 = arith.andi %add3A_474, %and3A_475 : vector<16xi32>
        %add3A_477 = arith.addi %get3A_250, %and3A_476 : vector<16xi32>
        %gather3A = tpu.vector_load_idx %arg30[%add3A_245, %add3A_477] : memref<128x128xi32, #tpu.memory_space<vmem>>[vector<16xi32>, vector<16xi32>], vector<16xi32>,
        %and3A_478 = arith.constant -65536 : i32
        %and3A_479 = vector.broadcast %and3A_478 : i32 to vector<16xi32>
        %and3A_480 = arith.andi %gather3A, %and3A_479 : vector<16xi32>
        %shift_left3A = arith.constant 16 : i32
        %shift_left3A_481 = vector.broadcast %shift_left3A : i32 to vector<16xi32>
        %shift_left3A_482 = arith.shli %gather3A, %shift_left3A_481 : vector<16xi32>
        %select_n3A = arith.select %ne3A_260, %and3A_480, %shift_left3A_482 : vector<16xi1>, vector<16xi32>
        %bitcast3A_483 = vector.bitcast %select_n3A : vector<16xi32> to vector<16xf32>
        %add3A_484 = arith.addi %get3A_252, %and3A_476 : vector<16xi32>
        %gather3A_485 = tpu.vector_load_idx %arg31[%add3A_245, %add3A_484] : memref<128x128xi32, #tpu.memory_space<vmem>>[vector<16xi32>, vector<16xi32>], vector<16xi32>,
        %and3A_486 = arith.constant -65536 : i32
        %and3A_487 = vector.broadcast %and3A_486 : i32 to vector<16xi32>
        %and3A_488 = arith.andi %gather3A_485, %and3A_487 : vector<16xi32>
        %shift_left3A_489 = arith.constant 16 : i32
        %shift_left3A_490 = vector.broadcast %shift_left3A_489 : i32 to vector<16xi32>
        %shift_left3A_491 = arith.shli %gather3A_485, %shift_left3A_490 : vector<16xi32>
        %select_n3A_492 = arith.select %ne3A_265, %and3A_488, %shift_left3A_491 : vector<16xi1>, vector<16xi32>
        %bitcast3A_493 = vector.bitcast %select_n3A_492 : vector<16xi32> to vector<16xf32>
        %add3A_494 = arith.addi %get3A_254, %and3A_476 : vector<16xi32>
        %gather3A_495 = tpu.vector_load_idx %arg32[%add3A_245, %add3A_494] : memref<128x128xi32, #tpu.memory_space<vmem>>[vector<16xi32>, vector<16xi32>], vector<16xi32>,
        %and3A_496 = arith.constant -65536 : i32
        %and3A_497 = vector.broadcast %and3A_496 : i32 to vector<16xi32>
        %and3A_498 = arith.andi %gather3A_495, %and3A_497 : vector<16xi32>
        %shift_left3A_499 = arith.constant 16 : i32
        %shift_left3A_500 = vector.broadcast %shift_left3A_499 : i32 to vector<16xi32>
        %shift_left3A_501 = arith.shli %gather3A_495, %shift_left3A_500 : vector<16xi32>
        %select_n3A_502 = arith.select %ne3A_270, %and3A_498, %shift_left3A_501 : vector<16xi1>, vector<16xi32>
        %bitcast3A_503 = vector.bitcast %select_n3A_502 : vector<16xi32> to vector<16xf32>
        %add3A_504 = arith.addi %get3A_256, %and3A_476 : vector<16xi32>
        %gather3A_505 = tpu.vector_load_idx %arg33[%add3A_245, %add3A_504] : memref<128x128xi32, #tpu.memory_space<vmem>>[vector<16xi32>, vector<16xi32>], vector<16xi32>,
        %and3A_506 = arith.constant -65536 : i32
        %and3A_507 = vector.broadcast %and3A_506 : i32 to vector<16xi32>
        %and3A_508 = arith.andi %gather3A_505, %and3A_507 : vector<16xi32>
        %shift_left3A_509 = arith.constant 16 : i32
        %shift_left3A_510 = vector.broadcast %shift_left3A_509 : i32 to vector<16xi32>
        %shift_left3A_511 = arith.shli %gather3A_505, %shift_left3A_510 : vector<16xi32>
        %select_n3A_512 = arith.select %ne3A_275, %and3A_508, %shift_left3A_511 : vector<16xi1>, vector<16xi32>
        %bitcast3A_513 = vector.bitcast %select_n3A_512 : vector<16xi32> to vector<16xf32>
        %mul3A_514 = arith.mulf %bitcast3A_493, %bitcast3A_503 : vector<16xf32>
        %mul3A_515 = arith.mulf %bitcast3A_483, %mul3A_514 : vector<16xf32>
        %mul3A_516 = arith.mulf %bitcast3A_513, %mul3A_514 : vector<16xf32>
        %mul3A_517 = arith.mulf %bitcast3A_483, %bitcast3A_493 : vector<16xf32>
        %mul3A_518 = arith.mulf %mul3A_517, %bitcast3A_513 : vector<16xf32>
        %mul3A_519 = arith.mulf %bitcast3A_483, %bitcast3A_483 : vector<16xf32>
        %add3A_520 = arith.addf %scan3A_466, %mul3A_519 : vector<16xf32>
        %mul3A_521 = arith.mulf %bitcast3A_503, %bitcast3A_503 : vector<16xf32>
        %add3A_522 = arith.addf %scan3A_467, %mul3A_521 : vector<16xf32>
        %mul3A_523 = arith.mulf %bitcast3A_513, %bitcast3A_513 : vector<16xf32>
        %add3A_524 = arith.addf %scan3A_468, %mul3A_523 : vector<16xf32>
        %add3A_525 = arith.addf %scan3A_469, %mul3A_515 : vector<16xf32>
        %mul3A_526 = arith.mulf %mul3A_515, %mul3A_515 : vector<16xf32>
        %add3A_527 = arith.addf %scan3A_470, %mul3A_526 : vector<16xf32>
        %add3A_528 = arith.addf %scan3A_471, %mul3A_516 : vector<16xf32>
        %mul3A_529 = arith.mulf %mul3A_518, %mul3A_518 : vector<16xf32>
        %add3A_530 = arith.addf %scan3A_472, %mul3A_529 : vector<16xf32>
        %scan3A_531 = arith.constant 1 : i32
        %scan3A_532 = arith.addi %scan3A_465, %scan3A_531 : i32
        %add3A_533 = vector.broadcast %scan3A_532 : i32 to vector<16xi32>
        %add3A_534 = arith.addi %add3A_533, %iota3A : vector<16xi32>
        %and3A_535 = arith.constant 63 : i32
        %and3A_536 = vector.broadcast %and3A_535 : i32 to vector<16xi32>
        %and3A_537 = arith.andi %add3A_534, %and3A_536 : vector<16xi32>
        %add3A_538 = arith.addi %get3A_250, %and3A_537 : vector<16xi32>
        %gather3A_539 = tpu.vector_load_idx %arg30[%add3A_245, %add3A_538] : memref<128x128xi32, #tpu.memory_space<vmem>>[vector<16xi32>, vector<16xi32>], vector<16xi32>,
        %and3A_540 = arith.constant -65536 : i32
        %and3A_541 = vector.broadcast %and3A_540 : i32 to vector<16xi32>
        %and3A_542 = arith.andi %gather3A_539, %and3A_541 : vector<16xi32>
        %shift_left3A_543 = arith.constant 16 : i32
        %shift_left3A_544 = vector.broadcast %shift_left3A_543 : i32 to vector<16xi32>
        %shift_left3A_545 = arith.shli %gather3A_539, %shift_left3A_544 : vector<16xi32>
        %select_n3A_546 = arith.select %ne3A_260, %and3A_542, %shift_left3A_545 : vector<16xi1>, vector<16xi32>
        %bitcast3A_547 = vector.bitcast %select_n3A_546 : vector<16xi32> to vector<16xf32>
        %add3A_548 = arith.addi %get3A_252, %and3A_537 : vector<16xi32>
        %gather3A_549 = tpu.vector_load_idx %arg31[%add3A_245, %add3A_548] : memref<128x128xi32, #tpu.memory_space<vmem>>[vector<16xi32>, vector<16xi32>], vector<16xi32>,
        %and3A_550 = arith.constant -65536 : i32
        %and3A_551 = vector.broadcast %and3A_550 : i32 to vector<16xi32>
        %and3A_552 = arith.andi %gather3A_549, %and3A_551 : vector<16xi32>
        %shift_left3A_553 = arith.constant 16 : i32
        %shift_left3A_554 = vector.broadcast %shift_left3A_553 : i32 to vector<16xi32>
        %shift_left3A_555 = arith.shli %gather3A_549, %shift_left3A_554 : vector<16xi32>
        %select_n3A_556 = arith.select %ne3A_265, %and3A_552, %shift_left3A_555 : vector<16xi1>, vector<16xi32>
        %bitcast3A_557 = vector.bitcast %select_n3A_556 : vector<16xi32> to vector<16xf32>
        %add3A_558 = arith.addi %get3A_254, %and3A_537 : vector<16xi32>
        %gather3A_559 = tpu.vector_load_idx %arg32[%add3A_245, %add3A_558] : memref<128x128xi32, #tpu.memory_space<vmem>>[vector<16xi32>, vector<16xi32>], vector<16xi32>,
        %and3A_560 = arith.constant -65536 : i32
        %and3A_561 = vector.broadcast %and3A_560 : i32 to vector<16xi32>
        %and3A_562 = arith.andi %gather3A_559, %and3A_561 : vector<16xi32>
        %shift_left3A_563 = arith.constant 16 : i32
        %shift_left3A_564 = vector.broadcast %shift_left3A_563 : i32 to vector<16xi32>
        %shift_left3A_565 = arith.shli %gather3A_559, %shift_left3A_564 : vector<16xi32>
        %select_n3A_566 = arith.select %ne3A_270, %and3A_562, %shift_left3A_565 : vector<16xi1>, vector<16xi32>
        %bitcast3A_567 = vector.bitcast %select_n3A_566 : vector<16xi32> to vector<16xf32>
        %add3A_568 = arith.addi %get3A_256, %and3A_537 : vector<16xi32>
        %gather3A_569 = tpu.vector_load_idx %arg33[%add3A_245, %add3A_568] : memref<128x128xi32, #tpu.memory_space<vmem>>[vector<16xi32>, vector<16xi32>], vector<16xi32>,
        %and3A_570 = arith.constant -65536 : i32
        %and3A_571 = vector.broadcast %and3A_570 : i32 to vector<16xi32>
        %and3A_572 = arith.andi %gather3A_569, %and3A_571 : vector<16xi32>
        %shift_left3A_573 = arith.constant 16 : i32
        %shift_left3A_574 = vector.broadcast %shift_left3A_573 : i32 to vector<16xi32>
        %shift_left3A_575 = arith.shli %gather3A_569, %shift_left3A_574 : vector<16xi32>
        %select_n3A_576 = arith.select %ne3A_275, %and3A_572, %shift_left3A_575 : vector<16xi1>, vector<16xi32>
        %bitcast3A_577 = vector.bitcast %select_n3A_576 : vector<16xi32> to vector<16xf32>
        %mul3A_578 = arith.mulf %bitcast3A_557, %bitcast3A_567 : vector<16xf32>
        %mul3A_579 = arith.mulf %bitcast3A_547, %mul3A_578 : vector<16xf32>
        %mul3A_580 = arith.mulf %bitcast3A_577, %mul3A_578 : vector<16xf32>
        %mul3A_581 = arith.mulf %bitcast3A_547, %bitcast3A_557 : vector<16xf32>
        %mul3A_582 = arith.mulf %mul3A_581, %bitcast3A_577 : vector<16xf32>
        %mul3A_583 = arith.mulf %bitcast3A_547, %bitcast3A_547 : vector<16xf32>
        %add3A_584 = arith.addf %add3A_520, %mul3A_583 : vector<16xf32>
        %mul3A_585 = arith.mulf %bitcast3A_567, %bitcast3A_567 : vector<16xf32>
        %add3A_586 = arith.addf %add3A_522, %mul3A_585 : vector<16xf32>
        %mul3A_587 = arith.mulf %bitcast3A_577, %bitcast3A_577 : vector<16xf32>
        %add3A_588 = arith.addf %add3A_524, %mul3A_587 : vector<16xf32>
        %add3A_589 = arith.addf %add3A_525, %mul3A_579 : vector<16xf32>
        %mul3A_590 = arith.mulf %mul3A_579, %mul3A_579 : vector<16xf32>
        %add3A_591 = arith.addf %add3A_527, %mul3A_590 : vector<16xf32>
        %add3A_592 = arith.addf %add3A_528, %mul3A_580 : vector<16xf32>
        %mul3A_593 = arith.mulf %mul3A_582, %mul3A_582 : vector<16xf32>
        %add3A_594 = arith.addf %add3A_530, %mul3A_593 : vector<16xf32>
        %scan3A_595 = arith.constant 2 : i32
        %scan3A_596 = arith.addi %scan3A_465, %scan3A_595 : i32
        %add3A_597 = vector.broadcast %scan3A_596 : i32 to vector<16xi32>
        %add3A_598 = arith.addi %add3A_597, %iota3A : vector<16xi32>
        %and3A_599 = arith.constant 63 : i32
        %and3A_600 = vector.broadcast %and3A_599 : i32 to vector<16xi32>
        %and3A_601 = arith.andi %add3A_598, %and3A_600 : vector<16xi32>
        %add3A_602 = arith.addi %get3A_250, %and3A_601 : vector<16xi32>
        %gather3A_603 = tpu.vector_load_idx %arg30[%add3A_245, %add3A_602] : memref<128x128xi32, #tpu.memory_space<vmem>>[vector<16xi32>, vector<16xi32>], vector<16xi32>,
        %and3A_604 = arith.constant -65536 : i32
        %and3A_605 = vector.broadcast %and3A_604 : i32 to vector<16xi32>
        %and3A_606 = arith.andi %gather3A_603, %and3A_605 : vector<16xi32>
        %shift_left3A_607 = arith.constant 16 : i32
        %shift_left3A_608 = vector.broadcast %shift_left3A_607 : i32 to vector<16xi32>
        %shift_left3A_609 = arith.shli %gather3A_603, %shift_left3A_608 : vector<16xi32>
        %select_n3A_610 = arith.select %ne3A_260, %and3A_606, %shift_left3A_609 : vector<16xi1>, vector<16xi32>
        %bitcast3A_611 = vector.bitcast %select_n3A_610 : vector<16xi32> to vector<16xf32>
        %add3A_612 = arith.addi %get3A_252, %and3A_601 : vector<16xi32>
        %gather3A_613 = tpu.vector_load_idx %arg31[%add3A_245, %add3A_612] : memref<128x128xi32, #tpu.memory_space<vmem>>[vector<16xi32>, vector<16xi32>], vector<16xi32>,
        %and3A_614 = arith.constant -65536 : i32
        %and3A_615 = vector.broadcast %and3A_614 : i32 to vector<16xi32>
        %and3A_616 = arith.andi %gather3A_613, %and3A_615 : vector<16xi32>
        %shift_left3A_617 = arith.constant 16 : i32
        %shift_left3A_618 = vector.broadcast %shift_left3A_617 : i32 to vector<16xi32>
        %shift_left3A_619 = arith.shli %gather3A_613, %shift_left3A_618 : vector<16xi32>
        %select_n3A_620 = arith.select %ne3A_265, %and3A_616, %shift_left3A_619 : vector<16xi1>, vector<16xi32>
        %bitcast3A_621 = vector.bitcast %select_n3A_620 : vector<16xi32> to vector<16xf32>
        %add3A_622 = arith.addi %get3A_254, %and3A_601 : vector<16xi32>
        %gather3A_623 = tpu.vector_load_idx %arg32[%add3A_245, %add3A_622] : memref<128x128xi32, #tpu.memory_space<vmem>>[vector<16xi32>, vector<16xi32>], vector<16xi32>,
        %and3A_624 = arith.constant -65536 : i32
        %and3A_625 = vector.broadcast %and3A_624 : i32 to vector<16xi32>
        %and3A_626 = arith.andi %gather3A_623, %and3A_625 : vector<16xi32>
        %shift_left3A_627 = arith.constant 16 : i32
        %shift_left3A_628 = vector.broadcast %shift_left3A_627 : i32 to vector<16xi32>
        %shift_left3A_629 = arith.shli %gather3A_623, %shift_left3A_628 : vector<16xi32>
        %select_n3A_630 = arith.select %ne3A_270, %and3A_626, %shift_left3A_629 : vector<16xi1>, vector<16xi32>
        %bitcast3A_631 = vector.bitcast %select_n3A_630 : vector<16xi32> to vector<16xf32>
        %add3A_632 = arith.addi %get3A_256, %and3A_601 : vector<16xi32>
        %gather3A_633 = tpu.vector_load_idx %arg33[%add3A_245, %add3A_632] : memref<128x128xi32, #tpu.memory_space<vmem>>[vector<16xi32>, vector<16xi32>], vector<16xi32>,
        %and3A_634 = arith.constant -65536 : i32
        %and3A_635 = vector.broadcast %and3A_634 : i32 to vector<16xi32>
        %and3A_636 = arith.andi %gather3A_633, %and3A_635 : vector<16xi32>
        %shift_left3A_637 = arith.constant 16 : i32
        %shift_left3A_638 = vector.broadcast %shift_left3A_637 : i32 to vector<16xi32>
        %shift_left3A_639 = arith.shli %gather3A_633, %shift_left3A_638 : vector<16xi32>
        %select_n3A_640 = arith.select %ne3A_275, %and3A_636, %shift_left3A_639 : vector<16xi1>, vector<16xi32>
        %bitcast3A_641 = vector.bitcast %select_n3A_640 : vector<16xi32> to vector<16xf32>
        %mul3A_642 = arith.mulf %bitcast3A_621, %bitcast3A_631 : vector<16xf32>
        %mul3A_643 = arith.mulf %bitcast3A_611, %mul3A_642 : vector<16xf32>
        %mul3A_644 = arith.mulf %bitcast3A_641, %mul3A_642 : vector<16xf32>
        %mul3A_645 = arith.mulf %bitcast3A_611, %bitcast3A_621 : vector<16xf32>
        %mul3A_646 = arith.mulf %mul3A_645, %bitcast3A_641 : vector<16xf32>
        %mul3A_647 = arith.mulf %bitcast3A_611, %bitcast3A_611 : vector<16xf32>
        %add3A_648 = arith.addf %add3A_584, %mul3A_647 : vector<16xf32>
        %mul3A_649 = arith.mulf %bitcast3A_631, %bitcast3A_631 : vector<16xf32>
        %add3A_650 = arith.addf %add3A_586, %mul3A_649 : vector<16xf32>
        %mul3A_651 = arith.mulf %bitcast3A_641, %bitcast3A_641 : vector<16xf32>
        %add3A_652 = arith.addf %add3A_588, %mul3A_651 : vector<16xf32>
        %add3A_653 = arith.addf %add3A_589, %mul3A_643 : vector<16xf32>
        %mul3A_654 = arith.mulf %mul3A_643, %mul3A_643 : vector<16xf32>
        %add3A_655 = arith.addf %add3A_591, %mul3A_654 : vector<16xf32>
        %add3A_656 = arith.addf %add3A_592, %mul3A_644 : vector<16xf32>
        %mul3A_657 = arith.mulf %mul3A_646, %mul3A_646 : vector<16xf32>
        %add3A_658 = arith.addf %add3A_594, %mul3A_657 : vector<16xf32>
        %scan3A_659 = arith.constant 3 : i32
        %scan3A_660 = arith.addi %scan3A_465, %scan3A_659 : i32
        %add3A_661 = vector.broadcast %scan3A_660 : i32 to vector<16xi32>
        %add3A_662 = arith.addi %add3A_661, %iota3A : vector<16xi32>
        %and3A_663 = arith.constant 63 : i32
        %and3A_664 = vector.broadcast %and3A_663 : i32 to vector<16xi32>
        %and3A_665 = arith.andi %add3A_662, %and3A_664 : vector<16xi32>
        %add3A_666 = arith.addi %get3A_250, %and3A_665 : vector<16xi32>
        %gather3A_667 = tpu.vector_load_idx %arg30[%add3A_245, %add3A_666] : memref<128x128xi32, #tpu.memory_space<vmem>>[vector<16xi32>, vector<16xi32>], vector<16xi32>,
        %and3A_668 = arith.constant -65536 : i32
        %and3A_669 = vector.broadcast %and3A_668 : i32 to vector<16xi32>
        %and3A_670 = arith.andi %gather3A_667, %and3A_669 : vector<16xi32>
        %shift_left3A_671 = arith.constant 16 : i32
        %shift_left3A_672 = vector.broadcast %shift_left3A_671 : i32 to vector<16xi32>
        %shift_left3A_673 = arith.shli %gather3A_667, %shift_left3A_672 : vector<16xi32>
        %select_n3A_674 = arith.select %ne3A_260, %and3A_670, %shift_left3A_673 : vector<16xi1>, vector<16xi32>
        %bitcast3A_675 = vector.bitcast %select_n3A_674 : vector<16xi32> to vector<16xf32>
        %add3A_676 = arith.addi %get3A_252, %and3A_665 : vector<16xi32>
        %gather3A_677 = tpu.vector_load_idx %arg31[%add3A_245, %add3A_676] : memref<128x128xi32, #tpu.memory_space<vmem>>[vector<16xi32>, vector<16xi32>], vector<16xi32>,
        %and3A_678 = arith.constant -65536 : i32
        %and3A_679 = vector.broadcast %and3A_678 : i32 to vector<16xi32>
        %and3A_680 = arith.andi %gather3A_677, %and3A_679 : vector<16xi32>
        %shift_left3A_681 = arith.constant 16 : i32
        %shift_left3A_682 = vector.broadcast %shift_left3A_681 : i32 to vector<16xi32>
        %shift_left3A_683 = arith.shli %gather3A_677, %shift_left3A_682 : vector<16xi32>
        %select_n3A_684 = arith.select %ne3A_265, %and3A_680, %shift_left3A_683 : vector<16xi1>, vector<16xi32>
        %bitcast3A_685 = vector.bitcast %select_n3A_684 : vector<16xi32> to vector<16xf32>
        %add3A_686 = arith.addi %get3A_254, %and3A_665 : vector<16xi32>
        %gather3A_687 = tpu.vector_load_idx %arg32[%add3A_245, %add3A_686] : memref<128x128xi32, #tpu.memory_space<vmem>>[vector<16xi32>, vector<16xi32>], vector<16xi32>,
        %and3A_688 = arith.constant -65536 : i32
        %and3A_689 = vector.broadcast %and3A_688 : i32 to vector<16xi32>
        %and3A_690 = arith.andi %gather3A_687, %and3A_689 : vector<16xi32>
        %shift_left3A_691 = arith.constant 16 : i32
        %shift_left3A_692 = vector.broadcast %shift_left3A_691 : i32 to vector<16xi32>
        %shift_left3A_693 = arith.shli %gather3A_687, %shift_left3A_692 : vector<16xi32>
        %select_n3A_694 = arith.select %ne3A_270, %and3A_690, %shift_left3A_693 : vector<16xi1>, vector<16xi32>
        %bitcast3A_695 = vector.bitcast %select_n3A_694 : vector<16xi32> to vector<16xf32>
        %add3A_696 = arith.addi %get3A_256, %and3A_665 : vector<16xi32>
        %gather3A_697 = tpu.vector_load_idx %arg33[%add3A_245, %add3A_696] : memref<128x128xi32, #tpu.memory_space<vmem>>[vector<16xi32>, vector<16xi32>], vector<16xi32>,
        %and3A_698 = arith.constant -65536 : i32
        %and3A_699 = vector.broadcast %and3A_698 : i32 to vector<16xi32>
        %and3A_700 = arith.andi %gather3A_697, %and3A_699 : vector<16xi32>
        %shift_left3A_701 = arith.constant 16 : i32
        %shift_left3A_702 = vector.broadcast %shift_left3A_701 : i32 to vector<16xi32>
        %shift_left3A_703 = arith.shli %gather3A_697, %shift_left3A_702 : vector<16xi32>
        %select_n3A_704 = arith.select %ne3A_275, %and3A_700, %shift_left3A_703 : vector<16xi1>, vector<16xi32>
        %bitcast3A_705 = vector.bitcast %select_n3A_704 : vector<16xi32> to vector<16xf32>
        %mul3A_706 = arith.mulf %bitcast3A_685, %bitcast3A_695 : vector<16xf32>
        %mul3A_707 = arith.mulf %bitcast3A_675, %mul3A_706 : vector<16xf32>
        %mul3A_708 = arith.mulf %bitcast3A_705, %mul3A_706 : vector<16xf32>
        %mul3A_709 = arith.mulf %bitcast3A_675, %bitcast3A_685 : vector<16xf32>
        %mul3A_710 = arith.mulf %mul3A_709, %bitcast3A_705 : vector<16xf32>
        %mul3A_711 = arith.mulf %bitcast3A_675, %bitcast3A_675 : vector<16xf32>
        %add3A_712 = arith.addf %add3A_648, %mul3A_711 : vector<16xf32>
        %mul3A_713 = arith.mulf %bitcast3A_695, %bitcast3A_695 : vector<16xf32>
        %add3A_714 = arith.addf %add3A_650, %mul3A_713 : vector<16xf32>
        %mul3A_715 = arith.mulf %bitcast3A_705, %bitcast3A_705 : vector<16xf32>
        %add3A_716 = arith.addf %add3A_652, %mul3A_715 : vector<16xf32>
        %add3A_717 = arith.addf %add3A_653, %mul3A_707 : vector<16xf32>
        %mul3A_718 = arith.mulf %mul3A_707, %mul3A_707 : vector<16xf32>
        %add3A_719 = arith.addf %add3A_655, %mul3A_718 : vector<16xf32>
        %add3A_720 = arith.addf %add3A_656, %mul3A_708 : vector<16xf32>
        %mul3A_721 = arith.mulf %mul3A_710, %mul3A_710 : vector<16xf32>
        %add3A_722 = arith.addf %add3A_658, %mul3A_721 : vector<16xf32>
        %scan3A_723 = arith.constant 4 : i32
        %scan3A_724 = arith.addi %scan3A_465, %scan3A_723 : i32
        %add3A_725 = vector.broadcast %scan3A_724 : i32 to vector<16xi32>
        %add3A_726 = arith.addi %add3A_725, %iota3A : vector<16xi32>
        %and3A_727 = arith.constant 63 : i32
        %and3A_728 = vector.broadcast %and3A_727 : i32 to vector<16xi32>
        %and3A_729 = arith.andi %add3A_726, %and3A_728 : vector<16xi32>
        %add3A_730 = arith.addi %get3A_250, %and3A_729 : vector<16xi32>
        %gather3A_731 = tpu.vector_load_idx %arg30[%add3A_245, %add3A_730] : memref<128x128xi32, #tpu.memory_space<vmem>>[vector<16xi32>, vector<16xi32>], vector<16xi32>,
        %and3A_732 = arith.constant -65536 : i32
        %and3A_733 = vector.broadcast %and3A_732 : i32 to vector<16xi32>
        %and3A_734 = arith.andi %gather3A_731, %and3A_733 : vector<16xi32>
        %shift_left3A_735 = arith.constant 16 : i32
        %shift_left3A_736 = vector.broadcast %shift_left3A_735 : i32 to vector<16xi32>
        %shift_left3A_737 = arith.shli %gather3A_731, %shift_left3A_736 : vector<16xi32>
        %select_n3A_738 = arith.select %ne3A_260, %and3A_734, %shift_left3A_737 : vector<16xi1>, vector<16xi32>
        %bitcast3A_739 = vector.bitcast %select_n3A_738 : vector<16xi32> to vector<16xf32>
        %add3A_740 = arith.addi %get3A_252, %and3A_729 : vector<16xi32>
        %gather3A_741 = tpu.vector_load_idx %arg31[%add3A_245, %add3A_740] : memref<128x128xi32, #tpu.memory_space<vmem>>[vector<16xi32>, vector<16xi32>], vector<16xi32>,
        %and3A_742 = arith.constant -65536 : i32
        %and3A_743 = vector.broadcast %and3A_742 : i32 to vector<16xi32>
        %and3A_744 = arith.andi %gather3A_741, %and3A_743 : vector<16xi32>
        %shift_left3A_745 = arith.constant 16 : i32
        %shift_left3A_746 = vector.broadcast %shift_left3A_745 : i32 to vector<16xi32>
        %shift_left3A_747 = arith.shli %gather3A_741, %shift_left3A_746 : vector<16xi32>
        %select_n3A_748 = arith.select %ne3A_265, %and3A_744, %shift_left3A_747 : vector<16xi1>, vector<16xi32>
        %bitcast3A_749 = vector.bitcast %select_n3A_748 : vector<16xi32> to vector<16xf32>
        %add3A_750 = arith.addi %get3A_254, %and3A_729 : vector<16xi32>
        %gather3A_751 = tpu.vector_load_idx %arg32[%add3A_245, %add3A_750] : memref<128x128xi32, #tpu.memory_space<vmem>>[vector<16xi32>, vector<16xi32>], vector<16xi32>,
        %and3A_752 = arith.constant -65536 : i32
        %and3A_753 = vector.broadcast %and3A_752 : i32 to vector<16xi32>
        %and3A_754 = arith.andi %gather3A_751, %and3A_753 : vector<16xi32>
        %shift_left3A_755 = arith.constant 16 : i32
        %shift_left3A_756 = vector.broadcast %shift_left3A_755 : i32 to vector<16xi32>
        %shift_left3A_757 = arith.shli %gather3A_751, %shift_left3A_756 : vector<16xi32>
        %select_n3A_758 = arith.select %ne3A_270, %and3A_754, %shift_left3A_757 : vector<16xi1>, vector<16xi32>
        %bitcast3A_759 = vector.bitcast %select_n3A_758 : vector<16xi32> to vector<16xf32>
        %add3A_760 = arith.addi %get3A_256, %and3A_729 : vector<16xi32>
        %gather3A_761 = tpu.vector_load_idx %arg33[%add3A_245, %add3A_760] : memref<128x128xi32, #tpu.memory_space<vmem>>[vector<16xi32>, vector<16xi32>], vector<16xi32>,
        %and3A_762 = arith.constant -65536 : i32
        %and3A_763 = vector.broadcast %and3A_762 : i32 to vector<16xi32>
        %and3A_764 = arith.andi %gather3A_761, %and3A_763 : vector<16xi32>
        %shift_left3A_765 = arith.constant 16 : i32
        %shift_left3A_766 = vector.broadcast %shift_left3A_765 : i32 to vector<16xi32>
        %shift_left3A_767 = arith.shli %gather3A_761, %shift_left3A_766 : vector<16xi32>
        %select_n3A_768 = arith.select %ne3A_275, %and3A_764, %shift_left3A_767 : vector<16xi1>, vector<16xi32>
        %bitcast3A_769 = vector.bitcast %select_n3A_768 : vector<16xi32> to vector<16xf32>
        %mul3A_770 = arith.mulf %bitcast3A_749, %bitcast3A_759 : vector<16xf32>
        %mul3A_771 = arith.mulf %bitcast3A_739, %mul3A_770 : vector<16xf32>
        %mul3A_772 = arith.mulf %bitcast3A_769, %mul3A_770 : vector<16xf32>
        %mul3A_773 = arith.mulf %bitcast3A_739, %bitcast3A_749 : vector<16xf32>
        %mul3A_774 = arith.mulf %mul3A_773, %bitcast3A_769 : vector<16xf32>
        %mul3A_775 = arith.mulf %bitcast3A_739, %bitcast3A_739 : vector<16xf32>
        %add3A_776 = arith.addf %add3A_712, %mul3A_775 : vector<16xf32>
        %mul3A_777 = arith.mulf %bitcast3A_759, %bitcast3A_759 : vector<16xf32>
        %add3A_778 = arith.addf %add3A_714, %mul3A_777 : vector<16xf32>
        %mul3A_779 = arith.mulf %bitcast3A_769, %bitcast3A_769 : vector<16xf32>
        %add3A_780 = arith.addf %add3A_716, %mul3A_779 : vector<16xf32>
        %add3A_781 = arith.addf %add3A_717, %mul3A_771 : vector<16xf32>
        %mul3A_782 = arith.mulf %mul3A_771, %mul3A_771 : vector<16xf32>
        %add3A_783 = arith.addf %add3A_719, %mul3A_782 : vector<16xf32>
        %add3A_784 = arith.addf %add3A_720, %mul3A_772 : vector<16xf32>
        %mul3A_785 = arith.mulf %mul3A_774, %mul3A_774 : vector<16xf32>
        %add3A_786 = arith.addf %add3A_722, %mul3A_785 : vector<16xf32>
        %scan3A_787 = arith.constant 5 : i32
        %scan3A_788 = arith.addi %scan3A_465, %scan3A_787 : i32
        %add3A_789 = vector.broadcast %scan3A_788 : i32 to vector<16xi32>
        %add3A_790 = arith.addi %add3A_789, %iota3A : vector<16xi32>
        %and3A_791 = arith.constant 63 : i32
        %and3A_792 = vector.broadcast %and3A_791 : i32 to vector<16xi32>
        %and3A_793 = arith.andi %add3A_790, %and3A_792 : vector<16xi32>
        %add3A_794 = arith.addi %get3A_250, %and3A_793 : vector<16xi32>
        %gather3A_795 = tpu.vector_load_idx %arg30[%add3A_245, %add3A_794] : memref<128x128xi32, #tpu.memory_space<vmem>>[vector<16xi32>, vector<16xi32>], vector<16xi32>,
        %and3A_796 = arith.constant -65536 : i32
        %and3A_797 = vector.broadcast %and3A_796 : i32 to vector<16xi32>
        %and3A_798 = arith.andi %gather3A_795, %and3A_797 : vector<16xi32>
        %shift_left3A_799 = arith.constant 16 : i32
        %shift_left3A_800 = vector.broadcast %shift_left3A_799 : i32 to vector<16xi32>
        %shift_left3A_801 = arith.shli %gather3A_795, %shift_left3A_800 : vector<16xi32>
        %select_n3A_802 = arith.select %ne3A_260, %and3A_798, %shift_left3A_801 : vector<16xi1>, vector<16xi32>
        %bitcast3A_803 = vector.bitcast %select_n3A_802 : vector<16xi32> to vector<16xf32>
        %add3A_804 = arith.addi %get3A_252, %and3A_793 : vector<16xi32>
        %gather3A_805 = tpu.vector_load_idx %arg31[%add3A_245, %add3A_804] : memref<128x128xi32, #tpu.memory_space<vmem>>[vector<16xi32>, vector<16xi32>], vector<16xi32>,
        %and3A_806 = arith.constant -65536 : i32
        %and3A_807 = vector.broadcast %and3A_806 : i32 to vector<16xi32>
        %and3A_808 = arith.andi %gather3A_805, %and3A_807 : vector<16xi32>
        %shift_left3A_809 = arith.constant 16 : i32
        %shift_left3A_810 = vector.broadcast %shift_left3A_809 : i32 to vector<16xi32>
        %shift_left3A_811 = arith.shli %gather3A_805, %shift_left3A_810 : vector<16xi32>
        %select_n3A_812 = arith.select %ne3A_265, %and3A_808, %shift_left3A_811 : vector<16xi1>, vector<16xi32>
        %bitcast3A_813 = vector.bitcast %select_n3A_812 : vector<16xi32> to vector<16xf32>
        %add3A_814 = arith.addi %get3A_254, %and3A_793 : vector<16xi32>
        %gather3A_815 = tpu.vector_load_idx %arg32[%add3A_245, %add3A_814] : memref<128x128xi32, #tpu.memory_space<vmem>>[vector<16xi32>, vector<16xi32>], vector<16xi32>,
        %and3A_816 = arith.constant -65536 : i32
        %and3A_817 = vector.broadcast %and3A_816 : i32 to vector<16xi32>
        %and3A_818 = arith.andi %gather3A_815, %and3A_817 : vector<16xi32>
        %shift_left3A_819 = arith.constant 16 : i32
        %shift_left3A_820 = vector.broadcast %shift_left3A_819 : i32 to vector<16xi32>
        %shift_left3A_821 = arith.shli %gather3A_815, %shift_left3A_820 : vector<16xi32>
        %select_n3A_822 = arith.select %ne3A_270, %and3A_818, %shift_left3A_821 : vector<16xi1>, vector<16xi32>
        %bitcast3A_823 = vector.bitcast %select_n3A_822 : vector<16xi32> to vector<16xf32>
        %add3A_824 = arith.addi %get3A_256, %and3A_793 : vector<16xi32>
        %gather3A_825 = tpu.vector_load_idx %arg33[%add3A_245, %add3A_824] : memref<128x128xi32, #tpu.memory_space<vmem>>[vector<16xi32>, vector<16xi32>], vector<16xi32>,
        %and3A_826 = arith.constant -65536 : i32
        %and3A_827 = vector.broadcast %and3A_826 : i32 to vector<16xi32>
        %and3A_828 = arith.andi %gather3A_825, %and3A_827 : vector<16xi32>
        %shift_left3A_829 = arith.constant 16 : i32
        %shift_left3A_830 = vector.broadcast %shift_left3A_829 : i32 to vector<16xi32>
        %shift_left3A_831 = arith.shli %gather3A_825, %shift_left3A_830 : vector<16xi32>
        %select_n3A_832 = arith.select %ne3A_275, %and3A_828, %shift_left3A_831 : vector<16xi1>, vector<16xi32>
        %bitcast3A_833 = vector.bitcast %select_n3A_832 : vector<16xi32> to vector<16xf32>
        %mul3A_834 = arith.mulf %bitcast3A_813, %bitcast3A_823 : vector<16xf32>
        %mul3A_835 = arith.mulf %bitcast3A_803, %mul3A_834 : vector<16xf32>
        %mul3A_836 = arith.mulf %bitcast3A_833, %mul3A_834 : vector<16xf32>
        %mul3A_837 = arith.mulf %bitcast3A_803, %bitcast3A_813 : vector<16xf32>
        %mul3A_838 = arith.mulf %mul3A_837, %bitcast3A_833 : vector<16xf32>
        %mul3A_839 = arith.mulf %bitcast3A_803, %bitcast3A_803 : vector<16xf32>
        %add3A_840 = arith.addf %add3A_776, %mul3A_839 : vector<16xf32>
        %mul3A_841 = arith.mulf %bitcast3A_823, %bitcast3A_823 : vector<16xf32>
        %add3A_842 = arith.addf %add3A_778, %mul3A_841 : vector<16xf32>
        %mul3A_843 = arith.mulf %bitcast3A_833, %bitcast3A_833 : vector<16xf32>
        %add3A_844 = arith.addf %add3A_780, %mul3A_843 : vector<16xf32>
        %add3A_845 = arith.addf %add3A_781, %mul3A_835 : vector<16xf32>
        %mul3A_846 = arith.mulf %mul3A_835, %mul3A_835 : vector<16xf32>
        %add3A_847 = arith.addf %add3A_783, %mul3A_846 : vector<16xf32>
        %add3A_848 = arith.addf %add3A_784, %mul3A_836 : vector<16xf32>
        %mul3A_849 = arith.mulf %mul3A_838, %mul3A_838 : vector<16xf32>
        %add3A_850 = arith.addf %add3A_786, %mul3A_849 : vector<16xf32>
        %scan3A_851 = arith.constant 6 : i32
        %scan3A_852 = arith.addi %scan3A_465, %scan3A_851 : i32
        %add3A_853 = vector.broadcast %scan3A_852 : i32 to vector<16xi32>
        %add3A_854 = arith.addi %add3A_853, %iota3A : vector<16xi32>
        %and3A_855 = arith.constant 63 : i32
        %and3A_856 = vector.broadcast %and3A_855 : i32 to vector<16xi32>
        %and3A_857 = arith.andi %add3A_854, %and3A_856 : vector<16xi32>
        %add3A_858 = arith.addi %get3A_250, %and3A_857 : vector<16xi32>
        %gather3A_859 = tpu.vector_load_idx %arg30[%add3A_245, %add3A_858] : memref<128x128xi32, #tpu.memory_space<vmem>>[vector<16xi32>, vector<16xi32>], vector<16xi32>,
        %and3A_860 = arith.constant -65536 : i32
        %and3A_861 = vector.broadcast %and3A_860 : i32 to vector<16xi32>
        %and3A_862 = arith.andi %gather3A_859, %and3A_861 : vector<16xi32>
        %shift_left3A_863 = arith.constant 16 : i32
        %shift_left3A_864 = vector.broadcast %shift_left3A_863 : i32 to vector<16xi32>
        %shift_left3A_865 = arith.shli %gather3A_859, %shift_left3A_864 : vector<16xi32>
        %select_n3A_866 = arith.select %ne3A_260, %and3A_862, %shift_left3A_865 : vector<16xi1>, vector<16xi32>
        %bitcast3A_867 = vector.bitcast %select_n3A_866 : vector<16xi32> to vector<16xf32>
        %add3A_868 = arith.addi %get3A_252, %and3A_857 : vector<16xi32>
        %gather3A_869 = tpu.vector_load_idx %arg31[%add3A_245, %add3A_868] : memref<128x128xi32, #tpu.memory_space<vmem>>[vector<16xi32>, vector<16xi32>], vector<16xi32>,
        %and3A_870 = arith.constant -65536 : i32
        %and3A_871 = vector.broadcast %and3A_870 : i32 to vector<16xi32>
        %and3A_872 = arith.andi %gather3A_869, %and3A_871 : vector<16xi32>
        %shift_left3A_873 = arith.constant 16 : i32
        %shift_left3A_874 = vector.broadcast %shift_left3A_873 : i32 to vector<16xi32>
        %shift_left3A_875 = arith.shli %gather3A_869, %shift_left3A_874 : vector<16xi32>
        %select_n3A_876 = arith.select %ne3A_265, %and3A_872, %shift_left3A_875 : vector<16xi1>, vector<16xi32>
        %bitcast3A_877 = vector.bitcast %select_n3A_876 : vector<16xi32> to vector<16xf32>
        %add3A_878 = arith.addi %get3A_254, %and3A_857 : vector<16xi32>
        %gather3A_879 = tpu.vector_load_idx %arg32[%add3A_245, %add3A_878] : memref<128x128xi32, #tpu.memory_space<vmem>>[vector<16xi32>, vector<16xi32>], vector<16xi32>,
        %and3A_880 = arith.constant -65536 : i32
        %and3A_881 = vector.broadcast %and3A_880 : i32 to vector<16xi32>
        %and3A_882 = arith.andi %gather3A_879, %and3A_881 : vector<16xi32>
        %shift_left3A_883 = arith.constant 16 : i32
        %shift_left3A_884 = vector.broadcast %shift_left3A_883 : i32 to vector<16xi32>
        %shift_left3A_885 = arith.shli %gather3A_879, %shift_left3A_884 : vector<16xi32>
        %select_n3A_886 = arith.select %ne3A_270, %and3A_882, %shift_left3A_885 : vector<16xi1>, vector<16xi32>
        %bitcast3A_887 = vector.bitcast %select_n3A_886 : vector<16xi32> to vector<16xf32>
        %add3A_888 = arith.addi %get3A_256, %and3A_857 : vector<16xi32>
        %gather3A_889 = tpu.vector_load_idx %arg33[%add3A_245, %add3A_888] : memref<128x128xi32, #tpu.memory_space<vmem>>[vector<16xi32>, vector<16xi32>], vector<16xi32>,
        %and3A_890 = arith.constant -65536 : i32
        %and3A_891 = vector.broadcast %and3A_890 : i32 to vector<16xi32>
        %and3A_892 = arith.andi %gather3A_889, %and3A_891 : vector<16xi32>
        %shift_left3A_893 = arith.constant 16 : i32
        %shift_left3A_894 = vector.broadcast %shift_left3A_893 : i32 to vector<16xi32>
        %shift_left3A_895 = arith.shli %gather3A_889, %shift_left3A_894 : vector<16xi32>
        %select_n3A_896 = arith.select %ne3A_275, %and3A_892, %shift_left3A_895 : vector<16xi1>, vector<16xi32>
        %bitcast3A_897 = vector.bitcast %select_n3A_896 : vector<16xi32> to vector<16xf32>
        %mul3A_898 = arith.mulf %bitcast3A_877, %bitcast3A_887 : vector<16xf32>
        %mul3A_899 = arith.mulf %bitcast3A_867, %mul3A_898 : vector<16xf32>
        %mul3A_900 = arith.mulf %bitcast3A_897, %mul3A_898 : vector<16xf32>
        %mul3A_901 = arith.mulf %bitcast3A_867, %bitcast3A_877 : vector<16xf32>
        %mul3A_902 = arith.mulf %mul3A_901, %bitcast3A_897 : vector<16xf32>
        %mul3A_903 = arith.mulf %bitcast3A_867, %bitcast3A_867 : vector<16xf32>
        %add3A_904 = arith.addf %add3A_840, %mul3A_903 : vector<16xf32>
        %mul3A_905 = arith.mulf %bitcast3A_887, %bitcast3A_887 : vector<16xf32>
        %add3A_906 = arith.addf %add3A_842, %mul3A_905 : vector<16xf32>
        %mul3A_907 = arith.mulf %bitcast3A_897, %bitcast3A_897 : vector<16xf32>
        %add3A_908 = arith.addf %add3A_844, %mul3A_907 : vector<16xf32>
        %add3A_909 = arith.addf %add3A_845, %mul3A_899 : vector<16xf32>
        %mul3A_910 = arith.mulf %mul3A_899, %mul3A_899 : vector<16xf32>
        %add3A_911 = arith.addf %add3A_847, %mul3A_910 : vector<16xf32>
        %add3A_912 = arith.addf %add3A_848, %mul3A_900 : vector<16xf32>
        %mul3A_913 = arith.mulf %mul3A_902, %mul3A_902 : vector<16xf32>
        %add3A_914 = arith.addf %add3A_850, %mul3A_913 : vector<16xf32>
        %scan3A_915 = arith.constant 7 : i32
        %scan3A_916 = arith.addi %scan3A_465, %scan3A_915 : i32
        %add3A_917 = vector.broadcast %scan3A_916 : i32 to vector<16xi32>
        %add3A_918 = arith.addi %add3A_917, %iota3A : vector<16xi32>
        %and3A_919 = arith.constant 63 : i32
        %and3A_920 = vector.broadcast %and3A_919 : i32 to vector<16xi32>
        %and3A_921 = arith.andi %add3A_918, %and3A_920 : vector<16xi32>
        %add3A_922 = arith.addi %get3A_250, %and3A_921 : vector<16xi32>
        %gather3A_923 = tpu.vector_load_idx %arg30[%add3A_245, %add3A_922] : memref<128x128xi32, #tpu.memory_space<vmem>>[vector<16xi32>, vector<16xi32>], vector<16xi32>,
        %and3A_924 = arith.constant -65536 : i32
        %and3A_925 = vector.broadcast %and3A_924 : i32 to vector<16xi32>
        %and3A_926 = arith.andi %gather3A_923, %and3A_925 : vector<16xi32>
        %shift_left3A_927 = arith.constant 16 : i32
        %shift_left3A_928 = vector.broadcast %shift_left3A_927 : i32 to vector<16xi32>
        %shift_left3A_929 = arith.shli %gather3A_923, %shift_left3A_928 : vector<16xi32>
        %select_n3A_930 = arith.select %ne3A_260, %and3A_926, %shift_left3A_929 : vector<16xi1>, vector<16xi32>
        %bitcast3A_931 = vector.bitcast %select_n3A_930 : vector<16xi32> to vector<16xf32>
        %add3A_932 = arith.addi %get3A_252, %and3A_921 : vector<16xi32>
        %gather3A_933 = tpu.vector_load_idx %arg31[%add3A_245, %add3A_932] : memref<128x128xi32, #tpu.memory_space<vmem>>[vector<16xi32>, vector<16xi32>], vector<16xi32>,
        %and3A_934 = arith.constant -65536 : i32
        %and3A_935 = vector.broadcast %and3A_934 : i32 to vector<16xi32>
        %and3A_936 = arith.andi %gather3A_933, %and3A_935 : vector<16xi32>
        %shift_left3A_937 = arith.constant 16 : i32
        %shift_left3A_938 = vector.broadcast %shift_left3A_937 : i32 to vector<16xi32>
        %shift_left3A_939 = arith.shli %gather3A_933, %shift_left3A_938 : vector<16xi32>
        %select_n3A_940 = arith.select %ne3A_265, %and3A_936, %shift_left3A_939 : vector<16xi1>, vector<16xi32>
        %bitcast3A_941 = vector.bitcast %select_n3A_940 : vector<16xi32> to vector<16xf32>
        %add3A_942 = arith.addi %get3A_254, %and3A_921 : vector<16xi32>
        %gather3A_943 = tpu.vector_load_idx %arg32[%add3A_245, %add3A_942] : memref<128x128xi32, #tpu.memory_space<vmem>>[vector<16xi32>, vector<16xi32>], vector<16xi32>,
        %and3A_944 = arith.constant -65536 : i32
        %and3A_945 = vector.broadcast %and3A_944 : i32 to vector<16xi32>
        %and3A_946 = arith.andi %gather3A_943, %and3A_945 : vector<16xi32>
        %shift_left3A_947 = arith.constant 16 : i32
        %shift_left3A_948 = vector.broadcast %shift_left3A_947 : i32 to vector<16xi32>
        %shift_left3A_949 = arith.shli %gather3A_943, %shift_left3A_948 : vector<16xi32>
        %select_n3A_950 = arith.select %ne3A_270, %and3A_946, %shift_left3A_949 : vector<16xi1>, vector<16xi32>
        %bitcast3A_951 = vector.bitcast %select_n3A_950 : vector<16xi32> to vector<16xf32>
        %add3A_952 = arith.addi %get3A_256, %and3A_921 : vector<16xi32>
        %gather3A_953 = tpu.vector_load_idx %arg33[%add3A_245, %add3A_952] : memref<128x128xi32, #tpu.memory_space<vmem>>[vector<16xi32>, vector<16xi32>], vector<16xi32>,
        %and3A_954 = arith.constant -65536 : i32
        %and3A_955 = vector.broadcast %and3A_954 : i32 to vector<16xi32>
        %and3A_956 = arith.andi %gather3A_953, %and3A_955 : vector<16xi32>
        %shift_left3A_957 = arith.constant 16 : i32
        %shift_left3A_958 = vector.broadcast %shift_left3A_957 : i32 to vector<16xi32>
        %shift_left3A_959 = arith.shli %gather3A_953, %shift_left3A_958 : vector<16xi32>
        %select_n3A_960 = arith.select %ne3A_275, %and3A_956, %shift_left3A_959 : vector<16xi1>, vector<16xi32>
        %bitcast3A_961 = vector.bitcast %select_n3A_960 : vector<16xi32> to vector<16xf32>
        %mul3A_962 = arith.mulf %bitcast3A_941, %bitcast3A_951 : vector<16xf32>
        %mul3A_963 = arith.mulf %bitcast3A_931, %mul3A_962 : vector<16xf32>
        %mul3A_964 = arith.mulf %bitcast3A_961, %mul3A_962 : vector<16xf32>
        %mul3A_965 = arith.mulf %bitcast3A_931, %bitcast3A_941 : vector<16xf32>
        %mul3A_966 = arith.mulf %mul3A_965, %bitcast3A_961 : vector<16xf32>
        %mul3A_967 = arith.mulf %bitcast3A_931, %bitcast3A_931 : vector<16xf32>
        %add3A_968 = arith.addf %add3A_904, %mul3A_967 : vector<16xf32>
        %mul3A_969 = arith.mulf %bitcast3A_951, %bitcast3A_951 : vector<16xf32>
        %add3A_970 = arith.addf %add3A_906, %mul3A_969 : vector<16xf32>
        %mul3A_971 = arith.mulf %bitcast3A_961, %bitcast3A_961 : vector<16xf32>
        %add3A_972 = arith.addf %add3A_908, %mul3A_971 : vector<16xf32>
        %add3A_973 = arith.addf %add3A_909, %mul3A_963 : vector<16xf32>
        %mul3A_974 = arith.mulf %mul3A_963, %mul3A_963 : vector<16xf32>
        %add3A_975 = arith.addf %add3A_911, %mul3A_974 : vector<16xf32>
        %add3A_976 = arith.addf %add3A_912, %mul3A_964 : vector<16xf32>
        %mul3A_977 = arith.mulf %mul3A_966, %mul3A_966 : vector<16xf32>
        %add3A_978 = arith.addf %add3A_914, %mul3A_977 : vector<16xf32>
        scf.yield %add3A_968, %add3A_970, %add3A_972, %add3A_973, %add3A_975, %add3A_976, %add3A_978 : vector<16xf32>, vector<16xf32>, vector<16xf32>, vector<16xf32>, vector<16xf32>, vector<16xf32>, vector<16xf32>
      }
      %scan3A_282 = arith.constant 64 : i32
      %bitcast3A = vector.bitcast %scan3A_281#0 : vector<16xf32> to vector<16xi32>
      %shift_right_arithmetic3A = arith.constant 1 : i32
      %shift_right_arithmetic3A_283 = vector.broadcast %shift_right_arithmetic3A : i32 to vector<16xi32>
      %shift_right_arithmetic3A_284 = arith.shrsi %bitcast3A, %shift_right_arithmetic3A_283 : vector<16xi32>
      %sub3A = arith.constant 1597463007 : i32
      %sub3A_285 = vector.broadcast %sub3A : i32 to vector<16xi32>
      %sub3A_286 = arith.subi %sub3A_285, %shift_right_arithmetic3A_284 : vector<16xi32>
      %bitcast3A_287 = vector.bitcast %sub3A_286 : vector<16xi32> to vector<16xf32>
      %mul3A_288 = arith.constant -5.000000e-01 : f32
      %mul3A_289 = vector.broadcast %mul3A_288 : f32 to vector<16xf32>
      %mul3A_290 = arith.mulf %scan3A_281#0, %mul3A_289 : vector<16xf32>
      %mul3A_291 = arith.mulf %mul3A_290, %bitcast3A_287 : vector<16xf32>
      %mul3A_292 = arith.mulf %mul3A_291, %bitcast3A_287 : vector<16xf32>
      %add3A_293 = arith.constant 1.500000e+00 : f32
      %add3A_294 = vector.broadcast %add3A_293 : f32 to vector<16xf32>
      %add3A_295 = arith.addf %add3A_294, %mul3A_292 : vector<16xf32>
      %mul3A_296 = arith.mulf %bitcast3A_287, %add3A_295 : vector<16xf32>
      %mul3A_297 = arith.mulf %mul3A_290, %mul3A_296 : vector<16xf32>
      %mul3A_298 = arith.mulf %mul3A_297, %mul3A_296 : vector<16xf32>
      %add3A_299 = arith.constant 1.500000e+00 : f32
      %add3A_300 = vector.broadcast %add3A_299 : f32 to vector<16xf32>
      %add3A_301 = arith.addf %add3A_300, %mul3A_298 : vector<16xf32>
      %mul3A_302 = arith.mulf %mul3A_296, %add3A_301 : vector<16xf32>
      %mul3A_303 = arith.mulf %mul3A_290, %mul3A_302 : vector<16xf32>
      %mul3A_304 = arith.mulf %mul3A_303, %mul3A_302 : vector<16xf32>
      %add3A_305 = arith.constant 1.500000e+00 : f32
      %add3A_306 = vector.broadcast %add3A_305 : f32 to vector<16xf32>
      %add3A_307 = arith.addf %add3A_306, %mul3A_304 : vector<16xf32>
      %mul3A_308 = arith.mulf %mul3A_302, %add3A_307 : vector<16xf32>
      %min3A = arith.constant 9.99999995E+11 : f32
      %min3A_309 = vector.broadcast %min3A : f32 to vector<16xf32>
      %min3A_310 = arith.minimumf %mul3A_308, %min3A_309 : vector<16xf32>
      %bitcast3A_311 = vector.bitcast %scan3A_281#1 : vector<16xf32> to vector<16xi32>
      %shift_right_arithmetic3A_312 = arith.constant 1 : i32
      %shift_right_arithmetic3A_313 = vector.broadcast %shift_right_arithmetic3A_312 : i32 to vector<16xi32>
      %shift_right_arithmetic3A_314 = arith.shrsi %bitcast3A_311, %shift_right_arithmetic3A_313 : vector<16xi32>
      %sub3A_315 = arith.constant 1597463007 : i32
      %sub3A_316 = vector.broadcast %sub3A_315 : i32 to vector<16xi32>
      %sub3A_317 = arith.subi %sub3A_316, %shift_right_arithmetic3A_314 : vector<16xi32>
      %bitcast3A_318 = vector.bitcast %sub3A_317 : vector<16xi32> to vector<16xf32>
      %mul3A_319 = arith.constant -5.000000e-01 : f32
      %mul3A_320 = vector.broadcast %mul3A_319 : f32 to vector<16xf32>
      %mul3A_321 = arith.mulf %scan3A_281#1, %mul3A_320 : vector<16xf32>
      %mul3A_322 = arith.mulf %mul3A_321, %bitcast3A_318 : vector<16xf32>
      %mul3A_323 = arith.mulf %mul3A_322, %bitcast3A_318 : vector<16xf32>
      %add3A_324 = arith.constant 1.500000e+00 : f32
      %add3A_325 = vector.broadcast %add3A_324 : f32 to vector<16xf32>
      %add3A_326 = arith.addf %add3A_325, %mul3A_323 : vector<16xf32>
      %mul3A_327 = arith.mulf %bitcast3A_318, %add3A_326 : vector<16xf32>
      %mul3A_328 = arith.mulf %mul3A_321, %mul3A_327 : vector<16xf32>
      %mul3A_329 = arith.mulf %mul3A_328, %mul3A_327 : vector<16xf32>
      %add3A_330 = arith.constant 1.500000e+00 : f32
      %add3A_331 = vector.broadcast %add3A_330 : f32 to vector<16xf32>
      %add3A_332 = arith.addf %add3A_331, %mul3A_329 : vector<16xf32>
      %mul3A_333 = arith.mulf %mul3A_327, %add3A_332 : vector<16xf32>
      %mul3A_334 = arith.mulf %mul3A_321, %mul3A_333 : vector<16xf32>
      %mul3A_335 = arith.mulf %mul3A_334, %mul3A_333 : vector<16xf32>
      %add3A_336 = arith.constant 1.500000e+00 : f32
      %add3A_337 = vector.broadcast %add3A_336 : f32 to vector<16xf32>
      %add3A_338 = arith.addf %add3A_337, %mul3A_335 : vector<16xf32>
      %mul3A_339 = arith.mulf %mul3A_333, %add3A_338 : vector<16xf32>
      %min3A_340 = arith.constant 9.99999995E+11 : f32
      %min3A_341 = vector.broadcast %min3A_340 : f32 to vector<16xf32>
      %min3A_342 = arith.minimumf %mul3A_339, %min3A_341 : vector<16xf32>
      %bitcast3A_343 = vector.bitcast %scan3A_281#2 : vector<16xf32> to vector<16xi32>
      %shift_right_arithmetic3A_344 = arith.constant 1 : i32
      %shift_right_arithmetic3A_345 = vector.broadcast %shift_right_arithmetic3A_344 : i32 to vector<16xi32>
      %shift_right_arithmetic3A_346 = arith.shrsi %bitcast3A_343, %shift_right_arithmetic3A_345 : vector<16xi32>
      %sub3A_347 = arith.constant 1597463007 : i32
      %sub3A_348 = vector.broadcast %sub3A_347 : i32 to vector<16xi32>
      %sub3A_349 = arith.subi %sub3A_348, %shift_right_arithmetic3A_346 : vector<16xi32>
      %bitcast3A_350 = vector.bitcast %sub3A_349 : vector<16xi32> to vector<16xf32>
      %mul3A_351 = arith.constant -5.000000e-01 : f32
      %mul3A_352 = vector.broadcast %mul3A_351 : f32 to vector<16xf32>
      %mul3A_353 = arith.mulf %scan3A_281#2, %mul3A_352 : vector<16xf32>
      %mul3A_354 = arith.mulf %mul3A_353, %bitcast3A_350 : vector<16xf32>
      %mul3A_355 = arith.mulf %mul3A_354, %bitcast3A_350 : vector<16xf32>
      %add3A_356 = arith.constant 1.500000e+00 : f32
      %add3A_357 = vector.broadcast %add3A_356 : f32 to vector<16xf32>
      %add3A_358 = arith.addf %add3A_357, %mul3A_355 : vector<16xf32>
      %mul3A_359 = arith.mulf %bitcast3A_350, %add3A_358 : vector<16xf32>
      %mul3A_360 = arith.mulf %mul3A_353, %mul3A_359 : vector<16xf32>
      %mul3A_361 = arith.mulf %mul3A_360, %mul3A_359 : vector<16xf32>
      %add3A_362 = arith.constant 1.500000e+00 : f32
      %add3A_363 = vector.broadcast %add3A_362 : f32 to vector<16xf32>
      %add3A_364 = arith.addf %add3A_363, %mul3A_361 : vector<16xf32>
      %mul3A_365 = arith.mulf %mul3A_359, %add3A_364 : vector<16xf32>
      %mul3A_366 = arith.mulf %mul3A_353, %mul3A_365 : vector<16xf32>
      %mul3A_367 = arith.mulf %mul3A_366, %mul3A_365 : vector<16xf32>
      %add3A_368 = arith.constant 1.500000e+00 : f32
      %add3A_369 = vector.broadcast %add3A_368 : f32 to vector<16xf32>
      %add3A_370 = arith.addf %add3A_369, %mul3A_367 : vector<16xf32>
      %mul3A_371 = arith.mulf %mul3A_365, %add3A_370 : vector<16xf32>
      %min3A_372 = arith.constant 9.99999995E+11 : f32
      %min3A_373 = vector.broadcast %min3A_372 : f32 to vector<16xf32>
      %min3A_374 = arith.minimumf %mul3A_371, %min3A_373 : vector<16xf32>
      %bitcast3A_375 = vector.bitcast %scan3A_281#4 : vector<16xf32> to vector<16xi32>
      %shift_right_arithmetic3A_376 = arith.constant 1 : i32
      %shift_right_arithmetic3A_377 = vector.broadcast %shift_right_arithmetic3A_376 : i32 to vector<16xi32>
      %shift_right_arithmetic3A_378 = arith.shrsi %bitcast3A_375, %shift_right_arithmetic3A_377 : vector<16xi32>
      %sub3A_379 = arith.constant 1597463007 : i32
      %sub3A_380 = vector.broadcast %sub3A_379 : i32 to vector<16xi32>
      %sub3A_381 = arith.subi %sub3A_380, %shift_right_arithmetic3A_378 : vector<16xi32>
      %bitcast3A_382 = vector.bitcast %sub3A_381 : vector<16xi32> to vector<16xf32>
      %mul3A_383 = arith.constant -5.000000e-01 : f32
      %mul3A_384 = vector.broadcast %mul3A_383 : f32 to vector<16xf32>
      %mul3A_385 = arith.mulf %scan3A_281#4, %mul3A_384 : vector<16xf32>
      %mul3A_386 = arith.mulf %mul3A_385, %bitcast3A_382 : vector<16xf32>
      %mul3A_387 = arith.mulf %mul3A_386, %bitcast3A_382 : vector<16xf32>
      %add3A_388 = arith.constant 1.500000e+00 : f32
      %add3A_389 = vector.broadcast %add3A_388 : f32 to vector<16xf32>
      %add3A_390 = arith.addf %add3A_389, %mul3A_387 : vector<16xf32>
      %mul3A_391 = arith.mulf %bitcast3A_382, %add3A_390 : vector<16xf32>
      %mul3A_392 = arith.mulf %mul3A_385, %mul3A_391 : vector<16xf32>
      %mul3A_393 = arith.mulf %mul3A_392, %mul3A_391 : vector<16xf32>
      %add3A_394 = arith.constant 1.500000e+00 : f32
      %add3A_395 = vector.broadcast %add3A_394 : f32 to vector<16xf32>
      %add3A_396 = arith.addf %add3A_395, %mul3A_393 : vector<16xf32>
      %mul3A_397 = arith.mulf %mul3A_391, %add3A_396 : vector<16xf32>
      %mul3A_398 = arith.mulf %mul3A_385, %mul3A_397 : vector<16xf32>
      %mul3A_399 = arith.mulf %mul3A_398, %mul3A_397 : vector<16xf32>
      %add3A_400 = arith.constant 1.500000e+00 : f32
      %add3A_401 = vector.broadcast %add3A_400 : f32 to vector<16xf32>
      %add3A_402 = arith.addf %add3A_401, %mul3A_399 : vector<16xf32>
      %mul3A_403 = arith.mulf %mul3A_397, %add3A_402 : vector<16xf32>
      %mul3A_404 = arith.mulf %scan3A_281#4, %mul3A_403 : vector<16xf32>
      %bitcast3A_405 = vector.bitcast %scan3A_281#6 : vector<16xf32> to vector<16xi32>
      %shift_right_arithmetic3A_406 = arith.constant 1 : i32
      %shift_right_arithmetic3A_407 = vector.broadcast %shift_right_arithmetic3A_406 : i32 to vector<16xi32>
      %shift_right_arithmetic3A_408 = arith.shrsi %bitcast3A_405, %shift_right_arithmetic3A_407 : vector<16xi32>
      %sub3A_409 = arith.constant 1597463007 : i32
      %sub3A_410 = vector.broadcast %sub3A_409 : i32 to vector<16xi32>
      %sub3A_411 = arith.subi %sub3A_410, %shift_right_arithmetic3A_408 : vector<16xi32>
      %bitcast3A_412 = vector.bitcast %sub3A_411 : vector<16xi32> to vector<16xf32>
      %mul3A_413 = arith.constant -5.000000e-01 : f32
      %mul3A_414 = vector.broadcast %mul3A_413 : f32 to vector<16xf32>
      %mul3A_415 = arith.mulf %scan3A_281#6, %mul3A_414 : vector<16xf32>
      %mul3A_416 = arith.mulf %mul3A_415, %bitcast3A_412 : vector<16xf32>
      %mul3A_417 = arith.mulf %mul3A_416, %bitcast3A_412 : vector<16xf32>
      %add3A_418 = arith.constant 1.500000e+00 : f32
      %add3A_419 = vector.broadcast %add3A_418 : f32 to vector<16xf32>
      %add3A_420 = arith.addf %add3A_419, %mul3A_417 : vector<16xf32>
      %mul3A_421 = arith.mulf %bitcast3A_412, %add3A_420 : vector<16xf32>
      %mul3A_422 = arith.mulf %mul3A_415, %mul3A_421 : vector<16xf32>
      %mul3A_423 = arith.mulf %mul3A_422, %mul3A_421 : vector<16xf32>
      %add3A_424 = arith.constant 1.500000e+00 : f32
      %add3A_425 = vector.broadcast %add3A_424 : f32 to vector<16xf32>
      %add3A_426 = arith.addf %add3A_425, %mul3A_423 : vector<16xf32>
      %mul3A_427 = arith.mulf %mul3A_421, %add3A_426 : vector<16xf32>
      %mul3A_428 = arith.mulf %mul3A_415, %mul3A_427 : vector<16xf32>
      %mul3A_429 = arith.mulf %mul3A_428, %mul3A_427 : vector<16xf32>
      %add3A_430 = arith.constant 1.500000e+00 : f32
      %add3A_431 = vector.broadcast %add3A_430 : f32 to vector<16xf32>
      %add3A_432 = arith.addf %add3A_431, %mul3A_429 : vector<16xf32>
      %mul3A_433 = arith.mulf %mul3A_427, %add3A_432 : vector<16xf32>
      %mul3A_434 = arith.mulf %scan3A_281#6, %mul3A_433 : vector<16xf32>
      %mul3A_435 = arith.mulf %min3A_310, %min3A_342 : vector<16xf32>
      %mul3A_436 = arith.constant 16 : i32
      %mul3A_437 = arith.muli %scan3A_240, %mul3A_436 : i32
      %add3A_438 = arith.constant 0 : i32
      %add3A_439 = arith.addi %add3A_438, %mul3A_437 : i32
      %mul3A_440 = arith.mulf %scan3A_281#3, %mul3A_435 : vector<16xf32>
      %neg3A = arith.constant 0.000000e+00 : f32
      %neg3A_441 = vector.broadcast %neg3A : f32 to vector<16xf32>
      %neg3A_442 = arith.subf %neg3A_441, %mul3A_440 : vector<16xf32>
      %swap3A = arith.index_cast %add3A_439 : i32 to index
      %swap3A_443 = tpu.vector_load %arg34[%swap3A] {strides = array<i32>} : memref<512xf32, #tpu.memory_space<vmem>>, vector<16xf32>,
      tpu.vector_store %arg34[%swap3A], %neg3A_442 {strides = array<i32>} : memref<512xf32, #tpu.memory_space<vmem>>, vector<16xf32>,
      %mul3A_444 = arith.mulf %mul3A_404, %mul3A_435 : vector<16xf32>
      %neg3A_445 = arith.constant 0.000000e+00 : f32
      %neg3A_446 = vector.broadcast %neg3A_445 : f32 to vector<16xf32>
      %neg3A_447 = arith.subf %neg3A_446, %mul3A_444 : vector<16xf32>
      %swap3A_448 = arith.index_cast %add3A_439 : i32 to index
      %swap3A_449 = tpu.vector_load %arg35[%swap3A_448] {strides = array<i32>} : memref<512xf32, #tpu.memory_space<vmem>>, vector<16xf32>,
      tpu.vector_store %arg35[%swap3A_448], %neg3A_447 {strides = array<i32>} : memref<512xf32, #tpu.memory_space<vmem>>, vector<16xf32>,
      %mul3A_450 = arith.mulf %scan3A_281#5, %min3A_374 : vector<16xf32>
      %mul3A_451 = arith.mulf %mul3A_450, %min3A_342 : vector<16xf32>
      %neg3A_452 = arith.constant 0.000000e+00 : f32
      %neg3A_453 = vector.broadcast %neg3A_452 : f32 to vector<16xf32>
      %neg3A_454 = arith.subf %neg3A_453, %mul3A_451 : vector<16xf32>
      %swap3A_455 = arith.index_cast %add3A_439 : i32 to index
      %swap3A_456 = tpu.vector_load %arg36[%swap3A_455] {strides = array<i32>} : memref<512xf32, #tpu.memory_space<vmem>>, vector<16xf32>,
      tpu.vector_store %arg36[%swap3A_455], %neg3A_454 {strides = array<i32>} : memref<512xf32, #tpu.memory_space<vmem>>, vector<16xf32>,
      %mul3A_457 = arith.mulf %mul3A_434, %min3A_310 : vector<16xf32>
      %mul3A_458 = arith.mulf %mul3A_457, %min3A_374 : vector<16xf32>
      %neg3A_459 = arith.constant 0.000000e+00 : f32
      %neg3A_460 = vector.broadcast %neg3A_459 : f32 to vector<16xf32>
      %neg3A_461 = arith.subf %neg3A_460, %mul3A_458 : vector<16xf32>
      %swap3A_462 = arith.index_cast %add3A_439 : i32 to index
      %swap3A_463 = tpu.vector_load %arg37[%swap3A_462] {strides = array<i32>} : memref<512xf32, #tpu.memory_space<vmem>>, vector<16xf32>,
      tpu.vector_store %arg37[%swap3A_462], %neg3A_461 {strides = array<i32>} : memref<512xf32, #tpu.memory_space<vmem>>, vector<16xf32>,
      %scan3A_464 = arith.constant 0 : i32
      scf.yield %scan3A_464 : i32
    }
    %scan3A_94 = arith.constant 8 : i32
    %dma_start3A_95 = arith.constant 128 : i32
    %dma_start3A_96 = tpu.memref_slice %arg18[%dma_start3A_95] : memref<512xi32, #tpu.memory_space<vmem>> -> memref<128xi32, #tpu.memory_space<vmem>>
    %dma_start3A_97 = arith.constant 0 : i32
    %dma_start3A_98 = arith.constant 0 : i32
    %dma_start3A_99 = tpu.memref_slice %arg14[%dma_start3A_97, %dma_start3A_98] : memref<262144x128xi32, #tpu.memory_space<hbm>> -> memref<262144x128xi32, #tpu.memory_space<hbm>>
    tpu.enqueue_indirect_dma source(%dma_start3A_99 : memref<262144x128xi32, #tpu.memory_space<hbm>>) target(%arg30 : memref<128x128xi32, #tpu.memory_space<vmem>>) offsets(%dma_start3A_96 : memref<128xi32, #tpu.memory_space<vmem>>) semaphore(%arg38 : memref<!tpu.dma_semaphore, #tpu.memory_space<semaphore_mem>>)
    %dma_start3A_100 = arith.constant 128 : i32
    %dma_start3A_101 = tpu.memref_slice %arg19[%dma_start3A_100] : memref<512xi32, #tpu.memory_space<vmem>> -> memref<128xi32, #tpu.memory_space<vmem>>
    %dma_start3A_102 = arith.constant 0 : i32
    %dma_start3A_103 = arith.constant 0 : i32
    %dma_start3A_104 = tpu.memref_slice %arg15[%dma_start3A_102, %dma_start3A_103] : memref<256x128xi32, #tpu.memory_space<hbm>> -> memref<256x128xi32, #tpu.memory_space<hbm>>
    tpu.enqueue_indirect_dma source(%dma_start3A_104 : memref<256x128xi32, #tpu.memory_space<hbm>>) target(%arg31 : memref<128x128xi32, #tpu.memory_space<vmem>>) offsets(%dma_start3A_101 : memref<128xi32, #tpu.memory_space<vmem>>) semaphore(%arg38 : memref<!tpu.dma_semaphore, #tpu.memory_space<semaphore_mem>>)
    %dma_start3A_105 = arith.constant 128 : i32
    %dma_start3A_106 = tpu.memref_slice %arg20[%dma_start3A_105] : memref<512xi32, #tpu.memory_space<vmem>> -> memref<128xi32, #tpu.memory_space<vmem>>
    %dma_start3A_107 = arith.constant 0 : i32
    %dma_start3A_108 = arith.constant 0 : i32
    %dma_start3A_109 = tpu.memref_slice %arg14[%dma_start3A_107, %dma_start3A_108] : memref<262144x128xi32, #tpu.memory_space<hbm>> -> memref<262144x128xi32, #tpu.memory_space<hbm>>
    tpu.enqueue_indirect_dma source(%dma_start3A_109 : memref<262144x128xi32, #tpu.memory_space<hbm>>) target(%arg32 : memref<128x128xi32, #tpu.memory_space<vmem>>) offsets(%dma_start3A_106 : memref<128xi32, #tpu.memory_space<vmem>>) semaphore(%arg38 : memref<!tpu.dma_semaphore, #tpu.memory_space<semaphore_mem>>)
    %dma_start3A_110 = arith.constant 128 : i32
    %dma_start3A_111 = tpu.memref_slice %arg21[%dma_start3A_110] : memref<512xi32, #tpu.memory_space<vmem>> -> memref<128xi32, #tpu.memory_space<vmem>>
    %dma_start3A_112 = arith.constant 0 : i32
    %dma_start3A_113 = arith.constant 0 : i32
    %dma_start3A_114 = tpu.memref_slice %arg14[%dma_start3A_112, %dma_start3A_113] : memref<262144x128xi32, #tpu.memory_space<hbm>> -> memref<262144x128xi32, #tpu.memory_space<hbm>>
    tpu.enqueue_indirect_dma source(%dma_start3A_114 : memref<262144x128xi32, #tpu.memory_space<hbm>>) target(%arg33 : memref<128x128xi32, #tpu.memory_space<vmem>>) offsets(%dma_start3A_111 : memref<128xi32, #tpu.memory_space<vmem>>) semaphore(%arg38 : memref<!tpu.dma_semaphore, #tpu.memory_space<semaphore_mem>>)
    %dma_wait3A_115 = arith.constant 128 : i32
    %dma_wait3A_116 = tpu.memref_slice %arg18[%dma_wait3A_115] : memref<512xi32, #tpu.memory_space<vmem>> -> memref<128xi32, #tpu.memory_space<vmem>>
    %dma_wait3A_117 = arith.constant 0 : i32
    %dma_wait3A_118 = arith.constant 0 : i32
    %dma_wait3A_119 = tpu.memref_slice %arg14[%dma_wait3A_117, %dma_wait3A_118] : memref<262144x128xi32, #tpu.memory_space<hbm>> -> memref<262144x128xi32, #tpu.memory_space<hbm>>
    tpu.wait_indirect_dma semaphore(%arg38 : memref<!tpu.dma_semaphore, #tpu.memory_space<semaphore_mem>>) src(%dma_wait3A_119 : memref<262144x128xi32, #tpu.memory_space<hbm>>) dst(%arg30 : memref<128x128xi32, #tpu.memory_space<vmem>>)
    %dma_wait3A_120 = arith.constant 128 : i32
    %dma_wait3A_121 = tpu.memref_slice %arg19[%dma_wait3A_120] : memref<512xi32, #tpu.memory_space<vmem>> -> memref<128xi32, #tpu.memory_space<vmem>>
    %dma_wait3A_122 = arith.constant 0 : i32
    %dma_wait3A_123 = arith.constant 0 : i32
    %dma_wait3A_124 = tpu.memref_slice %arg15[%dma_wait3A_122, %dma_wait3A_123] : memref<256x128xi32, #tpu.memory_space<hbm>> -> memref<256x128xi32, #tpu.memory_space<hbm>>
    tpu.wait_indirect_dma semaphore(%arg38 : memref<!tpu.dma_semaphore, #tpu.memory_space<semaphore_mem>>) src(%dma_wait3A_124 : memref<256x128xi32, #tpu.memory_space<hbm>>) dst(%arg31 : memref<128x128xi32, #tpu.memory_space<vmem>>)
    %dma_wait3A_125 = arith.constant 128 : i32
    %dma_wait3A_126 = tpu.memref_slice %arg20[%dma_wait3A_125] : memref<512xi32, #tpu.memory_space<vmem>> -> memref<128xi32, #tpu.memory_space<vmem>>
    %dma_wait3A_127 = arith.constant 0 : i32
    %dma_wait3A_128 = arith.constant 0 : i32
    %dma_wait3A_129 = tpu.memref_slice %arg14[%dma_wait3A_127, %dma_wait3A_128] : memref<262144x128xi32, #tpu.memory_space<hbm>> -> memref<262144x128xi32, #tpu.memory_space<hbm>>
    tpu.wait_indirect_dma semaphore(%arg38 : memref<!tpu.dma_semaphore, #tpu.memory_space<semaphore_mem>>) src(%dma_wait3A_129 : memref<262144x128xi32, #tpu.memory_space<hbm>>) dst(%arg32 : memref<128x128xi32, #tpu.memory_space<vmem>>)
    %dma_wait3A_130 = arith.constant 128 : i32
    %dma_wait3A_131 = tpu.memref_slice %arg21[%dma_wait3A_130] : memref<512xi32, #tpu.memory_space<vmem>> -> memref<128xi32, #tpu.memory_space<vmem>>
    %dma_wait3A_132 = arith.constant 0 : i32
    %dma_wait3A_133 = arith.constant 0 : i32
    %dma_wait3A_134 = tpu.memref_slice %arg14[%dma_wait3A_132, %dma_wait3A_133] : memref<262144x128xi32, #tpu.memory_space<hbm>> -> memref<262144x128xi32, #tpu.memory_space<hbm>>
    tpu.wait_indirect_dma semaphore(%arg38 : memref<!tpu.dma_semaphore, #tpu.memory_space<semaphore_mem>>) src(%dma_wait3A_134 : memref<262144x128xi32, #tpu.memory_space<hbm>>) dst(%arg33 : memref<128x128xi32, #tpu.memory_space<vmem>>)
    %scan3A_135 = arith.constant 0 : i32
    %scan3A_136 = arith.constant 0 : i32
    %scan3A_137 = arith.constant 8 : i32
    %scan3A_138 = arith.addi %scan3A_136, %scan3A_137 : i32
    %scan3A_139 = arith.constant 1 : i32
    %scan3A_140 = scf.for %scan3A_240 = %scan3A_136 to %scan3A_138 step %scan3A_139 iter_args(%scan3A_241 = %scan3A_135) -> (i32)  : i32 {
      %mul3A_242 = arith.constant 16 : i32
      %mul3A_243 = arith.muli %scan3A_240, %mul3A_242 : i32
      %add3A_244 = vector.broadcast %mul3A_243 : i32 to vector<16xi32>
      %add3A_245 = arith.addi %iota3A, %add3A_244 : vector<16xi32>
      %mul3A_246 = arith.constant 16 : i32
      %mul3A_247 = arith.muli %scan3A_240, %mul3A_246 : i32
      %add3A_248 = arith.constant 128 : i32
      %add3A_249 = arith.addi %add3A_248, %mul3A_247 : i32
      %get3A = arith.index_cast %add3A_249 : i32 to index
      %get3A_250 = tpu.vector_load %arg22[%get3A] {strides = array<i32>} : memref<512xi32, #tpu.memory_space<vmem>>, vector<16xi32>,
      %get3A_251 = arith.index_cast %add3A_249 : i32 to index
      %get3A_252 = tpu.vector_load %arg23[%get3A_251] {strides = array<i32>} : memref<512xi32, #tpu.memory_space<vmem>>, vector<16xi32>,
      %get3A_253 = arith.index_cast %add3A_249 : i32 to index
      %get3A_254 = tpu.vector_load %arg24[%get3A_253] {strides = array<i32>} : memref<512xi32, #tpu.memory_space<vmem>>, vector<16xi32>,
      %get3A_255 = arith.index_cast %add3A_249 : i32 to index
      %get3A_256 = tpu.vector_load %arg25[%get3A_255] {strides = array<i32>} : memref<512xi32, #tpu.memory_space<vmem>>, vector<16xi32>,
      %get3A_257 = arith.index_cast %add3A_249 : i32 to index
      %get3A_258 = tpu.vector_load %arg26[%get3A_257] {strides = array<i32>} : memref<512xi32, #tpu.memory_space<vmem>>, vector<16xi32>,
      %ne3A = arith.constant 0 : i32
      %ne3A_259 = vector.broadcast %ne3A : i32 to vector<16xi32>
      %ne3A_260 = arith.cmpi ne, %get3A_258, %ne3A_259 : vector<16xi32>
      %get3A_261 = arith.index_cast %add3A_249 : i32 to index
      %get3A_262 = tpu.vector_load %arg27[%get3A_261] {strides = array<i32>} : memref<512xi32, #tpu.memory_space<vmem>>, vector<16xi32>,
      %ne3A_263 = arith.constant 0 : i32
      %ne3A_264 = vector.broadcast %ne3A_263 : i32 to vector<16xi32>
      %ne3A_265 = arith.cmpi ne, %get3A_262, %ne3A_264 : vector<16xi32>
      %get3A_266 = arith.index_cast %add3A_249 : i32 to index
      %get3A_267 = tpu.vector_load %arg28[%get3A_266] {strides = array<i32>} : memref<512xi32, #tpu.memory_space<vmem>>, vector<16xi32>,
      %ne3A_268 = arith.constant 0 : i32
      %ne3A_269 = vector.broadcast %ne3A_268 : i32 to vector<16xi32>
      %ne3A_270 = arith.cmpi ne, %get3A_267, %ne3A_269 : vector<16xi32>
      %get3A_271 = arith.index_cast %add3A_249 : i32 to index
      %get3A_272 = tpu.vector_load %arg29[%get3A_271] {strides = array<i32>} : memref<512xi32, #tpu.memory_space<vmem>>, vector<16xi32>,
      %ne3A_273 = arith.constant 0 : i32
      %ne3A_274 = vector.broadcast %ne3A_273 : i32 to vector<16xi32>
      %ne3A_275 = arith.cmpi ne, %get3A_272, %ne3A_274 : vector<16xi32>
      %broadcast_in_dim3A = arith.constant 0.000000e+00 : f32
      %broadcast_in_dim3A_276 = vector.broadcast %broadcast_in_dim3A : f32 to vector<16xf32>
      %scan3A_277 = arith.constant 0 : i32
      %scan3A_278 = arith.constant 64 : i32
      %scan3A_279 = arith.addi %scan3A_277, %scan3A_278 : i32
      %scan3A_280 = arith.constant 8 : i32
      %scan3A_281:7 = scf.for %scan3A_465 = %scan3A_277 to %scan3A_279 step %scan3A_280 iter_args(%scan3A_466 = %broadcast_in_dim3A_276, %scan3A_467 = %broadcast_in_dim3A_276, %scan3A_468 = %broadcast_in_dim3A_276, %scan3A_469 = %broadcast_in_dim3A_276, %scan3A_470 = %broadcast_in_dim3A_276, %scan3A_471 = %broadcast_in_dim3A_276, %scan3A_472 = %broadcast_in_dim3A_276) -> (vector<16xf32>, vector<16xf32>, vector<16xf32>, vector<16xf32>, vector<16xf32>, vector<16xf32>, vector<16xf32>)  : i32 {
        %add3A_473 = vector.broadcast %scan3A_465 : i32 to vector<16xi32>
        %add3A_474 = arith.addi %add3A_473, %iota3A : vector<16xi32>
        %and3A = arith.constant 63 : i32
        %and3A_475 = vector.broadcast %and3A : i32 to vector<16xi32>
        %and3A_476 = arith.andi %add3A_474, %and3A_475 : vector<16xi32>
        %add3A_477 = arith.addi %get3A_250, %and3A_476 : vector<16xi32>
        %gather3A = tpu.vector_load_idx %arg30[%add3A_245, %add3A_477] : memref<128x128xi32, #tpu.memory_space<vmem>>[vector<16xi32>, vector<16xi32>], vector<16xi32>,
        %and3A_478 = arith.constant -65536 : i32
        %and3A_479 = vector.broadcast %and3A_478 : i32 to vector<16xi32>
        %and3A_480 = arith.andi %gather3A, %and3A_479 : vector<16xi32>
        %shift_left3A = arith.constant 16 : i32
        %shift_left3A_481 = vector.broadcast %shift_left3A : i32 to vector<16xi32>
        %shift_left3A_482 = arith.shli %gather3A, %shift_left3A_481 : vector<16xi32>
        %select_n3A = arith.select %ne3A_260, %and3A_480, %shift_left3A_482 : vector<16xi1>, vector<16xi32>
        %bitcast3A_483 = vector.bitcast %select_n3A : vector<16xi32> to vector<16xf32>
        %add3A_484 = arith.addi %get3A_252, %and3A_476 : vector<16xi32>
        %gather3A_485 = tpu.vector_load_idx %arg31[%add3A_245, %add3A_484] : memref<128x128xi32, #tpu.memory_space<vmem>>[vector<16xi32>, vector<16xi32>], vector<16xi32>,
        %and3A_486 = arith.constant -65536 : i32
        %and3A_487 = vector.broadcast %and3A_486 : i32 to vector<16xi32>
        %and3A_488 = arith.andi %gather3A_485, %and3A_487 : vector<16xi32>
        %shift_left3A_489 = arith.constant 16 : i32
        %shift_left3A_490 = vector.broadcast %shift_left3A_489 : i32 to vector<16xi32>
        %shift_left3A_491 = arith.shli %gather3A_485, %shift_left3A_490 : vector<16xi32>
        %select_n3A_492 = arith.select %ne3A_265, %and3A_488, %shift_left3A_491 : vector<16xi1>, vector<16xi32>
        %bitcast3A_493 = vector.bitcast %select_n3A_492 : vector<16xi32> to vector<16xf32>
        %add3A_494 = arith.addi %get3A_254, %and3A_476 : vector<16xi32>
        %gather3A_495 = tpu.vector_load_idx %arg32[%add3A_245, %add3A_494] : memref<128x128xi32, #tpu.memory_space<vmem>>[vector<16xi32>, vector<16xi32>], vector<16xi32>,
        %and3A_496 = arith.constant -65536 : i32
        %and3A_497 = vector.broadcast %and3A_496 : i32 to vector<16xi32>
        %and3A_498 = arith.andi %gather3A_495, %and3A_497 : vector<16xi32>
        %shift_left3A_499 = arith.constant 16 : i32
        %shift_left3A_500 = vector.broadcast %shift_left3A_499 : i32 to vector<16xi32>
        %shift_left3A_501 = arith.shli %gather3A_495, %shift_left3A_500 : vector<16xi32>
        %select_n3A_502 = arith.select %ne3A_270, %and3A_498, %shift_left3A_501 : vector<16xi1>, vector<16xi32>
        %bitcast3A_503 = vector.bitcast %select_n3A_502 : vector<16xi32> to vector<16xf32>
        %add3A_504 = arith.addi %get3A_256, %and3A_476 : vector<16xi32>
        %gather3A_505 = tpu.vector_load_idx %arg33[%add3A_245, %add3A_504] : memref<128x128xi32, #tpu.memory_space<vmem>>[vector<16xi32>, vector<16xi32>], vector<16xi32>,
        %and3A_506 = arith.constant -65536 : i32
        %and3A_507 = vector.broadcast %and3A_506 : i32 to vector<16xi32>
        %and3A_508 = arith.andi %gather3A_505, %and3A_507 : vector<16xi32>
        %shift_left3A_509 = arith.constant 16 : i32
        %shift_left3A_510 = vector.broadcast %shift_left3A_509 : i32 to vector<16xi32>
        %shift_left3A_511 = arith.shli %gather3A_505, %shift_left3A_510 : vector<16xi32>
        %select_n3A_512 = arith.select %ne3A_275, %and3A_508, %shift_left3A_511 : vector<16xi1>, vector<16xi32>
        %bitcast3A_513 = vector.bitcast %select_n3A_512 : vector<16xi32> to vector<16xf32>
        %mul3A_514 = arith.mulf %bitcast3A_493, %bitcast3A_503 : vector<16xf32>
        %mul3A_515 = arith.mulf %bitcast3A_483, %mul3A_514 : vector<16xf32>
        %mul3A_516 = arith.mulf %bitcast3A_513, %mul3A_514 : vector<16xf32>
        %mul3A_517 = arith.mulf %bitcast3A_483, %bitcast3A_493 : vector<16xf32>
        %mul3A_518 = arith.mulf %mul3A_517, %bitcast3A_513 : vector<16xf32>
        %mul3A_519 = arith.mulf %bitcast3A_483, %bitcast3A_483 : vector<16xf32>
        %add3A_520 = arith.addf %scan3A_466, %mul3A_519 : vector<16xf32>
        %mul3A_521 = arith.mulf %bitcast3A_503, %bitcast3A_503 : vector<16xf32>
        %add3A_522 = arith.addf %scan3A_467, %mul3A_521 : vector<16xf32>
        %mul3A_523 = arith.mulf %bitcast3A_513, %bitcast3A_513 : vector<16xf32>
        %add3A_524 = arith.addf %scan3A_468, %mul3A_523 : vector<16xf32>
        %add3A_525 = arith.addf %scan3A_469, %mul3A_515 : vector<16xf32>
        %mul3A_526 = arith.mulf %mul3A_515, %mul3A_515 : vector<16xf32>
        %add3A_527 = arith.addf %scan3A_470, %mul3A_526 : vector<16xf32>
        %add3A_528 = arith.addf %scan3A_471, %mul3A_516 : vector<16xf32>
        %mul3A_529 = arith.mulf %mul3A_518, %mul3A_518 : vector<16xf32>
        %add3A_530 = arith.addf %scan3A_472, %mul3A_529 : vector<16xf32>
        %scan3A_531 = arith.constant 1 : i32
        %scan3A_532 = arith.addi %scan3A_465, %scan3A_531 : i32
        %add3A_533 = vector.broadcast %scan3A_532 : i32 to vector<16xi32>
        %add3A_534 = arith.addi %add3A_533, %iota3A : vector<16xi32>
        %and3A_535 = arith.constant 63 : i32
        %and3A_536 = vector.broadcast %and3A_535 : i32 to vector<16xi32>
        %and3A_537 = arith.andi %add3A_534, %and3A_536 : vector<16xi32>
        %add3A_538 = arith.addi %get3A_250, %and3A_537 : vector<16xi32>
        %gather3A_539 = tpu.vector_load_idx %arg30[%add3A_245, %add3A_538] : memref<128x128xi32, #tpu.memory_space<vmem>>[vector<16xi32>, vector<16xi32>], vector<16xi32>,
        %and3A_540 = arith.constant -65536 : i32
        %and3A_541 = vector.broadcast %and3A_540 : i32 to vector<16xi32>
        %and3A_542 = arith.andi %gather3A_539, %and3A_541 : vector<16xi32>
        %shift_left3A_543 = arith.constant 16 : i32
        %shift_left3A_544 = vector.broadcast %shift_left3A_543 : i32 to vector<16xi32>
        %shift_left3A_545 = arith.shli %gather3A_539, %shift_left3A_544 : vector<16xi32>
        %select_n3A_546 = arith.select %ne3A_260, %and3A_542, %shift_left3A_545 : vector<16xi1>, vector<16xi32>
        %bitcast3A_547 = vector.bitcast %select_n3A_546 : vector<16xi32> to vector<16xf32>
        %add3A_548 = arith.addi %get3A_252, %and3A_537 : vector<16xi32>
        %gather3A_549 = tpu.vector_load_idx %arg31[%add3A_245, %add3A_548] : memref<128x128xi32, #tpu.memory_space<vmem>>[vector<16xi32>, vector<16xi32>], vector<16xi32>,
        %and3A_550 = arith.constant -65536 : i32
        %and3A_551 = vector.broadcast %and3A_550 : i32 to vector<16xi32>
        %and3A_552 = arith.andi %gather3A_549, %and3A_551 : vector<16xi32>
        %shift_left3A_553 = arith.constant 16 : i32
        %shift_left3A_554 = vector.broadcast %shift_left3A_553 : i32 to vector<16xi32>
        %shift_left3A_555 = arith.shli %gather3A_549, %shift_left3A_554 : vector<16xi32>
        %select_n3A_556 = arith.select %ne3A_265, %and3A_552, %shift_left3A_555 : vector<16xi1>, vector<16xi32>
        %bitcast3A_557 = vector.bitcast %select_n3A_556 : vector<16xi32> to vector<16xf32>
        %add3A_558 = arith.addi %get3A_254, %and3A_537 : vector<16xi32>
        %gather3A_559 = tpu.vector_load_idx %arg32[%add3A_245, %add3A_558] : memref<128x128xi32, #tpu.memory_space<vmem>>[vector<16xi32>, vector<16xi32>], vector<16xi32>,
        %and3A_560 = arith.constant -65536 : i32
        %and3A_561 = vector.broadcast %and3A_560 : i32 to vector<16xi32>
        %and3A_562 = arith.andi %gather3A_559, %and3A_561 : vector<16xi32>
        %shift_left3A_563 = arith.constant 16 : i32
        %shift_left3A_564 = vector.broadcast %shift_left3A_563 : i32 to vector<16xi32>
        %shift_left3A_565 = arith.shli %gather3A_559, %shift_left3A_564 : vector<16xi32>
        %select_n3A_566 = arith.select %ne3A_270, %and3A_562, %shift_left3A_565 : vector<16xi1>, vector<16xi32>
        %bitcast3A_567 = vector.bitcast %select_n3A_566 : vector<16xi32> to vector<16xf32>
        %add3A_568 = arith.addi %get3A_256, %and3A_537 : vector<16xi32>
        %gather3A_569 = tpu.vector_load_idx %arg33[%add3A_245, %add3A_568] : memref<128x128xi32, #tpu.memory_space<vmem>>[vector<16xi32>, vector<16xi32>], vector<16xi32>,
        %and3A_570 = arith.constant -65536 : i32
        %and3A_571 = vector.broadcast %and3A_570 : i32 to vector<16xi32>
        %and3A_572 = arith.andi %gather3A_569, %and3A_571 : vector<16xi32>
        %shift_left3A_573 = arith.constant 16 : i32
        %shift_left3A_574 = vector.broadcast %shift_left3A_573 : i32 to vector<16xi32>
        %shift_left3A_575 = arith.shli %gather3A_569, %shift_left3A_574 : vector<16xi32>
        %select_n3A_576 = arith.select %ne3A_275, %and3A_572, %shift_left3A_575 : vector<16xi1>, vector<16xi32>
        %bitcast3A_577 = vector.bitcast %select_n3A_576 : vector<16xi32> to vector<16xf32>
        %mul3A_578 = arith.mulf %bitcast3A_557, %bitcast3A_567 : vector<16xf32>
        %mul3A_579 = arith.mulf %bitcast3A_547, %mul3A_578 : vector<16xf32>
        %mul3A_580 = arith.mulf %bitcast3A_577, %mul3A_578 : vector<16xf32>
        %mul3A_581 = arith.mulf %bitcast3A_547, %bitcast3A_557 : vector<16xf32>
        %mul3A_582 = arith.mulf %mul3A_581, %bitcast3A_577 : vector<16xf32>
        %mul3A_583 = arith.mulf %bitcast3A_547, %bitcast3A_547 : vector<16xf32>
        %add3A_584 = arith.addf %add3A_520, %mul3A_583 : vector<16xf32>
        %mul3A_585 = arith.mulf %bitcast3A_567, %bitcast3A_567 : vector<16xf32>
        %add3A_586 = arith.addf %add3A_522, %mul3A_585 : vector<16xf32>
        %mul3A_587 = arith.mulf %bitcast3A_577, %bitcast3A_577 : vector<16xf32>
        %add3A_588 = arith.addf %add3A_524, %mul3A_587 : vector<16xf32>
        %add3A_589 = arith.addf %add3A_525, %mul3A_579 : vector<16xf32>
        %mul3A_590 = arith.mulf %mul3A_579, %mul3A_579 : vector<16xf32>
        %add3A_591 = arith.addf %add3A_527, %mul3A_590 : vector<16xf32>
        %add3A_592 = arith.addf %add3A_528, %mul3A_580 : vector<16xf32>
        %mul3A_593 = arith.mulf %mul3A_582, %mul3A_582 : vector<16xf32>
        %add3A_594 = arith.addf %add3A_530, %mul3A_593 : vector<16xf32>
        %scan3A_595 = arith.constant 2 : i32
        %scan3A_596 = arith.addi %scan3A_465, %scan3A_595 : i32
        %add3A_597 = vector.broadcast %scan3A_596 : i32 to vector<16xi32>
        %add3A_598 = arith.addi %add3A_597, %iota3A : vector<16xi32>
        %and3A_599 = arith.constant 63 : i32
        %and3A_600 = vector.broadcast %and3A_599 : i32 to vector<16xi32>
        %and3A_601 = arith.andi %add3A_598, %and3A_600 : vector<16xi32>
        %add3A_602 = arith.addi %get3A_250, %and3A_601 : vector<16xi32>
        %gather3A_603 = tpu.vector_load_idx %arg30[%add3A_245, %add3A_602] : memref<128x128xi32, #tpu.memory_space<vmem>>[vector<16xi32>, vector<16xi32>], vector<16xi32>,
        %and3A_604 = arith.constant -65536 : i32
        %and3A_605 = vector.broadcast %and3A_604 : i32 to vector<16xi32>
        %and3A_606 = arith.andi %gather3A_603, %and3A_605 : vector<16xi32>
        %shift_left3A_607 = arith.constant 16 : i32
        %shift_left3A_608 = vector.broadcast %shift_left3A_607 : i32 to vector<16xi32>
        %shift_left3A_609 = arith.shli %gather3A_603, %shift_left3A_608 : vector<16xi32>
        %select_n3A_610 = arith.select %ne3A_260, %and3A_606, %shift_left3A_609 : vector<16xi1>, vector<16xi32>
        %bitcast3A_611 = vector.bitcast %select_n3A_610 : vector<16xi32> to vector<16xf32>
        %add3A_612 = arith.addi %get3A_252, %and3A_601 : vector<16xi32>
        %gather3A_613 = tpu.vector_load_idx %arg31[%add3A_245, %add3A_612] : memref<128x128xi32, #tpu.memory_space<vmem>>[vector<16xi32>, vector<16xi32>], vector<16xi32>,
        %and3A_614 = arith.constant -65536 : i32
        %and3A_615 = vector.broadcast %and3A_614 : i32 to vector<16xi32>
        %and3A_616 = arith.andi %gather3A_613, %and3A_615 : vector<16xi32>
        %shift_left3A_617 = arith.constant 16 : i32
        %shift_left3A_618 = vector.broadcast %shift_left3A_617 : i32 to vector<16xi32>
        %shift_left3A_619 = arith.shli %gather3A_613, %shift_left3A_618 : vector<16xi32>
        %select_n3A_620 = arith.select %ne3A_265, %and3A_616, %shift_left3A_619 : vector<16xi1>, vector<16xi32>
        %bitcast3A_621 = vector.bitcast %select_n3A_620 : vector<16xi32> to vector<16xf32>
        %add3A_622 = arith.addi %get3A_254, %and3A_601 : vector<16xi32>
        %gather3A_623 = tpu.vector_load_idx %arg32[%add3A_245, %add3A_622] : memref<128x128xi32, #tpu.memory_space<vmem>>[vector<16xi32>, vector<16xi32>], vector<16xi32>,
        %and3A_624 = arith.constant -65536 : i32
        %and3A_625 = vector.broadcast %and3A_624 : i32 to vector<16xi32>
        %and3A_626 = arith.andi %gather3A_623, %and3A_625 : vector<16xi32>
        %shift_left3A_627 = arith.constant 16 : i32
        %shift_left3A_628 = vector.broadcast %shift_left3A_627 : i32 to vector<16xi32>
        %shift_left3A_629 = arith.shli %gather3A_623, %shift_left3A_628 : vector<16xi32>
        %select_n3A_630 = arith.select %ne3A_270, %and3A_626, %shift_left3A_629 : vector<16xi1>, vector<16xi32>
        %bitcast3A_631 = vector.bitcast %select_n3A_630 : vector<16xi32> to vector<16xf32>
        %add3A_632 = arith.addi %get3A_256, %and3A_601 : vector<16xi32>
        %gather3A_633 = tpu.vector_load_idx %arg33[%add3A_245, %add3A_632] : memref<128x128xi32, #tpu.memory_space<vmem>>[vector<16xi32>, vector<16xi32>], vector<16xi32>,
        %and3A_634 = arith.constant -65536 : i32
        %and3A_635 = vector.broadcast %and3A_634 : i32 to vector<16xi32>
        %and3A_636 = arith.andi %gather3A_633, %and3A_635 : vector<16xi32>
        %shift_left3A_637 = arith.constant 16 : i32
        %shift_left3A_638 = vector.broadcast %shift_left3A_637 : i32 to vector<16xi32>
        %shift_left3A_639 = arith.shli %gather3A_633, %shift_left3A_638 : vector<16xi32>
        %select_n3A_640 = arith.select %ne3A_275, %and3A_636, %shift_left3A_639 : vector<16xi1>, vector<16xi32>
        %bitcast3A_641 = vector.bitcast %select_n3A_640 : vector<16xi32> to vector<16xf32>
        %mul3A_642 = arith.mulf %bitcast3A_621, %bitcast3A_631 : vector<16xf32>
        %mul3A_643 = arith.mulf %bitcast3A_611, %mul3A_642 : vector<16xf32>
        %mul3A_644 = arith.mulf %bitcast3A_641, %mul3A_642 : vector<16xf32>
        %mul3A_645 = arith.mulf %bitcast3A_611, %bitcast3A_621 : vector<16xf32>
        %mul3A_646 = arith.mulf %mul3A_645, %bitcast3A_641 : vector<16xf32>
        %mul3A_647 = arith.mulf %bitcast3A_611, %bitcast3A_611 : vector<16xf32>
        %add3A_648 = arith.addf %add3A_584, %mul3A_647 : vector<16xf32>
        %mul3A_649 = arith.mulf %bitcast3A_631, %bitcast3A_631 : vector<16xf32>
        %add3A_650 = arith.addf %add3A_586, %mul3A_649 : vector<16xf32>
        %mul3A_651 = arith.mulf %bitcast3A_641, %bitcast3A_641 : vector<16xf32>
        %add3A_652 = arith.addf %add3A_588, %mul3A_651 : vector<16xf32>
        %add3A_653 = arith.addf %add3A_589, %mul3A_643 : vector<16xf32>
        %mul3A_654 = arith.mulf %mul3A_643, %mul3A_643 : vector<16xf32>
        %add3A_655 = arith.addf %add3A_591, %mul3A_654 : vector<16xf32>
        %add3A_656 = arith.addf %add3A_592, %mul3A_644 : vector<16xf32>
        %mul3A_657 = arith.mulf %mul3A_646, %mul3A_646 : vector<16xf32>
        %add3A_658 = arith.addf %add3A_594, %mul3A_657 : vector<16xf32>
        %scan3A_659 = arith.constant 3 : i32
        %scan3A_660 = arith.addi %scan3A_465, %scan3A_659 : i32
        %add3A_661 = vector.broadcast %scan3A_660 : i32 to vector<16xi32>
        %add3A_662 = arith.addi %add3A_661, %iota3A : vector<16xi32>
        %and3A_663 = arith.constant 63 : i32
        %and3A_664 = vector.broadcast %and3A_663 : i32 to vector<16xi32>
        %and3A_665 = arith.andi %add3A_662, %and3A_664 : vector<16xi32>
        %add3A_666 = arith.addi %get3A_250, %and3A_665 : vector<16xi32>
        %gather3A_667 = tpu.vector_load_idx %arg30[%add3A_245, %add3A_666] : memref<128x128xi32, #tpu.memory_space<vmem>>[vector<16xi32>, vector<16xi32>], vector<16xi32>,
        %and3A_668 = arith.constant -65536 : i32
        %and3A_669 = vector.broadcast %and3A_668 : i32 to vector<16xi32>
        %and3A_670 = arith.andi %gather3A_667, %and3A_669 : vector<16xi32>
        %shift_left3A_671 = arith.constant 16 : i32
        %shift_left3A_672 = vector.broadcast %shift_left3A_671 : i32 to vector<16xi32>
        %shift_left3A_673 = arith.shli %gather3A_667, %shift_left3A_672 : vector<16xi32>
        %select_n3A_674 = arith.select %ne3A_260, %and3A_670, %shift_left3A_673 : vector<16xi1>, vector<16xi32>
        %bitcast3A_675 = vector.bitcast %select_n3A_674 : vector<16xi32> to vector<16xf32>
        %add3A_676 = arith.addi %get3A_252, %and3A_665 : vector<16xi32>
        %gather3A_677 = tpu.vector_load_idx %arg31[%add3A_245, %add3A_676] : memref<128x128xi32, #tpu.memory_space<vmem>>[vector<16xi32>, vector<16xi32>], vector<16xi32>,
        %and3A_678 = arith.constant -65536 : i32
        %and3A_679 = vector.broadcast %and3A_678 : i32 to vector<16xi32>
        %and3A_680 = arith.andi %gather3A_677, %and3A_679 : vector<16xi32>
        %shift_left3A_681 = arith.constant 16 : i32
        %shift_left3A_682 = vector.broadcast %shift_left3A_681 : i32 to vector<16xi32>
        %shift_left3A_683 = arith.shli %gather3A_677, %shift_left3A_682 : vector<16xi32>
        %select_n3A_684 = arith.select %ne3A_265, %and3A_680, %shift_left3A_683 : vector<16xi1>, vector<16xi32>
        %bitcast3A_685 = vector.bitcast %select_n3A_684 : vector<16xi32> to vector<16xf32>
        %add3A_686 = arith.addi %get3A_254, %and3A_665 : vector<16xi32>
        %gather3A_687 = tpu.vector_load_idx %arg32[%add3A_245, %add3A_686] : memref<128x128xi32, #tpu.memory_space<vmem>>[vector<16xi32>, vector<16xi32>], vector<16xi32>,
        %and3A_688 = arith.constant -65536 : i32
        %and3A_689 = vector.broadcast %and3A_688 : i32 to vector<16xi32>
        %and3A_690 = arith.andi %gather3A_687, %and3A_689 : vector<16xi32>
        %shift_left3A_691 = arith.constant 16 : i32
        %shift_left3A_692 = vector.broadcast %shift_left3A_691 : i32 to vector<16xi32>
        %shift_left3A_693 = arith.shli %gather3A_687, %shift_left3A_692 : vector<16xi32>
        %select_n3A_694 = arith.select %ne3A_270, %and3A_690, %shift_left3A_693 : vector<16xi1>, vector<16xi32>
        %bitcast3A_695 = vector.bitcast %select_n3A_694 : vector<16xi32> to vector<16xf32>
        %add3A_696 = arith.addi %get3A_256, %and3A_665 : vector<16xi32>
        %gather3A_697 = tpu.vector_load_idx %arg33[%add3A_245, %add3A_696] : memref<128x128xi32, #tpu.memory_space<vmem>>[vector<16xi32>, vector<16xi32>], vector<16xi32>,
        %and3A_698 = arith.constant -65536 : i32
        %and3A_699 = vector.broadcast %and3A_698 : i32 to vector<16xi32>
        %and3A_700 = arith.andi %gather3A_697, %and3A_699 : vector<16xi32>
        %shift_left3A_701 = arith.constant 16 : i32
        %shift_left3A_702 = vector.broadcast %shift_left3A_701 : i32 to vector<16xi32>
        %shift_left3A_703 = arith.shli %gather3A_697, %shift_left3A_702 : vector<16xi32>
        %select_n3A_704 = arith.select %ne3A_275, %and3A_700, %shift_left3A_703 : vector<16xi1>, vector<16xi32>
        %bitcast3A_705 = vector.bitcast %select_n3A_704 : vector<16xi32> to vector<16xf32>
        %mul3A_706 = arith.mulf %bitcast3A_685, %bitcast3A_695 : vector<16xf32>
        %mul3A_707 = arith.mulf %bitcast3A_675, %mul3A_706 : vector<16xf32>
        %mul3A_708 = arith.mulf %bitcast3A_705, %mul3A_706 : vector<16xf32>
        %mul3A_709 = arith.mulf %bitcast3A_675, %bitcast3A_685 : vector<16xf32>
        %mul3A_710 = arith.mulf %mul3A_709, %bitcast3A_705 : vector<16xf32>
        %mul3A_711 = arith.mulf %bitcast3A_675, %bitcast3A_675 : vector<16xf32>
        %add3A_712 = arith.addf %add3A_648, %mul3A_711 : vector<16xf32>
        %mul3A_713 = arith.mulf %bitcast3A_695, %bitcast3A_695 : vector<16xf32>
        %add3A_714 = arith.addf %add3A_650, %mul3A_713 : vector<16xf32>
        %mul3A_715 = arith.mulf %bitcast3A_705, %bitcast3A_705 : vector<16xf32>
        %add3A_716 = arith.addf %add3A_652, %mul3A_715 : vector<16xf32>
        %add3A_717 = arith.addf %add3A_653, %mul3A_707 : vector<16xf32>
        %mul3A_718 = arith.mulf %mul3A_707, %mul3A_707 : vector<16xf32>
        %add3A_719 = arith.addf %add3A_655, %mul3A_718 : vector<16xf32>
        %add3A_720 = arith.addf %add3A_656, %mul3A_708 : vector<16xf32>
        %mul3A_721 = arith.mulf %mul3A_710, %mul3A_710 : vector<16xf32>
        %add3A_722 = arith.addf %add3A_658, %mul3A_721 : vector<16xf32>
        %scan3A_723 = arith.constant 4 : i32
        %scan3A_724 = arith.addi %scan3A_465, %scan3A_723 : i32
        %add3A_725 = vector.broadcast %scan3A_724 : i32 to vector<16xi32>
        %add3A_726 = arith.addi %add3A_725, %iota3A : vector<16xi32>
        %and3A_727 = arith.constant 63 : i32
        %and3A_728 = vector.broadcast %and3A_727 : i32 to vector<16xi32>
        %and3A_729 = arith.andi %add3A_726, %and3A_728 : vector<16xi32>
        %add3A_730 = arith.addi %get3A_250, %and3A_729 : vector<16xi32>
        %gather3A_731 = tpu.vector_load_idx %arg30[%add3A_245, %add3A_730] : memref<128x128xi32, #tpu.memory_space<vmem>>[vector<16xi32>, vector<16xi32>], vector<16xi32>,
        %and3A_732 = arith.constant -65536 : i32
        %and3A_733 = vector.broadcast %and3A_732 : i32 to vector<16xi32>
        %and3A_734 = arith.andi %gather3A_731, %and3A_733 : vector<16xi32>
        %shift_left3A_735 = arith.constant 16 : i32
        %shift_left3A_736 = vector.broadcast %shift_left3A_735 : i32 to vector<16xi32>
        %shift_left3A_737 = arith.shli %gather3A_731, %shift_left3A_736 : vector<16xi32>
        %select_n3A_738 = arith.select %ne3A_260, %and3A_734, %shift_left3A_737 : vector<16xi1>, vector<16xi32>
        %bitcast3A_739 = vector.bitcast %select_n3A_738 : vector<16xi32> to vector<16xf32>
        %add3A_740 = arith.addi %get3A_252, %and3A_729 : vector<16xi32>
        %gather3A_741 = tpu.vector_load_idx %arg31[%add3A_245, %add3A_740] : memref<128x128xi32, #tpu.memory_space<vmem>>[vector<16xi32>, vector<16xi32>], vector<16xi32>,
        %and3A_742 = arith.constant -65536 : i32
        %and3A_743 = vector.broadcast %and3A_742 : i32 to vector<16xi32>
        %and3A_744 = arith.andi %gather3A_741, %and3A_743 : vector<16xi32>
        %shift_left3A_745 = arith.constant 16 : i32
        %shift_left3A_746 = vector.broadcast %shift_left3A_745 : i32 to vector<16xi32>
        %shift_left3A_747 = arith.shli %gather3A_741, %shift_left3A_746 : vector<16xi32>
        %select_n3A_748 = arith.select %ne3A_265, %and3A_744, %shift_left3A_747 : vector<16xi1>, vector<16xi32>
        %bitcast3A_749 = vector.bitcast %select_n3A_748 : vector<16xi32> to vector<16xf32>
        %add3A_750 = arith.addi %get3A_254, %and3A_729 : vector<16xi32>
        %gather3A_751 = tpu.vector_load_idx %arg32[%add3A_245, %add3A_750] : memref<128x128xi32, #tpu.memory_space<vmem>>[vector<16xi32>, vector<16xi32>], vector<16xi32>,
        %and3A_752 = arith.constant -65536 : i32
        %and3A_753 = vector.broadcast %and3A_752 : i32 to vector<16xi32>
        %and3A_754 = arith.andi %gather3A_751, %and3A_753 : vector<16xi32>
        %shift_left3A_755 = arith.constant 16 : i32
        %shift_left3A_756 = vector.broadcast %shift_left3A_755 : i32 to vector<16xi32>
        %shift_left3A_757 = arith.shli %gather3A_751, %shift_left3A_756 : vector<16xi32>
        %select_n3A_758 = arith.select %ne3A_270, %and3A_754, %shift_left3A_757 : vector<16xi1>, vector<16xi32>
        %bitcast3A_759 = vector.bitcast %select_n3A_758 : vector<16xi32> to vector<16xf32>
        %add3A_760 = arith.addi %get3A_256, %and3A_729 : vector<16xi32>
        %gather3A_761 = tpu.vector_load_idx %arg33[%add3A_245, %add3A_760] : memref<128x128xi32, #tpu.memory_space<vmem>>[vector<16xi32>, vector<16xi32>], vector<16xi32>,
        %and3A_762 = arith.constant -65536 : i32
        %and3A_763 = vector.broadcast %and3A_762 : i32 to vector<16xi32>
        %and3A_764 = arith.andi %gather3A_761, %and3A_763 : vector<16xi32>
        %shift_left3A_765 = arith.constant 16 : i32
        %shift_left3A_766 = vector.broadcast %shift_left3A_765 : i32 to vector<16xi32>
        %shift_left3A_767 = arith.shli %gather3A_761, %shift_left3A_766 : vector<16xi32>
        %select_n3A_768 = arith.select %ne3A_275, %and3A_764, %shift_left3A_767 : vector<16xi1>, vector<16xi32>
        %bitcast3A_769 = vector.bitcast %select_n3A_768 : vector<16xi32> to vector<16xf32>
        %mul3A_770 = arith.mulf %bitcast3A_749, %bitcast3A_759 : vector<16xf32>
        %mul3A_771 = arith.mulf %bitcast3A_739, %mul3A_770 : vector<16xf32>
        %mul3A_772 = arith.mulf %bitcast3A_769, %mul3A_770 : vector<16xf32>
        %mul3A_773 = arith.mulf %bitcast3A_739, %bitcast3A_749 : vector<16xf32>
        %mul3A_774 = arith.mulf %mul3A_773, %bitcast3A_769 : vector<16xf32>
        %mul3A_775 = arith.mulf %bitcast3A_739, %bitcast3A_739 : vector<16xf32>
        %add3A_776 = arith.addf %add3A_712, %mul3A_775 : vector<16xf32>
        %mul3A_777 = arith.mulf %bitcast3A_759, %bitcast3A_759 : vector<16xf32>
        %add3A_778 = arith.addf %add3A_714, %mul3A_777 : vector<16xf32>
        %mul3A_779 = arith.mulf %bitcast3A_769, %bitcast3A_769 : vector<16xf32>
        %add3A_780 = arith.addf %add3A_716, %mul3A_779 : vector<16xf32>
        %add3A_781 = arith.addf %add3A_717, %mul3A_771 : vector<16xf32>
        %mul3A_782 = arith.mulf %mul3A_771, %mul3A_771 : vector<16xf32>
        %add3A_783 = arith.addf %add3A_719, %mul3A_782 : vector<16xf32>
        %add3A_784 = arith.addf %add3A_720, %mul3A_772 : vector<16xf32>
        %mul3A_785 = arith.mulf %mul3A_774, %mul3A_774 : vector<16xf32>
        %add3A_786 = arith.addf %add3A_722, %mul3A_785 : vector<16xf32>
        %scan3A_787 = arith.constant 5 : i32
        %scan3A_788 = arith.addi %scan3A_465, %scan3A_787 : i32
        %add3A_789 = vector.broadcast %scan3A_788 : i32 to vector<16xi32>
        %add3A_790 = arith.addi %add3A_789, %iota3A : vector<16xi32>
        %and3A_791 = arith.constant 63 : i32
        %and3A_792 = vector.broadcast %and3A_791 : i32 to vector<16xi32>
        %and3A_793 = arith.andi %add3A_790, %and3A_792 : vector<16xi32>
        %add3A_794 = arith.addi %get3A_250, %and3A_793 : vector<16xi32>
        %gather3A_795 = tpu.vector_load_idx %arg30[%add3A_245, %add3A_794] : memref<128x128xi32, #tpu.memory_space<vmem>>[vector<16xi32>, vector<16xi32>], vector<16xi32>,
        %and3A_796 = arith.constant -65536 : i32
        %and3A_797 = vector.broadcast %and3A_796 : i32 to vector<16xi32>
        %and3A_798 = arith.andi %gather3A_795, %and3A_797 : vector<16xi32>
        %shift_left3A_799 = arith.constant 16 : i32
        %shift_left3A_800 = vector.broadcast %shift_left3A_799 : i32 to vector<16xi32>
        %shift_left3A_801 = arith.shli %gather3A_795, %shift_left3A_800 : vector<16xi32>
        %select_n3A_802 = arith.select %ne3A_260, %and3A_798, %shift_left3A_801 : vector<16xi1>, vector<16xi32>
        %bitcast3A_803 = vector.bitcast %select_n3A_802 : vector<16xi32> to vector<16xf32>
        %add3A_804 = arith.addi %get3A_252, %and3A_793 : vector<16xi32>
        %gather3A_805 = tpu.vector_load_idx %arg31[%add3A_245, %add3A_804] : memref<128x128xi32, #tpu.memory_space<vmem>>[vector<16xi32>, vector<16xi32>], vector<16xi32>,
        %and3A_806 = arith.constant -65536 : i32
        %and3A_807 = vector.broadcast %and3A_806 : i32 to vector<16xi32>
        %and3A_808 = arith.andi %gather3A_805, %and3A_807 : vector<16xi32>
        %shift_left3A_809 = arith.constant 16 : i32
        %shift_left3A_810 = vector.broadcast %shift_left3A_809 : i32 to vector<16xi32>
        %shift_left3A_811 = arith.shli %gather3A_805, %shift_left3A_810 : vector<16xi32>
        %select_n3A_812 = arith.select %ne3A_265, %and3A_808, %shift_left3A_811 : vector<16xi1>, vector<16xi32>
        %bitcast3A_813 = vector.bitcast %select_n3A_812 : vector<16xi32> to vector<16xf32>
        %add3A_814 = arith.addi %get3A_254, %and3A_793 : vector<16xi32>
        %gather3A_815 = tpu.vector_load_idx %arg32[%add3A_245, %add3A_814] : memref<128x128xi32, #tpu.memory_space<vmem>>[vector<16xi32>, vector<16xi32>], vector<16xi32>,
        %and3A_816 = arith.constant -65536 : i32
        %and3A_817 = vector.broadcast %and3A_816 : i32 to vector<16xi32>
        %and3A_818 = arith.andi %gather3A_815, %and3A_817 : vector<16xi32>
        %shift_left3A_819 = arith.constant 16 : i32
        %shift_left3A_820 = vector.broadcast %shift_left3A_819 : i32 to vector<16xi32>
        %shift_left3A_821 = arith.shli %gather3A_815, %shift_left3A_820 : vector<16xi32>
        %select_n3A_822 = arith.select %ne3A_270, %and3A_818, %shift_left3A_821 : vector<16xi1>, vector<16xi32>
        %bitcast3A_823 = vector.bitcast %select_n3A_822 : vector<16xi32> to vector<16xf32>
        %add3A_824 = arith.addi %get3A_256, %and3A_793 : vector<16xi32>
        %gather3A_825 = tpu.vector_load_idx %arg33[%add3A_245, %add3A_824] : memref<128x128xi32, #tpu.memory_space<vmem>>[vector<16xi32>, vector<16xi32>], vector<16xi32>,
        %and3A_826 = arith.constant -65536 : i32
        %and3A_827 = vector.broadcast %and3A_826 : i32 to vector<16xi32>
        %and3A_828 = arith.andi %gather3A_825, %and3A_827 : vector<16xi32>
        %shift_left3A_829 = arith.constant 16 : i32
        %shift_left3A_830 = vector.broadcast %shift_left3A_829 : i32 to vector<16xi32>
        %shift_left3A_831 = arith.shli %gather3A_825, %shift_left3A_830 : vector<16xi32>
        %select_n3A_832 = arith.select %ne3A_275, %and3A_828, %shift_left3A_831 : vector<16xi1>, vector<16xi32>
        %bitcast3A_833 = vector.bitcast %select_n3A_832 : vector<16xi32> to vector<16xf32>
        %mul3A_834 = arith.mulf %bitcast3A_813, %bitcast3A_823 : vector<16xf32>
        %mul3A_835 = arith.mulf %bitcast3A_803, %mul3A_834 : vector<16xf32>
        %mul3A_836 = arith.mulf %bitcast3A_833, %mul3A_834 : vector<16xf32>
        %mul3A_837 = arith.mulf %bitcast3A_803, %bitcast3A_813 : vector<16xf32>
        %mul3A_838 = arith.mulf %mul3A_837, %bitcast3A_833 : vector<16xf32>
        %mul3A_839 = arith.mulf %bitcast3A_803, %bitcast3A_803 : vector<16xf32>
        %add3A_840 = arith.addf %add3A_776, %mul3A_839 : vector<16xf32>
        %mul3A_841 = arith.mulf %bitcast3A_823, %bitcast3A_823 : vector<16xf32>
        %add3A_842 = arith.addf %add3A_778, %mul3A_841 : vector<16xf32>
        %mul3A_843 = arith.mulf %bitcast3A_833, %bitcast3A_833 : vector<16xf32>
        %add3A_844 = arith.addf %add3A_780, %mul3A_843 : vector<16xf32>
        %add3A_845 = arith.addf %add3A_781, %mul3A_835 : vector<16xf32>
        %mul3A_846 = arith.mulf %mul3A_835, %mul3A_835 : vector<16xf32>
        %add3A_847 = arith.addf %add3A_783, %mul3A_846 : vector<16xf32>
        %add3A_848 = arith.addf %add3A_784, %mul3A_836 : vector<16xf32>
        %mul3A_849 = arith.mulf %mul3A_838, %mul3A_838 : vector<16xf32>
        %add3A_850 = arith.addf %add3A_786, %mul3A_849 : vector<16xf32>
        %scan3A_851 = arith.constant 6 : i32
        %scan3A_852 = arith.addi %scan3A_465, %scan3A_851 : i32
        %add3A_853 = vector.broadcast %scan3A_852 : i32 to vector<16xi32>
        %add3A_854 = arith.addi %add3A_853, %iota3A : vector<16xi32>
        %and3A_855 = arith.constant 63 : i32
        %and3A_856 = vector.broadcast %and3A_855 : i32 to vector<16xi32>
        %and3A_857 = arith.andi %add3A_854, %and3A_856 : vector<16xi32>
        %add3A_858 = arith.addi %get3A_250, %and3A_857 : vector<16xi32>
        %gather3A_859 = tpu.vector_load_idx %arg30[%add3A_245, %add3A_858] : memref<128x128xi32, #tpu.memory_space<vmem>>[vector<16xi32>, vector<16xi32>], vector<16xi32>,
        %and3A_860 = arith.constant -65536 : i32
        %and3A_861 = vector.broadcast %and3A_860 : i32 to vector<16xi32>
        %and3A_862 = arith.andi %gather3A_859, %and3A_861 : vector<16xi32>
        %shift_left3A_863 = arith.constant 16 : i32
        %shift_left3A_864 = vector.broadcast %shift_left3A_863 : i32 to vector<16xi32>
        %shift_left3A_865 = arith.shli %gather3A_859, %shift_left3A_864 : vector<16xi32>
        %select_n3A_866 = arith.select %ne3A_260, %and3A_862, %shift_left3A_865 : vector<16xi1>, vector<16xi32>
        %bitcast3A_867 = vector.bitcast %select_n3A_866 : vector<16xi32> to vector<16xf32>
        %add3A_868 = arith.addi %get3A_252, %and3A_857 : vector<16xi32>
        %gather3A_869 = tpu.vector_load_idx %arg31[%add3A_245, %add3A_868] : memref<128x128xi32, #tpu.memory_space<vmem>>[vector<16xi32>, vector<16xi32>], vector<16xi32>,
        %and3A_870 = arith.constant -65536 : i32
        %and3A_871 = vector.broadcast %and3A_870 : i32 to vector<16xi32>
        %and3A_872 = arith.andi %gather3A_869, %and3A_871 : vector<16xi32>
        %shift_left3A_873 = arith.constant 16 : i32
        %shift_left3A_874 = vector.broadcast %shift_left3A_873 : i32 to vector<16xi32>
        %shift_left3A_875 = arith.shli %gather3A_869, %shift_left3A_874 : vector<16xi32>
        %select_n3A_876 = arith.select %ne3A_265, %and3A_872, %shift_left3A_875 : vector<16xi1>, vector<16xi32>
        %bitcast3A_877 = vector.bitcast %select_n3A_876 : vector<16xi32> to vector<16xf32>
        %add3A_878 = arith.addi %get3A_254, %and3A_857 : vector<16xi32>
        %gather3A_879 = tpu.vector_load_idx %arg32[%add3A_245, %add3A_878] : memref<128x128xi32, #tpu.memory_space<vmem>>[vector<16xi32>, vector<16xi32>], vector<16xi32>,
        %and3A_880 = arith.constant -65536 : i32
        %and3A_881 = vector.broadcast %and3A_880 : i32 to vector<16xi32>
        %and3A_882 = arith.andi %gather3A_879, %and3A_881 : vector<16xi32>
        %shift_left3A_883 = arith.constant 16 : i32
        %shift_left3A_884 = vector.broadcast %shift_left3A_883 : i32 to vector<16xi32>
        %shift_left3A_885 = arith.shli %gather3A_879, %shift_left3A_884 : vector<16xi32>
        %select_n3A_886 = arith.select %ne3A_270, %and3A_882, %shift_left3A_885 : vector<16xi1>, vector<16xi32>
        %bitcast3A_887 = vector.bitcast %select_n3A_886 : vector<16xi32> to vector<16xf32>
        %add3A_888 = arith.addi %get3A_256, %and3A_857 : vector<16xi32>
        %gather3A_889 = tpu.vector_load_idx %arg33[%add3A_245, %add3A_888] : memref<128x128xi32, #tpu.memory_space<vmem>>[vector<16xi32>, vector<16xi32>], vector<16xi32>,
        %and3A_890 = arith.constant -65536 : i32
        %and3A_891 = vector.broadcast %and3A_890 : i32 to vector<16xi32>
        %and3A_892 = arith.andi %gather3A_889, %and3A_891 : vector<16xi32>
        %shift_left3A_893 = arith.constant 16 : i32
        %shift_left3A_894 = vector.broadcast %shift_left3A_893 : i32 to vector<16xi32>
        %shift_left3A_895 = arith.shli %gather3A_889, %shift_left3A_894 : vector<16xi32>
        %select_n3A_896 = arith.select %ne3A_275, %and3A_892, %shift_left3A_895 : vector<16xi1>, vector<16xi32>
        %bitcast3A_897 = vector.bitcast %select_n3A_896 : vector<16xi32> to vector<16xf32>
        %mul3A_898 = arith.mulf %bitcast3A_877, %bitcast3A_887 : vector<16xf32>
        %mul3A_899 = arith.mulf %bitcast3A_867, %mul3A_898 : vector<16xf32>
        %mul3A_900 = arith.mulf %bitcast3A_897, %mul3A_898 : vector<16xf32>
        %mul3A_901 = arith.mulf %bitcast3A_867, %bitcast3A_877 : vector<16xf32>
        %mul3A_902 = arith.mulf %mul3A_901, %bitcast3A_897 : vector<16xf32>
        %mul3A_903 = arith.mulf %bitcast3A_867, %bitcast3A_867 : vector<16xf32>
        %add3A_904 = arith.addf %add3A_840, %mul3A_903 : vector<16xf32>
        %mul3A_905 = arith.mulf %bitcast3A_887, %bitcast3A_887 : vector<16xf32>
        %add3A_906 = arith.addf %add3A_842, %mul3A_905 : vector<16xf32>
        %mul3A_907 = arith.mulf %bitcast3A_897, %bitcast3A_897 : vector<16xf32>
        %add3A_908 = arith.addf %add3A_844, %mul3A_907 : vector<16xf32>
        %add3A_909 = arith.addf %add3A_845, %mul3A_899 : vector<16xf32>
        %mul3A_910 = arith.mulf %mul3A_899, %mul3A_899 : vector<16xf32>
        %add3A_911 = arith.addf %add3A_847, %mul3A_910 : vector<16xf32>
        %add3A_912 = arith.addf %add3A_848, %mul3A_900 : vector<16xf32>
        %mul3A_913 = arith.mulf %mul3A_902, %mul3A_902 : vector<16xf32>
        %add3A_914 = arith.addf %add3A_850, %mul3A_913 : vector<16xf32>
        %scan3A_915 = arith.constant 7 : i32
        %scan3A_916 = arith.addi %scan3A_465, %scan3A_915 : i32
        %add3A_917 = vector.broadcast %scan3A_916 : i32 to vector<16xi32>
        %add3A_918 = arith.addi %add3A_917, %iota3A : vector<16xi32>
        %and3A_919 = arith.constant 63 : i32
        %and3A_920 = vector.broadcast %and3A_919 : i32 to vector<16xi32>
        %and3A_921 = arith.andi %add3A_918, %and3A_920 : vector<16xi32>
        %add3A_922 = arith.addi %get3A_250, %and3A_921 : vector<16xi32>
        %gather3A_923 = tpu.vector_load_idx %arg30[%add3A_245, %add3A_922] : memref<128x128xi32, #tpu.memory_space<vmem>>[vector<16xi32>, vector<16xi32>], vector<16xi32>,
        %and3A_924 = arith.constant -65536 : i32
        %and3A_925 = vector.broadcast %and3A_924 : i32 to vector<16xi32>
        %and3A_926 = arith.andi %gather3A_923, %and3A_925 : vector<16xi32>
        %shift_left3A_927 = arith.constant 16 : i32
        %shift_left3A_928 = vector.broadcast %shift_left3A_927 : i32 to vector<16xi32>
        %shift_left3A_929 = arith.shli %gather3A_923, %shift_left3A_928 : vector<16xi32>
        %select_n3A_930 = arith.select %ne3A_260, %and3A_926, %shift_left3A_929 : vector<16xi1>, vector<16xi32>
        %bitcast3A_931 = vector.bitcast %select_n3A_930 : vector<16xi32> to vector<16xf32>
        %add3A_932 = arith.addi %get3A_252, %and3A_921 : vector<16xi32>
        %gather3A_933 = tpu.vector_load_idx %arg31[%add3A_245, %add3A_932] : memref<128x128xi32, #tpu.memory_space<vmem>>[vector<16xi32>, vector<16xi32>], vector<16xi32>,
        %and3A_934 = arith.constant -65536 : i32
        %and3A_935 = vector.broadcast %and3A_934 : i32 to vector<16xi32>
        %and3A_936 = arith.andi %gather3A_933, %and3A_935 : vector<16xi32>
        %shift_left3A_937 = arith.constant 16 : i32
        %shift_left3A_938 = vector.broadcast %shift_left3A_937 : i32 to vector<16xi32>
        %shift_left3A_939 = arith.shli %gather3A_933, %shift_left3A_938 : vector<16xi32>
        %select_n3A_940 = arith.select %ne3A_265, %and3A_936, %shift_left3A_939 : vector<16xi1>, vector<16xi32>
        %bitcast3A_941 = vector.bitcast %select_n3A_940 : vector<16xi32> to vector<16xf32>
        %add3A_942 = arith.addi %get3A_254, %and3A_921 : vector<16xi32>
        %gather3A_943 = tpu.vector_load_idx %arg32[%add3A_245, %add3A_942] : memref<128x128xi32, #tpu.memory_space<vmem>>[vector<16xi32>, vector<16xi32>], vector<16xi32>,
        %and3A_944 = arith.constant -65536 : i32
        %and3A_945 = vector.broadcast %and3A_944 : i32 to vector<16xi32>
        %and3A_946 = arith.andi %gather3A_943, %and3A_945 : vector<16xi32>
        %shift_left3A_947 = arith.constant 16 : i32
        %shift_left3A_948 = vector.broadcast %shift_left3A_947 : i32 to vector<16xi32>
        %shift_left3A_949 = arith.shli %gather3A_943, %shift_left3A_948 : vector<16xi32>
        %select_n3A_950 = arith.select %ne3A_270, %and3A_946, %shift_left3A_949 : vector<16xi1>, vector<16xi32>
        %bitcast3A_951 = vector.bitcast %select_n3A_950 : vector<16xi32> to vector<16xf32>
        %add3A_952 = arith.addi %get3A_256, %and3A_921 : vector<16xi32>
        %gather3A_953 = tpu.vector_load_idx %arg33[%add3A_245, %add3A_952] : memref<128x128xi32, #tpu.memory_space<vmem>>[vector<16xi32>, vector<16xi32>], vector<16xi32>,
        %and3A_954 = arith.constant -65536 : i32
        %and3A_955 = vector.broadcast %and3A_954 : i32 to vector<16xi32>
        %and3A_956 = arith.andi %gather3A_953, %and3A_955 : vector<16xi32>
        %shift_left3A_957 = arith.constant 16 : i32
        %shift_left3A_958 = vector.broadcast %shift_left3A_957 : i32 to vector<16xi32>
        %shift_left3A_959 = arith.shli %gather3A_953, %shift_left3A_958 : vector<16xi32>
        %select_n3A_960 = arith.select %ne3A_275, %and3A_956, %shift_left3A_959 : vector<16xi1>, vector<16xi32>
        %bitcast3A_961 = vector.bitcast %select_n3A_960 : vector<16xi32> to vector<16xf32>
        %mul3A_962 = arith.mulf %bitcast3A_941, %bitcast3A_951 : vector<16xf32>
        %mul3A_963 = arith.mulf %bitcast3A_931, %mul3A_962 : vector<16xf32>
        %mul3A_964 = arith.mulf %bitcast3A_961, %mul3A_962 : vector<16xf32>
        %mul3A_965 = arith.mulf %bitcast3A_931, %bitcast3A_941 : vector<16xf32>
        %mul3A_966 = arith.mulf %mul3A_965, %bitcast3A_961 : vector<16xf32>
        %mul3A_967 = arith.mulf %bitcast3A_931, %bitcast3A_931 : vector<16xf32>
        %add3A_968 = arith.addf %add3A_904, %mul3A_967 : vector<16xf32>
        %mul3A_969 = arith.mulf %bitcast3A_951, %bitcast3A_951 : vector<16xf32>
        %add3A_970 = arith.addf %add3A_906, %mul3A_969 : vector<16xf32>
        %mul3A_971 = arith.mulf %bitcast3A_961, %bitcast3A_961 : vector<16xf32>
        %add3A_972 = arith.addf %add3A_908, %mul3A_971 : vector<16xf32>
        %add3A_973 = arith.addf %add3A_909, %mul3A_963 : vector<16xf32>
        %mul3A_974 = arith.mulf %mul3A_963, %mul3A_963 : vector<16xf32>
        %add3A_975 = arith.addf %add3A_911, %mul3A_974 : vector<16xf32>
        %add3A_976 = arith.addf %add3A_912, %mul3A_964 : vector<16xf32>
        %mul3A_977 = arith.mulf %mul3A_966, %mul3A_966 : vector<16xf32>
        %add3A_978 = arith.addf %add3A_914, %mul3A_977 : vector<16xf32>
        scf.yield %add3A_968, %add3A_970, %add3A_972, %add3A_973, %add3A_975, %add3A_976, %add3A_978 : vector<16xf32>, vector<16xf32>, vector<16xf32>, vector<16xf32>, vector<16xf32>, vector<16xf32>, vector<16xf32>
      }
      %scan3A_282 = arith.constant 64 : i32
      %bitcast3A = vector.bitcast %scan3A_281#0 : vector<16xf32> to vector<16xi32>
      %shift_right_arithmetic3A = arith.constant 1 : i32
      %shift_right_arithmetic3A_283 = vector.broadcast %shift_right_arithmetic3A : i32 to vector<16xi32>
      %shift_right_arithmetic3A_284 = arith.shrsi %bitcast3A, %shift_right_arithmetic3A_283 : vector<16xi32>
      %sub3A = arith.constant 1597463007 : i32
      %sub3A_285 = vector.broadcast %sub3A : i32 to vector<16xi32>
      %sub3A_286 = arith.subi %sub3A_285, %shift_right_arithmetic3A_284 : vector<16xi32>
      %bitcast3A_287 = vector.bitcast %sub3A_286 : vector<16xi32> to vector<16xf32>
      %mul3A_288 = arith.constant -5.000000e-01 : f32
      %mul3A_289 = vector.broadcast %mul3A_288 : f32 to vector<16xf32>
      %mul3A_290 = arith.mulf %scan3A_281#0, %mul3A_289 : vector<16xf32>
      %mul3A_291 = arith.mulf %mul3A_290, %bitcast3A_287 : vector<16xf32>
      %mul3A_292 = arith.mulf %mul3A_291, %bitcast3A_287 : vector<16xf32>
      %add3A_293 = arith.constant 1.500000e+00 : f32
      %add3A_294 = vector.broadcast %add3A_293 : f32 to vector<16xf32>
      %add3A_295 = arith.addf %add3A_294, %mul3A_292 : vector<16xf32>
      %mul3A_296 = arith.mulf %bitcast3A_287, %add3A_295 : vector<16xf32>
      %mul3A_297 = arith.mulf %mul3A_290, %mul3A_296 : vector<16xf32>
      %mul3A_298 = arith.mulf %mul3A_297, %mul3A_296 : vector<16xf32>
      %add3A_299 = arith.constant 1.500000e+00 : f32
      %add3A_300 = vector.broadcast %add3A_299 : f32 to vector<16xf32>
      %add3A_301 = arith.addf %add3A_300, %mul3A_298 : vector<16xf32>
      %mul3A_302 = arith.mulf %mul3A_296, %add3A_301 : vector<16xf32>
      %mul3A_303 = arith.mulf %mul3A_290, %mul3A_302 : vector<16xf32>
      %mul3A_304 = arith.mulf %mul3A_303, %mul3A_302 : vector<16xf32>
      %add3A_305 = arith.constant 1.500000e+00 : f32
      %add3A_306 = vector.broadcast %add3A_305 : f32 to vector<16xf32>
      %add3A_307 = arith.addf %add3A_306, %mul3A_304 : vector<16xf32>
      %mul3A_308 = arith.mulf %mul3A_302, %add3A_307 : vector<16xf32>
      %min3A = arith.constant 9.99999995E+11 : f32
      %min3A_309 = vector.broadcast %min3A : f32 to vector<16xf32>
      %min3A_310 = arith.minimumf %mul3A_308, %min3A_309 : vector<16xf32>
      %bitcast3A_311 = vector.bitcast %scan3A_281#1 : vector<16xf32> to vector<16xi32>
      %shift_right_arithmetic3A_312 = arith.constant 1 : i32
      %shift_right_arithmetic3A_313 = vector.broadcast %shift_right_arithmetic3A_312 : i32 to vector<16xi32>
      %shift_right_arithmetic3A_314 = arith.shrsi %bitcast3A_311, %shift_right_arithmetic3A_313 : vector<16xi32>
      %sub3A_315 = arith.constant 1597463007 : i32
      %sub3A_316 = vector.broadcast %sub3A_315 : i32 to vector<16xi32>
      %sub3A_317 = arith.subi %sub3A_316, %shift_right_arithmetic3A_314 : vector<16xi32>
      %bitcast3A_318 = vector.bitcast %sub3A_317 : vector<16xi32> to vector<16xf32>
      %mul3A_319 = arith.constant -5.000000e-01 : f32
      %mul3A_320 = vector.broadcast %mul3A_319 : f32 to vector<16xf32>
      %mul3A_321 = arith.mulf %scan3A_281#1, %mul3A_320 : vector<16xf32>
      %mul3A_322 = arith.mulf %mul3A_321, %bitcast3A_318 : vector<16xf32>
      %mul3A_323 = arith.mulf %mul3A_322, %bitcast3A_318 : vector<16xf32>
      %add3A_324 = arith.constant 1.500000e+00 : f32
      %add3A_325 = vector.broadcast %add3A_324 : f32 to vector<16xf32>
      %add3A_326 = arith.addf %add3A_325, %mul3A_323 : vector<16xf32>
      %mul3A_327 = arith.mulf %bitcast3A_318, %add3A_326 : vector<16xf32>
      %mul3A_328 = arith.mulf %mul3A_321, %mul3A_327 : vector<16xf32>
      %mul3A_329 = arith.mulf %mul3A_328, %mul3A_327 : vector<16xf32>
      %add3A_330 = arith.constant 1.500000e+00 : f32
      %add3A_331 = vector.broadcast %add3A_330 : f32 to vector<16xf32>
      %add3A_332 = arith.addf %add3A_331, %mul3A_329 : vector<16xf32>
      %mul3A_333 = arith.mulf %mul3A_327, %add3A_332 : vector<16xf32>
      %mul3A_334 = arith.mulf %mul3A_321, %mul3A_333 : vector<16xf32>
      %mul3A_335 = arith.mulf %mul3A_334, %mul3A_333 : vector<16xf32>
      %add3A_336 = arith.constant 1.500000e+00 : f32
      %add3A_337 = vector.broadcast %add3A_336 : f32 to vector<16xf32>
      %add3A_338 = arith.addf %add3A_337, %mul3A_335 : vector<16xf32>
      %mul3A_339 = arith.mulf %mul3A_333, %add3A_338 : vector<16xf32>
      %min3A_340 = arith.constant 9.99999995E+11 : f32
      %min3A_341 = vector.broadcast %min3A_340 : f32 to vector<16xf32>
      %min3A_342 = arith.minimumf %mul3A_339, %min3A_341 : vector<16xf32>
      %bitcast3A_343 = vector.bitcast %scan3A_281#2 : vector<16xf32> to vector<16xi32>
      %shift_right_arithmetic3A_344 = arith.constant 1 : i32
      %shift_right_arithmetic3A_345 = vector.broadcast %shift_right_arithmetic3A_344 : i32 to vector<16xi32>
      %shift_right_arithmetic3A_346 = arith.shrsi %bitcast3A_343, %shift_right_arithmetic3A_345 : vector<16xi32>
      %sub3A_347 = arith.constant 1597463007 : i32
      %sub3A_348 = vector.broadcast %sub3A_347 : i32 to vector<16xi32>
      %sub3A_349 = arith.subi %sub3A_348, %shift_right_arithmetic3A_346 : vector<16xi32>
      %bitcast3A_350 = vector.bitcast %sub3A_349 : vector<16xi32> to vector<16xf32>
      %mul3A_351 = arith.constant -5.000000e-01 : f32
      %mul3A_352 = vector.broadcast %mul3A_351 : f32 to vector<16xf32>
      %mul3A_353 = arith.mulf %scan3A_281#2, %mul3A_352 : vector<16xf32>
      %mul3A_354 = arith.mulf %mul3A_353, %bitcast3A_350 : vector<16xf32>
      %mul3A_355 = arith.mulf %mul3A_354, %bitcast3A_350 : vector<16xf32>
      %add3A_356 = arith.constant 1.500000e+00 : f32
      %add3A_357 = vector.broadcast %add3A_356 : f32 to vector<16xf32>
      %add3A_358 = arith.addf %add3A_357, %mul3A_355 : vector<16xf32>
      %mul3A_359 = arith.mulf %bitcast3A_350, %add3A_358 : vector<16xf32>
      %mul3A_360 = arith.mulf %mul3A_353, %mul3A_359 : vector<16xf32>
      %mul3A_361 = arith.mulf %mul3A_360, %mul3A_359 : vector<16xf32>
      %add3A_362 = arith.constant 1.500000e+00 : f32
      %add3A_363 = vector.broadcast %add3A_362 : f32 to vector<16xf32>
      %add3A_364 = arith.addf %add3A_363, %mul3A_361 : vector<16xf32>
      %mul3A_365 = arith.mulf %mul3A_359, %add3A_364 : vector<16xf32>
      %mul3A_366 = arith.mulf %mul3A_353, %mul3A_365 : vector<16xf32>
      %mul3A_367 = arith.mulf %mul3A_366, %mul3A_365 : vector<16xf32>
      %add3A_368 = arith.constant 1.500000e+00 : f32
      %add3A_369 = vector.broadcast %add3A_368 : f32 to vector<16xf32>
      %add3A_370 = arith.addf %add3A_369, %mul3A_367 : vector<16xf32>
      %mul3A_371 = arith.mulf %mul3A_365, %add3A_370 : vector<16xf32>
      %min3A_372 = arith.constant 9.99999995E+11 : f32
      %min3A_373 = vector.broadcast %min3A_372 : f32 to vector<16xf32>
      %min3A_374 = arith.minimumf %mul3A_371, %min3A_373 : vector<16xf32>
      %bitcast3A_375 = vector.bitcast %scan3A_281#4 : vector<16xf32> to vector<16xi32>
      %shift_right_arithmetic3A_376 = arith.constant 1 : i32
      %shift_right_arithmetic3A_377 = vector.broadcast %shift_right_arithmetic3A_376 : i32 to vector<16xi32>
      %shift_right_arithmetic3A_378 = arith.shrsi %bitcast3A_375, %shift_right_arithmetic3A_377 : vector<16xi32>
      %sub3A_379 = arith.constant 1597463007 : i32
      %sub3A_380 = vector.broadcast %sub3A_379 : i32 to vector<16xi32>
      %sub3A_381 = arith.subi %sub3A_380, %shift_right_arithmetic3A_378 : vector<16xi32>
      %bitcast3A_382 = vector.bitcast %sub3A_381 : vector<16xi32> to vector<16xf32>
      %mul3A_383 = arith.constant -5.000000e-01 : f32
      %mul3A_384 = vector.broadcast %mul3A_383 : f32 to vector<16xf32>
      %mul3A_385 = arith.mulf %scan3A_281#4, %mul3A_384 : vector<16xf32>
      %mul3A_386 = arith.mulf %mul3A_385, %bitcast3A_382 : vector<16xf32>
      %mul3A_387 = arith.mulf %mul3A_386, %bitcast3A_382 : vector<16xf32>
      %add3A_388 = arith.constant 1.500000e+00 : f32
      %add3A_389 = vector.broadcast %add3A_388 : f32 to vector<16xf32>
      %add3A_390 = arith.addf %add3A_389, %mul3A_387 : vector<16xf32>
      %mul3A_391 = arith.mulf %bitcast3A_382, %add3A_390 : vector<16xf32>
      %mul3A_392 = arith.mulf %mul3A_385, %mul3A_391 : vector<16xf32>
      %mul3A_393 = arith.mulf %mul3A_392, %mul3A_391 : vector<16xf32>
      %add3A_394 = arith.constant 1.500000e+00 : f32
      %add3A_395 = vector.broadcast %add3A_394 : f32 to vector<16xf32>
      %add3A_396 = arith.addf %add3A_395, %mul3A_393 : vector<16xf32>
      %mul3A_397 = arith.mulf %mul3A_391, %add3A_396 : vector<16xf32>
      %mul3A_398 = arith.mulf %mul3A_385, %mul3A_397 : vector<16xf32>
      %mul3A_399 = arith.mulf %mul3A_398, %mul3A_397 : vector<16xf32>
      %add3A_400 = arith.constant 1.500000e+00 : f32
      %add3A_401 = vector.broadcast %add3A_400 : f32 to vector<16xf32>
      %add3A_402 = arith.addf %add3A_401, %mul3A_399 : vector<16xf32>
      %mul3A_403 = arith.mulf %mul3A_397, %add3A_402 : vector<16xf32>
      %mul3A_404 = arith.mulf %scan3A_281#4, %mul3A_403 : vector<16xf32>
      %bitcast3A_405 = vector.bitcast %scan3A_281#6 : vector<16xf32> to vector<16xi32>
      %shift_right_arithmetic3A_406 = arith.constant 1 : i32
      %shift_right_arithmetic3A_407 = vector.broadcast %shift_right_arithmetic3A_406 : i32 to vector<16xi32>
      %shift_right_arithmetic3A_408 = arith.shrsi %bitcast3A_405, %shift_right_arithmetic3A_407 : vector<16xi32>
      %sub3A_409 = arith.constant 1597463007 : i32
      %sub3A_410 = vector.broadcast %sub3A_409 : i32 to vector<16xi32>
      %sub3A_411 = arith.subi %sub3A_410, %shift_right_arithmetic3A_408 : vector<16xi32>
      %bitcast3A_412 = vector.bitcast %sub3A_411 : vector<16xi32> to vector<16xf32>
      %mul3A_413 = arith.constant -5.000000e-01 : f32
      %mul3A_414 = vector.broadcast %mul3A_413 : f32 to vector<16xf32>
      %mul3A_415 = arith.mulf %scan3A_281#6, %mul3A_414 : vector<16xf32>
      %mul3A_416 = arith.mulf %mul3A_415, %bitcast3A_412 : vector<16xf32>
      %mul3A_417 = arith.mulf %mul3A_416, %bitcast3A_412 : vector<16xf32>
      %add3A_418 = arith.constant 1.500000e+00 : f32
      %add3A_419 = vector.broadcast %add3A_418 : f32 to vector<16xf32>
      %add3A_420 = arith.addf %add3A_419, %mul3A_417 : vector<16xf32>
      %mul3A_421 = arith.mulf %bitcast3A_412, %add3A_420 : vector<16xf32>
      %mul3A_422 = arith.mulf %mul3A_415, %mul3A_421 : vector<16xf32>
      %mul3A_423 = arith.mulf %mul3A_422, %mul3A_421 : vector<16xf32>
      %add3A_424 = arith.constant 1.500000e+00 : f32
      %add3A_425 = vector.broadcast %add3A_424 : f32 to vector<16xf32>
      %add3A_426 = arith.addf %add3A_425, %mul3A_423 : vector<16xf32>
      %mul3A_427 = arith.mulf %mul3A_421, %add3A_426 : vector<16xf32>
      %mul3A_428 = arith.mulf %mul3A_415, %mul3A_427 : vector<16xf32>
      %mul3A_429 = arith.mulf %mul3A_428, %mul3A_427 : vector<16xf32>
      %add3A_430 = arith.constant 1.500000e+00 : f32
      %add3A_431 = vector.broadcast %add3A_430 : f32 to vector<16xf32>
      %add3A_432 = arith.addf %add3A_431, %mul3A_429 : vector<16xf32>
      %mul3A_433 = arith.mulf %mul3A_427, %add3A_432 : vector<16xf32>
      %mul3A_434 = arith.mulf %scan3A_281#6, %mul3A_433 : vector<16xf32>
      %mul3A_435 = arith.mulf %min3A_310, %min3A_342 : vector<16xf32>
      %mul3A_436 = arith.constant 16 : i32
      %mul3A_437 = arith.muli %scan3A_240, %mul3A_436 : i32
      %add3A_438 = arith.constant 128 : i32
      %add3A_439 = arith.addi %add3A_438, %mul3A_437 : i32
      %mul3A_440 = arith.mulf %scan3A_281#3, %mul3A_435 : vector<16xf32>
      %neg3A = arith.constant 0.000000e+00 : f32
      %neg3A_441 = vector.broadcast %neg3A : f32 to vector<16xf32>
      %neg3A_442 = arith.subf %neg3A_441, %mul3A_440 : vector<16xf32>
      %swap3A = arith.index_cast %add3A_439 : i32 to index
      %swap3A_443 = tpu.vector_load %arg34[%swap3A] {strides = array<i32>} : memref<512xf32, #tpu.memory_space<vmem>>, vector<16xf32>,
      tpu.vector_store %arg34[%swap3A], %neg3A_442 {strides = array<i32>} : memref<512xf32, #tpu.memory_space<vmem>>, vector<16xf32>,
      %mul3A_444 = arith.mulf %mul3A_404, %mul3A_435 : vector<16xf32>
      %neg3A_445 = arith.constant 0.000000e+00 : f32
      %neg3A_446 = vector.broadcast %neg3A_445 : f32 to vector<16xf32>
      %neg3A_447 = arith.subf %neg3A_446, %mul3A_444 : vector<16xf32>
      %swap3A_448 = arith.index_cast %add3A_439 : i32 to index
      %swap3A_449 = tpu.vector_load %arg35[%swap3A_448] {strides = array<i32>} : memref<512xf32, #tpu.memory_space<vmem>>, vector<16xf32>,
      tpu.vector_store %arg35[%swap3A_448], %neg3A_447 {strides = array<i32>} : memref<512xf32, #tpu.memory_space<vmem>>, vector<16xf32>,
      %mul3A_450 = arith.mulf %scan3A_281#5, %min3A_374 : vector<16xf32>
      %mul3A_451 = arith.mulf %mul3A_450, %min3A_342 : vector<16xf32>
      %neg3A_452 = arith.constant 0.000000e+00 : f32
      %neg3A_453 = vector.broadcast %neg3A_452 : f32 to vector<16xf32>
      %neg3A_454 = arith.subf %neg3A_453, %mul3A_451 : vector<16xf32>
      %swap3A_455 = arith.index_cast %add3A_439 : i32 to index
      %swap3A_456 = tpu.vector_load %arg36[%swap3A_455] {strides = array<i32>} : memref<512xf32, #tpu.memory_space<vmem>>, vector<16xf32>,
      tpu.vector_store %arg36[%swap3A_455], %neg3A_454 {strides = array<i32>} : memref<512xf32, #tpu.memory_space<vmem>>, vector<16xf32>,
      %mul3A_457 = arith.mulf %mul3A_434, %min3A_310 : vector<16xf32>
      %mul3A_458 = arith.mulf %mul3A_457, %min3A_374 : vector<16xf32>
      %neg3A_459 = arith.constant 0.000000e+00 : f32
      %neg3A_460 = vector.broadcast %neg3A_459 : f32 to vector<16xf32>
      %neg3A_461 = arith.subf %neg3A_460, %mul3A_458 : vector<16xf32>
      %swap3A_462 = arith.index_cast %add3A_439 : i32 to index
      %swap3A_463 = tpu.vector_load %arg37[%swap3A_462] {strides = array<i32>} : memref<512xf32, #tpu.memory_space<vmem>>, vector<16xf32>,
      tpu.vector_store %arg37[%swap3A_462], %neg3A_461 {strides = array<i32>} : memref<512xf32, #tpu.memory_space<vmem>>, vector<16xf32>,
      %scan3A_464 = arith.constant 0 : i32
      scf.yield %scan3A_464 : i32
    }
    %scan3A_141 = arith.constant 8 : i32
    %dma_start3A_142 = arith.constant 256 : i32
    %dma_start3A_143 = tpu.memref_slice %arg18[%dma_start3A_142] : memref<512xi32, #tpu.memory_space<vmem>> -> memref<128xi32, #tpu.memory_space<vmem>>
    %dma_start3A_144 = arith.constant 0 : i32
    %dma_start3A_145 = arith.constant 0 : i32
    %dma_start3A_146 = tpu.memref_slice %arg14[%dma_start3A_144, %dma_start3A_145] : memref<262144x128xi32, #tpu.memory_space<hbm>> -> memref<262144x128xi32, #tpu.memory_space<hbm>>
    tpu.enqueue_indirect_dma source(%dma_start3A_146 : memref<262144x128xi32, #tpu.memory_space<hbm>>) target(%arg30 : memref<128x128xi32, #tpu.memory_space<vmem>>) offsets(%dma_start3A_143 : memref<128xi32, #tpu.memory_space<vmem>>) semaphore(%arg38 : memref<!tpu.dma_semaphore, #tpu.memory_space<semaphore_mem>>)
    %dma_start3A_147 = arith.constant 256 : i32
    %dma_start3A_148 = tpu.memref_slice %arg19[%dma_start3A_147] : memref<512xi32, #tpu.memory_space<vmem>> -> memref<128xi32, #tpu.memory_space<vmem>>
    %dma_start3A_149 = arith.constant 0 : i32
    %dma_start3A_150 = arith.constant 0 : i32
    %dma_start3A_151 = tpu.memref_slice %arg15[%dma_start3A_149, %dma_start3A_150] : memref<256x128xi32, #tpu.memory_space<hbm>> -> memref<256x128xi32, #tpu.memory_space<hbm>>
    tpu.enqueue_indirect_dma source(%dma_start3A_151 : memref<256x128xi32, #tpu.memory_space<hbm>>) target(%arg31 : memref<128x128xi32, #tpu.memory_space<vmem>>) offsets(%dma_start3A_148 : memref<128xi32, #tpu.memory_space<vmem>>) semaphore(%arg38 : memref<!tpu.dma_semaphore, #tpu.memory_space<semaphore_mem>>)
    %dma_start3A_152 = arith.constant 256 : i32
    %dma_start3A_153 = tpu.memref_slice %arg20[%dma_start3A_152] : memref<512xi32, #tpu.memory_space<vmem>> -> memref<128xi32, #tpu.memory_space<vmem>>
    %dma_start3A_154 = arith.constant 0 : i32
    %dma_start3A_155 = arith.constant 0 : i32
    %dma_start3A_156 = tpu.memref_slice %arg14[%dma_start3A_154, %dma_start3A_155] : memref<262144x128xi32, #tpu.memory_space<hbm>> -> memref<262144x128xi32, #tpu.memory_space<hbm>>
    tpu.enqueue_indirect_dma source(%dma_start3A_156 : memref<262144x128xi32, #tpu.memory_space<hbm>>) target(%arg32 : memref<128x128xi32, #tpu.memory_space<vmem>>) offsets(%dma_start3A_153 : memref<128xi32, #tpu.memory_space<vmem>>) semaphore(%arg38 : memref<!tpu.dma_semaphore, #tpu.memory_space<semaphore_mem>>)
    %dma_start3A_157 = arith.constant 256 : i32
    %dma_start3A_158 = tpu.memref_slice %arg21[%dma_start3A_157] : memref<512xi32, #tpu.memory_space<vmem>> -> memref<128xi32, #tpu.memory_space<vmem>>
    %dma_start3A_159 = arith.constant 0 : i32
    %dma_start3A_160 = arith.constant 0 : i32
    %dma_start3A_161 = tpu.memref_slice %arg14[%dma_start3A_159, %dma_start3A_160] : memref<262144x128xi32, #tpu.memory_space<hbm>> -> memref<262144x128xi32, #tpu.memory_space<hbm>>
    tpu.enqueue_indirect_dma source(%dma_start3A_161 : memref<262144x128xi32, #tpu.memory_space<hbm>>) target(%arg33 : memref<128x128xi32, #tpu.memory_space<vmem>>) offsets(%dma_start3A_158 : memref<128xi32, #tpu.memory_space<vmem>>) semaphore(%arg38 : memref<!tpu.dma_semaphore, #tpu.memory_space<semaphore_mem>>)
    %dma_wait3A_162 = arith.constant 256 : i32
    %dma_wait3A_163 = tpu.memref_slice %arg18[%dma_wait3A_162] : memref<512xi32, #tpu.memory_space<vmem>> -> memref<128xi32, #tpu.memory_space<vmem>>
    %dma_wait3A_164 = arith.constant 0 : i32
    %dma_wait3A_165 = arith.constant 0 : i32
    %dma_wait3A_166 = tpu.memref_slice %arg14[%dma_wait3A_164, %dma_wait3A_165] : memref<262144x128xi32, #tpu.memory_space<hbm>> -> memref<262144x128xi32, #tpu.memory_space<hbm>>
    tpu.wait_indirect_dma semaphore(%arg38 : memref<!tpu.dma_semaphore, #tpu.memory_space<semaphore_mem>>) src(%dma_wait3A_166 : memref<262144x128xi32, #tpu.memory_space<hbm>>) dst(%arg30 : memref<128x128xi32, #tpu.memory_space<vmem>>)
    %dma_wait3A_167 = arith.constant 256 : i32
    %dma_wait3A_168 = tpu.memref_slice %arg19[%dma_wait3A_167] : memref<512xi32, #tpu.memory_space<vmem>> -> memref<128xi32, #tpu.memory_space<vmem>>
    %dma_wait3A_169 = arith.constant 0 : i32
    %dma_wait3A_170 = arith.constant 0 : i32
    %dma_wait3A_171 = tpu.memref_slice %arg15[%dma_wait3A_169, %dma_wait3A_170] : memref<256x128xi32, #tpu.memory_space<hbm>> -> memref<256x128xi32, #tpu.memory_space<hbm>>
    tpu.wait_indirect_dma semaphore(%arg38 : memref<!tpu.dma_semaphore, #tpu.memory_space<semaphore_mem>>) src(%dma_wait3A_171 : memref<256x128xi32, #tpu.memory_space<hbm>>) dst(%arg31 : memref<128x128xi32, #tpu.memory_space<vmem>>)
    %dma_wait3A_172 = arith.constant 256 : i32
    %dma_wait3A_173 = tpu.memref_slice %arg20[%dma_wait3A_172] : memref<512xi32, #tpu.memory_space<vmem>> -> memref<128xi32, #tpu.memory_space<vmem>>
    %dma_wait3A_174 = arith.constant 0 : i32
    %dma_wait3A_175 = arith.constant 0 : i32
    %dma_wait3A_176 = tpu.memref_slice %arg14[%dma_wait3A_174, %dma_wait3A_175] : memref<262144x128xi32, #tpu.memory_space<hbm>> -> memref<262144x128xi32, #tpu.memory_space<hbm>>
    tpu.wait_indirect_dma semaphore(%arg38 : memref<!tpu.dma_semaphore, #tpu.memory_space<semaphore_mem>>) src(%dma_wait3A_176 : memref<262144x128xi32, #tpu.memory_space<hbm>>) dst(%arg32 : memref<128x128xi32, #tpu.memory_space<vmem>>)
    %dma_wait3A_177 = arith.constant 256 : i32
    %dma_wait3A_178 = tpu.memref_slice %arg21[%dma_wait3A_177] : memref<512xi32, #tpu.memory_space<vmem>> -> memref<128xi32, #tpu.memory_space<vmem>>
    %dma_wait3A_179 = arith.constant 0 : i32
    %dma_wait3A_180 = arith.constant 0 : i32
    %dma_wait3A_181 = tpu.memref_slice %arg14[%dma_wait3A_179, %dma_wait3A_180] : memref<262144x128xi32, #tpu.memory_space<hbm>> -> memref<262144x128xi32, #tpu.memory_space<hbm>>
    tpu.wait_indirect_dma semaphore(%arg38 : memref<!tpu.dma_semaphore, #tpu.memory_space<semaphore_mem>>) src(%dma_wait3A_181 : memref<262144x128xi32, #tpu.memory_space<hbm>>) dst(%arg33 : memref<128x128xi32, #tpu.memory_space<vmem>>)
    %scan3A_182 = arith.constant 0 : i32
    %scan3A_183 = arith.constant 0 : i32
    %scan3A_184 = arith.constant 8 : i32
    %scan3A_185 = arith.addi %scan3A_183, %scan3A_184 : i32
    %scan3A_186 = arith.constant 1 : i32
    %scan3A_187 = scf.for %scan3A_240 = %scan3A_183 to %scan3A_185 step %scan3A_186 iter_args(%scan3A_241 = %scan3A_182) -> (i32)  : i32 {
      %mul3A_242 = arith.constant 16 : i32
      %mul3A_243 = arith.muli %scan3A_240, %mul3A_242 : i32
      %add3A_244 = vector.broadcast %mul3A_243 : i32 to vector<16xi32>
      %add3A_245 = arith.addi %iota3A, %add3A_244 : vector<16xi32>
      %mul3A_246 = arith.constant 16 : i32
      %mul3A_247 = arith.muli %scan3A_240, %mul3A_246 : i32
      %add3A_248 = arith.constant 256 : i32
      %add3A_249 = arith.addi %add3A_248, %mul3A_247 : i32
      %get3A = arith.index_cast %add3A_249 : i32 to index
      %get3A_250 = tpu.vector_load %arg22[%get3A] {strides = array<i32>} : memref<512xi32, #tpu.memory_space<vmem>>, vector<16xi32>,
      %get3A_251 = arith.index_cast %add3A_249 : i32 to index
      %get3A_252 = tpu.vector_load %arg23[%get3A_251] {strides = array<i32>} : memref<512xi32, #tpu.memory_space<vmem>>, vector<16xi32>,
      %get3A_253 = arith.index_cast %add3A_249 : i32 to index
      %get3A_254 = tpu.vector_load %arg24[%get3A_253] {strides = array<i32>} : memref<512xi32, #tpu.memory_space<vmem>>, vector<16xi32>,
      %get3A_255 = arith.index_cast %add3A_249 : i32 to index
      %get3A_256 = tpu.vector_load %arg25[%get3A_255] {strides = array<i32>} : memref<512xi32, #tpu.memory_space<vmem>>, vector<16xi32>,
      %get3A_257 = arith.index_cast %add3A_249 : i32 to index
      %get3A_258 = tpu.vector_load %arg26[%get3A_257] {strides = array<i32>} : memref<512xi32, #tpu.memory_space<vmem>>, vector<16xi32>,
      %ne3A = arith.constant 0 : i32
      %ne3A_259 = vector.broadcast %ne3A : i32 to vector<16xi32>
      %ne3A_260 = arith.cmpi ne, %get3A_258, %ne3A_259 : vector<16xi32>
      %get3A_261 = arith.index_cast %add3A_249 : i32 to index
      %get3A_262 = tpu.vector_load %arg27[%get3A_261] {strides = array<i32>} : memref<512xi32, #tpu.memory_space<vmem>>, vector<16xi32>,
      %ne3A_263 = arith.constant 0 : i32
      %ne3A_264 = vector.broadcast %ne3A_263 : i32 to vector<16xi32>
      %ne3A_265 = arith.cmpi ne, %get3A_262, %ne3A_264 : vector<16xi32>
      %get3A_266 = arith.index_cast %add3A_249 : i32 to index
      %get3A_267 = tpu.vector_load %arg28[%get3A_266] {strides = array<i32>} : memref<512xi32, #tpu.memory_space<vmem>>, vector<16xi32>,
      %ne3A_268 = arith.constant 0 : i32
      %ne3A_269 = vector.broadcast %ne3A_268 : i32 to vector<16xi32>
      %ne3A_270 = arith.cmpi ne, %get3A_267, %ne3A_269 : vector<16xi32>
      %get3A_271 = arith.index_cast %add3A_249 : i32 to index
      %get3A_272 = tpu.vector_load %arg29[%get3A_271] {strides = array<i32>} : memref<512xi32, #tpu.memory_space<vmem>>, vector<16xi32>,
      %ne3A_273 = arith.constant 0 : i32
      %ne3A_274 = vector.broadcast %ne3A_273 : i32 to vector<16xi32>
      %ne3A_275 = arith.cmpi ne, %get3A_272, %ne3A_274 : vector<16xi32>
      %broadcast_in_dim3A = arith.constant 0.000000e+00 : f32
      %broadcast_in_dim3A_276 = vector.broadcast %broadcast_in_dim3A : f32 to vector<16xf32>
      %scan3A_277 = arith.constant 0 : i32
      %scan3A_278 = arith.constant 64 : i32
      %scan3A_279 = arith.addi %scan3A_277, %scan3A_278 : i32
      %scan3A_280 = arith.constant 8 : i32
      %scan3A_281:7 = scf.for %scan3A_465 = %scan3A_277 to %scan3A_279 step %scan3A_280 iter_args(%scan3A_466 = %broadcast_in_dim3A_276, %scan3A_467 = %broadcast_in_dim3A_276, %scan3A_468 = %broadcast_in_dim3A_276, %scan3A_469 = %broadcast_in_dim3A_276, %scan3A_470 = %broadcast_in_dim3A_276, %scan3A_471 = %broadcast_in_dim3A_276, %scan3A_472 = %broadcast_in_dim3A_276) -> (vector<16xf32>, vector<16xf32>, vector<16xf32>, vector<16xf32>, vector<16xf32>, vector<16xf32>, vector<16xf32>)  : i32 {
        %add3A_473 = vector.broadcast %scan3A_465 : i32 to vector<16xi32>
        %add3A_474 = arith.addi %add3A_473, %iota3A : vector<16xi32>
        %and3A = arith.constant 63 : i32
        %and3A_475 = vector.broadcast %and3A : i32 to vector<16xi32>
        %and3A_476 = arith.andi %add3A_474, %and3A_475 : vector<16xi32>
        %add3A_477 = arith.addi %get3A_250, %and3A_476 : vector<16xi32>
        %gather3A = tpu.vector_load_idx %arg30[%add3A_245, %add3A_477] : memref<128x128xi32, #tpu.memory_space<vmem>>[vector<16xi32>, vector<16xi32>], vector<16xi32>,
        %and3A_478 = arith.constant -65536 : i32
        %and3A_479 = vector.broadcast %and3A_478 : i32 to vector<16xi32>
        %and3A_480 = arith.andi %gather3A, %and3A_479 : vector<16xi32>
        %shift_left3A = arith.constant 16 : i32
        %shift_left3A_481 = vector.broadcast %shift_left3A : i32 to vector<16xi32>
        %shift_left3A_482 = arith.shli %gather3A, %shift_left3A_481 : vector<16xi32>
        %select_n3A = arith.select %ne3A_260, %and3A_480, %shift_left3A_482 : vector<16xi1>, vector<16xi32>
        %bitcast3A_483 = vector.bitcast %select_n3A : vector<16xi32> to vector<16xf32>
        %add3A_484 = arith.addi %get3A_252, %and3A_476 : vector<16xi32>
        %gather3A_485 = tpu.vector_load_idx %arg31[%add3A_245, %add3A_484] : memref<128x128xi32, #tpu.memory_space<vmem>>[vector<16xi32>, vector<16xi32>], vector<16xi32>,
        %and3A_486 = arith.constant -65536 : i32
        %and3A_487 = vector.broadcast %and3A_486 : i32 to vector<16xi32>
        %and3A_488 = arith.andi %gather3A_485, %and3A_487 : vector<16xi32>
        %shift_left3A_489 = arith.constant 16 : i32
        %shift_left3A_490 = vector.broadcast %shift_left3A_489 : i32 to vector<16xi32>
        %shift_left3A_491 = arith.shli %gather3A_485, %shift_left3A_490 : vector<16xi32>
        %select_n3A_492 = arith.select %ne3A_265, %and3A_488, %shift_left3A_491 : vector<16xi1>, vector<16xi32>
        %bitcast3A_493 = vector.bitcast %select_n3A_492 : vector<16xi32> to vector<16xf32>
        %add3A_494 = arith.addi %get3A_254, %and3A_476 : vector<16xi32>
        %gather3A_495 = tpu.vector_load_idx %arg32[%add3A_245, %add3A_494] : memref<128x128xi32, #tpu.memory_space<vmem>>[vector<16xi32>, vector<16xi32>], vector<16xi32>,
        %and3A_496 = arith.constant -65536 : i32
        %and3A_497 = vector.broadcast %and3A_496 : i32 to vector<16xi32>
        %and3A_498 = arith.andi %gather3A_495, %and3A_497 : vector<16xi32>
        %shift_left3A_499 = arith.constant 16 : i32
        %shift_left3A_500 = vector.broadcast %shift_left3A_499 : i32 to vector<16xi32>
        %shift_left3A_501 = arith.shli %gather3A_495, %shift_left3A_500 : vector<16xi32>
        %select_n3A_502 = arith.select %ne3A_270, %and3A_498, %shift_left3A_501 : vector<16xi1>, vector<16xi32>
        %bitcast3A_503 = vector.bitcast %select_n3A_502 : vector<16xi32> to vector<16xf32>
        %add3A_504 = arith.addi %get3A_256, %and3A_476 : vector<16xi32>
        %gather3A_505 = tpu.vector_load_idx %arg33[%add3A_245, %add3A_504] : memref<128x128xi32, #tpu.memory_space<vmem>>[vector<16xi32>, vector<16xi32>], vector<16xi32>,
        %and3A_506 = arith.constant -65536 : i32
        %and3A_507 = vector.broadcast %and3A_506 : i32 to vector<16xi32>
        %and3A_508 = arith.andi %gather3A_505, %and3A_507 : vector<16xi32>
        %shift_left3A_509 = arith.constant 16 : i32
        %shift_left3A_510 = vector.broadcast %shift_left3A_509 : i32 to vector<16xi32>
        %shift_left3A_511 = arith.shli %gather3A_505, %shift_left3A_510 : vector<16xi32>
        %select_n3A_512 = arith.select %ne3A_275, %and3A_508, %shift_left3A_511 : vector<16xi1>, vector<16xi32>
        %bitcast3A_513 = vector.bitcast %select_n3A_512 : vector<16xi32> to vector<16xf32>
        %mul3A_514 = arith.mulf %bitcast3A_493, %bitcast3A_503 : vector<16xf32>
        %mul3A_515 = arith.mulf %bitcast3A_483, %mul3A_514 : vector<16xf32>
        %mul3A_516 = arith.mulf %bitcast3A_513, %mul3A_514 : vector<16xf32>
        %mul3A_517 = arith.mulf %bitcast3A_483, %bitcast3A_493 : vector<16xf32>
        %mul3A_518 = arith.mulf %mul3A_517, %bitcast3A_513 : vector<16xf32>
        %mul3A_519 = arith.mulf %bitcast3A_483, %bitcast3A_483 : vector<16xf32>
        %add3A_520 = arith.addf %scan3A_466, %mul3A_519 : vector<16xf32>
        %mul3A_521 = arith.mulf %bitcast3A_503, %bitcast3A_503 : vector<16xf32>
        %add3A_522 = arith.addf %scan3A_467, %mul3A_521 : vector<16xf32>
        %mul3A_523 = arith.mulf %bitcast3A_513, %bitcast3A_513 : vector<16xf32>
        %add3A_524 = arith.addf %scan3A_468, %mul3A_523 : vector<16xf32>
        %add3A_525 = arith.addf %scan3A_469, %mul3A_515 : vector<16xf32>
        %mul3A_526 = arith.mulf %mul3A_515, %mul3A_515 : vector<16xf32>
        %add3A_527 = arith.addf %scan3A_470, %mul3A_526 : vector<16xf32>
        %add3A_528 = arith.addf %scan3A_471, %mul3A_516 : vector<16xf32>
        %mul3A_529 = arith.mulf %mul3A_518, %mul3A_518 : vector<16xf32>
        %add3A_530 = arith.addf %scan3A_472, %mul3A_529 : vector<16xf32>
        %scan3A_531 = arith.constant 1 : i32
        %scan3A_532 = arith.addi %scan3A_465, %scan3A_531 : i32
        %add3A_533 = vector.broadcast %scan3A_532 : i32 to vector<16xi32>
        %add3A_534 = arith.addi %add3A_533, %iota3A : vector<16xi32>
        %and3A_535 = arith.constant 63 : i32
        %and3A_536 = vector.broadcast %and3A_535 : i32 to vector<16xi32>
        %and3A_537 = arith.andi %add3A_534, %and3A_536 : vector<16xi32>
        %add3A_538 = arith.addi %get3A_250, %and3A_537 : vector<16xi32>
        %gather3A_539 = tpu.vector_load_idx %arg30[%add3A_245, %add3A_538] : memref<128x128xi32, #tpu.memory_space<vmem>>[vector<16xi32>, vector<16xi32>], vector<16xi32>,
        %and3A_540 = arith.constant -65536 : i32
        %and3A_541 = vector.broadcast %and3A_540 : i32 to vector<16xi32>
        %and3A_542 = arith.andi %gather3A_539, %and3A_541 : vector<16xi32>
        %shift_left3A_543 = arith.constant 16 : i32
        %shift_left3A_544 = vector.broadcast %shift_left3A_543 : i32 to vector<16xi32>
        %shift_left3A_545 = arith.shli %gather3A_539, %shift_left3A_544 : vector<16xi32>
        %select_n3A_546 = arith.select %ne3A_260, %and3A_542, %shift_left3A_545 : vector<16xi1>, vector<16xi32>
        %bitcast3A_547 = vector.bitcast %select_n3A_546 : vector<16xi32> to vector<16xf32>
        %add3A_548 = arith.addi %get3A_252, %and3A_537 : vector<16xi32>
        %gather3A_549 = tpu.vector_load_idx %arg31[%add3A_245, %add3A_548] : memref<128x128xi32, #tpu.memory_space<vmem>>[vector<16xi32>, vector<16xi32>], vector<16xi32>,
        %and3A_550 = arith.constant -65536 : i32
        %and3A_551 = vector.broadcast %and3A_550 : i32 to vector<16xi32>
        %and3A_552 = arith.andi %gather3A_549, %and3A_551 : vector<16xi32>
        %shift_left3A_553 = arith.constant 16 : i32
        %shift_left3A_554 = vector.broadcast %shift_left3A_553 : i32 to vector<16xi32>
        %shift_left3A_555 = arith.shli %gather3A_549, %shift_left3A_554 : vector<16xi32>
        %select_n3A_556 = arith.select %ne3A_265, %and3A_552, %shift_left3A_555 : vector<16xi1>, vector<16xi32>
        %bitcast3A_557 = vector.bitcast %select_n3A_556 : vector<16xi32> to vector<16xf32>
        %add3A_558 = arith.addi %get3A_254, %and3A_537 : vector<16xi32>
        %gather3A_559 = tpu.vector_load_idx %arg32[%add3A_245, %add3A_558] : memref<128x128xi32, #tpu.memory_space<vmem>>[vector<16xi32>, vector<16xi32>], vector<16xi32>,
        %and3A_560 = arith.constant -65536 : i32
        %and3A_561 = vector.broadcast %and3A_560 : i32 to vector<16xi32>
        %and3A_562 = arith.andi %gather3A_559, %and3A_561 : vector<16xi32>
        %shift_left3A_563 = arith.constant 16 : i32
        %shift_left3A_564 = vector.broadcast %shift_left3A_563 : i32 to vector<16xi32>
        %shift_left3A_565 = arith.shli %gather3A_559, %shift_left3A_564 : vector<16xi32>
        %select_n3A_566 = arith.select %ne3A_270, %and3A_562, %shift_left3A_565 : vector<16xi1>, vector<16xi32>
        %bitcast3A_567 = vector.bitcast %select_n3A_566 : vector<16xi32> to vector<16xf32>
        %add3A_568 = arith.addi %get3A_256, %and3A_537 : vector<16xi32>
        %gather3A_569 = tpu.vector_load_idx %arg33[%add3A_245, %add3A_568] : memref<128x128xi32, #tpu.memory_space<vmem>>[vector<16xi32>, vector<16xi32>], vector<16xi32>,
        %and3A_570 = arith.constant -65536 : i32
        %and3A_571 = vector.broadcast %and3A_570 : i32 to vector<16xi32>
        %and3A_572 = arith.andi %gather3A_569, %and3A_571 : vector<16xi32>
        %shift_left3A_573 = arith.constant 16 : i32
        %shift_left3A_574 = vector.broadcast %shift_left3A_573 : i32 to vector<16xi32>
        %shift_left3A_575 = arith.shli %gather3A_569, %shift_left3A_574 : vector<16xi32>
        %select_n3A_576 = arith.select %ne3A_275, %and3A_572, %shift_left3A_575 : vector<16xi1>, vector<16xi32>
        %bitcast3A_577 = vector.bitcast %select_n3A_576 : vector<16xi32> to vector<16xf32>
        %mul3A_578 = arith.mulf %bitcast3A_557, %bitcast3A_567 : vector<16xf32>
        %mul3A_579 = arith.mulf %bitcast3A_547, %mul3A_578 : vector<16xf32>
        %mul3A_580 = arith.mulf %bitcast3A_577, %mul3A_578 : vector<16xf32>
        %mul3A_581 = arith.mulf %bitcast3A_547, %bitcast3A_557 : vector<16xf32>
        %mul3A_582 = arith.mulf %mul3A_581, %bitcast3A_577 : vector<16xf32>
        %mul3A_583 = arith.mulf %bitcast3A_547, %bitcast3A_547 : vector<16xf32>
        %add3A_584 = arith.addf %add3A_520, %mul3A_583 : vector<16xf32>
        %mul3A_585 = arith.mulf %bitcast3A_567, %bitcast3A_567 : vector<16xf32>
        %add3A_586 = arith.addf %add3A_522, %mul3A_585 : vector<16xf32>
        %mul3A_587 = arith.mulf %bitcast3A_577, %bitcast3A_577 : vector<16xf32>
        %add3A_588 = arith.addf %add3A_524, %mul3A_587 : vector<16xf32>
        %add3A_589 = arith.addf %add3A_525, %mul3A_579 : vector<16xf32>
        %mul3A_590 = arith.mulf %mul3A_579, %mul3A_579 : vector<16xf32>
        %add3A_591 = arith.addf %add3A_527, %mul3A_590 : vector<16xf32>
        %add3A_592 = arith.addf %add3A_528, %mul3A_580 : vector<16xf32>
        %mul3A_593 = arith.mulf %mul3A_582, %mul3A_582 : vector<16xf32>
        %add3A_594 = arith.addf %add3A_530, %mul3A_593 : vector<16xf32>
        %scan3A_595 = arith.constant 2 : i32
        %scan3A_596 = arith.addi %scan3A_465, %scan3A_595 : i32
        %add3A_597 = vector.broadcast %scan3A_596 : i32 to vector<16xi32>
        %add3A_598 = arith.addi %add3A_597, %iota3A : vector<16xi32>
        %and3A_599 = arith.constant 63 : i32
        %and3A_600 = vector.broadcast %and3A_599 : i32 to vector<16xi32>
        %and3A_601 = arith.andi %add3A_598, %and3A_600 : vector<16xi32>
        %add3A_602 = arith.addi %get3A_250, %and3A_601 : vector<16xi32>
        %gather3A_603 = tpu.vector_load_idx %arg30[%add3A_245, %add3A_602] : memref<128x128xi32, #tpu.memory_space<vmem>>[vector<16xi32>, vector<16xi32>], vector<16xi32>,
        %and3A_604 = arith.constant -65536 : i32
        %and3A_605 = vector.broadcast %and3A_604 : i32 to vector<16xi32>
        %and3A_606 = arith.andi %gather3A_603, %and3A_605 : vector<16xi32>
        %shift_left3A_607 = arith.constant 16 : i32
        %shift_left3A_608 = vector.broadcast %shift_left3A_607 : i32 to vector<16xi32>
        %shift_left3A_609 = arith.shli %gather3A_603, %shift_left3A_608 : vector<16xi32>
        %select_n3A_610 = arith.select %ne3A_260, %and3A_606, %shift_left3A_609 : vector<16xi1>, vector<16xi32>
        %bitcast3A_611 = vector.bitcast %select_n3A_610 : vector<16xi32> to vector<16xf32>
        %add3A_612 = arith.addi %get3A_252, %and3A_601 : vector<16xi32>
        %gather3A_613 = tpu.vector_load_idx %arg31[%add3A_245, %add3A_612] : memref<128x128xi32, #tpu.memory_space<vmem>>[vector<16xi32>, vector<16xi32>], vector<16xi32>,
        %and3A_614 = arith.constant -65536 : i32
        %and3A_615 = vector.broadcast %and3A_614 : i32 to vector<16xi32>
        %and3A_616 = arith.andi %gather3A_613, %and3A_615 : vector<16xi32>
        %shift_left3A_617 = arith.constant 16 : i32
        %shift_left3A_618 = vector.broadcast %shift_left3A_617 : i32 to vector<16xi32>
        %shift_left3A_619 = arith.shli %gather3A_613, %shift_left3A_618 : vector<16xi32>
        %select_n3A_620 = arith.select %ne3A_265, %and3A_616, %shift_left3A_619 : vector<16xi1>, vector<16xi32>
        %bitcast3A_621 = vector.bitcast %select_n3A_620 : vector<16xi32> to vector<16xf32>
        %add3A_622 = arith.addi %get3A_254, %and3A_601 : vector<16xi32>
        %gather3A_623 = tpu.vector_load_idx %arg32[%add3A_245, %add3A_622] : memref<128x128xi32, #tpu.memory_space<vmem>>[vector<16xi32>, vector<16xi32>], vector<16xi32>,
        %and3A_624 = arith.constant -65536 : i32
        %and3A_625 = vector.broadcast %and3A_624 : i32 to vector<16xi32>
        %and3A_626 = arith.andi %gather3A_623, %and3A_625 : vector<16xi32>
        %shift_left3A_627 = arith.constant 16 : i32
        %shift_left3A_628 = vector.broadcast %shift_left3A_627 : i32 to vector<16xi32>
        %shift_left3A_629 = arith.shli %gather3A_623, %shift_left3A_628 : vector<16xi32>
        %select_n3A_630 = arith.select %ne3A_270, %and3A_626, %shift_left3A_629 : vector<16xi1>, vector<16xi32>
        %bitcast3A_631 = vector.bitcast %select_n3A_630 : vector<16xi32> to vector<16xf32>
        %add3A_632 = arith.addi %get3A_256, %and3A_601 : vector<16xi32>
        %gather3A_633 = tpu.vector_load_idx %arg33[%add3A_245, %add3A_632] : memref<128x128xi32, #tpu.memory_space<vmem>>[vector<16xi32>, vector<16xi32>], vector<16xi32>,
        %and3A_634 = arith.constant -65536 : i32
        %and3A_635 = vector.broadcast %and3A_634 : i32 to vector<16xi32>
        %and3A_636 = arith.andi %gather3A_633, %and3A_635 : vector<16xi32>
        %shift_left3A_637 = arith.constant 16 : i32
        %shift_left3A_638 = vector.broadcast %shift_left3A_637 : i32 to vector<16xi32>
        %shift_left3A_639 = arith.shli %gather3A_633, %shift_left3A_638 : vector<16xi32>
        %select_n3A_640 = arith.select %ne3A_275, %and3A_636, %shift_left3A_639 : vector<16xi1>, vector<16xi32>
        %bitcast3A_641 = vector.bitcast %select_n3A_640 : vector<16xi32> to vector<16xf32>
        %mul3A_642 = arith.mulf %bitcast3A_621, %bitcast3A_631 : vector<16xf32>
        %mul3A_643 = arith.mulf %bitcast3A_611, %mul3A_642 : vector<16xf32>
        %mul3A_644 = arith.mulf %bitcast3A_641, %mul3A_642 : vector<16xf32>
        %mul3A_645 = arith.mulf %bitcast3A_611, %bitcast3A_621 : vector<16xf32>
        %mul3A_646 = arith.mulf %mul3A_645, %bitcast3A_641 : vector<16xf32>
        %mul3A_647 = arith.mulf %bitcast3A_611, %bitcast3A_611 : vector<16xf32>
        %add3A_648 = arith.addf %add3A_584, %mul3A_647 : vector<16xf32>
        %mul3A_649 = arith.mulf %bitcast3A_631, %bitcast3A_631 : vector<16xf32>
        %add3A_650 = arith.addf %add3A_586, %mul3A_649 : vector<16xf32>
        %mul3A_651 = arith.mulf %bitcast3A_641, %bitcast3A_641 : vector<16xf32>
        %add3A_652 = arith.addf %add3A_588, %mul3A_651 : vector<16xf32>
        %add3A_653 = arith.addf %add3A_589, %mul3A_643 : vector<16xf32>
        %mul3A_654 = arith.mulf %mul3A_643, %mul3A_643 : vector<16xf32>
        %add3A_655 = arith.addf %add3A_591, %mul3A_654 : vector<16xf32>
        %add3A_656 = arith.addf %add3A_592, %mul3A_644 : vector<16xf32>
        %mul3A_657 = arith.mulf %mul3A_646, %mul3A_646 : vector<16xf32>
        %add3A_658 = arith.addf %add3A_594, %mul3A_657 : vector<16xf32>
        %scan3A_659 = arith.constant 3 : i32
        %scan3A_660 = arith.addi %scan3A_465, %scan3A_659 : i32
        %add3A_661 = vector.broadcast %scan3A_660 : i32 to vector<16xi32>
        %add3A_662 = arith.addi %add3A_661, %iota3A : vector<16xi32>
        %and3A_663 = arith.constant 63 : i32
        %and3A_664 = vector.broadcast %and3A_663 : i32 to vector<16xi32>
        %and3A_665 = arith.andi %add3A_662, %and3A_664 : vector<16xi32>
        %add3A_666 = arith.addi %get3A_250, %and3A_665 : vector<16xi32>
        %gather3A_667 = tpu.vector_load_idx %arg30[%add3A_245, %add3A_666] : memref<128x128xi32, #tpu.memory_space<vmem>>[vector<16xi32>, vector<16xi32>], vector<16xi32>,
        %and3A_668 = arith.constant -65536 : i32
        %and3A_669 = vector.broadcast %and3A_668 : i32 to vector<16xi32>
        %and3A_670 = arith.andi %gather3A_667, %and3A_669 : vector<16xi32>
        %shift_left3A_671 = arith.constant 16 : i32
        %shift_left3A_672 = vector.broadcast %shift_left3A_671 : i32 to vector<16xi32>
        %shift_left3A_673 = arith.shli %gather3A_667, %shift_left3A_672 : vector<16xi32>
        %select_n3A_674 = arith.select %ne3A_260, %and3A_670, %shift_left3A_673 : vector<16xi1>, vector<16xi32>
        %bitcast3A_675 = vector.bitcast %select_n3A_674 : vector<16xi32> to vector<16xf32>
        %add3A_676 = arith.addi %get3A_252, %and3A_665 : vector<16xi32>
        %gather3A_677 = tpu.vector_load_idx %arg31[%add3A_245, %add3A_676] : memref<128x128xi32, #tpu.memory_space<vmem>>[vector<16xi32>, vector<16xi32>], vector<16xi32>,
        %and3A_678 = arith.constant -65536 : i32
        %and3A_679 = vector.broadcast %and3A_678 : i32 to vector<16xi32>
        %and3A_680 = arith.andi %gather3A_677, %and3A_679 : vector<16xi32>
        %shift_left3A_681 = arith.constant 16 : i32
        %shift_left3A_682 = vector.broadcast %shift_left3A_681 : i32 to vector<16xi32>
        %shift_left3A_683 = arith.shli %gather3A_677, %shift_left3A_682 : vector<16xi32>
        %select_n3A_684 = arith.select %ne3A_265, %and3A_680, %shift_left3A_683 : vector<16xi1>, vector<16xi32>
        %bitcast3A_685 = vector.bitcast %select_n3A_684 : vector<16xi32> to vector<16xf32>
        %add3A_686 = arith.addi %get3A_254, %and3A_665 : vector<16xi32>
        %gather3A_687 = tpu.vector_load_idx %arg32[%add3A_245, %add3A_686] : memref<128x128xi32, #tpu.memory_space<vmem>>[vector<16xi32>, vector<16xi32>], vector<16xi32>,
        %and3A_688 = arith.constant -65536 : i32
        %and3A_689 = vector.broadcast %and3A_688 : i32 to vector<16xi32>
        %and3A_690 = arith.andi %gather3A_687, %and3A_689 : vector<16xi32>
        %shift_left3A_691 = arith.constant 16 : i32
        %shift_left3A_692 = vector.broadcast %shift_left3A_691 : i32 to vector<16xi32>
        %shift_left3A_693 = arith.shli %gather3A_687, %shift_left3A_692 : vector<16xi32>
        %select_n3A_694 = arith.select %ne3A_270, %and3A_690, %shift_left3A_693 : vector<16xi1>, vector<16xi32>
        %bitcast3A_695 = vector.bitcast %select_n3A_694 : vector<16xi32> to vector<16xf32>
        %add3A_696 = arith.addi %get3A_256, %and3A_665 : vector<16xi32>
        %gather3A_697 = tpu.vector_load_idx %arg33[%add3A_245, %add3A_696] : memref<128x128xi32, #tpu.memory_space<vmem>>[vector<16xi32>, vector<16xi32>], vector<16xi32>,
        %and3A_698 = arith.constant -65536 : i32
        %and3A_699 = vector.broadcast %and3A_698 : i32 to vector<16xi32>
        %and3A_700 = arith.andi %gather3A_697, %and3A_699 : vector<16xi32>
        %shift_left3A_701 = arith.constant 16 : i32
        %shift_left3A_702 = vector.broadcast %shift_left3A_701 : i32 to vector<16xi32>
        %shift_left3A_703 = arith.shli %gather3A_697, %shift_left3A_702 : vector<16xi32>
        %select_n3A_704 = arith.select %ne3A_275, %and3A_700, %shift_left3A_703 : vector<16xi1>, vector<16xi32>
        %bitcast3A_705 = vector.bitcast %select_n3A_704 : vector<16xi32> to vector<16xf32>
        %mul3A_706 = arith.mulf %bitcast3A_685, %bitcast3A_695 : vector<16xf32>
        %mul3A_707 = arith.mulf %bitcast3A_675, %mul3A_706 : vector<16xf32>
        %mul3A_708 = arith.mulf %bitcast3A_705, %mul3A_706 : vector<16xf32>
        %mul3A_709 = arith.mulf %bitcast3A_675, %bitcast3A_685 : vector<16xf32>
        %mul3A_710 = arith.mulf %mul3A_709, %bitcast3A_705 : vector<16xf32>
        %mul3A_711 = arith.mulf %bitcast3A_675, %bitcast3A_675 : vector<16xf32>
        %add3A_712 = arith.addf %add3A_648, %mul3A_711 : vector<16xf32>
        %mul3A_713 = arith.mulf %bitcast3A_695, %bitcast3A_695 : vector<16xf32>
        %add3A_714 = arith.addf %add3A_650, %mul3A_713 : vector<16xf32>
        %mul3A_715 = arith.mulf %bitcast3A_705, %bitcast3A_705 : vector<16xf32>
        %add3A_716 = arith.addf %add3A_652, %mul3A_715 : vector<16xf32>
        %add3A_717 = arith.addf %add3A_653, %mul3A_707 : vector<16xf32>
        %mul3A_718 = arith.mulf %mul3A_707, %mul3A_707 : vector<16xf32>
        %add3A_719 = arith.addf %add3A_655, %mul3A_718 : vector<16xf32>
        %add3A_720 = arith.addf %add3A_656, %mul3A_708 : vector<16xf32>
        %mul3A_721 = arith.mulf %mul3A_710, %mul3A_710 : vector<16xf32>
        %add3A_722 = arith.addf %add3A_658, %mul3A_721 : vector<16xf32>
        %scan3A_723 = arith.constant 4 : i32
        %scan3A_724 = arith.addi %scan3A_465, %scan3A_723 : i32
        %add3A_725 = vector.broadcast %scan3A_724 : i32 to vector<16xi32>
        %add3A_726 = arith.addi %add3A_725, %iota3A : vector<16xi32>
        %and3A_727 = arith.constant 63 : i32
        %and3A_728 = vector.broadcast %and3A_727 : i32 to vector<16xi32>
        %and3A_729 = arith.andi %add3A_726, %and3A_728 : vector<16xi32>
        %add3A_730 = arith.addi %get3A_250, %and3A_729 : vector<16xi32>
        %gather3A_731 = tpu.vector_load_idx %arg30[%add3A_245, %add3A_730] : memref<128x128xi32, #tpu.memory_space<vmem>>[vector<16xi32>, vector<16xi32>], vector<16xi32>,
        %and3A_732 = arith.constant -65536 : i32
        %and3A_733 = vector.broadcast %and3A_732 : i32 to vector<16xi32>
        %and3A_734 = arith.andi %gather3A_731, %and3A_733 : vector<16xi32>
        %shift_left3A_735 = arith.constant 16 : i32
        %shift_left3A_736 = vector.broadcast %shift_left3A_735 : i32 to vector<16xi32>
        %shift_left3A_737 = arith.shli %gather3A_731, %shift_left3A_736 : vector<16xi32>
        %select_n3A_738 = arith.select %ne3A_260, %and3A_734, %shift_left3A_737 : vector<16xi1>, vector<16xi32>
        %bitcast3A_739 = vector.bitcast %select_n3A_738 : vector<16xi32> to vector<16xf32>
        %add3A_740 = arith.addi %get3A_252, %and3A_729 : vector<16xi32>
        %gather3A_741 = tpu.vector_load_idx %arg31[%add3A_245, %add3A_740] : memref<128x128xi32, #tpu.memory_space<vmem>>[vector<16xi32>, vector<16xi32>], vector<16xi32>,
        %and3A_742 = arith.constant -65536 : i32
        %and3A_743 = vector.broadcast %and3A_742 : i32 to vector<16xi32>
        %and3A_744 = arith.andi %gather3A_741, %and3A_743 : vector<16xi32>
        %shift_left3A_745 = arith.constant 16 : i32
        %shift_left3A_746 = vector.broadcast %shift_left3A_745 : i32 to vector<16xi32>
        %shift_left3A_747 = arith.shli %gather3A_741, %shift_left3A_746 : vector<16xi32>
        %select_n3A_748 = arith.select %ne3A_265, %and3A_744, %shift_left3A_747 : vector<16xi1>, vector<16xi32>
        %bitcast3A_749 = vector.bitcast %select_n3A_748 : vector<16xi32> to vector<16xf32>
        %add3A_750 = arith.addi %get3A_254, %and3A_729 : vector<16xi32>
        %gather3A_751 = tpu.vector_load_idx %arg32[%add3A_245, %add3A_750] : memref<128x128xi32, #tpu.memory_space<vmem>>[vector<16xi32>, vector<16xi32>], vector<16xi32>,
        %and3A_752 = arith.constant -65536 : i32
        %and3A_753 = vector.broadcast %and3A_752 : i32 to vector<16xi32>
        %and3A_754 = arith.andi %gather3A_751, %and3A_753 : vector<16xi32>
        %shift_left3A_755 = arith.constant 16 : i32
        %shift_left3A_756 = vector.broadcast %shift_left3A_755 : i32 to vector<16xi32>
        %shift_left3A_757 = arith.shli %gather3A_751, %shift_left3A_756 : vector<16xi32>
        %select_n3A_758 = arith.select %ne3A_270, %and3A_754, %shift_left3A_757 : vector<16xi1>, vector<16xi32>
        %bitcast3A_759 = vector.bitcast %select_n3A_758 : vector<16xi32> to vector<16xf32>
        %add3A_760 = arith.addi %get3A_256, %and3A_729 : vector<16xi32>
        %gather3A_761 = tpu.vector_load_idx %arg33[%add3A_245, %add3A_760] : memref<128x128xi32, #tpu.memory_space<vmem>>[vector<16xi32>, vector<16xi32>], vector<16xi32>,
        %and3A_762 = arith.constant -65536 : i32
        %and3A_763 = vector.broadcast %and3A_762 : i32 to vector<16xi32>
        %and3A_764 = arith.andi %gather3A_761, %and3A_763 : vector<16xi32>
        %shift_left3A_765 = arith.constant 16 : i32
        %shift_left3A_766 = vector.broadcast %shift_left3A_765 : i32 to vector<16xi32>
        %shift_left3A_767 = arith.shli %gather3A_761, %shift_left3A_766 : vector<16xi32>
        %select_n3A_768 = arith.select %ne3A_275, %and3A_764, %shift_left3A_767 : vector<16xi1>, vector<16xi32>
        %bitcast3A_769 = vector.bitcast %select_n3A_768 : vector<16xi32> to vector<16xf32>
        %mul3A_770 = arith.mulf %bitcast3A_749, %bitcast3A_759 : vector<16xf32>
        %mul3A_771 = arith.mulf %bitcast3A_739, %mul3A_770 : vector<16xf32>
        %mul3A_772 = arith.mulf %bitcast3A_769, %mul3A_770 : vector<16xf32>
        %mul3A_773 = arith.mulf %bitcast3A_739, %bitcast3A_749 : vector<16xf32>
        %mul3A_774 = arith.mulf %mul3A_773, %bitcast3A_769 : vector<16xf32>
        %mul3A_775 = arith.mulf %bitcast3A_739, %bitcast3A_739 : vector<16xf32>
        %add3A_776 = arith.addf %add3A_712, %mul3A_775 : vector<16xf32>
        %mul3A_777 = arith.mulf %bitcast3A_759, %bitcast3A_759 : vector<16xf32>
        %add3A_778 = arith.addf %add3A_714, %mul3A_777 : vector<16xf32>
        %mul3A_779 = arith.mulf %bitcast3A_769, %bitcast3A_769 : vector<16xf32>
        %add3A_780 = arith.addf %add3A_716, %mul3A_779 : vector<16xf32>
        %add3A_781 = arith.addf %add3A_717, %mul3A_771 : vector<16xf32>
        %mul3A_782 = arith.mulf %mul3A_771, %mul3A_771 : vector<16xf32>
        %add3A_783 = arith.addf %add3A_719, %mul3A_782 : vector<16xf32>
        %add3A_784 = arith.addf %add3A_720, %mul3A_772 : vector<16xf32>
        %mul3A_785 = arith.mulf %mul3A_774, %mul3A_774 : vector<16xf32>
        %add3A_786 = arith.addf %add3A_722, %mul3A_785 : vector<16xf32>
        %scan3A_787 = arith.constant 5 : i32
        %scan3A_788 = arith.addi %scan3A_465, %scan3A_787 : i32
        %add3A_789 = vector.broadcast %scan3A_788 : i32 to vector<16xi32>
        %add3A_790 = arith.addi %add3A_789, %iota3A : vector<16xi32>
        %and3A_791 = arith.constant 63 : i32
        %and3A_792 = vector.broadcast %and3A_791 : i32 to vector<16xi32>
        %and3A_793 = arith.andi %add3A_790, %and3A_792 : vector<16xi32>
        %add3A_794 = arith.addi %get3A_250, %and3A_793 : vector<16xi32>
        %gather3A_795 = tpu.vector_load_idx %arg30[%add3A_245, %add3A_794] : memref<128x128xi32, #tpu.memory_space<vmem>>[vector<16xi32>, vector<16xi32>], vector<16xi32>,
        %and3A_796 = arith.constant -65536 : i32
        %and3A_797 = vector.broadcast %and3A_796 : i32 to vector<16xi32>
        %and3A_798 = arith.andi %gather3A_795, %and3A_797 : vector<16xi32>
        %shift_left3A_799 = arith.constant 16 : i32
        %shift_left3A_800 = vector.broadcast %shift_left3A_799 : i32 to vector<16xi32>
        %shift_left3A_801 = arith.shli %gather3A_795, %shift_left3A_800 : vector<16xi32>
        %select_n3A_802 = arith.select %ne3A_260, %and3A_798, %shift_left3A_801 : vector<16xi1>, vector<16xi32>
        %bitcast3A_803 = vector.bitcast %select_n3A_802 : vector<16xi32> to vector<16xf32>
        %add3A_804 = arith.addi %get3A_252, %and3A_793 : vector<16xi32>
        %gather3A_805 = tpu.vector_load_idx %arg31[%add3A_245, %add3A_804] : memref<128x128xi32, #tpu.memory_space<vmem>>[vector<16xi32>, vector<16xi32>], vector<16xi32>,
        %and3A_806 = arith.constant -65536 : i32
        %and3A_807 = vector.broadcast %and3A_806 : i32 to vector<16xi32>
        %and3A_808 = arith.andi %gather3A_805, %and3A_807 : vector<16xi32>
        %shift_left3A_809 = arith.constant 16 : i32
        %shift_left3A_810 = vector.broadcast %shift_left3A_809 : i32 to vector<16xi32>
        %shift_left3A_811 = arith.shli %gather3A_805, %shift_left3A_810 : vector<16xi32>
        %select_n3A_812 = arith.select %ne3A_265, %and3A_808, %shift_left3A_811 : vector<16xi1>, vector<16xi32>
        %bitcast3A_813 = vector.bitcast %select_n3A_812 : vector<16xi32> to vector<16xf32>
        %add3A_814 = arith.addi %get3A_254, %and3A_793 : vector<16xi32>
        %gather3A_815 = tpu.vector_load_idx %arg32[%add3A_245, %add3A_814] : memref<128x128xi32, #tpu.memory_space<vmem>>[vector<16xi32>, vector<16xi32>], vector<16xi32>,
        %and3A_816 = arith.constant -65536 : i32
        %and3A_817 = vector.broadcast %and3A_816 : i32 to vector<16xi32>
        %and3A_818 = arith.andi %gather3A_815, %and3A_817 : vector<16xi32>
        %shift_left3A_819 = arith.constant 16 : i32
        %shift_left3A_820 = vector.broadcast %shift_left3A_819 : i32 to vector<16xi32>
        %shift_left3A_821 = arith.shli %gather3A_815, %shift_left3A_820 : vector<16xi32>
        %select_n3A_822 = arith.select %ne3A_270, %and3A_818, %shift_left3A_821 : vector<16xi1>, vector<16xi32>
        %bitcast3A_823 = vector.bitcast %select_n3A_822 : vector<16xi32> to vector<16xf32>
        %add3A_824 = arith.addi %get3A_256, %and3A_793 : vector<16xi32>
        %gather3A_825 = tpu.vector_load_idx %arg33[%add3A_245, %add3A_824] : memref<128x128xi32, #tpu.memory_space<vmem>>[vector<16xi32>, vector<16xi32>], vector<16xi32>,
        %and3A_826 = arith.constant -65536 : i32
        %and3A_827 = vector.broadcast %and3A_826 : i32 to vector<16xi32>
        %and3A_828 = arith.andi %gather3A_825, %and3A_827 : vector<16xi32>
        %shift_left3A_829 = arith.constant 16 : i32
        %shift_left3A_830 = vector.broadcast %shift_left3A_829 : i32 to vector<16xi32>
        %shift_left3A_831 = arith.shli %gather3A_825, %shift_left3A_830 : vector<16xi32>
        %select_n3A_832 = arith.select %ne3A_275, %and3A_828, %shift_left3A_831 : vector<16xi1>, vector<16xi32>
        %bitcast3A_833 = vector.bitcast %select_n3A_832 : vector<16xi32> to vector<16xf32>
        %mul3A_834 = arith.mulf %bitcast3A_813, %bitcast3A_823 : vector<16xf32>
        %mul3A_835 = arith.mulf %bitcast3A_803, %mul3A_834 : vector<16xf32>
        %mul3A_836 = arith.mulf %bitcast3A_833, %mul3A_834 : vector<16xf32>
        %mul3A_837 = arith.mulf %bitcast3A_803, %bitcast3A_813 : vector<16xf32>
        %mul3A_838 = arith.mulf %mul3A_837, %bitcast3A_833 : vector<16xf32>
        %mul3A_839 = arith.mulf %bitcast3A_803, %bitcast3A_803 : vector<16xf32>
        %add3A_840 = arith.addf %add3A_776, %mul3A_839 : vector<16xf32>
        %mul3A_841 = arith.mulf %bitcast3A_823, %bitcast3A_823 : vector<16xf32>
        %add3A_842 = arith.addf %add3A_778, %mul3A_841 : vector<16xf32>
        %mul3A_843 = arith.mulf %bitcast3A_833, %bitcast3A_833 : vector<16xf32>
        %add3A_844 = arith.addf %add3A_780, %mul3A_843 : vector<16xf32>
        %add3A_845 = arith.addf %add3A_781, %mul3A_835 : vector<16xf32>
        %mul3A_846 = arith.mulf %mul3A_835, %mul3A_835 : vector<16xf32>
        %add3A_847 = arith.addf %add3A_783, %mul3A_846 : vector<16xf32>
        %add3A_848 = arith.addf %add3A_784, %mul3A_836 : vector<16xf32>
        %mul3A_849 = arith.mulf %mul3A_838, %mul3A_838 : vector<16xf32>
        %add3A_850 = arith.addf %add3A_786, %mul3A_849 : vector<16xf32>
        %scan3A_851 = arith.constant 6 : i32
        %scan3A_852 = arith.addi %scan3A_465, %scan3A_851 : i32
        %add3A_853 = vector.broadcast %scan3A_852 : i32 to vector<16xi32>
        %add3A_854 = arith.addi %add3A_853, %iota3A : vector<16xi32>
        %and3A_855 = arith.constant 63 : i32
        %and3A_856 = vector.broadcast %and3A_855 : i32 to vector<16xi32>
        %and3A_857 = arith.andi %add3A_854, %and3A_856 : vector<16xi32>
        %add3A_858 = arith.addi %get3A_250, %and3A_857 : vector<16xi32>
        %gather3A_859 = tpu.vector_load_idx %arg30[%add3A_245, %add3A_858] : memref<128x128xi32, #tpu.memory_space<vmem>>[vector<16xi32>, vector<16xi32>], vector<16xi32>,
        %and3A_860 = arith.constant -65536 : i32
        %and3A_861 = vector.broadcast %and3A_860 : i32 to vector<16xi32>
        %and3A_862 = arith.andi %gather3A_859, %and3A_861 : vector<16xi32>
        %shift_left3A_863 = arith.constant 16 : i32
        %shift_left3A_864 = vector.broadcast %shift_left3A_863 : i32 to vector<16xi32>
        %shift_left3A_865 = arith.shli %gather3A_859, %shift_left3A_864 : vector<16xi32>
        %select_n3A_866 = arith.select %ne3A_260, %and3A_862, %shift_left3A_865 : vector<16xi1>, vector<16xi32>
        %bitcast3A_867 = vector.bitcast %select_n3A_866 : vector<16xi32> to vector<16xf32>
        %add3A_868 = arith.addi %get3A_252, %and3A_857 : vector<16xi32>
        %gather3A_869 = tpu.vector_load_idx %arg31[%add3A_245, %add3A_868] : memref<128x128xi32, #tpu.memory_space<vmem>>[vector<16xi32>, vector<16xi32>], vector<16xi32>,
        %and3A_870 = arith.constant -65536 : i32
        %and3A_871 = vector.broadcast %and3A_870 : i32 to vector<16xi32>
        %and3A_872 = arith.andi %gather3A_869, %and3A_871 : vector<16xi32>
        %shift_left3A_873 = arith.constant 16 : i32
        %shift_left3A_874 = vector.broadcast %shift_left3A_873 : i32 to vector<16xi32>
        %shift_left3A_875 = arith.shli %gather3A_869, %shift_left3A_874 : vector<16xi32>
        %select_n3A_876 = arith.select %ne3A_265, %and3A_872, %shift_left3A_875 : vector<16xi1>, vector<16xi32>
        %bitcast3A_877 = vector.bitcast %select_n3A_876 : vector<16xi32> to vector<16xf32>
        %add3A_878 = arith.addi %get3A_254, %and3A_857 : vector<16xi32>
        %gather3A_879 = tpu.vector_load_idx %arg32[%add3A_245, %add3A_878] : memref<128x128xi32, #tpu.memory_space<vmem>>[vector<16xi32>, vector<16xi32>], vector<16xi32>,
        %and3A_880 = arith.constant -65536 : i32
        %and3A_881 = vector.broadcast %and3A_880 : i32 to vector<16xi32>
        %and3A_882 = arith.andi %gather3A_879, %and3A_881 : vector<16xi32>
        %shift_left3A_883 = arith.constant 16 : i32
        %shift_left3A_884 = vector.broadcast %shift_left3A_883 : i32 to vector<16xi32>
        %shift_left3A_885 = arith.shli %gather3A_879, %shift_left3A_884 : vector<16xi32>
        %select_n3A_886 = arith.select %ne3A_270, %and3A_882, %shift_left3A_885 : vector<16xi1>, vector<16xi32>
        %bitcast3A_887 = vector.bitcast %select_n3A_886 : vector<16xi32> to vector<16xf32>
        %add3A_888 = arith.addi %get3A_256, %and3A_857 : vector<16xi32>
        %gather3A_889 = tpu.vector_load_idx %arg33[%add3A_245, %add3A_888] : memref<128x128xi32, #tpu.memory_space<vmem>>[vector<16xi32>, vector<16xi32>], vector<16xi32>,
        %and3A_890 = arith.constant -65536 : i32
        %and3A_891 = vector.broadcast %and3A_890 : i32 to vector<16xi32>
        %and3A_892 = arith.andi %gather3A_889, %and3A_891 : vector<16xi32>
        %shift_left3A_893 = arith.constant 16 : i32
        %shift_left3A_894 = vector.broadcast %shift_left3A_893 : i32 to vector<16xi32>
        %shift_left3A_895 = arith.shli %gather3A_889, %shift_left3A_894 : vector<16xi32>
        %select_n3A_896 = arith.select %ne3A_275, %and3A_892, %shift_left3A_895 : vector<16xi1>, vector<16xi32>
        %bitcast3A_897 = vector.bitcast %select_n3A_896 : vector<16xi32> to vector<16xf32>
        %mul3A_898 = arith.mulf %bitcast3A_877, %bitcast3A_887 : vector<16xf32>
        %mul3A_899 = arith.mulf %bitcast3A_867, %mul3A_898 : vector<16xf32>
        %mul3A_900 = arith.mulf %bitcast3A_897, %mul3A_898 : vector<16xf32>
        %mul3A_901 = arith.mulf %bitcast3A_867, %bitcast3A_877 : vector<16xf32>
        %mul3A_902 = arith.mulf %mul3A_901, %bitcast3A_897 : vector<16xf32>
        %mul3A_903 = arith.mulf %bitcast3A_867, %bitcast3A_867 : vector<16xf32>
        %add3A_904 = arith.addf %add3A_840, %mul3A_903 : vector<16xf32>
        %mul3A_905 = arith.mulf %bitcast3A_887, %bitcast3A_887 : vector<16xf32>
        %add3A_906 = arith.addf %add3A_842, %mul3A_905 : vector<16xf32>
        %mul3A_907 = arith.mulf %bitcast3A_897, %bitcast3A_897 : vector<16xf32>
        %add3A_908 = arith.addf %add3A_844, %mul3A_907 : vector<16xf32>
        %add3A_909 = arith.addf %add3A_845, %mul3A_899 : vector<16xf32>
        %mul3A_910 = arith.mulf %mul3A_899, %mul3A_899 : vector<16xf32>
        %add3A_911 = arith.addf %add3A_847, %mul3A_910 : vector<16xf32>
        %add3A_912 = arith.addf %add3A_848, %mul3A_900 : vector<16xf32>
        %mul3A_913 = arith.mulf %mul3A_902, %mul3A_902 : vector<16xf32>
        %add3A_914 = arith.addf %add3A_850, %mul3A_913 : vector<16xf32>
        %scan3A_915 = arith.constant 7 : i32
        %scan3A_916 = arith.addi %scan3A_465, %scan3A_915 : i32
        %add3A_917 = vector.broadcast %scan3A_916 : i32 to vector<16xi32>
        %add3A_918 = arith.addi %add3A_917, %iota3A : vector<16xi32>
        %and3A_919 = arith.constant 63 : i32
        %and3A_920 = vector.broadcast %and3A_919 : i32 to vector<16xi32>
        %and3A_921 = arith.andi %add3A_918, %and3A_920 : vector<16xi32>
        %add3A_922 = arith.addi %get3A_250, %and3A_921 : vector<16xi32>
        %gather3A_923 = tpu.vector_load_idx %arg30[%add3A_245, %add3A_922] : memref<128x128xi32, #tpu.memory_space<vmem>>[vector<16xi32>, vector<16xi32>], vector<16xi32>,
        %and3A_924 = arith.constant -65536 : i32
        %and3A_925 = vector.broadcast %and3A_924 : i32 to vector<16xi32>
        %and3A_926 = arith.andi %gather3A_923, %and3A_925 : vector<16xi32>
        %shift_left3A_927 = arith.constant 16 : i32
        %shift_left3A_928 = vector.broadcast %shift_left3A_927 : i32 to vector<16xi32>
        %shift_left3A_929 = arith.shli %gather3A_923, %shift_left3A_928 : vector<16xi32>
        %select_n3A_930 = arith.select %ne3A_260, %and3A_926, %shift_left3A_929 : vector<16xi1>, vector<16xi32>
        %bitcast3A_931 = vector.bitcast %select_n3A_930 : vector<16xi32> to vector<16xf32>
        %add3A_932 = arith.addi %get3A_252, %and3A_921 : vector<16xi32>
        %gather3A_933 = tpu.vector_load_idx %arg31[%add3A_245, %add3A_932] : memref<128x128xi32, #tpu.memory_space<vmem>>[vector<16xi32>, vector<16xi32>], vector<16xi32>,
        %and3A_934 = arith.constant -65536 : i32
        %and3A_935 = vector.broadcast %and3A_934 : i32 to vector<16xi32>
        %and3A_936 = arith.andi %gather3A_933, %and3A_935 : vector<16xi32>
        %shift_left3A_937 = arith.constant 16 : i32
        %shift_left3A_938 = vector.broadcast %shift_left3A_937 : i32 to vector<16xi32>
        %shift_left3A_939 = arith.shli %gather3A_933, %shift_left3A_938 : vector<16xi32>
        %select_n3A_940 = arith.select %ne3A_265, %and3A_936, %shift_left3A_939 : vector<16xi1>, vector<16xi32>
        %bitcast3A_941 = vector.bitcast %select_n3A_940 : vector<16xi32> to vector<16xf32>
        %add3A_942 = arith.addi %get3A_254, %and3A_921 : vector<16xi32>
        %gather3A_943 = tpu.vector_load_idx %arg32[%add3A_245, %add3A_942] : memref<128x128xi32, #tpu.memory_space<vmem>>[vector<16xi32>, vector<16xi32>], vector<16xi32>,
        %and3A_944 = arith.constant -65536 : i32
        %and3A_945 = vector.broadcast %and3A_944 : i32 to vector<16xi32>
        %and3A_946 = arith.andi %gather3A_943, %and3A_945 : vector<16xi32>
        %shift_left3A_947 = arith.constant 16 : i32
        %shift_left3A_948 = vector.broadcast %shift_left3A_947 : i32 to vector<16xi32>
        %shift_left3A_949 = arith.shli %gather3A_943, %shift_left3A_948 : vector<16xi32>
        %select_n3A_950 = arith.select %ne3A_270, %and3A_946, %shift_left3A_949 : vector<16xi1>, vector<16xi32>
        %bitcast3A_951 = vector.bitcast %select_n3A_950 : vector<16xi32> to vector<16xf32>
        %add3A_952 = arith.addi %get3A_256, %and3A_921 : vector<16xi32>
        %gather3A_953 = tpu.vector_load_idx %arg33[%add3A_245, %add3A_952] : memref<128x128xi32, #tpu.memory_space<vmem>>[vector<16xi32>, vector<16xi32>], vector<16xi32>,
        %and3A_954 = arith.constant -65536 : i32
        %and3A_955 = vector.broadcast %and3A_954 : i32 to vector<16xi32>
        %and3A_956 = arith.andi %gather3A_953, %and3A_955 : vector<16xi32>
        %shift_left3A_957 = arith.constant 16 : i32
        %shift_left3A_958 = vector.broadcast %shift_left3A_957 : i32 to vector<16xi32>
        %shift_left3A_959 = arith.shli %gather3A_953, %shift_left3A_958 : vector<16xi32>
        %select_n3A_960 = arith.select %ne3A_275, %and3A_956, %shift_left3A_959 : vector<16xi1>, vector<16xi32>
        %bitcast3A_961 = vector.bitcast %select_n3A_960 : vector<16xi32> to vector<16xf32>
        %mul3A_962 = arith.mulf %bitcast3A_941, %bitcast3A_951 : vector<16xf32>
        %mul3A_963 = arith.mulf %bitcast3A_931, %mul3A_962 : vector<16xf32>
        %mul3A_964 = arith.mulf %bitcast3A_961, %mul3A_962 : vector<16xf32>
        %mul3A_965 = arith.mulf %bitcast3A_931, %bitcast3A_941 : vector<16xf32>
        %mul3A_966 = arith.mulf %mul3A_965, %bitcast3A_961 : vector<16xf32>
        %mul3A_967 = arith.mulf %bitcast3A_931, %bitcast3A_931 : vector<16xf32>
        %add3A_968 = arith.addf %add3A_904, %mul3A_967 : vector<16xf32>
        %mul3A_969 = arith.mulf %bitcast3A_951, %bitcast3A_951 : vector<16xf32>
        %add3A_970 = arith.addf %add3A_906, %mul3A_969 : vector<16xf32>
        %mul3A_971 = arith.mulf %bitcast3A_961, %bitcast3A_961 : vector<16xf32>
        %add3A_972 = arith.addf %add3A_908, %mul3A_971 : vector<16xf32>
        %add3A_973 = arith.addf %add3A_909, %mul3A_963 : vector<16xf32>
        %mul3A_974 = arith.mulf %mul3A_963, %mul3A_963 : vector<16xf32>
        %add3A_975 = arith.addf %add3A_911, %mul3A_974 : vector<16xf32>
        %add3A_976 = arith.addf %add3A_912, %mul3A_964 : vector<16xf32>
        %mul3A_977 = arith.mulf %mul3A_966, %mul3A_966 : vector<16xf32>
        %add3A_978 = arith.addf %add3A_914, %mul3A_977 : vector<16xf32>
        scf.yield %add3A_968, %add3A_970, %add3A_972, %add3A_973, %add3A_975, %add3A_976, %add3A_978 : vector<16xf32>, vector<16xf32>, vector<16xf32>, vector<16xf32>, vector<16xf32>, vector<16xf32>, vector<16xf32>
      }
      %scan3A_282 = arith.constant 64 : i32
      %bitcast3A = vector.bitcast %scan3A_281#0 : vector<16xf32> to vector<16xi32>
      %shift_right_arithmetic3A = arith.constant 1 : i32
      %shift_right_arithmetic3A_283 = vector.broadcast %shift_right_arithmetic3A : i32 to vector<16xi32>
      %shift_right_arithmetic3A_284 = arith.shrsi %bitcast3A, %shift_right_arithmetic3A_283 : vector<16xi32>
      %sub3A = arith.constant 1597463007 : i32
      %sub3A_285 = vector.broadcast %sub3A : i32 to vector<16xi32>
      %sub3A_286 = arith.subi %sub3A_285, %shift_right_arithmetic3A_284 : vector<16xi32>
      %bitcast3A_287 = vector.bitcast %sub3A_286 : vector<16xi32> to vector<16xf32>
      %mul3A_288 = arith.constant -5.000000e-01 : f32
      %mul3A_289 = vector.broadcast %mul3A_288 : f32 to vector<16xf32>
      %mul3A_290 = arith.mulf %scan3A_281#0, %mul3A_289 : vector<16xf32>
      %mul3A_291 = arith.mulf %mul3A_290, %bitcast3A_287 : vector<16xf32>
      %mul3A_292 = arith.mulf %mul3A_291, %bitcast3A_287 : vector<16xf32>
      %add3A_293 = arith.constant 1.500000e+00 : f32
      %add3A_294 = vector.broadcast %add3A_293 : f32 to vector<16xf32>
      %add3A_295 = arith.addf %add3A_294, %mul3A_292 : vector<16xf32>
      %mul3A_296 = arith.mulf %bitcast3A_287, %add3A_295 : vector<16xf32>
      %mul3A_297 = arith.mulf %mul3A_290, %mul3A_296 : vector<16xf32>
      %mul3A_298 = arith.mulf %mul3A_297, %mul3A_296 : vector<16xf32>
      %add3A_299 = arith.constant 1.500000e+00 : f32
      %add3A_300 = vector.broadcast %add3A_299 : f32 to vector<16xf32>
      %add3A_301 = arith.addf %add3A_300, %mul3A_298 : vector<16xf32>
      %mul3A_302 = arith.mulf %mul3A_296, %add3A_301 : vector<16xf32>
      %mul3A_303 = arith.mulf %mul3A_290, %mul3A_302 : vector<16xf32>
      %mul3A_304 = arith.mulf %mul3A_303, %mul3A_302 : vector<16xf32>
      %add3A_305 = arith.constant 1.500000e+00 : f32
      %add3A_306 = vector.broadcast %add3A_305 : f32 to vector<16xf32>
      %add3A_307 = arith.addf %add3A_306, %mul3A_304 : vector<16xf32>
      %mul3A_308 = arith.mulf %mul3A_302, %add3A_307 : vector<16xf32>
      %min3A = arith.constant 9.99999995E+11 : f32
      %min3A_309 = vector.broadcast %min3A : f32 to vector<16xf32>
      %min3A_310 = arith.minimumf %mul3A_308, %min3A_309 : vector<16xf32>
      %bitcast3A_311 = vector.bitcast %scan3A_281#1 : vector<16xf32> to vector<16xi32>
      %shift_right_arithmetic3A_312 = arith.constant 1 : i32
      %shift_right_arithmetic3A_313 = vector.broadcast %shift_right_arithmetic3A_312 : i32 to vector<16xi32>
      %shift_right_arithmetic3A_314 = arith.shrsi %bitcast3A_311, %shift_right_arithmetic3A_313 : vector<16xi32>
      %sub3A_315 = arith.constant 1597463007 : i32
      %sub3A_316 = vector.broadcast %sub3A_315 : i32 to vector<16xi32>
      %sub3A_317 = arith.subi %sub3A_316, %shift_right_arithmetic3A_314 : vector<16xi32>
      %bitcast3A_318 = vector.bitcast %sub3A_317 : vector<16xi32> to vector<16xf32>
      %mul3A_319 = arith.constant -5.000000e-01 : f32
      %mul3A_320 = vector.broadcast %mul3A_319 : f32 to vector<16xf32>
      %mul3A_321 = arith.mulf %scan3A_281#1, %mul3A_320 : vector<16xf32>
      %mul3A_322 = arith.mulf %mul3A_321, %bitcast3A_318 : vector<16xf32>
      %mul3A_323 = arith.mulf %mul3A_322, %bitcast3A_318 : vector<16xf32>
      %add3A_324 = arith.constant 1.500000e+00 : f32
      %add3A_325 = vector.broadcast %add3A_324 : f32 to vector<16xf32>
      %add3A_326 = arith.addf %add3A_325, %mul3A_323 : vector<16xf32>
      %mul3A_327 = arith.mulf %bitcast3A_318, %add3A_326 : vector<16xf32>
      %mul3A_328 = arith.mulf %mul3A_321, %mul3A_327 : vector<16xf32>
      %mul3A_329 = arith.mulf %mul3A_328, %mul3A_327 : vector<16xf32>
      %add3A_330 = arith.constant 1.500000e+00 : f32
      %add3A_331 = vector.broadcast %add3A_330 : f32 to vector<16xf32>
      %add3A_332 = arith.addf %add3A_331, %mul3A_329 : vector<16xf32>
      %mul3A_333 = arith.mulf %mul3A_327, %add3A_332 : vector<16xf32>
      %mul3A_334 = arith.mulf %mul3A_321, %mul3A_333 : vector<16xf32>
      %mul3A_335 = arith.mulf %mul3A_334, %mul3A_333 : vector<16xf32>
      %add3A_336 = arith.constant 1.500000e+00 : f32
      %add3A_337 = vector.broadcast %add3A_336 : f32 to vector<16xf32>
      %add3A_338 = arith.addf %add3A_337, %mul3A_335 : vector<16xf32>
      %mul3A_339 = arith.mulf %mul3A_333, %add3A_338 : vector<16xf32>
      %min3A_340 = arith.constant 9.99999995E+11 : f32
      %min3A_341 = vector.broadcast %min3A_340 : f32 to vector<16xf32>
      %min3A_342 = arith.minimumf %mul3A_339, %min3A_341 : vector<16xf32>
      %bitcast3A_343 = vector.bitcast %scan3A_281#2 : vector<16xf32> to vector<16xi32>
      %shift_right_arithmetic3A_344 = arith.constant 1 : i32
      %shift_right_arithmetic3A_345 = vector.broadcast %shift_right_arithmetic3A_344 : i32 to vector<16xi32>
      %shift_right_arithmetic3A_346 = arith.shrsi %bitcast3A_343, %shift_right_arithmetic3A_345 : vector<16xi32>
      %sub3A_347 = arith.constant 1597463007 : i32
      %sub3A_348 = vector.broadcast %sub3A_347 : i32 to vector<16xi32>
      %sub3A_349 = arith.subi %sub3A_348, %shift_right_arithmetic3A_346 : vector<16xi32>
      %bitcast3A_350 = vector.bitcast %sub3A_349 : vector<16xi32> to vector<16xf32>
      %mul3A_351 = arith.constant -5.000000e-01 : f32
      %mul3A_352 = vector.broadcast %mul3A_351 : f32 to vector<16xf32>
      %mul3A_353 = arith.mulf %scan3A_281#2, %mul3A_352 : vector<16xf32>
      %mul3A_354 = arith.mulf %mul3A_353, %bitcast3A_350 : vector<16xf32>
      %mul3A_355 = arith.mulf %mul3A_354, %bitcast3A_350 : vector<16xf32>
      %add3A_356 = arith.constant 1.500000e+00 : f32
      %add3A_357 = vector.broadcast %add3A_356 : f32 to vector<16xf32>
      %add3A_358 = arith.addf %add3A_357, %mul3A_355 : vector<16xf32>
      %mul3A_359 = arith.mulf %bitcast3A_350, %add3A_358 : vector<16xf32>
      %mul3A_360 = arith.mulf %mul3A_353, %mul3A_359 : vector<16xf32>
      %mul3A_361 = arith.mulf %mul3A_360, %mul3A_359 : vector<16xf32>
      %add3A_362 = arith.constant 1.500000e+00 : f32
      %add3A_363 = vector.broadcast %add3A_362 : f32 to vector<16xf32>
      %add3A_364 = arith.addf %add3A_363, %mul3A_361 : vector<16xf32>
      %mul3A_365 = arith.mulf %mul3A_359, %add3A_364 : vector<16xf32>
      %mul3A_366 = arith.mulf %mul3A_353, %mul3A_365 : vector<16xf32>
      %mul3A_367 = arith.mulf %mul3A_366, %mul3A_365 : vector<16xf32>
      %add3A_368 = arith.constant 1.500000e+00 : f32
      %add3A_369 = vector.broadcast %add3A_368 : f32 to vector<16xf32>
      %add3A_370 = arith.addf %add3A_369, %mul3A_367 : vector<16xf32>
      %mul3A_371 = arith.mulf %mul3A_365, %add3A_370 : vector<16xf32>
      %min3A_372 = arith.constant 9.99999995E+11 : f32
      %min3A_373 = vector.broadcast %min3A_372 : f32 to vector<16xf32>
      %min3A_374 = arith.minimumf %mul3A_371, %min3A_373 : vector<16xf32>
      %bitcast3A_375 = vector.bitcast %scan3A_281#4 : vector<16xf32> to vector<16xi32>
      %shift_right_arithmetic3A_376 = arith.constant 1 : i32
      %shift_right_arithmetic3A_377 = vector.broadcast %shift_right_arithmetic3A_376 : i32 to vector<16xi32>
      %shift_right_arithmetic3A_378 = arith.shrsi %bitcast3A_375, %shift_right_arithmetic3A_377 : vector<16xi32>
      %sub3A_379 = arith.constant 1597463007 : i32
      %sub3A_380 = vector.broadcast %sub3A_379 : i32 to vector<16xi32>
      %sub3A_381 = arith.subi %sub3A_380, %shift_right_arithmetic3A_378 : vector<16xi32>
      %bitcast3A_382 = vector.bitcast %sub3A_381 : vector<16xi32> to vector<16xf32>
      %mul3A_383 = arith.constant -5.000000e-01 : f32
      %mul3A_384 = vector.broadcast %mul3A_383 : f32 to vector<16xf32>
      %mul3A_385 = arith.mulf %scan3A_281#4, %mul3A_384 : vector<16xf32>
      %mul3A_386 = arith.mulf %mul3A_385, %bitcast3A_382 : vector<16xf32>
      %mul3A_387 = arith.mulf %mul3A_386, %bitcast3A_382 : vector<16xf32>
      %add3A_388 = arith.constant 1.500000e+00 : f32
      %add3A_389 = vector.broadcast %add3A_388 : f32 to vector<16xf32>
      %add3A_390 = arith.addf %add3A_389, %mul3A_387 : vector<16xf32>
      %mul3A_391 = arith.mulf %bitcast3A_382, %add3A_390 : vector<16xf32>
      %mul3A_392 = arith.mulf %mul3A_385, %mul3A_391 : vector<16xf32>
      %mul3A_393 = arith.mulf %mul3A_392, %mul3A_391 : vector<16xf32>
      %add3A_394 = arith.constant 1.500000e+00 : f32
      %add3A_395 = vector.broadcast %add3A_394 : f32 to vector<16xf32>
      %add3A_396 = arith.addf %add3A_395, %mul3A_393 : vector<16xf32>
      %mul3A_397 = arith.mulf %mul3A_391, %add3A_396 : vector<16xf32>
      %mul3A_398 = arith.mulf %mul3A_385, %mul3A_397 : vector<16xf32>
      %mul3A_399 = arith.mulf %mul3A_398, %mul3A_397 : vector<16xf32>
      %add3A_400 = arith.constant 1.500000e+00 : f32
      %add3A_401 = vector.broadcast %add3A_400 : f32 to vector<16xf32>
      %add3A_402 = arith.addf %add3A_401, %mul3A_399 : vector<16xf32>
      %mul3A_403 = arith.mulf %mul3A_397, %add3A_402 : vector<16xf32>
      %mul3A_404 = arith.mulf %scan3A_281#4, %mul3A_403 : vector<16xf32>
      %bitcast3A_405 = vector.bitcast %scan3A_281#6 : vector<16xf32> to vector<16xi32>
      %shift_right_arithmetic3A_406 = arith.constant 1 : i32
      %shift_right_arithmetic3A_407 = vector.broadcast %shift_right_arithmetic3A_406 : i32 to vector<16xi32>
      %shift_right_arithmetic3A_408 = arith.shrsi %bitcast3A_405, %shift_right_arithmetic3A_407 : vector<16xi32>
      %sub3A_409 = arith.constant 1597463007 : i32
      %sub3A_410 = vector.broadcast %sub3A_409 : i32 to vector<16xi32>
      %sub3A_411 = arith.subi %sub3A_410, %shift_right_arithmetic3A_408 : vector<16xi32>
      %bitcast3A_412 = vector.bitcast %sub3A_411 : vector<16xi32> to vector<16xf32>
      %mul3A_413 = arith.constant -5.000000e-01 : f32
      %mul3A_414 = vector.broadcast %mul3A_413 : f32 to vector<16xf32>
      %mul3A_415 = arith.mulf %scan3A_281#6, %mul3A_414 : vector<16xf32>
      %mul3A_416 = arith.mulf %mul3A_415, %bitcast3A_412 : vector<16xf32>
      %mul3A_417 = arith.mulf %mul3A_416, %bitcast3A_412 : vector<16xf32>
      %add3A_418 = arith.constant 1.500000e+00 : f32
      %add3A_419 = vector.broadcast %add3A_418 : f32 to vector<16xf32>
      %add3A_420 = arith.addf %add3A_419, %mul3A_417 : vector<16xf32>
      %mul3A_421 = arith.mulf %bitcast3A_412, %add3A_420 : vector<16xf32>
      %mul3A_422 = arith.mulf %mul3A_415, %mul3A_421 : vector<16xf32>
      %mul3A_423 = arith.mulf %mul3A_422, %mul3A_421 : vector<16xf32>
      %add3A_424 = arith.constant 1.500000e+00 : f32
      %add3A_425 = vector.broadcast %add3A_424 : f32 to vector<16xf32>
      %add3A_426 = arith.addf %add3A_425, %mul3A_423 : vector<16xf32>
      %mul3A_427 = arith.mulf %mul3A_421, %add3A_426 : vector<16xf32>
      %mul3A_428 = arith.mulf %mul3A_415, %mul3A_427 : vector<16xf32>
      %mul3A_429 = arith.mulf %mul3A_428, %mul3A_427 : vector<16xf32>
      %add3A_430 = arith.constant 1.500000e+00 : f32
      %add3A_431 = vector.broadcast %add3A_430 : f32 to vector<16xf32>
      %add3A_432 = arith.addf %add3A_431, %mul3A_429 : vector<16xf32>
      %mul3A_433 = arith.mulf %mul3A_427, %add3A_432 : vector<16xf32>
      %mul3A_434 = arith.mulf %scan3A_281#6, %mul3A_433 : vector<16xf32>
      %mul3A_435 = arith.mulf %min3A_310, %min3A_342 : vector<16xf32>
      %mul3A_436 = arith.constant 16 : i32
      %mul3A_437 = arith.muli %scan3A_240, %mul3A_436 : i32
      %add3A_438 = arith.constant 256 : i32
      %add3A_439 = arith.addi %add3A_438, %mul3A_437 : i32
      %mul3A_440 = arith.mulf %scan3A_281#3, %mul3A_435 : vector<16xf32>
      %neg3A = arith.constant 0.000000e+00 : f32
      %neg3A_441 = vector.broadcast %neg3A : f32 to vector<16xf32>
      %neg3A_442 = arith.subf %neg3A_441, %mul3A_440 : vector<16xf32>
      %swap3A = arith.index_cast %add3A_439 : i32 to index
      %swap3A_443 = tpu.vector_load %arg34[%swap3A] {strides = array<i32>} : memref<512xf32, #tpu.memory_space<vmem>>, vector<16xf32>,
      tpu.vector_store %arg34[%swap3A], %neg3A_442 {strides = array<i32>} : memref<512xf32, #tpu.memory_space<vmem>>, vector<16xf32>,
      %mul3A_444 = arith.mulf %mul3A_404, %mul3A_435 : vector<16xf32>
      %neg3A_445 = arith.constant 0.000000e+00 : f32
      %neg3A_446 = vector.broadcast %neg3A_445 : f32 to vector<16xf32>
      %neg3A_447 = arith.subf %neg3A_446, %mul3A_444 : vector<16xf32>
      %swap3A_448 = arith.index_cast %add3A_439 : i32 to index
      %swap3A_449 = tpu.vector_load %arg35[%swap3A_448] {strides = array<i32>} : memref<512xf32, #tpu.memory_space<vmem>>, vector<16xf32>,
      tpu.vector_store %arg35[%swap3A_448], %neg3A_447 {strides = array<i32>} : memref<512xf32, #tpu.memory_space<vmem>>, vector<16xf32>,
      %mul3A_450 = arith.mulf %scan3A_281#5, %min3A_374 : vector<16xf32>
      %mul3A_451 = arith.mulf %mul3A_450, %min3A_342 : vector<16xf32>
      %neg3A_452 = arith.constant 0.000000e+00 : f32
      %neg3A_453 = vector.broadcast %neg3A_452 : f32 to vector<16xf32>
      %neg3A_454 = arith.subf %neg3A_453, %mul3A_451 : vector<16xf32>
      %swap3A_455 = arith.index_cast %add3A_439 : i32 to index
      %swap3A_456 = tpu.vector_load %arg36[%swap3A_455] {strides = array<i32>} : memref<512xf32, #tpu.memory_space<vmem>>, vector<16xf32>,
      tpu.vector_store %arg36[%swap3A_455], %neg3A_454 {strides = array<i32>} : memref<512xf32, #tpu.memory_space<vmem>>, vector<16xf32>,
      %mul3A_457 = arith.mulf %mul3A_434, %min3A_310 : vector<16xf32>
      %mul3A_458 = arith.mulf %mul3A_457, %min3A_374 : vector<16xf32>
      %neg3A_459 = arith.constant 0.000000e+00 : f32
      %neg3A_460 = vector.broadcast %neg3A_459 : f32 to vector<16xf32>
      %neg3A_461 = arith.subf %neg3A_460, %mul3A_458 : vector<16xf32>
      %swap3A_462 = arith.index_cast %add3A_439 : i32 to index
      %swap3A_463 = tpu.vector_load %arg37[%swap3A_462] {strides = array<i32>} : memref<512xf32, #tpu.memory_space<vmem>>, vector<16xf32>,
      tpu.vector_store %arg37[%swap3A_462], %neg3A_461 {strides = array<i32>} : memref<512xf32, #tpu.memory_space<vmem>>, vector<16xf32>,
      %scan3A_464 = arith.constant 0 : i32
      scf.yield %scan3A_464 : i32
    }
    %scan3A_188 = arith.constant 8 : i32
    %dma_start3A_189 = arith.constant 384 : i32
    %dma_start3A_190 = tpu.memref_slice %arg18[%dma_start3A_189] : memref<512xi32, #tpu.memory_space<vmem>> -> memref<128xi32, #tpu.memory_space<vmem>>
    %dma_start3A_191 = arith.constant 0 : i32
    %dma_start3A_192 = arith.constant 0 : i32
    %dma_start3A_193 = tpu.memref_slice %arg14[%dma_start3A_191, %dma_start3A_192] : memref<262144x128xi32, #tpu.memory_space<hbm>> -> memref<262144x128xi32, #tpu.memory_space<hbm>>
    tpu.enqueue_indirect_dma source(%dma_start3A_193 : memref<262144x128xi32, #tpu.memory_space<hbm>>) target(%arg30 : memref<128x128xi32, #tpu.memory_space<vmem>>) offsets(%dma_start3A_190 : memref<128xi32, #tpu.memory_space<vmem>>) semaphore(%arg38 : memref<!tpu.dma_semaphore, #tpu.memory_space<semaphore_mem>>)
    %dma_start3A_194 = arith.constant 384 : i32
    %dma_start3A_195 = tpu.memref_slice %arg19[%dma_start3A_194] : memref<512xi32, #tpu.memory_space<vmem>> -> memref<128xi32, #tpu.memory_space<vmem>>
    %dma_start3A_196 = arith.constant 0 : i32
    %dma_start3A_197 = arith.constant 0 : i32
    %dma_start3A_198 = tpu.memref_slice %arg15[%dma_start3A_196, %dma_start3A_197] : memref<256x128xi32, #tpu.memory_space<hbm>> -> memref<256x128xi32, #tpu.memory_space<hbm>>
    tpu.enqueue_indirect_dma source(%dma_start3A_198 : memref<256x128xi32, #tpu.memory_space<hbm>>) target(%arg31 : memref<128x128xi32, #tpu.memory_space<vmem>>) offsets(%dma_start3A_195 : memref<128xi32, #tpu.memory_space<vmem>>) semaphore(%arg38 : memref<!tpu.dma_semaphore, #tpu.memory_space<semaphore_mem>>)
    %dma_start3A_199 = arith.constant 384 : i32
    %dma_start3A_200 = tpu.memref_slice %arg20[%dma_start3A_199] : memref<512xi32, #tpu.memory_space<vmem>> -> memref<128xi32, #tpu.memory_space<vmem>>
    %dma_start3A_201 = arith.constant 0 : i32
    %dma_start3A_202 = arith.constant 0 : i32
    %dma_start3A_203 = tpu.memref_slice %arg14[%dma_start3A_201, %dma_start3A_202] : memref<262144x128xi32, #tpu.memory_space<hbm>> -> memref<262144x128xi32, #tpu.memory_space<hbm>>
    tpu.enqueue_indirect_dma source(%dma_start3A_203 : memref<262144x128xi32, #tpu.memory_space<hbm>>) target(%arg32 : memref<128x128xi32, #tpu.memory_space<vmem>>) offsets(%dma_start3A_200 : memref<128xi32, #tpu.memory_space<vmem>>) semaphore(%arg38 : memref<!tpu.dma_semaphore, #tpu.memory_space<semaphore_mem>>)
    %dma_start3A_204 = arith.constant 384 : i32
    %dma_start3A_205 = tpu.memref_slice %arg21[%dma_start3A_204] : memref<512xi32, #tpu.memory_space<vmem>> -> memref<128xi32, #tpu.memory_space<vmem>>
    %dma_start3A_206 = arith.constant 0 : i32
    %dma_start3A_207 = arith.constant 0 : i32
    %dma_start3A_208 = tpu.memref_slice %arg14[%dma_start3A_206, %dma_start3A_207] : memref<262144x128xi32, #tpu.memory_space<hbm>> -> memref<262144x128xi32, #tpu.memory_space<hbm>>
    tpu.enqueue_indirect_dma source(%dma_start3A_208 : memref<262144x128xi32, #tpu.memory_space<hbm>>) target(%arg33 : memref<128x128xi32, #tpu.memory_space<vmem>>) offsets(%dma_start3A_205 : memref<128xi32, #tpu.memory_space<vmem>>) semaphore(%arg38 : memref<!tpu.dma_semaphore, #tpu.memory_space<semaphore_mem>>)
    %dma_wait3A_209 = arith.constant 384 : i32
    %dma_wait3A_210 = tpu.memref_slice %arg18[%dma_wait3A_209] : memref<512xi32, #tpu.memory_space<vmem>> -> memref<128xi32, #tpu.memory_space<vmem>>
    %dma_wait3A_211 = arith.constant 0 : i32
    %dma_wait3A_212 = arith.constant 0 : i32
    %dma_wait3A_213 = tpu.memref_slice %arg14[%dma_wait3A_211, %dma_wait3A_212] : memref<262144x128xi32, #tpu.memory_space<hbm>> -> memref<262144x128xi32, #tpu.memory_space<hbm>>
    tpu.wait_indirect_dma semaphore(%arg38 : memref<!tpu.dma_semaphore, #tpu.memory_space<semaphore_mem>>) src(%dma_wait3A_213 : memref<262144x128xi32, #tpu.memory_space<hbm>>) dst(%arg30 : memref<128x128xi32, #tpu.memory_space<vmem>>)
    %dma_wait3A_214 = arith.constant 384 : i32
    %dma_wait3A_215 = tpu.memref_slice %arg19[%dma_wait3A_214] : memref<512xi32, #tpu.memory_space<vmem>> -> memref<128xi32, #tpu.memory_space<vmem>>
    %dma_wait3A_216 = arith.constant 0 : i32
    %dma_wait3A_217 = arith.constant 0 : i32
    %dma_wait3A_218 = tpu.memref_slice %arg15[%dma_wait3A_216, %dma_wait3A_217] : memref<256x128xi32, #tpu.memory_space<hbm>> -> memref<256x128xi32, #tpu.memory_space<hbm>>
    tpu.wait_indirect_dma semaphore(%arg38 : memref<!tpu.dma_semaphore, #tpu.memory_space<semaphore_mem>>) src(%dma_wait3A_218 : memref<256x128xi32, #tpu.memory_space<hbm>>) dst(%arg31 : memref<128x128xi32, #tpu.memory_space<vmem>>)
    %dma_wait3A_219 = arith.constant 384 : i32
    %dma_wait3A_220 = tpu.memref_slice %arg20[%dma_wait3A_219] : memref<512xi32, #tpu.memory_space<vmem>> -> memref<128xi32, #tpu.memory_space<vmem>>
    %dma_wait3A_221 = arith.constant 0 : i32
    %dma_wait3A_222 = arith.constant 0 : i32
    %dma_wait3A_223 = tpu.memref_slice %arg14[%dma_wait3A_221, %dma_wait3A_222] : memref<262144x128xi32, #tpu.memory_space<hbm>> -> memref<262144x128xi32, #tpu.memory_space<hbm>>
    tpu.wait_indirect_dma semaphore(%arg38 : memref<!tpu.dma_semaphore, #tpu.memory_space<semaphore_mem>>) src(%dma_wait3A_223 : memref<262144x128xi32, #tpu.memory_space<hbm>>) dst(%arg32 : memref<128x128xi32, #tpu.memory_space<vmem>>)
    %dma_wait3A_224 = arith.constant 384 : i32
    %dma_wait3A_225 = tpu.memref_slice %arg21[%dma_wait3A_224] : memref<512xi32, #tpu.memory_space<vmem>> -> memref<128xi32, #tpu.memory_space<vmem>>
    %dma_wait3A_226 = arith.constant 0 : i32
    %dma_wait3A_227 = arith.constant 0 : i32
    %dma_wait3A_228 = tpu.memref_slice %arg14[%dma_wait3A_226, %dma_wait3A_227] : memref<262144x128xi32, #tpu.memory_space<hbm>> -> memref<262144x128xi32, #tpu.memory_space<hbm>>
    tpu.wait_indirect_dma semaphore(%arg38 : memref<!tpu.dma_semaphore, #tpu.memory_space<semaphore_mem>>) src(%dma_wait3A_228 : memref<262144x128xi32, #tpu.memory_space<hbm>>) dst(%arg33 : memref<128x128xi32, #tpu.memory_space<vmem>>)
    %scan3A_229 = arith.constant 0 : i32
    %scan3A_230 = arith.constant 0 : i32
    %scan3A_231 = arith.constant 8 : i32
    %scan3A_232 = arith.addi %scan3A_230, %scan3A_231 : i32
    %scan3A_233 = arith.constant 1 : i32
    %scan3A_234 = scf.for %scan3A_240 = %scan3A_230 to %scan3A_232 step %scan3A_233 iter_args(%scan3A_241 = %scan3A_229) -> (i32)  : i32 {
      %mul3A_242 = arith.constant 16 : i32
      %mul3A_243 = arith.muli %scan3A_240, %mul3A_242 : i32
      %add3A_244 = vector.broadcast %mul3A_243 : i32 to vector<16xi32>
      %add3A_245 = arith.addi %iota3A, %add3A_244 : vector<16xi32>
      %mul3A_246 = arith.constant 16 : i32
      %mul3A_247 = arith.muli %scan3A_240, %mul3A_246 : i32
      %add3A_248 = arith.constant 384 : i32
      %add3A_249 = arith.addi %add3A_248, %mul3A_247 : i32
      %get3A = arith.index_cast %add3A_249 : i32 to index
      %get3A_250 = tpu.vector_load %arg22[%get3A] {strides = array<i32>} : memref<512xi32, #tpu.memory_space<vmem>>, vector<16xi32>,
      %get3A_251 = arith.index_cast %add3A_249 : i32 to index
      %get3A_252 = tpu.vector_load %arg23[%get3A_251] {strides = array<i32>} : memref<512xi32, #tpu.memory_space<vmem>>, vector<16xi32>,
      %get3A_253 = arith.index_cast %add3A_249 : i32 to index
      %get3A_254 = tpu.vector_load %arg24[%get3A_253] {strides = array<i32>} : memref<512xi32, #tpu.memory_space<vmem>>, vector<16xi32>,
      %get3A_255 = arith.index_cast %add3A_249 : i32 to index
      %get3A_256 = tpu.vector_load %arg25[%get3A_255] {strides = array<i32>} : memref<512xi32, #tpu.memory_space<vmem>>, vector<16xi32>,
      %get3A_257 = arith.index_cast %add3A_249 : i32 to index
      %get3A_258 = tpu.vector_load %arg26[%get3A_257] {strides = array<i32>} : memref<512xi32, #tpu.memory_space<vmem>>, vector<16xi32>,
      %ne3A = arith.constant 0 : i32
      %ne3A_259 = vector.broadcast %ne3A : i32 to vector<16xi32>
      %ne3A_260 = arith.cmpi ne, %get3A_258, %ne3A_259 : vector<16xi32>
      %get3A_261 = arith.index_cast %add3A_249 : i32 to index
      %get3A_262 = tpu.vector_load %arg27[%get3A_261] {strides = array<i32>} : memref<512xi32, #tpu.memory_space<vmem>>, vector<16xi32>,
      %ne3A_263 = arith.constant 0 : i32
      %ne3A_264 = vector.broadcast %ne3A_263 : i32 to vector<16xi32>
      %ne3A_265 = arith.cmpi ne, %get3A_262, %ne3A_264 : vector<16xi32>
      %get3A_266 = arith.index_cast %add3A_249 : i32 to index
      %get3A_267 = tpu.vector_load %arg28[%get3A_266] {strides = array<i32>} : memref<512xi32, #tpu.memory_space<vmem>>, vector<16xi32>,
      %ne3A_268 = arith.constant 0 : i32
      %ne3A_269 = vector.broadcast %ne3A_268 : i32 to vector<16xi32>
      %ne3A_270 = arith.cmpi ne, %get3A_267, %ne3A_269 : vector<16xi32>
      %get3A_271 = arith.index_cast %add3A_249 : i32 to index
      %get3A_272 = tpu.vector_load %arg29[%get3A_271] {strides = array<i32>} : memref<512xi32, #tpu.memory_space<vmem>>, vector<16xi32>,
      %ne3A_273 = arith.constant 0 : i32
      %ne3A_274 = vector.broadcast %ne3A_273 : i32 to vector<16xi32>
      %ne3A_275 = arith.cmpi ne, %get3A_272, %ne3A_274 : vector<16xi32>
      %broadcast_in_dim3A = arith.constant 0.000000e+00 : f32
      %broadcast_in_dim3A_276 = vector.broadcast %broadcast_in_dim3A : f32 to vector<16xf32>
      %scan3A_277 = arith.constant 0 : i32
      %scan3A_278 = arith.constant 64 : i32
      %scan3A_279 = arith.addi %scan3A_277, %scan3A_278 : i32
      %scan3A_280 = arith.constant 8 : i32
      %scan3A_281:7 = scf.for %scan3A_465 = %scan3A_277 to %scan3A_279 step %scan3A_280 iter_args(%scan3A_466 = %broadcast_in_dim3A_276, %scan3A_467 = %broadcast_in_dim3A_276, %scan3A_468 = %broadcast_in_dim3A_276, %scan3A_469 = %broadcast_in_dim3A_276, %scan3A_470 = %broadcast_in_dim3A_276, %scan3A_471 = %broadcast_in_dim3A_276, %scan3A_472 = %broadcast_in_dim3A_276) -> (vector<16xf32>, vector<16xf32>, vector<16xf32>, vector<16xf32>, vector<16xf32>, vector<16xf32>, vector<16xf32>)  : i32 {
        %add3A_473 = vector.broadcast %scan3A_465 : i32 to vector<16xi32>
        %add3A_474 = arith.addi %add3A_473, %iota3A : vector<16xi32>
        %and3A = arith.constant 63 : i32
        %and3A_475 = vector.broadcast %and3A : i32 to vector<16xi32>
        %and3A_476 = arith.andi %add3A_474, %and3A_475 : vector<16xi32>
        %add3A_477 = arith.addi %get3A_250, %and3A_476 : vector<16xi32>
        %gather3A = tpu.vector_load_idx %arg30[%add3A_245, %add3A_477] : memref<128x128xi32, #tpu.memory_space<vmem>>[vector<16xi32>, vector<16xi32>], vector<16xi32>,
        %and3A_478 = arith.constant -65536 : i32
        %and3A_479 = vector.broadcast %and3A_478 : i32 to vector<16xi32>
        %and3A_480 = arith.andi %gather3A, %and3A_479 : vector<16xi32>
        %shift_left3A = arith.constant 16 : i32
        %shift_left3A_481 = vector.broadcast %shift_left3A : i32 to vector<16xi32>
        %shift_left3A_482 = arith.shli %gather3A, %shift_left3A_481 : vector<16xi32>
        %select_n3A = arith.select %ne3A_260, %and3A_480, %shift_left3A_482 : vector<16xi1>, vector<16xi32>
        %bitcast3A_483 = vector.bitcast %select_n3A : vector<16xi32> to vector<16xf32>
        %add3A_484 = arith.addi %get3A_252, %and3A_476 : vector<16xi32>
        %gather3A_485 = tpu.vector_load_idx %arg31[%add3A_245, %add3A_484] : memref<128x128xi32, #tpu.memory_space<vmem>>[vector<16xi32>, vector<16xi32>], vector<16xi32>,
        %and3A_486 = arith.constant -65536 : i32
        %and3A_487 = vector.broadcast %and3A_486 : i32 to vector<16xi32>
        %and3A_488 = arith.andi %gather3A_485, %and3A_487 : vector<16xi32>
        %shift_left3A_489 = arith.constant 16 : i32
        %shift_left3A_490 = vector.broadcast %shift_left3A_489 : i32 to vector<16xi32>
        %shift_left3A_491 = arith.shli %gather3A_485, %shift_left3A_490 : vector<16xi32>
        %select_n3A_492 = arith.select %ne3A_265, %and3A_488, %shift_left3A_491 : vector<16xi1>, vector<16xi32>
        %bitcast3A_493 = vector.bitcast %select_n3A_492 : vector<16xi32> to vector<16xf32>
        %add3A_494 = arith.addi %get3A_254, %and3A_476 : vector<16xi32>
        %gather3A_495 = tpu.vector_load_idx %arg32[%add3A_245, %add3A_494] : memref<128x128xi32, #tpu.memory_space<vmem>>[vector<16xi32>, vector<16xi32>], vector<16xi32>,
        %and3A_496 = arith.constant -65536 : i32
        %and3A_497 = vector.broadcast %and3A_496 : i32 to vector<16xi32>
        %and3A_498 = arith.andi %gather3A_495, %and3A_497 : vector<16xi32>
        %shift_left3A_499 = arith.constant 16 : i32
        %shift_left3A_500 = vector.broadcast %shift_left3A_499 : i32 to vector<16xi32>
        %shift_left3A_501 = arith.shli %gather3A_495, %shift_left3A_500 : vector<16xi32>
        %select_n3A_502 = arith.select %ne3A_270, %and3A_498, %shift_left3A_501 : vector<16xi1>, vector<16xi32>
        %bitcast3A_503 = vector.bitcast %select_n3A_502 : vector<16xi32> to vector<16xf32>
        %add3A_504 = arith.addi %get3A_256, %and3A_476 : vector<16xi32>
        %gather3A_505 = tpu.vector_load_idx %arg33[%add3A_245, %add3A_504] : memref<128x128xi32, #tpu.memory_space<vmem>>[vector<16xi32>, vector<16xi32>], vector<16xi32>,
        %and3A_506 = arith.constant -65536 : i32
        %and3A_507 = vector.broadcast %and3A_506 : i32 to vector<16xi32>
        %and3A_508 = arith.andi %gather3A_505, %and3A_507 : vector<16xi32>
        %shift_left3A_509 = arith.constant 16 : i32
        %shift_left3A_510 = vector.broadcast %shift_left3A_509 : i32 to vector<16xi32>
        %shift_left3A_511 = arith.shli %gather3A_505, %shift_left3A_510 : vector<16xi32>
        %select_n3A_512 = arith.select %ne3A_275, %and3A_508, %shift_left3A_511 : vector<16xi1>, vector<16xi32>
        %bitcast3A_513 = vector.bitcast %select_n3A_512 : vector<16xi32> to vector<16xf32>
        %mul3A_514 = arith.mulf %bitcast3A_493, %bitcast3A_503 : vector<16xf32>
        %mul3A_515 = arith.mulf %bitcast3A_483, %mul3A_514 : vector<16xf32>
        %mul3A_516 = arith.mulf %bitcast3A_513, %mul3A_514 : vector<16xf32>
        %mul3A_517 = arith.mulf %bitcast3A_483, %bitcast3A_493 : vector<16xf32>
        %mul3A_518 = arith.mulf %mul3A_517, %bitcast3A_513 : vector<16xf32>
        %mul3A_519 = arith.mulf %bitcast3A_483, %bitcast3A_483 : vector<16xf32>
        %add3A_520 = arith.addf %scan3A_466, %mul3A_519 : vector<16xf32>
        %mul3A_521 = arith.mulf %bitcast3A_503, %bitcast3A_503 : vector<16xf32>
        %add3A_522 = arith.addf %scan3A_467, %mul3A_521 : vector<16xf32>
        %mul3A_523 = arith.mulf %bitcast3A_513, %bitcast3A_513 : vector<16xf32>
        %add3A_524 = arith.addf %scan3A_468, %mul3A_523 : vector<16xf32>
        %add3A_525 = arith.addf %scan3A_469, %mul3A_515 : vector<16xf32>
        %mul3A_526 = arith.mulf %mul3A_515, %mul3A_515 : vector<16xf32>
        %add3A_527 = arith.addf %scan3A_470, %mul3A_526 : vector<16xf32>
        %add3A_528 = arith.addf %scan3A_471, %mul3A_516 : vector<16xf32>
        %mul3A_529 = arith.mulf %mul3A_518, %mul3A_518 : vector<16xf32>
        %add3A_530 = arith.addf %scan3A_472, %mul3A_529 : vector<16xf32>
        %scan3A_531 = arith.constant 1 : i32
        %scan3A_532 = arith.addi %scan3A_465, %scan3A_531 : i32
        %add3A_533 = vector.broadcast %scan3A_532 : i32 to vector<16xi32>
        %add3A_534 = arith.addi %add3A_533, %iota3A : vector<16xi32>
        %and3A_535 = arith.constant 63 : i32
        %and3A_536 = vector.broadcast %and3A_535 : i32 to vector<16xi32>
        %and3A_537 = arith.andi %add3A_534, %and3A_536 : vector<16xi32>
        %add3A_538 = arith.addi %get3A_250, %and3A_537 : vector<16xi32>
        %gather3A_539 = tpu.vector_load_idx %arg30[%add3A_245, %add3A_538] : memref<128x128xi32, #tpu.memory_space<vmem>>[vector<16xi32>, vector<16xi32>], vector<16xi32>,
        %and3A_540 = arith.constant -65536 : i32
        %and3A_541 = vector.broadcast %and3A_540 : i32 to vector<16xi32>
        %and3A_542 = arith.andi %gather3A_539, %and3A_541 : vector<16xi32>
        %shift_left3A_543 = arith.constant 16 : i32
        %shift_left3A_544 = vector.broadcast %shift_left3A_543 : i32 to vector<16xi32>
        %shift_left3A_545 = arith.shli %gather3A_539, %shift_left3A_544 : vector<16xi32>
        %select_n3A_546 = arith.select %ne3A_260, %and3A_542, %shift_left3A_545 : vector<16xi1>, vector<16xi32>
        %bitcast3A_547 = vector.bitcast %select_n3A_546 : vector<16xi32> to vector<16xf32>
        %add3A_548 = arith.addi %get3A_252, %and3A_537 : vector<16xi32>
        %gather3A_549 = tpu.vector_load_idx %arg31[%add3A_245, %add3A_548] : memref<128x128xi32, #tpu.memory_space<vmem>>[vector<16xi32>, vector<16xi32>], vector<16xi32>,
        %and3A_550 = arith.constant -65536 : i32
        %and3A_551 = vector.broadcast %and3A_550 : i32 to vector<16xi32>
        %and3A_552 = arith.andi %gather3A_549, %and3A_551 : vector<16xi32>
        %shift_left3A_553 = arith.constant 16 : i32
        %shift_left3A_554 = vector.broadcast %shift_left3A_553 : i32 to vector<16xi32>
        %shift_left3A_555 = arith.shli %gather3A_549, %shift_left3A_554 : vector<16xi32>
        %select_n3A_556 = arith.select %ne3A_265, %and3A_552, %shift_left3A_555 : vector<16xi1>, vector<16xi32>
        %bitcast3A_557 = vector.bitcast %select_n3A_556 : vector<16xi32> to vector<16xf32>
        %add3A_558 = arith.addi %get3A_254, %and3A_537 : vector<16xi32>
        %gather3A_559 = tpu.vector_load_idx %arg32[%add3A_245, %add3A_558] : memref<128x128xi32, #tpu.memory_space<vmem>>[vector<16xi32>, vector<16xi32>], vector<16xi32>,
        %and3A_560 = arith.constant -65536 : i32
        %and3A_561 = vector.broadcast %and3A_560 : i32 to vector<16xi32>
        %and3A_562 = arith.andi %gather3A_559, %and3A_561 : vector<16xi32>
        %shift_left3A_563 = arith.constant 16 : i32
        %shift_left3A_564 = vector.broadcast %shift_left3A_563 : i32 to vector<16xi32>
        %shift_left3A_565 = arith.shli %gather3A_559, %shift_left3A_564 : vector<16xi32>
        %select_n3A_566 = arith.select %ne3A_270, %and3A_562, %shift_left3A_565 : vector<16xi1>, vector<16xi32>
        %bitcast3A_567 = vector.bitcast %select_n3A_566 : vector<16xi32> to vector<16xf32>
        %add3A_568 = arith.addi %get3A_256, %and3A_537 : vector<16xi32>
        %gather3A_569 = tpu.vector_load_idx %arg33[%add3A_245, %add3A_568] : memref<128x128xi32, #tpu.memory_space<vmem>>[vector<16xi32>, vector<16xi32>], vector<16xi32>,
        %and3A_570 = arith.constant -65536 : i32
        %and3A_571 = vector.broadcast %and3A_570 : i32 to vector<16xi32>
        %and3A_572 = arith.andi %gather3A_569, %and3A_571 : vector<16xi32>
        %shift_left3A_573 = arith.constant 16 : i32
        %shift_left3A_574 = vector.broadcast %shift_left3A_573 : i32 to vector<16xi32>
        %shift_left3A_575 = arith.shli %gather3A_569, %shift_left3A_574 : vector<16xi32>
        %select_n3A_576 = arith.select %ne3A_275, %and3A_572, %shift_left3A_575 : vector<16xi1>, vector<16xi32>
        %bitcast3A_577 = vector.bitcast %select_n3A_576 : vector<16xi32> to vector<16xf32>
        %mul3A_578 = arith.mulf %bitcast3A_557, %bitcast3A_567 : vector<16xf32>
        %mul3A_579 = arith.mulf %bitcast3A_547, %mul3A_578 : vector<16xf32>
        %mul3A_580 = arith.mulf %bitcast3A_577, %mul3A_578 : vector<16xf32>
        %mul3A_581 = arith.mulf %bitcast3A_547, %bitcast3A_557 : vector<16xf32>
        %mul3A_582 = arith.mulf %mul3A_581, %bitcast3A_577 : vector<16xf32>
        %mul3A_583 = arith.mulf %bitcast3A_547, %bitcast3A_547 : vector<16xf32>
        %add3A_584 = arith.addf %add3A_520, %mul3A_583 : vector<16xf32>
        %mul3A_585 = arith.mulf %bitcast3A_567, %bitcast3A_567 : vector<16xf32>
        %add3A_586 = arith.addf %add3A_522, %mul3A_585 : vector<16xf32>
        %mul3A_587 = arith.mulf %bitcast3A_577, %bitcast3A_577 : vector<16xf32>
        %add3A_588 = arith.addf %add3A_524, %mul3A_587 : vector<16xf32>
        %add3A_589 = arith.addf %add3A_525, %mul3A_579 : vector<16xf32>
        %mul3A_590 = arith.mulf %mul3A_579, %mul3A_579 : vector<16xf32>
        %add3A_591 = arith.addf %add3A_527, %mul3A_590 : vector<16xf32>
        %add3A_592 = arith.addf %add3A_528, %mul3A_580 : vector<16xf32>
        %mul3A_593 = arith.mulf %mul3A_582, %mul3A_582 : vector<16xf32>
        %add3A_594 = arith.addf %add3A_530, %mul3A_593 : vector<16xf32>
        %scan3A_595 = arith.constant 2 : i32
        %scan3A_596 = arith.addi %scan3A_465, %scan3A_595 : i32
        %add3A_597 = vector.broadcast %scan3A_596 : i32 to vector<16xi32>
        %add3A_598 = arith.addi %add3A_597, %iota3A : vector<16xi32>
        %and3A_599 = arith.constant 63 : i32
        %and3A_600 = vector.broadcast %and3A_599 : i32 to vector<16xi32>
        %and3A_601 = arith.andi %add3A_598, %and3A_600 : vector<16xi32>
        %add3A_602 = arith.addi %get3A_250, %and3A_601 : vector<16xi32>
        %gather3A_603 = tpu.vector_load_idx %arg30[%add3A_245, %add3A_602] : memref<128x128xi32, #tpu.memory_space<vmem>>[vector<16xi32>, vector<16xi32>], vector<16xi32>,
        %and3A_604 = arith.constant -65536 : i32
        %and3A_605 = vector.broadcast %and3A_604 : i32 to vector<16xi32>
        %and3A_606 = arith.andi %gather3A_603, %and3A_605 : vector<16xi32>
        %shift_left3A_607 = arith.constant 16 : i32
        %shift_left3A_608 = vector.broadcast %shift_left3A_607 : i32 to vector<16xi32>
        %shift_left3A_609 = arith.shli %gather3A_603, %shift_left3A_608 : vector<16xi32>
        %select_n3A_610 = arith.select %ne3A_260, %and3A_606, %shift_left3A_609 : vector<16xi1>, vector<16xi32>
        %bitcast3A_611 = vector.bitcast %select_n3A_610 : vector<16xi32> to vector<16xf32>
        %add3A_612 = arith.addi %get3A_252, %and3A_601 : vector<16xi32>
        %gather3A_613 = tpu.vector_load_idx %arg31[%add3A_245, %add3A_612] : memref<128x128xi32, #tpu.memory_space<vmem>>[vector<16xi32>, vector<16xi32>], vector<16xi32>,
        %and3A_614 = arith.constant -65536 : i32
        %and3A_615 = vector.broadcast %and3A_614 : i32 to vector<16xi32>
        %and3A_616 = arith.andi %gather3A_613, %and3A_615 : vector<16xi32>
        %shift_left3A_617 = arith.constant 16 : i32
        %shift_left3A_618 = vector.broadcast %shift_left3A_617 : i32 to vector<16xi32>
        %shift_left3A_619 = arith.shli %gather3A_613, %shift_left3A_618 : vector<16xi32>
        %select_n3A_620 = arith.select %ne3A_265, %and3A_616, %shift_left3A_619 : vector<16xi1>, vector<16xi32>
        %bitcast3A_621 = vector.bitcast %select_n3A_620 : vector<16xi32> to vector<16xf32>
        %add3A_622 = arith.addi %get3A_254, %and3A_601 : vector<16xi32>
        %gather3A_623 = tpu.vector_load_idx %arg32[%add3A_245, %add3A_622] : memref<128x128xi32, #tpu.memory_space<vmem>>[vector<16xi32>, vector<16xi32>], vector<16xi32>,
        %and3A_624 = arith.constant -65536 : i32
        %and3A_625 = vector.broadcast %and3A_624 : i32 to vector<16xi32>
        %and3A_626 = arith.andi %gather3A_623, %and3A_625 : vector<16xi32>
        %shift_left3A_627 = arith.constant 16 : i32
        %shift_left3A_628 = vector.broadcast %shift_left3A_627 : i32 to vector<16xi32>
        %shift_left3A_629 = arith.shli %gather3A_623, %shift_left3A_628 : vector<16xi32>
        %select_n3A_630 = arith.select %ne3A_270, %and3A_626, %shift_left3A_629 : vector<16xi1>, vector<16xi32>
        %bitcast3A_631 = vector.bitcast %select_n3A_630 : vector<16xi32> to vector<16xf32>
        %add3A_632 = arith.addi %get3A_256, %and3A_601 : vector<16xi32>
        %gather3A_633 = tpu.vector_load_idx %arg33[%add3A_245, %add3A_632] : memref<128x128xi32, #tpu.memory_space<vmem>>[vector<16xi32>, vector<16xi32>], vector<16xi32>,
        %and3A_634 = arith.constant -65536 : i32
        %and3A_635 = vector.broadcast %and3A_634 : i32 to vector<16xi32>
        %and3A_636 = arith.andi %gather3A_633, %and3A_635 : vector<16xi32>
        %shift_left3A_637 = arith.constant 16 : i32
        %shift_left3A_638 = vector.broadcast %shift_left3A_637 : i32 to vector<16xi32>
        %shift_left3A_639 = arith.shli %gather3A_633, %shift_left3A_638 : vector<16xi32>
        %select_n3A_640 = arith.select %ne3A_275, %and3A_636, %shift_left3A_639 : vector<16xi1>, vector<16xi32>
        %bitcast3A_641 = vector.bitcast %select_n3A_640 : vector<16xi32> to vector<16xf32>
        %mul3A_642 = arith.mulf %bitcast3A_621, %bitcast3A_631 : vector<16xf32>
        %mul3A_643 = arith.mulf %bitcast3A_611, %mul3A_642 : vector<16xf32>
        %mul3A_644 = arith.mulf %bitcast3A_641, %mul3A_642 : vector<16xf32>
        %mul3A_645 = arith.mulf %bitcast3A_611, %bitcast3A_621 : vector<16xf32>
        %mul3A_646 = arith.mulf %mul3A_645, %bitcast3A_641 : vector<16xf32>
        %mul3A_647 = arith.mulf %bitcast3A_611, %bitcast3A_611 : vector<16xf32>
        %add3A_648 = arith.addf %add3A_584, %mul3A_647 : vector<16xf32>
        %mul3A_649 = arith.mulf %bitcast3A_631, %bitcast3A_631 : vector<16xf32>
        %add3A_650 = arith.addf %add3A_586, %mul3A_649 : vector<16xf32>
        %mul3A_651 = arith.mulf %bitcast3A_641, %bitcast3A_641 : vector<16xf32>
        %add3A_652 = arith.addf %add3A_588, %mul3A_651 : vector<16xf32>
        %add3A_653 = arith.addf %add3A_589, %mul3A_643 : vector<16xf32>
        %mul3A_654 = arith.mulf %mul3A_643, %mul3A_643 : vector<16xf32>
        %add3A_655 = arith.addf %add3A_591, %mul3A_654 : vector<16xf32>
        %add3A_656 = arith.addf %add3A_592, %mul3A_644 : vector<16xf32>
        %mul3A_657 = arith.mulf %mul3A_646, %mul3A_646 : vector<16xf32>
        %add3A_658 = arith.addf %add3A_594, %mul3A_657 : vector<16xf32>
        %scan3A_659 = arith.constant 3 : i32
        %scan3A_660 = arith.addi %scan3A_465, %scan3A_659 : i32
        %add3A_661 = vector.broadcast %scan3A_660 : i32 to vector<16xi32>
        %add3A_662 = arith.addi %add3A_661, %iota3A : vector<16xi32>
        %and3A_663 = arith.constant 63 : i32
        %and3A_664 = vector.broadcast %and3A_663 : i32 to vector<16xi32>
        %and3A_665 = arith.andi %add3A_662, %and3A_664 : vector<16xi32>
        %add3A_666 = arith.addi %get3A_250, %and3A_665 : vector<16xi32>
        %gather3A_667 = tpu.vector_load_idx %arg30[%add3A_245, %add3A_666] : memref<128x128xi32, #tpu.memory_space<vmem>>[vector<16xi32>, vector<16xi32>], vector<16xi32>,
        %and3A_668 = arith.constant -65536 : i32
        %and3A_669 = vector.broadcast %and3A_668 : i32 to vector<16xi32>
        %and3A_670 = arith.andi %gather3A_667, %and3A_669 : vector<16xi32>
        %shift_left3A_671 = arith.constant 16 : i32
        %shift_left3A_672 = vector.broadcast %shift_left3A_671 : i32 to vector<16xi32>
        %shift_left3A_673 = arith.shli %gather3A_667, %shift_left3A_672 : vector<16xi32>
        %select_n3A_674 = arith.select %ne3A_260, %and3A_670, %shift_left3A_673 : vector<16xi1>, vector<16xi32>
        %bitcast3A_675 = vector.bitcast %select_n3A_674 : vector<16xi32> to vector<16xf32>
        %add3A_676 = arith.addi %get3A_252, %and3A_665 : vector<16xi32>
        %gather3A_677 = tpu.vector_load_idx %arg31[%add3A_245, %add3A_676] : memref<128x128xi32, #tpu.memory_space<vmem>>[vector<16xi32>, vector<16xi32>], vector<16xi32>,
        %and3A_678 = arith.constant -65536 : i32
        %and3A_679 = vector.broadcast %and3A_678 : i32 to vector<16xi32>
        %and3A_680 = arith.andi %gather3A_677, %and3A_679 : vector<16xi32>
        %shift_left3A_681 = arith.constant 16 : i32
        %shift_left3A_682 = vector.broadcast %shift_left3A_681 : i32 to vector<16xi32>
        %shift_left3A_683 = arith.shli %gather3A_677, %shift_left3A_682 : vector<16xi32>
        %select_n3A_684 = arith.select %ne3A_265, %and3A_680, %shift_left3A_683 : vector<16xi1>, vector<16xi32>
        %bitcast3A_685 = vector.bitcast %select_n3A_684 : vector<16xi32> to vector<16xf32>
        %add3A_686 = arith.addi %get3A_254, %and3A_665 : vector<16xi32>
        %gather3A_687 = tpu.vector_load_idx %arg32[%add3A_245, %add3A_686] : memref<128x128xi32, #tpu.memory_space<vmem>>[vector<16xi32>, vector<16xi32>], vector<16xi32>,
        %and3A_688 = arith.constant -65536 : i32
        %and3A_689 = vector.broadcast %and3A_688 : i32 to vector<16xi32>
        %and3A_690 = arith.andi %gather3A_687, %and3A_689 : vector<16xi32>
        %shift_left3A_691 = arith.constant 16 : i32
        %shift_left3A_692 = vector.broadcast %shift_left3A_691 : i32 to vector<16xi32>
        %shift_left3A_693 = arith.shli %gather3A_687, %shift_left3A_692 : vector<16xi32>
        %select_n3A_694 = arith.select %ne3A_270, %and3A_690, %shift_left3A_693 : vector<16xi1>, vector<16xi32>
        %bitcast3A_695 = vector.bitcast %select_n3A_694 : vector<16xi32> to vector<16xf32>
        %add3A_696 = arith.addi %get3A_256, %and3A_665 : vector<16xi32>
        %gather3A_697 = tpu.vector_load_idx %arg33[%add3A_245, %add3A_696] : memref<128x128xi32, #tpu.memory_space<vmem>>[vector<16xi32>, vector<16xi32>], vector<16xi32>,
        %and3A_698 = arith.constant -65536 : i32
        %and3A_699 = vector.broadcast %and3A_698 : i32 to vector<16xi32>
        %and3A_700 = arith.andi %gather3A_697, %and3A_699 : vector<16xi32>
        %shift_left3A_701 = arith.constant 16 : i32
        %shift_left3A_702 = vector.broadcast %shift_left3A_701 : i32 to vector<16xi32>
        %shift_left3A_703 = arith.shli %gather3A_697, %shift_left3A_702 : vector<16xi32>
        %select_n3A_704 = arith.select %ne3A_275, %and3A_700, %shift_left3A_703 : vector<16xi1>, vector<16xi32>
        %bitcast3A_705 = vector.bitcast %select_n3A_704 : vector<16xi32> to vector<16xf32>
        %mul3A_706 = arith.mulf %bitcast3A_685, %bitcast3A_695 : vector<16xf32>
        %mul3A_707 = arith.mulf %bitcast3A_675, %mul3A_706 : vector<16xf32>
        %mul3A_708 = arith.mulf %bitcast3A_705, %mul3A_706 : vector<16xf32>
        %mul3A_709 = arith.mulf %bitcast3A_675, %bitcast3A_685 : vector<16xf32>
        %mul3A_710 = arith.mulf %mul3A_709, %bitcast3A_705 : vector<16xf32>
        %mul3A_711 = arith.mulf %bitcast3A_675, %bitcast3A_675 : vector<16xf32>
        %add3A_712 = arith.addf %add3A_648, %mul3A_711 : vector<16xf32>
        %mul3A_713 = arith.mulf %bitcast3A_695, %bitcast3A_695 : vector<16xf32>
        %add3A_714 = arith.addf %add3A_650, %mul3A_713 : vector<16xf32>
        %mul3A_715 = arith.mulf %bitcast3A_705, %bitcast3A_705 : vector<16xf32>
        %add3A_716 = arith.addf %add3A_652, %mul3A_715 : vector<16xf32>
        %add3A_717 = arith.addf %add3A_653, %mul3A_707 : vector<16xf32>
        %mul3A_718 = arith.mulf %mul3A_707, %mul3A_707 : vector<16xf32>
        %add3A_719 = arith.addf %add3A_655, %mul3A_718 : vector<16xf32>
        %add3A_720 = arith.addf %add3A_656, %mul3A_708 : vector<16xf32>
        %mul3A_721 = arith.mulf %mul3A_710, %mul3A_710 : vector<16xf32>
        %add3A_722 = arith.addf %add3A_658, %mul3A_721 : vector<16xf32>
        %scan3A_723 = arith.constant 4 : i32
        %scan3A_724 = arith.addi %scan3A_465, %scan3A_723 : i32
        %add3A_725 = vector.broadcast %scan3A_724 : i32 to vector<16xi32>
        %add3A_726 = arith.addi %add3A_725, %iota3A : vector<16xi32>
        %and3A_727 = arith.constant 63 : i32
        %and3A_728 = vector.broadcast %and3A_727 : i32 to vector<16xi32>
        %and3A_729 = arith.andi %add3A_726, %and3A_728 : vector<16xi32>
        %add3A_730 = arith.addi %get3A_250, %and3A_729 : vector<16xi32>
        %gather3A_731 = tpu.vector_load_idx %arg30[%add3A_245, %add3A_730] : memref<128x128xi32, #tpu.memory_space<vmem>>[vector<16xi32>, vector<16xi32>], vector<16xi32>,
        %and3A_732 = arith.constant -65536 : i32
        %and3A_733 = vector.broadcast %and3A_732 : i32 to vector<16xi32>
        %and3A_734 = arith.andi %gather3A_731, %and3A_733 : vector<16xi32>
        %shift_left3A_735 = arith.constant 16 : i32
        %shift_left3A_736 = vector.broadcast %shift_left3A_735 : i32 to vector<16xi32>
        %shift_left3A_737 = arith.shli %gather3A_731, %shift_left3A_736 : vector<16xi32>
        %select_n3A_738 = arith.select %ne3A_260, %and3A_734, %shift_left3A_737 : vector<16xi1>, vector<16xi32>
        %bitcast3A_739 = vector.bitcast %select_n3A_738 : vector<16xi32> to vector<16xf32>
        %add3A_740 = arith.addi %get3A_252, %and3A_729 : vector<16xi32>
        %gather3A_741 = tpu.vector_load_idx %arg31[%add3A_245, %add3A_740] : memref<128x128xi32, #tpu.memory_space<vmem>>[vector<16xi32>, vector<16xi32>], vector<16xi32>,
        %and3A_742 = arith.constant -65536 : i32
        %and3A_743 = vector.broadcast %and3A_742 : i32 to vector<16xi32>
        %and3A_744 = arith.andi %gather3A_741, %and3A_743 : vector<16xi32>
        %shift_left3A_745 = arith.constant 16 : i32
        %shift_left3A_746 = vector.broadcast %shift_left3A_745 : i32 to vector<16xi32>
        %shift_left3A_747 = arith.shli %gather3A_741, %shift_left3A_746 : vector<16xi32>
        %select_n3A_748 = arith.select %ne3A_265, %and3A_744, %shift_left3A_747 : vector<16xi1>, vector<16xi32>
        %bitcast3A_749 = vector.bitcast %select_n3A_748 : vector<16xi32> to vector<16xf32>
        %add3A_750 = arith.addi %get3A_254, %and3A_729 : vector<16xi32>
        %gather3A_751 = tpu.vector_load_idx %arg32[%add3A_245, %add3A_750] : memref<128x128xi32, #tpu.memory_space<vmem>>[vector<16xi32>, vector<16xi32>], vector<16xi32>,
        %and3A_752 = arith.constant -65536 : i32
        %and3A_753 = vector.broadcast %and3A_752 : i32 to vector<16xi32>
        %and3A_754 = arith.andi %gather3A_751, %and3A_753 : vector<16xi32>
        %shift_left3A_755 = arith.constant 16 : i32
        %shift_left3A_756 = vector.broadcast %shift_left3A_755 : i32 to vector<16xi32>
        %shift_left3A_757 = arith.shli %gather3A_751, %shift_left3A_756 : vector<16xi32>
        %select_n3A_758 = arith.select %ne3A_270, %and3A_754, %shift_left3A_757 : vector<16xi1>, vector<16xi32>
        %bitcast3A_759 = vector.bitcast %select_n3A_758 : vector<16xi32> to vector<16xf32>
        %add3A_760 = arith.addi %get3A_256, %and3A_729 : vector<16xi32>
        %gather3A_761 = tpu.vector_load_idx %arg33[%add3A_245, %add3A_760] : memref<128x128xi32, #tpu.memory_space<vmem>>[vector<16xi32>, vector<16xi32>], vector<16xi32>,
        %and3A_762 = arith.constant -65536 : i32
        %and3A_763 = vector.broadcast %and3A_762 : i32 to vector<16xi32>
        %and3A_764 = arith.andi %gather3A_761, %and3A_763 : vector<16xi32>
        %shift_left3A_765 = arith.constant 16 : i32
        %shift_left3A_766 = vector.broadcast %shift_left3A_765 : i32 to vector<16xi32>
        %shift_left3A_767 = arith.shli %gather3A_761, %shift_left3A_766 : vector<16xi32>
        %select_n3A_768 = arith.select %ne3A_275, %and3A_764, %shift_left3A_767 : vector<16xi1>, vector<16xi32>
        %bitcast3A_769 = vector.bitcast %select_n3A_768 : vector<16xi32> to vector<16xf32>
        %mul3A_770 = arith.mulf %bitcast3A_749, %bitcast3A_759 : vector<16xf32>
        %mul3A_771 = arith.mulf %bitcast3A_739, %mul3A_770 : vector<16xf32>
        %mul3A_772 = arith.mulf %bitcast3A_769, %mul3A_770 : vector<16xf32>
        %mul3A_773 = arith.mulf %bitcast3A_739, %bitcast3A_749 : vector<16xf32>
        %mul3A_774 = arith.mulf %mul3A_773, %bitcast3A_769 : vector<16xf32>
        %mul3A_775 = arith.mulf %bitcast3A_739, %bitcast3A_739 : vector<16xf32>
        %add3A_776 = arith.addf %add3A_712, %mul3A_775 : vector<16xf32>
        %mul3A_777 = arith.mulf %bitcast3A_759, %bitcast3A_759 : vector<16xf32>
        %add3A_778 = arith.addf %add3A_714, %mul3A_777 : vector<16xf32>
        %mul3A_779 = arith.mulf %bitcast3A_769, %bitcast3A_769 : vector<16xf32>
        %add3A_780 = arith.addf %add3A_716, %mul3A_779 : vector<16xf32>
        %add3A_781 = arith.addf %add3A_717, %mul3A_771 : vector<16xf32>
        %mul3A_782 = arith.mulf %mul3A_771, %mul3A_771 : vector<16xf32>
        %add3A_783 = arith.addf %add3A_719, %mul3A_782 : vector<16xf32>
        %add3A_784 = arith.addf %add3A_720, %mul3A_772 : vector<16xf32>
        %mul3A_785 = arith.mulf %mul3A_774, %mul3A_774 : vector<16xf32>
        %add3A_786 = arith.addf %add3A_722, %mul3A_785 : vector<16xf32>
        %scan3A_787 = arith.constant 5 : i32
        %scan3A_788 = arith.addi %scan3A_465, %scan3A_787 : i32
        %add3A_789 = vector.broadcast %scan3A_788 : i32 to vector<16xi32>
        %add3A_790 = arith.addi %add3A_789, %iota3A : vector<16xi32>
        %and3A_791 = arith.constant 63 : i32
        %and3A_792 = vector.broadcast %and3A_791 : i32 to vector<16xi32>
        %and3A_793 = arith.andi %add3A_790, %and3A_792 : vector<16xi32>
        %add3A_794 = arith.addi %get3A_250, %and3A_793 : vector<16xi32>
        %gather3A_795 = tpu.vector_load_idx %arg30[%add3A_245, %add3A_794] : memref<128x128xi32, #tpu.memory_space<vmem>>[vector<16xi32>, vector<16xi32>], vector<16xi32>,
        %and3A_796 = arith.constant -65536 : i32
        %and3A_797 = vector.broadcast %and3A_796 : i32 to vector<16xi32>
        %and3A_798 = arith.andi %gather3A_795, %and3A_797 : vector<16xi32>
        %shift_left3A_799 = arith.constant 16 : i32
        %shift_left3A_800 = vector.broadcast %shift_left3A_799 : i32 to vector<16xi32>
        %shift_left3A_801 = arith.shli %gather3A_795, %shift_left3A_800 : vector<16xi32>
        %select_n3A_802 = arith.select %ne3A_260, %and3A_798, %shift_left3A_801 : vector<16xi1>, vector<16xi32>
        %bitcast3A_803 = vector.bitcast %select_n3A_802 : vector<16xi32> to vector<16xf32>
        %add3A_804 = arith.addi %get3A_252, %and3A_793 : vector<16xi32>
        %gather3A_805 = tpu.vector_load_idx %arg31[%add3A_245, %add3A_804] : memref<128x128xi32, #tpu.memory_space<vmem>>[vector<16xi32>, vector<16xi32>], vector<16xi32>,
        %and3A_806 = arith.constant -65536 : i32
        %and3A_807 = vector.broadcast %and3A_806 : i32 to vector<16xi32>
        %and3A_808 = arith.andi %gather3A_805, %and3A_807 : vector<16xi32>
        %shift_left3A_809 = arith.constant 16 : i32
        %shift_left3A_810 = vector.broadcast %shift_left3A_809 : i32 to vector<16xi32>
        %shift_left3A_811 = arith.shli %gather3A_805, %shift_left3A_810 : vector<16xi32>
        %select_n3A_812 = arith.select %ne3A_265, %and3A_808, %shift_left3A_811 : vector<16xi1>, vector<16xi32>
        %bitcast3A_813 = vector.bitcast %select_n3A_812 : vector<16xi32> to vector<16xf32>
        %add3A_814 = arith.addi %get3A_254, %and3A_793 : vector<16xi32>
        %gather3A_815 = tpu.vector_load_idx %arg32[%add3A_245, %add3A_814] : memref<128x128xi32, #tpu.memory_space<vmem>>[vector<16xi32>, vector<16xi32>], vector<16xi32>,
        %and3A_816 = arith.constant -65536 : i32
        %and3A_817 = vector.broadcast %and3A_816 : i32 to vector<16xi32>
        %and3A_818 = arith.andi %gather3A_815, %and3A_817 : vector<16xi32>
        %shift_left3A_819 = arith.constant 16 : i32
        %shift_left3A_820 = vector.broadcast %shift_left3A_819 : i32 to vector<16xi32>
        %shift_left3A_821 = arith.shli %gather3A_815, %shift_left3A_820 : vector<16xi32>
        %select_n3A_822 = arith.select %ne3A_270, %and3A_818, %shift_left3A_821 : vector<16xi1>, vector<16xi32>
        %bitcast3A_823 = vector.bitcast %select_n3A_822 : vector<16xi32> to vector<16xf32>
        %add3A_824 = arith.addi %get3A_256, %and3A_793 : vector<16xi32>
        %gather3A_825 = tpu.vector_load_idx %arg33[%add3A_245, %add3A_824] : memref<128x128xi32, #tpu.memory_space<vmem>>[vector<16xi32>, vector<16xi32>], vector<16xi32>,
        %and3A_826 = arith.constant -65536 : i32
        %and3A_827 = vector.broadcast %and3A_826 : i32 to vector<16xi32>
        %and3A_828 = arith.andi %gather3A_825, %and3A_827 : vector<16xi32>
        %shift_left3A_829 = arith.constant 16 : i32
        %shift_left3A_830 = vector.broadcast %shift_left3A_829 : i32 to vector<16xi32>
        %shift_left3A_831 = arith.shli %gather3A_825, %shift_left3A_830 : vector<16xi32>
        %select_n3A_832 = arith.select %ne3A_275, %and3A_828, %shift_left3A_831 : vector<16xi1>, vector<16xi32>
        %bitcast3A_833 = vector.bitcast %select_n3A_832 : vector<16xi32> to vector<16xf32>
        %mul3A_834 = arith.mulf %bitcast3A_813, %bitcast3A_823 : vector<16xf32>
        %mul3A_835 = arith.mulf %bitcast3A_803, %mul3A_834 : vector<16xf32>
        %mul3A_836 = arith.mulf %bitcast3A_833, %mul3A_834 : vector<16xf32>
        %mul3A_837 = arith.mulf %bitcast3A_803, %bitcast3A_813 : vector<16xf32>
        %mul3A_838 = arith.mulf %mul3A_837, %bitcast3A_833 : vector<16xf32>
        %mul3A_839 = arith.mulf %bitcast3A_803, %bitcast3A_803 : vector<16xf32>
        %add3A_840 = arith.addf %add3A_776, %mul3A_839 : vector<16xf32>
        %mul3A_841 = arith.mulf %bitcast3A_823, %bitcast3A_823 : vector<16xf32>
        %add3A_842 = arith.addf %add3A_778, %mul3A_841 : vector<16xf32>
        %mul3A_843 = arith.mulf %bitcast3A_833, %bitcast3A_833 : vector<16xf32>
        %add3A_844 = arith.addf %add3A_780, %mul3A_843 : vector<16xf32>
        %add3A_845 = arith.addf %add3A_781, %mul3A_835 : vector<16xf32>
        %mul3A_846 = arith.mulf %mul3A_835, %mul3A_835 : vector<16xf32>
        %add3A_847 = arith.addf %add3A_783, %mul3A_846 : vector<16xf32>
        %add3A_848 = arith.addf %add3A_784, %mul3A_836 : vector<16xf32>
        %mul3A_849 = arith.mulf %mul3A_838, %mul3A_838 : vector<16xf32>
        %add3A_850 = arith.addf %add3A_786, %mul3A_849 : vector<16xf32>
        %scan3A_851 = arith.constant 6 : i32
        %scan3A_852 = arith.addi %scan3A_465, %scan3A_851 : i32
        %add3A_853 = vector.broadcast %scan3A_852 : i32 to vector<16xi32>
        %add3A_854 = arith.addi %add3A_853, %iota3A : vector<16xi32>
        %and3A_855 = arith.constant 63 : i32
        %and3A_856 = vector.broadcast %and3A_855 : i32 to vector<16xi32>
        %and3A_857 = arith.andi %add3A_854, %and3A_856 : vector<16xi32>
        %add3A_858 = arith.addi %get3A_250, %and3A_857 : vector<16xi32>
        %gather3A_859 = tpu.vector_load_idx %arg30[%add3A_245, %add3A_858] : memref<128x128xi32, #tpu.memory_space<vmem>>[vector<16xi32>, vector<16xi32>], vector<16xi32>,
        %and3A_860 = arith.constant -65536 : i32
        %and3A_861 = vector.broadcast %and3A_860 : i32 to vector<16xi32>
        %and3A_862 = arith.andi %gather3A_859, %and3A_861 : vector<16xi32>
        %shift_left3A_863 = arith.constant 16 : i32
        %shift_left3A_864 = vector.broadcast %shift_left3A_863 : i32 to vector<16xi32>
        %shift_left3A_865 = arith.shli %gather3A_859, %shift_left3A_864 : vector<16xi32>
        %select_n3A_866 = arith.select %ne3A_260, %and3A_862, %shift_left3A_865 : vector<16xi1>, vector<16xi32>
        %bitcast3A_867 = vector.bitcast %select_n3A_866 : vector<16xi32> to vector<16xf32>
        %add3A_868 = arith.addi %get3A_252, %and3A_857 : vector<16xi32>
        %gather3A_869 = tpu.vector_load_idx %arg31[%add3A_245, %add3A_868] : memref<128x128xi32, #tpu.memory_space<vmem>>[vector<16xi32>, vector<16xi32>], vector<16xi32>,
        %and3A_870 = arith.constant -65536 : i32
        %and3A_871 = vector.broadcast %and3A_870 : i32 to vector<16xi32>
        %and3A_872 = arith.andi %gather3A_869, %and3A_871 : vector<16xi32>
        %shift_left3A_873 = arith.constant 16 : i32
        %shift_left3A_874 = vector.broadcast %shift_left3A_873 : i32 to vector<16xi32>
        %shift_left3A_875 = arith.shli %gather3A_869, %shift_left3A_874 : vector<16xi32>
        %select_n3A_876 = arith.select %ne3A_265, %and3A_872, %shift_left3A_875 : vector<16xi1>, vector<16xi32>
        %bitcast3A_877 = vector.bitcast %select_n3A_876 : vector<16xi32> to vector<16xf32>
        %add3A_878 = arith.addi %get3A_254, %and3A_857 : vector<16xi32>
        %gather3A_879 = tpu.vector_load_idx %arg32[%add3A_245, %add3A_878] : memref<128x128xi32, #tpu.memory_space<vmem>>[vector<16xi32>, vector<16xi32>], vector<16xi32>,
        %and3A_880 = arith.constant -65536 : i32
        %and3A_881 = vector.broadcast %and3A_880 : i32 to vector<16xi32>
        %and3A_882 = arith.andi %gather3A_879, %and3A_881 : vector<16xi32>
        %shift_left3A_883 = arith.constant 16 : i32
        %shift_left3A_884 = vector.broadcast %shift_left3A_883 : i32 to vector<16xi32>
        %shift_left3A_885 = arith.shli %gather3A_879, %shift_left3A_884 : vector<16xi32>
        %select_n3A_886 = arith.select %ne3A_270, %and3A_882, %shift_left3A_885 : vector<16xi1>, vector<16xi32>
        %bitcast3A_887 = vector.bitcast %select_n3A_886 : vector<16xi32> to vector<16xf32>
        %add3A_888 = arith.addi %get3A_256, %and3A_857 : vector<16xi32>
        %gather3A_889 = tpu.vector_load_idx %arg33[%add3A_245, %add3A_888] : memref<128x128xi32, #tpu.memory_space<vmem>>[vector<16xi32>, vector<16xi32>], vector<16xi32>,
        %and3A_890 = arith.constant -65536 : i32
        %and3A_891 = vector.broadcast %and3A_890 : i32 to vector<16xi32>
        %and3A_892 = arith.andi %gather3A_889, %and3A_891 : vector<16xi32>
        %shift_left3A_893 = arith.constant 16 : i32
        %shift_left3A_894 = vector.broadcast %shift_left3A_893 : i32 to vector<16xi32>
        %shift_left3A_895 = arith.shli %gather3A_889, %shift_left3A_894 : vector<16xi32>
        %select_n3A_896 = arith.select %ne3A_275, %and3A_892, %shift_left3A_895 : vector<16xi1>, vector<16xi32>
        %bitcast3A_897 = vector.bitcast %select_n3A_896 : vector<16xi32> to vector<16xf32>
        %mul3A_898 = arith.mulf %bitcast3A_877, %bitcast3A_887 : vector<16xf32>
        %mul3A_899 = arith.mulf %bitcast3A_867, %mul3A_898 : vector<16xf32>
        %mul3A_900 = arith.mulf %bitcast3A_897, %mul3A_898 : vector<16xf32>
        %mul3A_901 = arith.mulf %bitcast3A_867, %bitcast3A_877 : vector<16xf32>
        %mul3A_902 = arith.mulf %mul3A_901, %bitcast3A_897 : vector<16xf32>
        %mul3A_903 = arith.mulf %bitcast3A_867, %bitcast3A_867 : vector<16xf32>
        %add3A_904 = arith.addf %add3A_840, %mul3A_903 : vector<16xf32>
        %mul3A_905 = arith.mulf %bitcast3A_887, %bitcast3A_887 : vector<16xf32>
        %add3A_906 = arith.addf %add3A_842, %mul3A_905 : vector<16xf32>
        %mul3A_907 = arith.mulf %bitcast3A_897, %bitcast3A_897 : vector<16xf32>
        %add3A_908 = arith.addf %add3A_844, %mul3A_907 : vector<16xf32>
        %add3A_909 = arith.addf %add3A_845, %mul3A_899 : vector<16xf32>
        %mul3A_910 = arith.mulf %mul3A_899, %mul3A_899 : vector<16xf32>
        %add3A_911 = arith.addf %add3A_847, %mul3A_910 : vector<16xf32>
        %add3A_912 = arith.addf %add3A_848, %mul3A_900 : vector<16xf32>
        %mul3A_913 = arith.mulf %mul3A_902, %mul3A_902 : vector<16xf32>
        %add3A_914 = arith.addf %add3A_850, %mul3A_913 : vector<16xf32>
        %scan3A_915 = arith.constant 7 : i32
        %scan3A_916 = arith.addi %scan3A_465, %scan3A_915 : i32
        %add3A_917 = vector.broadcast %scan3A_916 : i32 to vector<16xi32>
        %add3A_918 = arith.addi %add3A_917, %iota3A : vector<16xi32>
        %and3A_919 = arith.constant 63 : i32
        %and3A_920 = vector.broadcast %and3A_919 : i32 to vector<16xi32>
        %and3A_921 = arith.andi %add3A_918, %and3A_920 : vector<16xi32>
        %add3A_922 = arith.addi %get3A_250, %and3A_921 : vector<16xi32>
        %gather3A_923 = tpu.vector_load_idx %arg30[%add3A_245, %add3A_922] : memref<128x128xi32, #tpu.memory_space<vmem>>[vector<16xi32>, vector<16xi32>], vector<16xi32>,
        %and3A_924 = arith.constant -65536 : i32
        %and3A_925 = vector.broadcast %and3A_924 : i32 to vector<16xi32>
        %and3A_926 = arith.andi %gather3A_923, %and3A_925 : vector<16xi32>
        %shift_left3A_927 = arith.constant 16 : i32
        %shift_left3A_928 = vector.broadcast %shift_left3A_927 : i32 to vector<16xi32>
        %shift_left3A_929 = arith.shli %gather3A_923, %shift_left3A_928 : vector<16xi32>
        %select_n3A_930 = arith.select %ne3A_260, %and3A_926, %shift_left3A_929 : vector<16xi1>, vector<16xi32>
        %bitcast3A_931 = vector.bitcast %select_n3A_930 : vector<16xi32> to vector<16xf32>
        %add3A_932 = arith.addi %get3A_252, %and3A_921 : vector<16xi32>
        %gather3A_933 = tpu.vector_load_idx %arg31[%add3A_245, %add3A_932] : memref<128x128xi32, #tpu.memory_space<vmem>>[vector<16xi32>, vector<16xi32>], vector<16xi32>,
        %and3A_934 = arith.constant -65536 : i32
        %and3A_935 = vector.broadcast %and3A_934 : i32 to vector<16xi32>
        %and3A_936 = arith.andi %gather3A_933, %and3A_935 : vector<16xi32>
        %shift_left3A_937 = arith.constant 16 : i32
        %shift_left3A_938 = vector.broadcast %shift_left3A_937 : i32 to vector<16xi32>
        %shift_left3A_939 = arith.shli %gather3A_933, %shift_left3A_938 : vector<16xi32>
        %select_n3A_940 = arith.select %ne3A_265, %and3A_936, %shift_left3A_939 : vector<16xi1>, vector<16xi32>
        %bitcast3A_941 = vector.bitcast %select_n3A_940 : vector<16xi32> to vector<16xf32>
        %add3A_942 = arith.addi %get3A_254, %and3A_921 : vector<16xi32>
        %gather3A_943 = tpu.vector_load_idx %arg32[%add3A_245, %add3A_942] : memref<128x128xi32, #tpu.memory_space<vmem>>[vector<16xi32>, vector<16xi32>], vector<16xi32>,
        %and3A_944 = arith.constant -65536 : i32
        %and3A_945 = vector.broadcast %and3A_944 : i32 to vector<16xi32>
        %and3A_946 = arith.andi %gather3A_943, %and3A_945 : vector<16xi32>
        %shift_left3A_947 = arith.constant 16 : i32
        %shift_left3A_948 = vector.broadcast %shift_left3A_947 : i32 to vector<16xi32>
        %shift_left3A_949 = arith.shli %gather3A_943, %shift_left3A_948 : vector<16xi32>
        %select_n3A_950 = arith.select %ne3A_270, %and3A_946, %shift_left3A_949 : vector<16xi1>, vector<16xi32>
        %bitcast3A_951 = vector.bitcast %select_n3A_950 : vector<16xi32> to vector<16xf32>
        %add3A_952 = arith.addi %get3A_256, %and3A_921 : vector<16xi32>
        %gather3A_953 = tpu.vector_load_idx %arg33[%add3A_245, %add3A_952] : memref<128x128xi32, #tpu.memory_space<vmem>>[vector<16xi32>, vector<16xi32>], vector<16xi32>,
        %and3A_954 = arith.constant -65536 : i32
        %and3A_955 = vector.broadcast %and3A_954 : i32 to vector<16xi32>
        %and3A_956 = arith.andi %gather3A_953, %and3A_955 : vector<16xi32>
        %shift_left3A_957 = arith.constant 16 : i32
        %shift_left3A_958 = vector.broadcast %shift_left3A_957 : i32 to vector<16xi32>
        %shift_left3A_959 = arith.shli %gather3A_953, %shift_left3A_958 : vector<16xi32>
        %select_n3A_960 = arith.select %ne3A_275, %and3A_956, %shift_left3A_959 : vector<16xi1>, vector<16xi32>
        %bitcast3A_961 = vector.bitcast %select_n3A_960 : vector<16xi32> to vector<16xf32>
        %mul3A_962 = arith.mulf %bitcast3A_941, %bitcast3A_951 : vector<16xf32>
        %mul3A_963 = arith.mulf %bitcast3A_931, %mul3A_962 : vector<16xf32>
        %mul3A_964 = arith.mulf %bitcast3A_961, %mul3A_962 : vector<16xf32>
        %mul3A_965 = arith.mulf %bitcast3A_931, %bitcast3A_941 : vector<16xf32>
        %mul3A_966 = arith.mulf %mul3A_965, %bitcast3A_961 : vector<16xf32>
        %mul3A_967 = arith.mulf %bitcast3A_931, %bitcast3A_931 : vector<16xf32>
        %add3A_968 = arith.addf %add3A_904, %mul3A_967 : vector<16xf32>
        %mul3A_969 = arith.mulf %bitcast3A_951, %bitcast3A_951 : vector<16xf32>
        %add3A_970 = arith.addf %add3A_906, %mul3A_969 : vector<16xf32>
        %mul3A_971 = arith.mulf %bitcast3A_961, %bitcast3A_961 : vector<16xf32>
        %add3A_972 = arith.addf %add3A_908, %mul3A_971 : vector<16xf32>
        %add3A_973 = arith.addf %add3A_909, %mul3A_963 : vector<16xf32>
        %mul3A_974 = arith.mulf %mul3A_963, %mul3A_963 : vector<16xf32>
        %add3A_975 = arith.addf %add3A_911, %mul3A_974 : vector<16xf32>
        %add3A_976 = arith.addf %add3A_912, %mul3A_964 : vector<16xf32>
        %mul3A_977 = arith.mulf %mul3A_966, %mul3A_966 : vector<16xf32>
        %add3A_978 = arith.addf %add3A_914, %mul3A_977 : vector<16xf32>
        scf.yield %add3A_968, %add3A_970, %add3A_972, %add3A_973, %add3A_975, %add3A_976, %add3A_978 : vector<16xf32>, vector<16xf32>, vector<16xf32>, vector<16xf32>, vector<16xf32>, vector<16xf32>, vector<16xf32>
      }
      %scan3A_282 = arith.constant 64 : i32
      %bitcast3A = vector.bitcast %scan3A_281#0 : vector<16xf32> to vector<16xi32>
      %shift_right_arithmetic3A = arith.constant 1 : i32
      %shift_right_arithmetic3A_283 = vector.broadcast %shift_right_arithmetic3A : i32 to vector<16xi32>
      %shift_right_arithmetic3A_284 = arith.shrsi %bitcast3A, %shift_right_arithmetic3A_283 : vector<16xi32>
      %sub3A = arith.constant 1597463007 : i32
      %sub3A_285 = vector.broadcast %sub3A : i32 to vector<16xi32>
      %sub3A_286 = arith.subi %sub3A_285, %shift_right_arithmetic3A_284 : vector<16xi32>
      %bitcast3A_287 = vector.bitcast %sub3A_286 : vector<16xi32> to vector<16xf32>
      %mul3A_288 = arith.constant -5.000000e-01 : f32
      %mul3A_289 = vector.broadcast %mul3A_288 : f32 to vector<16xf32>
      %mul3A_290 = arith.mulf %scan3A_281#0, %mul3A_289 : vector<16xf32>
      %mul3A_291 = arith.mulf %mul3A_290, %bitcast3A_287 : vector<16xf32>
      %mul3A_292 = arith.mulf %mul3A_291, %bitcast3A_287 : vector<16xf32>
      %add3A_293 = arith.constant 1.500000e+00 : f32
      %add3A_294 = vector.broadcast %add3A_293 : f32 to vector<16xf32>
      %add3A_295 = arith.addf %add3A_294, %mul3A_292 : vector<16xf32>
      %mul3A_296 = arith.mulf %bitcast3A_287, %add3A_295 : vector<16xf32>
      %mul3A_297 = arith.mulf %mul3A_290, %mul3A_296 : vector<16xf32>
      %mul3A_298 = arith.mulf %mul3A_297, %mul3A_296 : vector<16xf32>
      %add3A_299 = arith.constant 1.500000e+00 : f32
      %add3A_300 = vector.broadcast %add3A_299 : f32 to vector<16xf32>
      %add3A_301 = arith.addf %add3A_300, %mul3A_298 : vector<16xf32>
      %mul3A_302 = arith.mulf %mul3A_296, %add3A_301 : vector<16xf32>
      %mul3A_303 = arith.mulf %mul3A_290, %mul3A_302 : vector<16xf32>
      %mul3A_304 = arith.mulf %mul3A_303, %mul3A_302 : vector<16xf32>
      %add3A_305 = arith.constant 1.500000e+00 : f32
      %add3A_306 = vector.broadcast %add3A_305 : f32 to vector<16xf32>
      %add3A_307 = arith.addf %add3A_306, %mul3A_304 : vector<16xf32>
      %mul3A_308 = arith.mulf %mul3A_302, %add3A_307 : vector<16xf32>
      %min3A = arith.constant 9.99999995E+11 : f32
      %min3A_309 = vector.broadcast %min3A : f32 to vector<16xf32>
      %min3A_310 = arith.minimumf %mul3A_308, %min3A_309 : vector<16xf32>
      %bitcast3A_311 = vector.bitcast %scan3A_281#1 : vector<16xf32> to vector<16xi32>
      %shift_right_arithmetic3A_312 = arith.constant 1 : i32
      %shift_right_arithmetic3A_313 = vector.broadcast %shift_right_arithmetic3A_312 : i32 to vector<16xi32>
      %shift_right_arithmetic3A_314 = arith.shrsi %bitcast3A_311, %shift_right_arithmetic3A_313 : vector<16xi32>
      %sub3A_315 = arith.constant 1597463007 : i32
      %sub3A_316 = vector.broadcast %sub3A_315 : i32 to vector<16xi32>
      %sub3A_317 = arith.subi %sub3A_316, %shift_right_arithmetic3A_314 : vector<16xi32>
      %bitcast3A_318 = vector.bitcast %sub3A_317 : vector<16xi32> to vector<16xf32>
      %mul3A_319 = arith.constant -5.000000e-01 : f32
      %mul3A_320 = vector.broadcast %mul3A_319 : f32 to vector<16xf32>
      %mul3A_321 = arith.mulf %scan3A_281#1, %mul3A_320 : vector<16xf32>
      %mul3A_322 = arith.mulf %mul3A_321, %bitcast3A_318 : vector<16xf32>
      %mul3A_323 = arith.mulf %mul3A_322, %bitcast3A_318 : vector<16xf32>
      %add3A_324 = arith.constant 1.500000e+00 : f32
      %add3A_325 = vector.broadcast %add3A_324 : f32 to vector<16xf32>
      %add3A_326 = arith.addf %add3A_325, %mul3A_323 : vector<16xf32>
      %mul3A_327 = arith.mulf %bitcast3A_318, %add3A_326 : vector<16xf32>
      %mul3A_328 = arith.mulf %mul3A_321, %mul3A_327 : vector<16xf32>
      %mul3A_329 = arith.mulf %mul3A_328, %mul3A_327 : vector<16xf32>
      %add3A_330 = arith.constant 1.500000e+00 : f32
      %add3A_331 = vector.broadcast %add3A_330 : f32 to vector<16xf32>
      %add3A_332 = arith.addf %add3A_331, %mul3A_329 : vector<16xf32>
      %mul3A_333 = arith.mulf %mul3A_327, %add3A_332 : vector<16xf32>
      %mul3A_334 = arith.mulf %mul3A_321, %mul3A_333 : vector<16xf32>
      %mul3A_335 = arith.mulf %mul3A_334, %mul3A_333 : vector<16xf32>
      %add3A_336 = arith.constant 1.500000e+00 : f32
      %add3A_337 = vector.broadcast %add3A_336 : f32 to vector<16xf32>
      %add3A_338 = arith.addf %add3A_337, %mul3A_335 : vector<16xf32>
      %mul3A_339 = arith.mulf %mul3A_333, %add3A_338 : vector<16xf32>
      %min3A_340 = arith.constant 9.99999995E+11 : f32
      %min3A_341 = vector.broadcast %min3A_340 : f32 to vector<16xf32>
      %min3A_342 = arith.minimumf %mul3A_339, %min3A_341 : vector<16xf32>
      %bitcast3A_343 = vector.bitcast %scan3A_281#2 : vector<16xf32> to vector<16xi32>
      %shift_right_arithmetic3A_344 = arith.constant 1 : i32
      %shift_right_arithmetic3A_345 = vector.broadcast %shift_right_arithmetic3A_344 : i32 to vector<16xi32>
      %shift_right_arithmetic3A_346 = arith.shrsi %bitcast3A_343, %shift_right_arithmetic3A_345 : vector<16xi32>
      %sub3A_347 = arith.constant 1597463007 : i32
      %sub3A_348 = vector.broadcast %sub3A_347 : i32 to vector<16xi32>
      %sub3A_349 = arith.subi %sub3A_348, %shift_right_arithmetic3A_346 : vector<16xi32>
      %bitcast3A_350 = vector.bitcast %sub3A_349 : vector<16xi32> to vector<16xf32>
      %mul3A_351 = arith.constant -5.000000e-01 : f32
      %mul3A_352 = vector.broadcast %mul3A_351 : f32 to vector<16xf32>
      %mul3A_353 = arith.mulf %scan3A_281#2, %mul3A_352 : vector<16xf32>
      %mul3A_354 = arith.mulf %mul3A_353, %bitcast3A_350 : vector<16xf32>
      %mul3A_355 = arith.mulf %mul3A_354, %bitcast3A_350 : vector<16xf32>
      %add3A_356 = arith.constant 1.500000e+00 : f32
      %add3A_357 = vector.broadcast %add3A_356 : f32 to vector<16xf32>
      %add3A_358 = arith.addf %add3A_357, %mul3A_355 : vector<16xf32>
      %mul3A_359 = arith.mulf %bitcast3A_350, %add3A_358 : vector<16xf32>
      %mul3A_360 = arith.mulf %mul3A_353, %mul3A_359 : vector<16xf32>
      %mul3A_361 = arith.mulf %mul3A_360, %mul3A_359 : vector<16xf32>
      %add3A_362 = arith.constant 1.500000e+00 : f32
      %add3A_363 = vector.broadcast %add3A_362 : f32 to vector<16xf32>
      %add3A_364 = arith.addf %add3A_363, %mul3A_361 : vector<16xf32>
      %mul3A_365 = arith.mulf %mul3A_359, %add3A_364 : vector<16xf32>
      %mul3A_366 = arith.mulf %mul3A_353, %mul3A_365 : vector<16xf32>
      %mul3A_367 = arith.mulf %mul3A_366, %mul3A_365 : vector<16xf32>
      %add3A_368 = arith.constant 1.500000e+00 : f32
      %add3A_369 = vector.broadcast %add3A_368 : f32 to vector<16xf32>
      %add3A_370 = arith.addf %add3A_369, %mul3A_367 : vector<16xf32>
      %mul3A_371 = arith.mulf %mul3A_365, %add3A_370 : vector<16xf32>
      %min3A_372 = arith.constant 9.99999995E+11 : f32
      %min3A_373 = vector.broadcast %min3A_372 : f32 to vector<16xf32>
      %min3A_374 = arith.minimumf %mul3A_371, %min3A_373 : vector<16xf32>
      %bitcast3A_375 = vector.bitcast %scan3A_281#4 : vector<16xf32> to vector<16xi32>
      %shift_right_arithmetic3A_376 = arith.constant 1 : i32
      %shift_right_arithmetic3A_377 = vector.broadcast %shift_right_arithmetic3A_376 : i32 to vector<16xi32>
      %shift_right_arithmetic3A_378 = arith.shrsi %bitcast3A_375, %shift_right_arithmetic3A_377 : vector<16xi32>
      %sub3A_379 = arith.constant 1597463007 : i32
      %sub3A_380 = vector.broadcast %sub3A_379 : i32 to vector<16xi32>
      %sub3A_381 = arith.subi %sub3A_380, %shift_right_arithmetic3A_378 : vector<16xi32>
      %bitcast3A_382 = vector.bitcast %sub3A_381 : vector<16xi32> to vector<16xf32>
      %mul3A_383 = arith.constant -5.000000e-01 : f32
      %mul3A_384 = vector.broadcast %mul3A_383 : f32 to vector<16xf32>
      %mul3A_385 = arith.mulf %scan3A_281#4, %mul3A_384 : vector<16xf32>
      %mul3A_386 = arith.mulf %mul3A_385, %bitcast3A_382 : vector<16xf32>
      %mul3A_387 = arith.mulf %mul3A_386, %bitcast3A_382 : vector<16xf32>
      %add3A_388 = arith.constant 1.500000e+00 : f32
      %add3A_389 = vector.broadcast %add3A_388 : f32 to vector<16xf32>
      %add3A_390 = arith.addf %add3A_389, %mul3A_387 : vector<16xf32>
      %mul3A_391 = arith.mulf %bitcast3A_382, %add3A_390 : vector<16xf32>
      %mul3A_392 = arith.mulf %mul3A_385, %mul3A_391 : vector<16xf32>
      %mul3A_393 = arith.mulf %mul3A_392, %mul3A_391 : vector<16xf32>
      %add3A_394 = arith.constant 1.500000e+00 : f32
      %add3A_395 = vector.broadcast %add3A_394 : f32 to vector<16xf32>
      %add3A_396 = arith.addf %add3A_395, %mul3A_393 : vector<16xf32>
      %mul3A_397 = arith.mulf %mul3A_391, %add3A_396 : vector<16xf32>
      %mul3A_398 = arith.mulf %mul3A_385, %mul3A_397 : vector<16xf32>
      %mul3A_399 = arith.mulf %mul3A_398, %mul3A_397 : vector<16xf32>
      %add3A_400 = arith.constant 1.500000e+00 : f32
      %add3A_401 = vector.broadcast %add3A_400 : f32 to vector<16xf32>
      %add3A_402 = arith.addf %add3A_401, %mul3A_399 : vector<16xf32>
      %mul3A_403 = arith.mulf %mul3A_397, %add3A_402 : vector<16xf32>
      %mul3A_404 = arith.mulf %scan3A_281#4, %mul3A_403 : vector<16xf32>
      %bitcast3A_405 = vector.bitcast %scan3A_281#6 : vector<16xf32> to vector<16xi32>
      %shift_right_arithmetic3A_406 = arith.constant 1 : i32
      %shift_right_arithmetic3A_407 = vector.broadcast %shift_right_arithmetic3A_406 : i32 to vector<16xi32>
      %shift_right_arithmetic3A_408 = arith.shrsi %bitcast3A_405, %shift_right_arithmetic3A_407 : vector<16xi32>
      %sub3A_409 = arith.constant 1597463007 : i32
      %sub3A_410 = vector.broadcast %sub3A_409 : i32 to vector<16xi32>
      %sub3A_411 = arith.subi %sub3A_410, %shift_right_arithmetic3A_408 : vector<16xi32>
      %bitcast3A_412 = vector.bitcast %sub3A_411 : vector<16xi32> to vector<16xf32>
      %mul3A_413 = arith.constant -5.000000e-01 : f32
      %mul3A_414 = vector.broadcast %mul3A_413 : f32 to vector<16xf32>
      %mul3A_415 = arith.mulf %scan3A_281#6, %mul3A_414 : vector<16xf32>
      %mul3A_416 = arith.mulf %mul3A_415, %bitcast3A_412 : vector<16xf32>
      %mul3A_417 = arith.mulf %mul3A_416, %bitcast3A_412 : vector<16xf32>
      %add3A_418 = arith.constant 1.500000e+00 : f32
      %add3A_419 = vector.broadcast %add3A_418 : f32 to vector<16xf32>
      %add3A_420 = arith.addf %add3A_419, %mul3A_417 : vector<16xf32>
      %mul3A_421 = arith.mulf %bitcast3A_412, %add3A_420 : vector<16xf32>
      %mul3A_422 = arith.mulf %mul3A_415, %mul3A_421 : vector<16xf32>
      %mul3A_423 = arith.mulf %mul3A_422, %mul3A_421 : vector<16xf32>
      %add3A_424 = arith.constant 1.500000e+00 : f32
      %add3A_425 = vector.broadcast %add3A_424 : f32 to vector<16xf32>
      %add3A_426 = arith.addf %add3A_425, %mul3A_423 : vector<16xf32>
      %mul3A_427 = arith.mulf %mul3A_421, %add3A_426 : vector<16xf32>
      %mul3A_428 = arith.mulf %mul3A_415, %mul3A_427 : vector<16xf32>
      %mul3A_429 = arith.mulf %mul3A_428, %mul3A_427 : vector<16xf32>
      %add3A_430 = arith.constant 1.500000e+00 : f32
      %add3A_431 = vector.broadcast %add3A_430 : f32 to vector<16xf32>
      %add3A_432 = arith.addf %add3A_431, %mul3A_429 : vector<16xf32>
      %mul3A_433 = arith.mulf %mul3A_427, %add3A_432 : vector<16xf32>
      %mul3A_434 = arith.mulf %scan3A_281#6, %mul3A_433 : vector<16xf32>
      %mul3A_435 = arith.mulf %min3A_310, %min3A_342 : vector<16xf32>
      %mul3A_436 = arith.constant 16 : i32
      %mul3A_437 = arith.muli %scan3A_240, %mul3A_436 : i32
      %add3A_438 = arith.constant 384 : i32
      %add3A_439 = arith.addi %add3A_438, %mul3A_437 : i32
      %mul3A_440 = arith.mulf %scan3A_281#3, %mul3A_435 : vector<16xf32>
      %neg3A = arith.constant 0.000000e+00 : f32
      %neg3A_441 = vector.broadcast %neg3A : f32 to vector<16xf32>
      %neg3A_442 = arith.subf %neg3A_441, %mul3A_440 : vector<16xf32>
      %swap3A = arith.index_cast %add3A_439 : i32 to index
      %swap3A_443 = tpu.vector_load %arg34[%swap3A] {strides = array<i32>} : memref<512xf32, #tpu.memory_space<vmem>>, vector<16xf32>,
      tpu.vector_store %arg34[%swap3A], %neg3A_442 {strides = array<i32>} : memref<512xf32, #tpu.memory_space<vmem>>, vector<16xf32>,
      %mul3A_444 = arith.mulf %mul3A_404, %mul3A_435 : vector<16xf32>
      %neg3A_445 = arith.constant 0.000000e+00 : f32
      %neg3A_446 = vector.broadcast %neg3A_445 : f32 to vector<16xf32>
      %neg3A_447 = arith.subf %neg3A_446, %mul3A_444 : vector<16xf32>
      %swap3A_448 = arith.index_cast %add3A_439 : i32 to index
      %swap3A_449 = tpu.vector_load %arg35[%swap3A_448] {strides = array<i32>} : memref<512xf32, #tpu.memory_space<vmem>>, vector<16xf32>,
      tpu.vector_store %arg35[%swap3A_448], %neg3A_447 {strides = array<i32>} : memref<512xf32, #tpu.memory_space<vmem>>, vector<16xf32>,
      %mul3A_450 = arith.mulf %scan3A_281#5, %min3A_374 : vector<16xf32>
      %mul3A_451 = arith.mulf %mul3A_450, %min3A_342 : vector<16xf32>
      %neg3A_452 = arith.constant 0.000000e+00 : f32
      %neg3A_453 = vector.broadcast %neg3A_452 : f32 to vector<16xf32>
      %neg3A_454 = arith.subf %neg3A_453, %mul3A_451 : vector<16xf32>
      %swap3A_455 = arith.index_cast %add3A_439 : i32 to index
      %swap3A_456 = tpu.vector_load %arg36[%swap3A_455] {strides = array<i32>} : memref<512xf32, #tpu.memory_space<vmem>>, vector<16xf32>,
      tpu.vector_store %arg36[%swap3A_455], %neg3A_454 {strides = array<i32>} : memref<512xf32, #tpu.memory_space<vmem>>, vector<16xf32>,
      %mul3A_457 = arith.mulf %mul3A_434, %min3A_310 : vector<16xf32>
      %mul3A_458 = arith.mulf %mul3A_457, %min3A_374 : vector<16xf32>
      %neg3A_459 = arith.constant 0.000000e+00 : f32
      %neg3A_460 = vector.broadcast %neg3A_459 : f32 to vector<16xf32>
      %neg3A_461 = arith.subf %neg3A_460, %mul3A_458 : vector<16xf32>
      %swap3A_462 = arith.index_cast %add3A_439 : i32 to index
      %swap3A_463 = tpu.vector_load %arg37[%swap3A_462] {strides = array<i32>} : memref<512xf32, #tpu.memory_space<vmem>>, vector<16xf32>,
      tpu.vector_store %arg37[%swap3A_462], %neg3A_461 {strides = array<i32>} : memref<512xf32, #tpu.memory_space<vmem>>, vector<16xf32>,
      %scan3A_464 = arith.constant 0 : i32
      scf.yield %scan3A_464 : i32
    }
    %scan3A_235 = arith.constant 8 : i32
    "tpu.region"() ({
      %run_scoped3A = tpu.sem_alloc : memref<!tpu.dma_semaphore, #tpu.memory_space<semaphore_mem>>
      %dma_start3A_240 = tpu.memref_slice %arg16[%mul3A_2] : memref<32768xf32, #tpu.memory_space<hbm>> -> memref<512xf32, #tpu.memory_space<hbm>>
      %dma_start3A_241 = tpu.memref_slice %arg16[%mul3A_2] : memref<32768xf32, #tpu.memory_space<hbm>> -> memref<512xf32, #tpu.memory_space<hbm>>
      tpu.enqueue_dma source(%arg34 : memref<512xf32, #tpu.memory_space<vmem>>) target(%dma_start3A_241 : memref<512xf32, #tpu.memory_space<hbm>>) target_semaphore(%run_scoped3A : memref<!tpu.dma_semaphore, #tpu.memory_space<semaphore_mem>>)
      %dma_wait3A_242 = tpu.memref_slice %arg16[%mul3A_2] : memref<32768xf32, #tpu.memory_space<hbm>> -> memref<512xf32, #tpu.memory_space<hbm>>
      %dma_wait3A_243 = tpu.memref_slice %arg16[%mul3A_2] : memref<32768xf32, #tpu.memory_space<hbm>> -> memref<512xf32, #tpu.memory_space<hbm>>
      tpu.wait_dma2 semaphore(%run_scoped3A : memref<!tpu.dma_semaphore, #tpu.memory_space<semaphore_mem>>) src(%arg34 : memref<512xf32, #tpu.memory_space<vmem>>) dst(%dma_wait3A_243 : memref<512xf32, #tpu.memory_space<hbm>>)
      tpu.yield
    }) : () -> ()
    %add3A_236 = arith.constant 16384 : i32
    %add3A_237 = arith.addi %add3A_236, %mul3A_2 : i32
    "tpu.region"() ({
      %run_scoped3A = tpu.sem_alloc : memref<!tpu.dma_semaphore, #tpu.memory_space<semaphore_mem>>
      %dma_start3A_240 = tpu.memref_slice %arg16[%add3A_237] : memref<32768xf32, #tpu.memory_space<hbm>> -> memref<512xf32, #tpu.memory_space<hbm>>
      %dma_start3A_241 = tpu.memref_slice %arg16[%add3A_237] : memref<32768xf32, #tpu.memory_space<hbm>> -> memref<512xf32, #tpu.memory_space<hbm>>
      tpu.enqueue_dma source(%arg35 : memref<512xf32, #tpu.memory_space<vmem>>) target(%dma_start3A_241 : memref<512xf32, #tpu.memory_space<hbm>>) target_semaphore(%run_scoped3A : memref<!tpu.dma_semaphore, #tpu.memory_space<semaphore_mem>>)
      %dma_wait3A_242 = tpu.memref_slice %arg16[%add3A_237] : memref<32768xf32, #tpu.memory_space<hbm>> -> memref<512xf32, #tpu.memory_space<hbm>>
      %dma_wait3A_243 = tpu.memref_slice %arg16[%add3A_237] : memref<32768xf32, #tpu.memory_space<hbm>> -> memref<512xf32, #tpu.memory_space<hbm>>
      tpu.wait_dma2 semaphore(%run_scoped3A : memref<!tpu.dma_semaphore, #tpu.memory_space<semaphore_mem>>) src(%arg35 : memref<512xf32, #tpu.memory_space<vmem>>) dst(%dma_wait3A_243 : memref<512xf32, #tpu.memory_space<hbm>>)
      tpu.yield
    }) : () -> ()
    "tpu.region"() ({
      %run_scoped3A = tpu.sem_alloc : memref<!tpu.dma_semaphore, #tpu.memory_space<semaphore_mem>>
      %dma_start3A_240 = tpu.memref_slice %arg17[%mul3A_2] : memref<32768xf32, #tpu.memory_space<hbm>> -> memref<512xf32, #tpu.memory_space<hbm>>
      %dma_start3A_241 = tpu.memref_slice %arg17[%mul3A_2] : memref<32768xf32, #tpu.memory_space<hbm>> -> memref<512xf32, #tpu.memory_space<hbm>>
      tpu.enqueue_dma source(%arg36 : memref<512xf32, #tpu.memory_space<vmem>>) target(%dma_start3A_241 : memref<512xf32, #tpu.memory_space<hbm>>) target_semaphore(%run_scoped3A : memref<!tpu.dma_semaphore, #tpu.memory_space<semaphore_mem>>)
      %dma_wait3A_242 = tpu.memref_slice %arg17[%mul3A_2] : memref<32768xf32, #tpu.memory_space<hbm>> -> memref<512xf32, #tpu.memory_space<hbm>>
      %dma_wait3A_243 = tpu.memref_slice %arg17[%mul3A_2] : memref<32768xf32, #tpu.memory_space<hbm>> -> memref<512xf32, #tpu.memory_space<hbm>>
      tpu.wait_dma2 semaphore(%run_scoped3A : memref<!tpu.dma_semaphore, #tpu.memory_space<semaphore_mem>>) src(%arg36 : memref<512xf32, #tpu.memory_space<vmem>>) dst(%dma_wait3A_243 : memref<512xf32, #tpu.memory_space<hbm>>)
      tpu.yield
    }) : () -> ()
    %add3A_238 = arith.constant 16384 : i32
    %add3A_239 = arith.addi %add3A_238, %mul3A_2 : i32
    "tpu.region"() ({
      %run_scoped3A = tpu.sem_alloc : memref<!tpu.dma_semaphore, #tpu.memory_space<semaphore_mem>>
      %dma_start3A_240 = tpu.memref_slice %arg17[%add3A_239] : memref<32768xf32, #tpu.memory_space<hbm>> -> memref<512xf32, #tpu.memory_space<hbm>>
      %dma_start3A_241 = tpu.memref_slice %arg17[%add3A_239] : memref<32768xf32, #tpu.memory_space<hbm>> -> memref<512xf32, #tpu.memory_space<hbm>>
      tpu.enqueue_dma source(%arg37 : memref<512xf32, #tpu.memory_space<vmem>>) target(%dma_start3A_241 : memref<512xf32, #tpu.memory_space<hbm>>) target_semaphore(%run_scoped3A : memref<!tpu.dma_semaphore, #tpu.memory_space<semaphore_mem>>)
      %dma_wait3A_242 = tpu.memref_slice %arg17[%add3A_239] : memref<32768xf32, #tpu.memory_space<hbm>> -> memref<512xf32, #tpu.memory_space<hbm>>
      %dma_wait3A_243 = tpu.memref_slice %arg17[%add3A_239] : memref<32768xf32, #tpu.memory_space<hbm>> -> memref<512xf32, #tpu.memory_space<hbm>>
      tpu.wait_dma2 semaphore(%run_scoped3A : memref<!tpu.dma_semaphore, #tpu.memory_space<semaphore_mem>>) src(%arg37 : memref<512xf32, #tpu.memory_space<vmem>>) dst(%dma_wait3A_243 : memref<512xf32, #tpu.memory_space<hbm>>)
      tpu.yield
    }) : () -> ()
    return
  }
}

module attributes {stable_mosaic.version = 14 : i64} {
  func.func @_quad_body(%arg0: i32, %arg1: memref<64x256xf32, #tpu.memory_space<vmem>>, %arg2: memref<64x256xf32, #tpu.memory_space<vmem>>, %arg3: memref<64x256xf32, #tpu.memory_space<vmem>>, %arg4: memref<64x256xf32, #tpu.memory_space<vmem>>, %arg5: memref<256x128xi32, #tpu.memory_space<vmem>>) attributes {dimension_semantics = [#tpu.dimension_semantics<arbitrary>], iteration_bounds = array<i64: 1>, scalar_prefetch = 0 : i64, scratch_operands = 0 : i64, tpu.core_type = #tpu.core_type<tc>, window_params = [{transform_indices = @transform_0, window_bounds = array<i64: 64, 256>}, {transform_indices = @transform_1, window_bounds = array<i64: 64, 256>}, {transform_indices = @transform_2, window_bounds = array<i64: 64, 256>}, {transform_indices = @transform_3, window_bounds = array<i64: 64, 256>}, {transform_indices = @transform_4, window_bounds = array<i64: 256, 128>}]} {
    %get3A = arith.constant 0 : index
    %get3A_0 = arith.constant 0 : index
    %get3A_1 = vector.load %arg1[%get3A, %get3A_0] : memref<64x256xf32, #tpu.memory_space<vmem>>, vector<64x256xf32>
    %get3A_2 = arith.constant 0 : index
    %get3A_3 = arith.constant 0 : index
    %get3A_4 = vector.load %arg2[%get3A_2, %get3A_3] : memref<64x256xf32, #tpu.memory_space<vmem>>, vector<64x256xf32>
    %bitcast_convert_type3A = tpu.bitcast %get3A_1 : vector<64x256xf32> -> vector<64x256xi32>
    %shift_right_logical3A = arith.constant 16 : i32
    %shift_right_logical3A_5 = vector.broadcast %shift_right_logical3A : i32 to vector<64x256xi32>
    %shift_right_logical3A_6 = arith.shrui %bitcast_convert_type3A, %shift_right_logical3A_5 : vector<64x256xi32>
    %bitcast_convert_type3A_7 = tpu.bitcast %get3A_4 : vector<64x256xf32> -> vector<64x256xi32>
    %and3A = arith.constant -65536 : i32
    %and3A_8 = vector.broadcast %and3A : i32 to vector<64x256xi32>
    %and3A_9 = arith.andi %bitcast_convert_type3A_7, %and3A_8 : vector<64x256xi32>
    %or3A = arith.ori %shift_right_logical3A_6, %and3A_9 : vector<64x256xi32>
    %transpose3A = tpu.transpose %or3A, [1, 0] : vector<64x256xi32> -> vector<256x64xi32>
    %get3A_10 = arith.constant 0 : index
    %get3A_11 = arith.constant 0 : index
    %get3A_12 = vector.load %arg3[%get3A_10, %get3A_11] : memref<64x256xf32, #tpu.memory_space<vmem>>, vector<64x256xf32>
    %get3A_13 = arith.constant 0 : index
    %get3A_14 = arith.constant 0 : index
    %get3A_15 = vector.load %arg4[%get3A_13, %get3A_14] : memref<64x256xf32, #tpu.memory_space<vmem>>, vector<64x256xf32>
    %bitcast_convert_type3A_16 = tpu.bitcast %get3A_12 : vector<64x256xf32> -> vector<64x256xi32>
    %shift_right_logical3A_17 = arith.constant 16 : i32
    %shift_right_logical3A_18 = vector.broadcast %shift_right_logical3A_17 : i32 to vector<64x256xi32>
    %shift_right_logical3A_19 = arith.shrui %bitcast_convert_type3A_16, %shift_right_logical3A_18 : vector<64x256xi32>
    %bitcast_convert_type3A_20 = tpu.bitcast %get3A_15 : vector<64x256xf32> -> vector<64x256xi32>
    %and3A_21 = arith.constant -65536 : i32
    %and3A_22 = vector.broadcast %and3A_21 : i32 to vector<64x256xi32>
    %and3A_23 = arith.andi %bitcast_convert_type3A_20, %and3A_22 : vector<64x256xi32>
    %or3A_24 = arith.ori %shift_right_logical3A_19, %and3A_23 : vector<64x256xi32>
    %transpose3A_25 = tpu.transpose %or3A_24, [1, 0] : vector<64x256xi32> -> vector<256x64xi32>
    %concatenate3A = tpu.concatenate %transpose3A, %transpose3A_25 in 1 : vector<256x64xi32>, vector<256x64xi32> -> vector<256x128xi32>
    %swap3A = arith.constant 0 : index
    %swap3A_26 = arith.constant 0 : index
    %swap3A_27 = vector.load %arg5[%swap3A, %swap3A_26] : memref<256x128xi32, #tpu.memory_space<vmem>>, vector<256x128xi32>
    tpu.vector_store %arg5[%swap3A, %swap3A_26], %concatenate3A {strides = array<i32>} : memref<256x128xi32, #tpu.memory_space<vmem>>, vector<256x128xi32>,
    return
  }
  func.func @transform_0(%arg0: i32) -> (i32, i32) {
    %add3A = arith.constant 0 : i32
    %add3A_0 = arith.addi %arg0, %add3A : i32
    %min3A = arith.constant 3 : i32
    %min3A_1 = arith.minsi %add3A_0, %min3A : i32
    %c0_i32 = arith.constant 0 : i32
    %c0_i32_2 = arith.constant 0 : i32
    return %c0_i32, %min3A_1 : i32, i32
  }
  func.func @transform_1(%arg0: i32) -> (i32, i32) {
    %add3A = arith.constant 1 : i32
    %add3A_0 = arith.addi %arg0, %add3A : i32
    %min3A = arith.constant 3 : i32
    %min3A_1 = arith.minsi %add3A_0, %min3A : i32
    %c0_i32 = arith.constant 0 : i32
    %c0_i32_2 = arith.constant 0 : i32
    return %c0_i32, %min3A_1 : i32, i32
  }
  func.func @transform_2(%arg0: i32) -> (i32, i32) {
    %add3A = arith.constant 2 : i32
    %add3A_0 = arith.addi %arg0, %add3A : i32
    %min3A = arith.constant 3 : i32
    %min3A_1 = arith.minsi %add3A_0, %min3A : i32
    %c0_i32 = arith.constant 0 : i32
    %c0_i32_2 = arith.constant 0 : i32
    return %c0_i32, %min3A_1 : i32, i32
  }
  func.func @transform_3(%arg0: i32) -> (i32, i32) {
    %add3A = arith.constant 3 : i32
    %add3A_0 = arith.addi %arg0, %add3A : i32
    %min3A = arith.constant 3 : i32
    %min3A_1 = arith.minsi %add3A_0, %min3A : i32
    %c0_i32 = arith.constant 0 : i32
    %c0_i32_2 = arith.constant 0 : i32
    return %c0_i32, %min3A_1 : i32, i32
  }
  func.func @transform_4(%arg0: i32) -> (i32, i32) {
    %c0_i32 = arith.constant 0 : i32
    %c0_i32_0 = arith.constant 0 : i32
    return %arg0, %c0_i32 : i32, i32
  }
}

module attributes {stable_mosaic.version = 14 : i64} {
  func.func @_quad_body(%arg0: i32, %arg1: memref<64x8192xf32, #tpu.memory_space<vmem>>, %arg2: memref<64x8192xf32, #tpu.memory_space<vmem>>, %arg3: memref<64x8192xf32, #tpu.memory_space<vmem>>, %arg4: memref<64x8192xf32, #tpu.memory_space<vmem>>, %arg5: memref<8192x128xi32, #tpu.memory_space<vmem>>) attributes {dimension_semantics = [#tpu.dimension_semantics<arbitrary>], iteration_bounds = array<i64: 32>, scalar_prefetch = 0 : i64, scratch_operands = 0 : i64, tpu.core_type = #tpu.core_type<tc>, window_params = [{transform_indices = @transform_0, window_bounds = array<i64: 64, 8192>}, {transform_indices = @transform_1, window_bounds = array<i64: 64, 8192>}, {transform_indices = @transform_2, window_bounds = array<i64: 64, 8192>}, {transform_indices = @transform_3, window_bounds = array<i64: 64, 8192>}, {transform_indices = @transform_4, window_bounds = array<i64: 8192, 128>}]} {
    %get3A = arith.constant 0 : index
    %get3A_0 = arith.constant 0 : index
    %get3A_1 = vector.load %arg1[%get3A, %get3A_0] : memref<64x8192xf32, #tpu.memory_space<vmem>>, vector<64x8192xf32>
    %get3A_2 = arith.constant 0 : index
    %get3A_3 = arith.constant 0 : index
    %get3A_4 = vector.load %arg2[%get3A_2, %get3A_3] : memref<64x8192xf32, #tpu.memory_space<vmem>>, vector<64x8192xf32>
    %bitcast_convert_type3A = tpu.bitcast %get3A_1 : vector<64x8192xf32> -> vector<64x8192xi32>
    %shift_right_logical3A = arith.constant 16 : i32
    %shift_right_logical3A_5 = vector.broadcast %shift_right_logical3A : i32 to vector<64x8192xi32>
    %shift_right_logical3A_6 = arith.shrui %bitcast_convert_type3A, %shift_right_logical3A_5 : vector<64x8192xi32>
    %bitcast_convert_type3A_7 = tpu.bitcast %get3A_4 : vector<64x8192xf32> -> vector<64x8192xi32>
    %and3A = arith.constant -65536 : i32
    %and3A_8 = vector.broadcast %and3A : i32 to vector<64x8192xi32>
    %and3A_9 = arith.andi %bitcast_convert_type3A_7, %and3A_8 : vector<64x8192xi32>
    %or3A = arith.ori %shift_right_logical3A_6, %and3A_9 : vector<64x8192xi32>
    %transpose3A = tpu.transpose %or3A, [1, 0] : vector<64x8192xi32> -> vector<8192x64xi32>
    %get3A_10 = arith.constant 0 : index
    %get3A_11 = arith.constant 0 : index
    %get3A_12 = vector.load %arg3[%get3A_10, %get3A_11] : memref<64x8192xf32, #tpu.memory_space<vmem>>, vector<64x8192xf32>
    %get3A_13 = arith.constant 0 : index
    %get3A_14 = arith.constant 0 : index
    %get3A_15 = vector.load %arg4[%get3A_13, %get3A_14] : memref<64x8192xf32, #tpu.memory_space<vmem>>, vector<64x8192xf32>
    %bitcast_convert_type3A_16 = tpu.bitcast %get3A_12 : vector<64x8192xf32> -> vector<64x8192xi32>
    %shift_right_logical3A_17 = arith.constant 16 : i32
    %shift_right_logical3A_18 = vector.broadcast %shift_right_logical3A_17 : i32 to vector<64x8192xi32>
    %shift_right_logical3A_19 = arith.shrui %bitcast_convert_type3A_16, %shift_right_logical3A_18 : vector<64x8192xi32>
    %bitcast_convert_type3A_20 = tpu.bitcast %get3A_15 : vector<64x8192xf32> -> vector<64x8192xi32>
    %and3A_21 = arith.constant -65536 : i32
    %and3A_22 = vector.broadcast %and3A_21 : i32 to vector<64x8192xi32>
    %and3A_23 = arith.andi %bitcast_convert_type3A_20, %and3A_22 : vector<64x8192xi32>
    %or3A_24 = arith.ori %shift_right_logical3A_19, %and3A_23 : vector<64x8192xi32>
    %transpose3A_25 = tpu.transpose %or3A_24, [1, 0] : vector<64x8192xi32> -> vector<8192x64xi32>
    %concatenate3A = tpu.concatenate %transpose3A, %transpose3A_25 in 1 : vector<8192x64xi32>, vector<8192x64xi32> -> vector<8192x128xi32>
    %swap3A = arith.constant 0 : index
    %swap3A_26 = arith.constant 0 : index
    %swap3A_27 = vector.load %arg5[%swap3A, %swap3A_26] : memref<8192x128xi32, #tpu.memory_space<vmem>>, vector<8192x128xi32>
    tpu.vector_store %arg5[%swap3A, %swap3A_26], %concatenate3A {strides = array<i32>} : memref<8192x128xi32, #tpu.memory_space<vmem>>, vector<8192x128xi32>,
    return
  }
  func.func @transform_0(%arg0: i32) -> (i32, i32) {
    %add3A = arith.constant 0 : i32
    %add3A_0 = arith.addi %arg0, %add3A : i32
    %min3A = arith.constant 122 : i32
    %min3A_1 = arith.minsi %add3A_0, %min3A : i32
    %c0_i32 = arith.constant 0 : i32
    %c0_i32_2 = arith.constant 0 : i32
    return %c0_i32, %min3A_1 : i32, i32
  }
  func.func @transform_1(%arg0: i32) -> (i32, i32) {
    %add3A = arith.constant 32 : i32
    %add3A_0 = arith.addi %arg0, %add3A : i32
    %min3A = arith.constant 122 : i32
    %min3A_1 = arith.minsi %add3A_0, %min3A : i32
    %c0_i32 = arith.constant 0 : i32
    %c0_i32_2 = arith.constant 0 : i32
    return %c0_i32, %min3A_1 : i32, i32
  }
  func.func @transform_2(%arg0: i32) -> (i32, i32) {
    %add3A = arith.constant 64 : i32
    %add3A_0 = arith.addi %arg0, %add3A : i32
    %min3A = arith.constant 122 : i32
    %min3A_1 = arith.minsi %add3A_0, %min3A : i32
    %c0_i32 = arith.constant 0 : i32
    %c0_i32_2 = arith.constant 0 : i32
    return %c0_i32, %min3A_1 : i32, i32
  }
  func.func @transform_3(%arg0: i32) -> (i32, i32) {
    %add3A = arith.constant 96 : i32
    %add3A_0 = arith.addi %arg0, %add3A : i32
    %min3A = arith.constant 122 : i32
    %min3A_1 = arith.minsi %add3A_0, %min3A : i32
    %c0_i32 = arith.constant 0 : i32
    %c0_i32_2 = arith.constant 0 : i32
    return %c0_i32, %min3A_1 : i32, i32
  }
  func.func @transform_4(%arg0: i32) -> (i32, i32) {
    %c0_i32 = arith.constant 0 : i32
    %c0_i32_0 = arith.constant 0 : i32
    return %arg0, %c0_i32 : i32, i32
  }
}

</mosaic_0001>

<sc_bundles>
// kernel: kernel.5.cloned.1.call-start
scs
__scs_entry_jumppad:
0x0: {  	(pc) =	sbr.rel $0x88, $3  }
0x1: {  	(tag) =	ssettag $0x0;
	lr =	simm.s32 $0x1  }
0x2: {  	[smem:$0x3F9B] =	sst lr;
	_ =	strace $0xD0000000  }
0x3: {  	_ = 	snop  }
0x4: {  	_ = 	snop  }
0x5: {  	_ = 	snop  }
0x6: {  	_ = 	snop  }
0x7: {  	_ = 	snop  }
__scs_overlays_trampoline_lowered:
0x8: {  	[smem:$0x3FAA] =	sst s0  }
0x9: {  	[smem:$0x3FAB] =	sst s1  }
0xa: {  	[smem:$0x3FAC] =	sst s2  }
0xb: {  	[smem:$0x3FAD] =	sst s3  }
0xc: {  	[smem:$0x3FAE] =	sst s4  }
0xd: {  	[smem:$0x3FAF] =	sst s5  }
0xe: {  	[smem:$0x3FB0] =	sst s6  }
0xf: {  	[smem:$0x3FB1] =	sst s7  }
0x10: {  	[smem:$0x3FB2] =	sst s8  }
0x11: {  	[smem:$0x3FB3] =	sst s9;
	s0 =	simm.s32 @!p0 $0x0  }
0x12: {  	s1 =	sld [smem:$0x3F99];
	s0 =	simm.s32 @p0 $0x1  }
0x13: {  	[smem:$0x3FB4] =	sst s0;
	s0 =	simm.s32 @!p1 $0x0  }
0x14: {  	s2 =	sld [smem:$0x3F98];
	s0 =	simm.s32 @p1 $0x1  }
0x15: {  	[smem:$0x3FB5] =	sst s0;
	s0 =	simm.s32 @!p2 $0x0  }
0x16: {  	s3 =	sld [smem:$0x3FDB];
	s0 =	simm.s32 @p2 $0x1  }
0x17: {  	s4 =	simm.s32 $0x1BF5;
	[smem:$0x3FB7] =	sst s0  }
0x18: {  	s0 =	sld [smem:$0x3F9A];
	_ =	swait.ge [sflag:s4], $0x0  }
0x19: {  	s7 =	sld [smem:$0x3F9B]  }
0x1a: {  	s8 =	sadd.s32 $0xFFFFE003, lr  }
0x1b: {  	s9 =	sadd.s32 $0xFFFFFEF7, lr;
	s5 =	simm.s32 $0xFFFFFFFF;
	p2 =	slt.u32 s8, $0xFFFFF086  }
0x1c: {  	p1 =	slt.u32 s9, $0xF7A;
	s5 =	simm.s32 @!p2 $0x0  }
0x1d: {  	s5 =	simm.s32 @p1 $0x1;
	p0 =	seq.s32 s7, s2  }
0x1e: {  	s7 =	smul.u32 @!p0 $0xF7A, s2;
	p2 =	seq.s32 @!p0 s5, $0x0  }
0x1f: {  	s9 =	smul.u32 $0xF7A, s1;
	s8 =	simm.s32 @!p0 $0x1BF5;
	p2 =	por !p2, p0  }
0x20: {  	[sflag:s8] =	ssyncset.s32 @!p0 $0xFFFFF086;
	s6 =	sadd.s32 @!p0 s3, s7;
	s7 =	simm.s32 @!p0 $0x108  }
0x21: {  	s3 =	sadd.s32 s3, s9;
	s6 =	sadd.s32 @!p0 $0x88, s6;
	s7 =	simm.s32 @p2 $0x1082  }
0x22: {  	[simem:s7], [sflag:s8] =	dma.local @!p0 [hbm:s6], $0xF7A  }
0x23: {  	s9 =	sor.u32 $0xD0000000, s2;
	s6 =	simm.s32 $0x108;
	_ =	swait.ge @!p0 [sflag:s8], $0x0  }
0x24: {  	s3 =	sadd.s32 $0x88, s3;
	s6 =	simm.s32 @!p1 $0x1082;
	[sflag:s4] =	ssyncset.s32 $0xFFFFF086  }
0x25: {  	[simem:s6], [sflag:s4] =	dma.local [hbm:s3], $0xF7A  }
0x26: {  	[smem:$0x3F9B] =	sst s1;
	(tag) =	ssettag s2;
	_ =	strace s9  }
0x27: {  	s1 =	sld [smem:$0x3FAB]  }
0x28: {  	s2 =	sld [smem:$0x3FAC]  }
0x29: {  	s4 =	sld [smem:$0x3FAE]  }
0x2a: {  	p0 =	seq.s32 s5, $0x0;
	s5 =	sld [smem:$0x3FAF]  }
0x2b: {  	s6 =	sld [smem:$0x3FB0]  }
0x2c: {  	s7 =	sld [smem:$0x3FB1]  }
0x2d: {  	s3 =	simm.s32 $0x108;
	s8 =	sld [smem:$0x3FB2]  }
0x2e: {  	s3 =	simm.s32 @!p0 $0x1082;
	s9 =	sld [smem:$0x3FB3]  }
0x2f: {  	lr =	sadd.s32 s0, s3;
	s0 =	sld [smem:$0x3FAA]  }
0x30: {  	s3 =	sld [smem:$0x3FAD]  }
0x31: {  	[smem:$0x3FB6] =	sst s10  }
0x32: {  	s10 =	sld [smem:$0x3FB4];
	_ =	sdelay $0x3  }
0x33: {  	p0 =	seq.s32 s10, $0x1;
	s10 =	sld [smem:$0x3FB6];
	_ =	sdelay $0x3  }
0x34: {  	[smem:$0x3FB6] =	sst s10  }
0x35: {  	s10 =	sld [smem:$0x3FB5];
	_ =	sdelay $0x3  }
0x36: {  	p1 =	seq.s32 s10, $0x1;
	s10 =	sld [smem:$0x3FB6];
	_ =	sdelay $0x3  }
0x37: {  	[smem:$0x3FB6] =	sst s10  }
0x38: {  	s10 =	sld [smem:$0x3FB7]  }
0x39: {  	_ = 	snop;
	(pc) =	sbr.ind lr, $3  }
0x3a: {  	_ = 	snop  }
0x3b: {  	_ = 	snop  }
0x3c: {  	p2 =	seq.s32 s10, $0x1;
	s10 =	sld [smem:$0x3FB6]  }
0x3d: {  	_ =	shalt  }
0x3e: {  	_ =	shalt  }
0x3f: {  	_ =	shalt  }
0x40: {  	_ =	shalt  }
0x41: {  	_ =	shalt  }
0x42: {  	_ =	shalt  }
0x43: {  	_ =	shalt  }
0x44: {  	_ =	shalt  }
0x45: {  	_ =	shalt  }
0x46: {  	_ =	shalt  }
0x47: {  	_ =	shalt  }
0x48: {  	_ =	shalt  }
0x49: {  	_ =	shalt  }
0x4a: {  	_ =	shalt  }
0x4b: {  	_ =	shalt  }
0x4c: {  	_ =	shalt  }
0x4d: {  	_ =	shalt  }
0x4e: {  	_ =	shalt  }
0x4f: {  	_ =	shalt  }
0x50: {  	_ =	shalt  }
0x51: {  	_ =	shalt  }
0x52: {  	_ =	shalt  }
0x53: {  	_ =	shalt  }
0x54: {  	_ =	shalt  }
0x55: {  	_ =	shalt  }
0x56: {  	_ =	shalt  }
0x57: {  	_ =	shalt  }
0x58: {  	_ =	shalt  }
0x59: {  	_ =	shalt  }
0x5a: {  	_ =	shalt  }
0x5b: {  	_ =	shalt  }
0x5c: {  	_ =	shalt  }
0x5d: {  	_ =	shalt  }
0x5e: {  	_ =	shalt  }
0x5f: {  	_ =	shalt  }
0x60: {  	_ =	shalt  }
0x61: {  	_ =	shalt  }
0x62: {  	_ =	shalt  }
0x63: {  	_ =	shalt  }
0x64: {  	_ =	shalt  }
0x65: {  	_ =	shalt  }
0x66: {  	_ =	shalt  }
0x67: {  	_ =	shalt  }
0x68: {  	_ =	shalt  }
0x69: {  	_ =	shalt  }
0x6a: {  	_ =	shalt  }
0x6b: {  	_ =	shalt  }
0x6c: {  	_ =	shalt  }
0x6d: {  	_ =	shalt  }
0x6e: {  	_ =	shalt  }
0x6f: {  	_ =	shalt  }
0x70: {  	_ =	shalt  }
0x71: {  	_ =	shalt  }
0x72: {  	_ =	shalt  }
0x73: {  	_ =	shalt  }
0x74: {  	_ =	shalt  }
0x75: {  	_ =	shalt  }
0x76: {  	_ =	shalt  }
0x77: {  	_ =	shalt  }
0x78: {  	_ =	shalt  }
0x79: {  	_ =	shalt  }
0x7a: {  	_ =	shalt  }
0x7b: {  	_ =	shalt  }
0x7c: {  	_ =	shalt  }
0x7d: {  	_ =	shalt  }
0x7e: {  	_ =	shalt  }
0x7f: {  	_ =	shalt  }
0x80: {  	_ =	shalt  }
0x81: {  	_ =	shalt  }
0x82: {  	_ =	shalt  }
0x83: {  	_ =	shalt  }
0x84: {  	_ =	shalt  }
0x85: {  	_ =	shalt  }
0x86: {  	_ =	shalt  }
0x87: {  	_ =	shalt  }
.Lfunc_end0:
.L_simem_size_0:
called_computation_lowered:
.L_overlay_start_0:
0x88: {  	s2 =	sld [smem:$0x3FD9]  }
0x89: {  	s3 =	sld [smem:$0x3FFE];
	_ =	sdelay $0x1  }
0x8a: {  	s1 =	srdreg.scid  }
0x8b: {  	s0 =	sand.u32 $0x1, s1  }
0x8c: {  	s14 =	sshll.u32 s0, $0xA;
	s2 =	sadd.s32 s3, s2  }
0x8d: {  	s2 =	sadd.s32 s2, s14  }
0x8e: {  	[smem:$0x3FC2] =	sst s2  }
0x8f: {  	_ = 	snop  }
0x90: {  	s2 =	sld [smem:$0x3FD0];
	_ =	sdelay $0x2  }
0x91: {  	s15 =	simm.s32 $0xA;
	s4 =	simm.s32 $0x10  }
0x92: {  	[smem:s4], [sflag:s15] =	dma.local [hbm:s2], $0x1  }
0x93: {  	_ =	swait.eq [sflag:s15], $0x1  }
0x94: {  	[sflag:s15] =	ssyncset.done $0x0  }
0x95: {  	s16 =	sld [smem:$0x10];
	[sflag:s15] =	ssyncadd.s32 $0xFFFFFFFF  }
0x96: {  	s17 =	sld [smem:$0x11];
	(tm) =	ssettm $0x1  }
0x97: {  	s18 =	sld [smem:$0x3FFB];
	_ =	sdelay $0x3  }
0x98: {  	_ =	strace s18  }
0x99: {  	s4 =	sld [smem:$0x3FFC];
	_ =	sdelay $0x3  }
0x9a: {  	_ =	strace s4  }
0x9b: {  	s4 =	sld [smem:$0x3FFD];
	_ =	sdelay $0x3  }
0x9c: {  	_ =	strace s4  }
0x9d: {  	_ =	strace $0x8FFFFFFF  }
0x9e: {  	s19 =	sld [smem:$0x3FDB];
	_ =	sdelay $0x1  }
0x9f: {  	s5 =	simm.s32 $_scs_section_size  }
0xa0: {  	s6 =	simm.s32 $_size__tile_overlayer_lowered;
	s7 =	simm.s32 $_tile_overlayer_lowered  }
0xa1: {  	s22 =	simm.s32 $0x1BFF;
	s21 =	sshll.u32 s7, $0x1;
	s4 =	sadd.s32 s5, s19  }
0xa2: {  	s8 =	simm.s32 $0x0;
	s20 =	sshll.u32 s6, $0x1;
	s6 =	sadd.s32 s21, s4  }
0xa3: {  	[timem:s8], [sflag:s22] =	dma.local [hbm:s6], s20  }
0xa4: {  	_ =	swait.ge [sflag:s22], s20  }
0xa5: {  	s5 =	ssub.s32 $0x0, s20;
	[sflag:s22] =	ssyncset.done $0x0  }
0xa6: {  	[sflag:s22] =	ssyncadd.s32 s5;
	_ =	sdelay $0x1  }
0xa7: {  	s23 =	simm.s32 $0x1B8B  }
0xa8: {  	_ =	swait.ge [sflag:s23], $0x1  }
0xa9: {  	[sflag:s23] =	ssyncset.done $0x0  }
0xaa: {  	s25 =	simm.s32 $0x1B8E;
	s24 =	sld [smem:$0x3FFE];
	[sflag:s23] =	ssyncadd.s32 $0xFFFFFFFF  }
0xab: {  	s26 =	simm.s32 $execute0_lowered;
	[smem:$0x3FD2] =	sst s25  }
0xac: {  	s6 =	sshll.u32 s26, $0x1;
	_ =	strace $0x80000046;
	[dreg:$0x1] =	wrdreg $0xFFFFFFFF  }
0xad: {  	s28 =	simm.s32 $_size_execute0_lowered;
	s4 =	sadd.s32 s4, s6;
	[dreg:$0x0] =	wrdreg $0x0  }
0xae: {  	s6 =	sshll.u32 s28, $0x1;
	[dreg:$0x2] =	wrdreg s4  }
0xaf: {  	[dreg:$0x3] =	wrdreg s6  }
0xb0: {  	[dreg:$0x4] =	wrdreg $0xC0  }
0xb1: {  	_ =	task [dreg:s8], $0x5FFFF  }
0xb2: {  	[dreg:$0x1] =	wrdreg $0xFFFFFFFF  }
0xb3: {  	[dreg:$0x0] =	wrdreg $0x60  }
0xb4: {  	[dreg:$0x2] =	wrdreg s24  }
0xb5: {  	[dreg:$0x3] =	wrdreg s16  }
0xb6: {  	[dreg:$0x4] =	wrdreg s17  }
0xb7: {  	[dreg:$0x5] =	wrdreg $0x9  }
0xb8: {  	_ =	task.clear_ibuf [dreg:s8], $0x6FFFF;
	_ =	strace $0x90000046  }
0xb9: {  	s29 =	simm.s32 $0x9;
	_ =	strace $0x80000048  }
0xba: {  	_ =	swait.ge [sflag:s29], $0x1  }
0xbb: {  	[sflag:s29] =	ssyncadd.s32 $0xFFFFFFFF  }
0xbc: {  	_ =	strace $0x90000048  }
0xbd: {  	_ =	sfence  }
0xbe: {  	s30 =	sld [smem:$0x0];
	_ =	sdelay $0x2  }
0xbf: {  	s31 =	sshll.u32 s1, $0xD;
	s1 =	sshrl.u32 s1, $0x2  }
0xc0: {  	s3 =	sand.u32 $0x4000, s31;
	s1 =	sadd.s32 s1, s30  }
0xc1: {  	s0 =	sor.u32 s3, s0;
	s1 =	sshll.u32 s1, $0x11  }
0xc2: {  	s0 =	sor.u32 s1, s0  }
0xc3: {  	s0 =	sadd.s32 $0x8F2B, s0  }
0xc4: {  	[sflag:s0] =	ssyncadd.remote.s32 $0x1  }
0xc5: {  	_ =	sfence.sel $0xFFFF  }
0xc6: {  	[dreg:$0x0] =	wrdreg $0xFFFFFFFF;
	(pc) =	sbr.abs _section_cstart, $3  }
0xc7: {  	[dreg:$0x1] =	wrdreg $0xFFFFFFFF  }
0xc8: {  	_ =	task.clear_ibuf [dreg:s8], $0x2FFFF;
	_ =	strace $0x9FFFFFFF  }
0xc9: {  	(tm) =	ssettm $0x7FFFFFFF  }
tec
execute0_lowered:
.L_overlay_start_1:
0x0: {  	(tag) =	ssettag $0x1  }
0x1: {  	s0 =	rddreg [dreg:$0x0]  }
0x2: {  	s1 =	rddreg [dreg:$0x1]  }
0x3: {  	s5 =	rddreg [dreg:$0x2];
	s3 =	srdreg.scid  }
0x4: {  	s2 =	simm.s32 $0x0;
	s4 =	stileid.u32;
	s28 =	simm.s32 $0x1800  }
0x5: {  	s29 =	simm.s32 $0x5800;
	s30 =	simm.s32 $0x9800;
	s31 =	simm.s32 $0xD800  }
0x6: {  	s3 =	sand.u32 $0x1, s3;
	[smem:$0x7FF] =	sst s2;
	s4 =	sshll.u32 s4, $0x7  }
0x7: {  	s6 =	sshll.u32 s3, $0x6;
	_ =	strace $0x80000047;
	s20 =	ssub.s32 $0x2, s3  }
0x8: {  	s3 =	sadd.s32 $0x8400, s0;
	s19 =	sor.u32 s6, s4;
	s7 =	sshrl.u32 s20, $0x1  }
0x9: {  	s4 =	sadd.s32 $0x1400, s0;
	s16 =	sadd.s32 s19, s0;
	s21 =	ssub.s32 s20, s7  }
0xa: {  	s20 =	sor.u32 $0x800, s19;
	s17 =	sadd.s32 s1, s19;
	s19 =	sadd.s32 s5, s19  }
0xb: {  	s0 =	simm.s32 $0x2;
	s22 =	sadd.s32 $0x3400, s16;
	s23 =	sadd.s32 $0x4C00, s16  }
0xc: {  	s24 =	sadd.s32 $0x6400, s16;
	s25 =	sadd.s32 $0x7C00, s16;
	s26 =	sadd.s32 $0x2C00, s16  }
0xd: {  	s10 =	sadd.s32 $0x4400, s16;
	s11 =	sadd.s32 $0x5C00, s16;
	s12 =	sadd.s32 $0x7400, s16  }
0xe: {  	s13 =	sadd.s32 $0x2400, s16;
	s14 =	sadd.s32 $0x3C00, s16;
	[dreg:$0x4] =	wrdreg s22  }
0xf: {  	v3 =	vlaneseq.u32;
	s15 =	sadd.s32 $0x5400, s16;
	s16 =	sadd.s32 $0x6C00, s16;
	[dreg:$0x5] =	wrdreg s23  }
0x10: {  	v0 =	vmul.u32 $0x80, v3;
	s18 =	sadd.s32 s1, s20;
	s20 =	sadd.s32 s5, s20;
	[dreg:$0x6] =	wrdreg s24  }
0x11: {  	s21 =	smax.u32 s21, $0x1;
	s1 =	simm.s32 $0x0;
	[dreg:$0x7] =	wrdreg s25  }
0x12: {  	[tilespmem:$0x1FFF0] =	vst v0;
	[dreg:$0x8] =	wrdreg s26;
	s25 =	simm.s32 $0x1;
	s26 =	simm.s32 $0x80  }
.LBB2_1:
0x13: {  	s5 =	rddreg [dreg:$0x4]  }
0x14: {  	[tilespmem:s2], [sflag:$0x1] =	stream.linear.gather [hbm4b:s5+s2], $0x200, $0x38;
	[tilespmem:$0x12000] =	vst v63  }
0x15: {  	s9 =	rddreg [dreg:$0x5];
	s6 =	simm.s32 $0x200  }
0x16: {  	[tilespmem:s6], [sflag:$0x1] =	stream.linear.gather [hbm4b:s9+s2], $0x200, $0x38;
	[tilespmem:$0x12000] =	vst v63  }
0x17: {  	s22 =	rddreg [dreg:$0x6];
	s7 =	simm.s32 $0x400  }
0x18: {  	[tilespmem:s7], [sflag:$0x1] =	stream.linear.gather [hbm4b:s22+s2], $0x200, $0x38;
	[tilespmem:$0x12000] =	vst v63  }
0x19: {  	s23 =	rddreg [dreg:$0x7];
	s8 =	simm.s32 $0x600  }
0x1a: {  	[tilespmem:s8], [sflag:$0x1] =	stream.linear.gather [hbm4b:s23+s2], $0x200, $0x38;
	[tilespmem:$0x12000] =	vst v63  }
0x1b: {  	s24 =	rddreg [dreg:$0x8];
	s9 =	simm.s32 $0x800  }
0x1c: {  	[tilespmem:s9], [sflag:$0x1] =	stream.linear.gather [hbm4b:s24+s2], $0x200, $0x38;
	[tilespmem:$0x12000] =	vst v63  }
0x1d: {  	s22 =	simm.s32 $0xA00  }
0x1e: {  	[tilespmem:s22], [sflag:$0x1] =	stream.linear.gather [hbm4b:s10+s2], $0x200, $0x38;
	[tilespmem:$0x12000] =	vst v63  }
0x1f: {  	s23 =	simm.s32 $0xC00  }
0x20: {  	[tilespmem:s23], [sflag:$0x1] =	stream.linear.gather [hbm4b:s11+s2], $0x200, $0x38;
	[tilespmem:$0x12000] =	vst v63  }
0x21: {  	s24 =	simm.s32 $0xE00  }
0x22: {  	[tilespmem:s24], [sflag:$0x1] =	stream.linear.gather [hbm4b:s12+s2], $0x200, $0x38;
	[tilespmem:$0x12000] =	vst v63  }
0x23: {  	s9 =	simm.s32 $0x1000  }
0x24: {  	[tilespmem:s9], [sflag:$0x1] =	stream.linear.gather [hbm4b:s13+s2], $0x200, $0x38;
	[tilespmem:$0x12000] =	vst v63  }
0x25: {  	s22 =	simm.s32 $0x1200  }
0x26: {  	[tilespmem:s22], [sflag:$0x1] =	stream.linear.gather [hbm4b:s14+s2], $0x200, $0x38;
	[tilespmem:$0x12000] =	vst v63  }
0x27: {  	s23 =	simm.s32 $0x1400  }
0x28: {  	[tilespmem:s23], [sflag:$0x1] =	stream.linear.gather [hbm4b:s15+s2], $0x200, $0x38;
	[tilespmem:$0x12000] =	vst v63  }
0x29: {  	s24 =	simm.s32 $0x1600  }
0x2a: {  	[tilespmem:s24], [sflag:$0x1] =	stream.linear.gather [hbm4b:s16+s2], $0x200, $0x38;
	[tilespmem:$0x12000] =	vst v63  }
0x2b: {  	_ =	swait.ge [sflag:s25], $0x200  }
0x2c: {  	[sflag:s25] =	ssyncset.done $0x0  }
0x2d: {  	[sflag:s25] =	ssyncadd.s32 $0xFFFFFE00  }
0x2e: {  	_ =	swait.ge [sflag:s25], $0x200  }
0x2f: {  	[sflag:s25] =	ssyncset.done $0x0  }
0x30: {  	[sflag:s25] =	ssyncadd.s32 $0xFFFFFE00  }
0x31: {  	_ =	swait.ge [sflag:s25], $0x200  }
0x32: {  	[sflag:s25] =	ssyncset.done $0x0  }
0x33: {  	[sflag:s25] =	ssyncadd.s32 $0xFFFFFE00  }
0x34: {  	_ =	swait.ge [sflag:s25], $0x200  }
0x35: {  	[sflag:s25] =	ssyncset.done $0x0  }
0x36: {  	[sflag:s25] =	ssyncadd.s32 $0xFFFFFE00  }
0x37: {  	_ =	swait.ge [sflag:s25], $0x200  }
0x38: {  	[sflag:s25] =	ssyncset.done $0x0  }
0x39: {  	[sflag:s25] =	ssyncadd.s32 $0xFFFFFE00  }
0x3a: {  	_ =	swait.ge [sflag:s25], $0x200  }
0x3b: {  	[sflag:s25] =	ssyncset.done $0x0  }
0x3c: {  	[sflag:s25] =	ssyncadd.s32 $0xFFFFFE00  }
0x3d: {  	_ =	swait.ge [sflag:s25], $0x200  }
0x3e: {  	[sflag:s25] =	ssyncset.done $0x0  }
0x3f: {  	[sflag:s25] =	ssyncadd.s32 $0xFFFFFE00  }
0x40: {  	_ =	swait.ge [sflag:s25], $0x200  }
0x41: {  	[sflag:s25] =	ssyncset.done $0x0  }
0x42: {  	[sflag:s25] =	ssyncadd.s32 $0xFFFFFE00  }
0x43: {  	_ =	swait.ge [sflag:s25], $0x200  }
0x44: {  	[sflag:s25] =	ssyncset.done $0x0  }
0x45: {  	[sflag:s25] =	ssyncadd.s32 $0xFFFFFE00  }
0x46: {  	_ =	swait.ge [sflag:s25], $0x200  }
0x47: {  	[sflag:s25] =	ssyncset.done $0x0  }
0x48: {  	[sflag:s25] =	ssyncadd.s32 $0xFFFFFE00  }
0x49: {  	_ =	swait.ge [sflag:s25], $0x200  }
0x4a: {  	[sflag:s25] =	ssyncset.done $0x0  }
0x4b: {  	[sflag:s25] =	ssyncadd.s32 $0xFFFFFE00  }
0x4c: {  	_ =	swait.ge [sflag:s25], $0x200  }
0x4d: {  	[sflag:s25] =	ssyncset.done $0x0  }
0x4e: {  	[sflag:s25] =	ssyncadd.s32 $0xFFFFFE00  }
0x4f: {  	[tilespmem:s28], [sflag:$0x1] =	stream.indirect.gather [hbm4b:s3+s26], $0x80, s2, s26, $0xb8;
	[tilespmem:$0x12000] =	vst v63  }
0x50: {  	_ = 	snop  }
0x51: {  	[tilespmem:s29], [sflag:$0x1] =	stream.indirect.gather [hbm4b:s4+s26], $0x80, s6, s26, $0xb8;
	[tilespmem:$0x12000] =	vst v63  }
0x52: {  	_ = 	snop  }
0x53: {  	[tilespmem:s30], [sflag:$0x1] =	stream.indirect.gather [hbm4b:s3+s26], $0x80, s7, s26, $0xb8;
	[tilespmem:$0x12000] =	vst v63  }
0x54: {  	_ = 	snop  }
0x55: {  	[tilespmem:s31], [sflag:$0x1] =	stream.indirect.gather [hbm4b:s3+s26], $0x80, s8, s26, $0xb8;
	[tilespmem:$0x12000] =	vst v63  }
0x56: {  	_ =	swait.ge [sflag:s25], $0x4000  }
0x57: {  	[sflag:s25] =	ssyncset.done $0x0  }
0x58: {  	[sflag:s25] =	ssyncadd.s32 $0xFFFFC000  }
0x59: {  	_ =	swait.ge [sflag:s25], $0x4000  }
0x5a: {  	[sflag:s25] =	ssyncset.done $0x0  }
0x5b: {  	[sflag:s25] =	ssyncadd.s32 $0xFFFFC000  }
0x5c: {  	_ =	swait.ge [sflag:s25], $0x4000  }
0x5d: {  	[sflag:s25] =	ssyncset.done $0x0  }
0x5e: {  	[sflag:s25] =	ssyncadd.s32 $0xFFFFC000  }
0x5f: {  	_ =	swait.ge [sflag:s25], $0x4000  }
0x60: {  	[sflag:s25] =	ssyncset.done $0x0  }
0x61: {  	s22 =	simm.s32 $0x0;
	[sflag:s25] =	ssyncadd.s32 $0xFFFFC000  }
.LBB2_2:
0x62: {  	s23 =	sshll.u32 s22, $0x4;
	v6 =	vld [tilespmem:$0x1FFF0]  }
0x63: {  	v1 =	vld [tilespmem:s23+$0x1400]  }
0x64: {  	v4 =	vld [tilespmem:s23+$0x1600]  }
0x65: {  	v7 =	vimm.f32 $0.0e+00;
	s24 =	simm.s32 $0x6;
	s6 =	simm.s32 $0x5;
	s8 =	simm.s32 $0x3;
	v5 =	vld [tilespmem:s23+$0x1200];
	v2 =	vmov s23  }
0x66: {  	s7 =	simm.s32 $0x4;
	v0 =	vld [tilespmem:s23+$0x1000];
	[tilespmem:$0x1FE60] =	vst v7;
	v7 =	vadd.s32 s24, v3;
	s24 =	simm.s32 $0x2;
	v8 =	vadd.s32 s6, v3;
	v10 =	vadd.s32 s8, v3  }
0x67: {  	v11 =	vadd.s32 s7, v3;
	v2 =	vshll.u32 v2, $0x7;
	v9 =	vadd.s32 s24, v3  }
0x68: {  	v11 =	vand.u32 $0x3F, v11;
	v8 =	vand.u32 $0x3F, v8;
	v2 =	vor.u32 v6, v2;
	v6 =	vld [tilespmem:s23+$0x800]  }
0x69: {  	v41 =	vld [tilespmem:s23+$0xC00];
	v7 =	vand.u32 $0x3F, v7;
	v10 =	vand.u32 $0x3F, v10;
	v9 =	vand.u32 $0x3F, v9  }
0x6a: {  	s5 =	simm.s32 $0x0;
	s9 =	simm.s32 $0x7;
	vm2 =	veq.s32 v4, $0x0;
	vm1 =	veq.s32 v1, $0x0;
	v4 =	vld [tilespmem:s23+$0xE00];
	vm0 =	veq.s32 v5, $0x0  }
0x6b: {  	vm3 =	veq.s32 v0, $0x0;
	v0 =	vadd.s32 s5, v3;
	v5 =	vld [tilespmem:s23+$0xA00];
	v1 =	vadd.s32 s9, v3;
	s9 =	simm.s32 $0x1  }
0x6c: {  	v0 =	vand.u32 $0x3F, v0;
	v12 =	vadd.s32 s9, v3;
	v1 =	vand.u32 $0x3F, v1  }
0x6d: {  	v12 =	vand.u32 $0x3F, v12;
	v14 =	vadd.s32 v6, v0;
	v18 =	vadd.s32 v6, v1  }
0x6e: {  	v21 =	vadd.s32 v6, v7;
	v24 =	vadd.s32 v6, v8;
	v27 =	vadd.s32 v6, v11  }
0x6f: {  	v30 =	vadd.s32 v6, v10;
	v34 =	vadd.s32 v6, v9;
	v39 =	vadd.s32 v6, v12  }
0x70: {  	v13 =	vadd.s32 v4, v0;
	v15 =	vadd.s32 v5, v0;
	v0 =	vadd.s32 v41, v0  }
0x71: {  	v16 =	vadd.s32 v4, v7;
	v17 =	vadd.s32 v4, v1;
	v19 =	vadd.s32 v5, v1  }
0x72: {  	v1 =	vadd.s32 v41, v1;
	v20 =	vadd.s32 v4, v8;
	v22 =	vadd.s32 v5, v7  }
0x73: {  	v23 =	vadd.s32 v4, v11;
	v7 =	vadd.s32 v41, v7;
	v25 =	vadd.s32 v4, v10  }
0x74: {  	v26 =	vadd.s32 v5, v8;
	v8 =	vadd.s32 v41, v8;
	v28 =	vadd.s32 v5, v11  }
0x75: {  	v11 =	vadd.s32 v41, v11;
	v29 =	vadd.s32 v4, v9;
	v31 =	vadd.s32 v5, v10  }
0x76: {  	v33 =	vadd.s32 v4, v12;
	v10 =	vadd.s32 v41, v10;
	v35 =	vadd.s32 v5, v9  }
0x77: {  	v9 =	vadd.s32 v41, v9;
	v36 =	vand.u32 $0x7, v14;
	v40 =	vadd.s32 v5, v12  }
0x78: {  	v14 =	vand.u32 $0xFFFFFFF8, v14;
	v12 =	vadd.s32 v41, v12;
	v43 =	vand.u32 $0x7, v18  }
0x79: {  	v18 =	vand.u32 $0xFFFFFFF8, v18;
	v47 =	vand.u32 $0x7, v21;
	v21 =	vand.u32 $0xFFFFFFF8, v21  }
0x7a: {  	v51 =	vand.u32 $0x7, v24;
	v24 =	vand.u32 $0xFFFFFFF8, v24;
	v55 =	vand.u32 $0x7, v27  }
0x7b: {  	v27 =	vand.u32 $0xFFFFFFF8, v27;
	v59 =	vand.u32 $0x7, v30;
	v30 =	vand.u32 $0xFFFFFFF8, v30  }
0x7c: {  	v32 =	vand.u32 $0x7, v13;
	v37 =	vand.u32 $0x7, v15;
	v13 =	vand.u32 $0xFFFFFFF8, v13  }
0x7d: {  	v38 =	vand.u32 $0x7, v0;
	v15 =	vand.u32 $0xFFFFFFF8, v15;
	v0 =	vand.u32 $0xFFFFFFF8, v0  }
0x7e: {  	[tilespmem:$0x1FEA0] =	vst v41;
	v41 =	vand.u32 $0xFFFFFFF8, v17;
	v17 =	vand.u32 $0x7, v17;
	v42 =	vand.u32 $0x7, v16  }
0x7f: {  	v44 =	vand.u32 $0x7, v19;
	v16 =	vand.u32 $0xFFFFFFF8, v16;
	v45 =	vand.u32 $0x7, v1  }
0x80: {  	v46 =	vand.u32 $0x7, v20;
	v19 =	vand.u32 $0xFFFFFFF8, v19;
	v1 =	vand.u32 $0xFFFFFFF8, v1  }
0x81: {  	v48 =	vand.u32 $0x7, v22;
	v49 =	vand.u32 $0x7, v7;
	v20 =	vand.u32 $0xFFFFFFF8, v20  }
0x82: {  	v22 =	vand.u32 $0xFFFFFFF8, v22;
	v50 =	vand.u32 $0x7, v23;
	v7 =	vand.u32 $0xFFFFFFF8, v7  }
0x83: {  	v23 =	vand.u32 $0xFFFFFFF8, v23;
	v52 =	vand.u32 $0x7, v26;
	v53 =	vand.u32 $0x7, v8  }
0x84: {  	v26 =	vand.u32 $0xFFFFFFF8, v26;
	v8 =	vand.u32 $0xFFFFFFF8, v8;
	v54 =	vand.u32 $0x7, v25  }
0x85: {  	v56 =	vand.u32 $0x7, v28;
	v25 =	vand.u32 $0xFFFFFFF8, v25;
	v57 =	vand.u32 $0x7, v11  }
0x86: {  	v58 =	vand.u32 $0x7, v29;
	v28 =	vand.u32 $0xFFFFFFF8, v28;
	v11 =	vand.u32 $0xFFFFFFF8, v11  }
0x87: {  	v60 =	vand.u32 $0x7, v31;
	v61 =	vand.u32 $0x7, v10;
	v29 =	vand.u32 $0xFFFFFFF8, v29  }
0x88: {  	v31 =	vand.u32 $0xFFFFFFF8, v31;
	v62 =	vand.u32 $0x7, v33;
	v10 =	vand.u32 $0xFFFFFFF8, v10  }
0x89: {  	v14 =	vadd.s32 v2, v14;
	v33 =	vand.u32 $0xFFFFFFF8, v33;
	v63 =	vand.u32 $0x7, v12  }
0x8a: {  	v12 =	vand.u32 $0xFFFFFFF8, v12;
	v18 =	vadd.s32 v2, v18;
	v21 =	vadd.s32 v2, v21  }
0x8b: {  	v24 =	vadd.s32 v2, v24;
	v27 =	vadd.s32 v2, v27;
	v30 =	vadd.s32 v2, v30  }
0x8c: {  	v13 =	vadd.s32 v2, v13;
	v14 =	vor.u32 v36, v14;
	v15 =	vadd.s32 v2, v15  }
0x8d: {  	v36 =	vand.u32 $0x7, v35;
	v35 =	vand.u32 $0xFFFFFFF8, v35;
	v0 =	vadd.s32 v2, v0  }
0x8e: {  	v41 =	vadd.s32 v2, v41;
	v16 =	vadd.s32 v2, v16;
	v18 =	vor.u32 v43, v18  }
0x8f: {  	v19 =	vadd.s32 v2, v19;
	v20 =	vadd.s32 v2, v20;
	v21 =	vor.u32 v47, v21  }
0x90: {  	v1 =	vadd.s32 v2, v1;
	v22 =	vadd.s32 v2, v22;
	v24 =	vor.u32 v51, v24  }
0x91: {  	v23 =	vadd.s32 v2, v23;
	v7 =	vadd.s32 v2, v7;
	v27 =	vor.u32 v55, v27  }
0x92: {  	v26 =	vadd.s32 v2, v26;
	v25 =	vadd.s32 v2, v25;
	v13 =	vor.u32 v32, v13;
	v14 =	vld.idx.msk [tilespmem:v14+s28+$0x0], $0xffff  }
0x93: {  	v8 =	vadd.s32 v2, v8;
	v28 =	vadd.s32 v2, v28;
	v15 =	vor.u32 v37, v15;
	v18 =	vld.idx.msk [tilespmem:v18+s28+$0x0], $0xffff  }
0x94: {  	v29 =	vadd.s32 v2, v29;
	v11 =	vadd.s32 v2, v11;
	v0 =	vor.u32 v38, v0;
	v21 =	vld.idx.msk [tilespmem:v21+s28+$0x0], $0xffff  }
0x95: {  	v31 =	vadd.s32 v2, v31;
	v33 =	vadd.s32 v2, v33;
	v17 =	vor.u32 v17, v41;
	v24 =	vld.idx.msk [tilespmem:v24+s28+$0x0], $0xffff  }
0x96: {  	v10 =	vadd.s32 v2, v10;
	v12 =	vadd.s32 v2, v12;
	v16 =	vor.u32 v42, v16;
	v27 =	vld.idx.msk [tilespmem:v27+s28+$0x0], $0xffff  }
0x97: {  	v30 =	vor.u32 v59, v30;
	v32 =	vand.u32 $0x7, v34;
	v19 =	vor.u32 v44, v19;
	v13 =	vld.idx.msk [tilespmem:v13+s31+$0x0], $0xffff  }
0x98: {  	v37 =	vand.u32 $0x7, v9;
	v34 =	vand.u32 $0xFFFFFFF8, v34;
	v1 =	vor.u32 v45, v1;
	v15 =	vld.idx.msk [tilespmem:v15+s29+$0x0], $0xffff  }
0x99: {  	v9 =	vand.u32 $0xFFFFFFF8, v9;
	v38 =	vand.u32 $0x7, v39;
	v20 =	vor.u32 v46, v20;
	v0 =	vld.idx.msk [tilespmem:v0+s30+$0x0], $0xffff  }
0x9a: {  	v41 =	vand.u32 $0x7, v40;
	v39 =	vand.u32 $0xFFFFFFF8, v39;
	v22 =	vor.u32 v48, v22;
	v17 =	vld.idx.msk [tilespmem:v17+s31+$0x0], $0xffff  }
0x9b: {  	v40 =	vand.u32 $0xFFFFFFF8, v40;
	v7 =	vor.u32 v49, v7;
	v35 =	vadd.s32 v2, v35;
	v16 =	vld.idx.msk [tilespmem:v16+s31+$0x0], $0xffff  }
0x9c: {  	v23 =	vor.u32 v50, v23;
	v26 =	vor.u32 v52, v26;
	v28 =	vor.u32 v56, v28;
	v19 =	vld.idx.msk [tilespmem:v19+s29+$0x0], $0xffff  }
0x9d: {  	v25 =	vor.u32 v54, v25;
	v8 =	vor.u32 v53, v8;
	v29 =	vor.u32 v58, v29;
	v1 =	vld.idx.msk [tilespmem:v1+s30+$0x0], $0xffff  }
0x9e: {  	v11 =	vor.u32 v57, v11;
	v31 =	vor.u32 v60, v31;
	v10 =	vor.u32 v61, v10;
	v20 =	vld.idx.msk [tilespmem:v20+s31+$0x0], $0xffff  }
0x9f: {  	v33 =	vor.u32 v62, v33;
	v34 =	vadd.s32 v2, v34;
	v39 =	vadd.s32 v2, v39;
	v22 =	vld.idx.msk [tilespmem:v22+s29+$0x0], $0xffff  }
0xa0: {  	v9 =	vadd.s32 v2, v9;
	v40 =	vadd.s32 v2, v40;
	v32 =	vor.u32 v32, v34;
	v7 =	vld.idx.msk [tilespmem:v7+s30+$0x0], $0xffff  }
0xa1: {  	v34 =	vor.u32 v36, v35;
	v35 =	vor.u32 v38, v39;
	v40 =	vor.u32 v41, v40;
	v28 =	vld.idx.msk [tilespmem:v28+s29+$0x0], $0xffff  }
0xa2: {  	v9 =	vor.u32 v37, v9;
	v23 =	vld.idx.msk [tilespmem:v23+s31+$0x0], $0xffff;
	v38 =	vand.u32 $0xFFFF0000, v14;
	v36 =	vshll.u32 v14, $0x10  }
0xa3: {  	[tilespmem:$0x1FE80] =	vst v6;
	v26 =	vld.idx.msk [tilespmem:v26+s29+$0x0], $0xffff;
	v55 =	vand.u32 $0xFFFF0000, v18;
	v52 =	vshll.u32 v18, $0x10;
	v6 =	vand.u32 $0xFFFF0000, v24  }
0xa4: {  	v29 =	vld.idx.msk [tilespmem:v29+s31+$0x0], $0xffff;
	v24 =	vshll.u32 v24, $0x10;
	v61 =	vand.u32 $0xFFFF0000, v27;
	v37 =	vand.u32 $0xFFFF0000, v13  }
0xa5: {  	v53 =	vshll.u32 v13, $0x10;
	v49 =	vand.u32 $0xFFFF0000, v22;
	v50 =	vshll.u32 v22, $0x10;
	v22 =	vld.idx.msk [tilespmem:v30+s28+$0x0], $0xffff  }
0xa6: {  	v13 =	vor.u32 v63, v12;
	v62 =	vand.u32 $0xFFFF0000, v28;
	v63 =	vshll.u32 v28, $0x10;
	v28 =	vld.idx.msk [tilespmem:v34+s29+$0x0], $0xffff  }
0xa7: {  	[tilespmem:$0x1FE70] =	vst v4;
	v8 =	vld.idx.msk [tilespmem:v8+s30+$0x0], $0xffff;
	v3 =	vand.u32 $0xFFFF0000, v15;
	v12 =	vshll.u32 v15, $0x10;
	v4 =	vand.u32 $0xFFFF0000, v0  }
0xa8: {  	[tilespmem:$0x1FE90] =	vst v5;
	v11 =	vld.idx.msk [tilespmem:v11+s30+$0x0], $0xffff;
	v0 =	vshll.u32 v0, $0x10;
	v51 =	vand.u32 $0xFFFF0000, v7;
	v56 =	vshll.u32 v7, $0x10  }
0xa9: {  	v54 =	vld.idx.msk [tilespmem:v31+s29+$0x0], $0xffff;
	v47 =	vand.u32 $0xFFFF0000, v29;
	v44 =	vshll.u32 v29, $0x10;
	v36 =	vsel vm3, v36, v38;
	[tilespmem:$0x1FEB0] =	vst v4  }
0xaa: {  	v9 =	vld.idx.msk [tilespmem:v9+s30+$0x0], $0xffff;
	[tilespmem:$0x1FEC0] =	vst v0;
	v0 =	vand.u32 $0xFFFF0000, v16;
	v29 =	vsel vm2, v53, v37;
	v7 =	vand.u32 $0xFFFF0000, v22  }
0xab: {  	[tilespmem:$0x1FED0] =	vst v0;
	v37 =	vand.u32 $0xFFFF0000, v28;
	v38 =	vshll.u32 v28, $0x10;
	v28 =	vsel vm0, v12, v3;
	v3 =	vld [tilespmem:$0x1FEB0]  }
0xac: {  	v27 =	vshll.u32 v27, $0x10;
	v14 =	vshll.u32 v16, $0x10;
	v0 =	vand.u32 $0xFFFF0000, v17;
	[tilespmem:$0x1FF70] =	vst v7;
	v7 =	vld [tilespmem:$0x1FEC0]  }
0xad: {  	v10 =	vld.idx.msk [tilespmem:v10+s30+$0x0], $0xffff;
	v41 =	vand.u32 $0xFFFF0000, v20;
	v20 =	vshll.u32 v20, $0x10;
	[tilespmem:$0x1FEE0] =	vst v0;
	v0 =	vshll.u32 v17, $0x10  }
0xae: {  	v32 =	vld.idx.msk [tilespmem:v32+s28+$0x0], $0xffff;
	v30 =	vand.u32 $0xFFFF0000, v23;
	v39 =	vshll.u32 v23, $0x10;
	[tilespmem:$0x1FEF0] =	vst v0;
	v0 =	vshll.u32 v19, $0x10  }
0xaf: {  	v5 =	vand.u32 $0xFFFF0000, v26;
	v60 =	vand.u32 $0xFFFF0000, v8;
	v34 =	vld.idx.msk [tilespmem:v40+s29+$0x0], $0xffff;
	[tilespmem:$0x1FF00] =	vst v0;
	v0 =	vand.u32 $0xFFFF0000, v1  }
0xb0: {  	v18 =	vshll.u32 v54, $0x10;
	v23 =	vshll.u32 v9, $0x10;
	[tilespmem:$0x1FF10] =	vst v0;
	v0 =	vshll.u32 v8, $0x10;
	v8 =	vld [tilespmem:$0x1FEF0]  }
0xb1: {  	v17 =	vand.u32 $0xFFFF0000, v54;
	v54 =	vand.u32 $0xFFFF0000, v9;
	v9 =	vsel vm1, v7, v3;
	v7 =	vld [tilespmem:$0x1FEE0]  }
0xb2: {  	v58 =	vshll.u32 v26, $0x10;
	v46 =	vand.u32 $0xFFFF0000, v11;
	v15 =	vshll.u32 v11, $0x10  }
0xb3: {  	v25 =	vld.idx.msk [tilespmem:v25+s31+$0x0], $0xffff;
	v59 =	vand.u32 $0xFFFF0000, v10;
	v48 =	vshll.u32 v10, $0x10;
	v16 =	vand.u32 $0xFFFF0000, v19  }
0xb4: {  	v26 =	vld.idx.msk [tilespmem:v33+s31+$0x0], $0xffff;
	v4 =	vand.u32 $0xFFFF0000, v21;
	v21 =	vshll.u32 v21, $0x10;
	v11 =	vsel vm1, v56, v51  }
0xb5: {  	v57 =	vand.u32 $0xFFFF0000, v32;
	v43 =	vshll.u32 v32, $0x10;
	v32 =	vsel vm2, v39, v30  }
0xb6: {  	v40 =	vand.u32 $0xFFFF0000, v34;
	v42 =	vshll.u32 v34, $0x10;
	v34 =	vsel vm2, v8, v7;
	v7 =	vld [tilespmem:$0x1FF00]  }
0xb7: {  	v51 =	vmul.f32 v29, v29;
	v39 =	vsel vm3, v24, v6;
	v45 =	vshll.u32 v22, $0x10;
	v22 =	vld.idx.msk [tilespmem:v35+s28+$0x0], $0xffff  }
0xb8: {  	v24 =	vsel vm2, v44, v47;
	v43 =	vsel vm3, v43, v57;
	v19 =	vand.u32 $0xFFFF0000, v25  }
0xb9: {  	v25 =	vshll.u32 v25, $0x10;
	v31 =	vand.u32 $0xFFFF0000, v26;
	v33 =	vshll.u32 v26, $0x10;
	v26 =	vld.idx.msk [tilespmem:v13+s30+$0x0], $0xffff  }
0xba: {  	v1 =	vshll.u32 v1, $0x10;
	v35 =	vsel vm3, v52, v55;
	v13 =	vsel vm0, v50, v49  }
0xbb: {  	v50 =	vmul.f32 v36, v36;
	v12 =	vsel vm0, v58, v5;
	v10 =	vsel vm0, v7, v16;
	v7 =	vld [tilespmem:$0x1FF10]  }
0xbc: {  	v25 =	vsel vm2, v25, v19;
	v56 =	vmul.f32 v28, v36;
	v3 =	vand.u32 $0xFFFF0000, v22  }
0xbd: {  	v57 =	vmul.f32 v25, v25;
	[tilespmem:$0x1FF80] =	vst v3;
	v3 =	vshll.u32 v22, $0x10;
	v22 =	vsel vm3, v21, v4;
	v4 =	vld [tilespmem:$0x1FF70]  }
0xbe: {  	v52 =	vand.u32 $0xFFFF0000, v26;
	v53 =	vshll.u32 v26, $0x10;
	v26 =	vsel vm2, v20, v41  }
0xbf: {  	v41 =	vsel vm3, v27, v61;
	v20 =	vmul.f32 v39, v39;
	v27 =	vmul.f32 v26, v26  }
0xc0: {  	v47 =	vmul.f32 v41, v41;
	[tilespmem:$0x1FF90] =	vst v3;
	v3 =	vld [tilespmem:$0x1FED0];
	v7 =	vsel vm1, v1, v7;
	v1 =	vmul.f32 v35, v35  }
0xc1: {  	v49 =	vmul.f32 v9, v9;
	v5 =	vld [tilespmem:$0x1FF90];
	v8 =	vsel vm1, v0, v60;
	v0 =	vmul.f32 v7, v7  }
0xc2: {  	v55 =	vmul.f32 v9, v28;
	[tilespmem:$0x1FF20] =	vst v1;
	v1 =	vsel vm1, v15, v46;
	v46 =	vsel vm3, v45, v4;
	v4 =	vld [tilespmem:$0x1FF80]  }
0xc3: {  	v9 =	vsel vm1, v48, v59;
	v21 =	vmul.f32 v22, v22;
	[tilespmem:$0x1FF30] =	vst v0;
	v0 =	vmul.f32 v34, v34  }
0xc4: {  	v48 =	vmul.f32 v13, v22;
	v58 =	vmul.f32 v9, v9  }
0xc5: {  	v6 =	vmul.f32 v8, v8;
	[tilespmem:$0x1FF40] =	vst v0;
	v0 =	vmul.f32 v11, v11  }
0xc6: {  	v3 =	vsel vm2, v14, v3;
	v14 =	vmul.f32 v11, v13;
	v11 =	vsel vm1, v23, v54  }
0xc7: {  	[tilespmem:$0x1FF50] =	vst v0;
	v0 =	vmul.f32 v3, v3;
	v54 =	vsel vm3, v5, v4;
	v4 =	vimm.f32 $0.0e+00  }
0xc8: {  	v30 =	vimm.f32 $0.0e+00;
	v61 =	vmul.f32 v10, v35;
	v60 =	vmul.f32 v7, v10;
	[tilespmem:$0x1FFA0] =	vst v4  }
0xc9: {  	v10 =	vmul.f32 v43, v43;
	v45 =	vmul.f32 v32, v32;
	v4 =	vimm.f32 $0.0e+00;
	[tilespmem:$0x1FF60] =	vst v0  }
0xca: {  	v44 =	vmul.f32 v1, v1;
	v59 =	vmul.f32 v46, v46;
	[tilespmem:$0x1FFB0] =	vst v4;
	v4 =	vimm.f32 $0.0e+00  }
0xcb: {  	v7 =	vmul.f32 v11, v11;
	v0 =	vsel vm0, v63, v62;
	[tilespmem:$0x1FFC0] =	vst v4;
	v4 =	vimm.f32 $0.0e+00  }
0xcc: {  	v63 =	vmul.f32 v8, v12;
	v62 =	vmul.f32 v12, v39;
	[tilespmem:$0x1FFD0] =	vst v4;
	v4 =	vimm.f32 $0.0e+00  }
0xcd: {  	s24 =	simm.s32 $0x8;
	v23 =	vsel vm2, v33, v31;
	v8 =	vmul.f32 v24, v24;
	v1 =	vmul.f32 v1, v0;
	[tilespmem:$0x1FFE0] =	vst v4  }
.LBB2_3:
0xce: {  	v4 =	vld [tilespmem:$0x1FE60];
	_ =	sdelay $0x3  }
0xcf: {  	v52 =	vsel vm1, v53, v52  }
0xd0: {  	v12 =	vmul.f32 v52, v52;
	v49 =	vadd.f32 v49, v30;
	v50 =	vadd.f32 v50, v4;
	v4 =	vld [tilespmem:$0x1FFA0];
	_ =	sdelay $0x1  }
0xd1: {  	v12 =	vadd.f32 v12, v49  }
0xd2: {  	v13 =	vmul.f32 v23, v23  }
0xd3: {  	v33 =	vsel vm0, v38, v37;
	v38 =	vsel vm0, v42, v40;
	v7 =	vadd.f32 v7, v12  }
0xd4: {  	v16 =	vmul.f32 v22, v14;
	v42 =	vmul.f32 v52, v38;
	v51 =	vadd.f32 v51, v4  }
0xd5: {  	v52 =	vmul.f32 v29, v55;
	v29 =	vmul.f32 v29, v56;
	v7 =	vadd.f32 v58, v7  }
0xd6: {  	v56 =	vmul.f32 v3, v14;
	v14 =	vmul.f32 v3, v48;
	v3 =	vld [tilespmem:$0x1FF50];
	v13 =	vadd.f32 v13, v51  }
0xd7: {  	v53 =	vmul.f32 v54, v54;
	v7 =	vadd.f32 v44, v7  }
0xd8: {  	v8 =	vadd.f32 v8, v13  }
0xd9: {  	v50 =	vadd.f32 v53, v50;
	v7 =	vadd.f32 v6, v7  }
0xda: {  	v8 =	vadd.f32 v57, v8  }
0xdb: {  	v10 =	vadd.f32 v10, v50;
	v7 =	vadd.f32 v3, v7;
	v3 =	vld [tilespmem:$0x1FF60]  }
0xdc: {  	v8 =	vadd.f32 v45, v8  }
0xdd: {  	v10 =	vadd.f32 v59, v10  }
0xde: {  	v8 =	vadd.f32 v27, v8  }
0xdf: {  	v10 =	vadd.f32 v47, v10  }
0xe0: {  	v8 =	vadd.f32 v3, v8;
	v3 =	vld [tilespmem:$0x1FF20]  }
0xe1: {  	v10 =	vadd.f32 v20, v10;
	_ =	sdelay $0x1  }
0xe2: {  	v10 =	vadd.f32 v21, v10;
	_ =	sdelay $0x1  }
0xe3: {  	v3 =	vadd.f32 v3, v10;
	_ =	sdelay $0x1  }
0xe4: {  	[tilespmem:$0x1FE60] =	vst v3;
	v3 =	vld [tilespmem:$0x1FF30];
	_ =	sdelay $0x4  }
0xe5: {  	v3 =	vadd.f32 v3, v7;
	_ =	sdelay $0x1  }
0xe6: {  	[tilespmem:$0x1FE30] =	vst v3;
	v3 =	vld [tilespmem:$0x1FF40];
	_ =	sdelay $0x4  }
0xe7: {  	v3 =	vadd.f32 v3, v8;
	_ =	sdelay $0x1  }
0xe8: {  	[tilespmem:$0x1FFA0] =	vst v3;
	v3 =	vld [tilespmem:$0x1FFB0]  }
0xe9: {  	v0 =	vmul.f32 v0, v41;
	v31 =	vsel vm0, v18, v17;
	v36 =	vmul.f32 v36, v55  }
0xea: {  	v9 =	vmul.f32 v9, v31;
	v37 =	vmul.f32 v31, v46  }
0xeb: {  	v11 =	vmul.f32 v11, v33;
	v40 =	vmul.f32 v33, v43  }
0xec: {  	v38 =	vmul.f32 v38, v54;
	v55 =	vmul.f32 v34, v60  }
0xed: {  	v35 =	vmul.f32 v35, v60;
	v60 =	vmul.f32 v34, v61;
	v7 =	vadd.f32 v36, v3;
	v3 =	vld [tilespmem:$0x1FFC0]  }
0xee: {  	v61 =	vmul.f32 v26, v63;
	v22 =	vmul.f32 v26, v62  }
0xef: {  	v0 =	vmul.f32 v32, v0;
	v19 =	vmul.f32 v36, v36  }
0xf0: {  	v5 =	vlaneseq.u32;
	v26 =	vmul.f32 v25, v9;
	v21 =	vmul.f32 v54, v42  }
0xf1: {  	v31 =	vadd.s32 s24, v5;
	v13 =	vmul.f32 v39, v63;
	v39 =	vmul.f32 v24, v11  }
0xf2: {  	s5 =	sadd.s32 $0x7, s24;
	v11 =	vmul.f32 v43, v11;
	v7 =	vadd.f32 v21, v7;
	v8 =	vadd.f32 v19, v3;
	v3 =	vld [tilespmem:$0x1FFD0]  }
0xf3: {  	v33 =	vadd.s32 s5, v5;
	v9 =	vmul.f32 v46, v9;
	v15 =	vmul.f32 v21, v21  }
0xf4: {  	v25 =	vmul.f32 v25, v37;
	v28 =	vmul.f32 v23, v42;
	v7 =	vadd.f32 v11, v7  }
0xf5: {  	v0 =	vmul.f32 v0, v0;
	v8 =	vadd.f32 v15, v8;
	v15 =	vmul.f32 v11, v11  }
0xf6: {  	v12 =	vmul.f32 v32, v1;
	v1 =	vmul.f32 v41, v1;
	v7 =	vadd.f32 v9, v7  }
0xf7: {  	v11 =	vmul.f32 v9, v9;
	v8 =	vadd.f32 v15, v8;
	v17 =	vadd.f32 v52, v3;
	v3 =	vld [tilespmem:$0x1FFE0]  }
0xf8: {  	v20 =	vmul.f32 v23, v38;
	v9 =	vmul.f32 v1, v1;
	v1 =	vadd.f32 v1, v7  }
0xf9: {  	v24 =	vmul.f32 v24, v40;
	v8 =	vadd.f32 v11, v8;
	v17 =	vadd.f32 v28, v17  }
0xfa: {  	v18 =	vmul.f32 v20, v20;
	v10 =	vmul.f32 v29, v29;
	v1 =	vadd.f32 v13, v1  }
0xfb: {  	v7 =	vadd.f32 v9, v8;
	v8 =	vmul.f32 v13, v13;
	v15 =	vadd.f32 v39, v17  }
0xfc: {  	v1 =	vadd.f32 v16, v1;
	v17 =	vmul.f32 v25, v25;
	v10 =	vadd.f32 v10, v3  }
0xfd: {  	v7 =	vadd.f32 v8, v7;
	v8 =	vmul.f32 v16, v16;
	v11 =	vadd.f32 v26, v15  }
0xfe: {  	v4 =	vld [tilespmem:$0x1FE70];
	v1 =	vadd.f32 v35, v1;
	v10 =	vadd.f32 v18, v10;
	v18 =	vmul.f32 v24, v24  }
0xff: {  	s8 =	sadd.s32 $0x6, s24;
	v7 =	vadd.f32 v8, v7;
	v8 =	vmul.f32 v35, v35;
	v9 =	vadd.f32 v12, v11  }
0x100: {  	s7 =	sadd.s32 $0x3, s24;
	v11 =	vadd.s32 s8, v5;
	s8 =	sadd.s32 $0x4, s24;
	v12 =	vand.u32 $0x3F, v33;
	v10 =	vadd.f32 v18, v10  }
0x101: {  	[tilespmem:$0x1FFB0] =	vst v1;
	v1 =	vadd.f32 v8, v7;
	v7 =	vadd.s32 s7, v5;
	v8 =	vadd.s32 s8, v5  }
0x102: {  	v11 =	vand.u32 $0x3F, v11;
	v9 =	vadd.f32 v61, v9;
	v8 =	vand.u32 $0x3F, v8  }
0x103: {  	s6 =	sadd.s32 $0x5, s24;
	v7 =	vand.u32 $0x3F, v7;
	v16 =	vadd.s32 v4, v11;
	v10 =	vadd.f32 v17, v10  }
0x104: {  	[tilespmem:$0x1FFC0] =	vst v1;
	v1 =	vadd.s32 s6, v5;
	v17 =	vadd.s32 v4, v12;
	v23 =	vadd.s32 v4, v8  }
0x105: {  	v25 =	vadd.s32 v4, v7;
	v42 =	vand.u32 $0x7, v16;
	v16 =	vand.u32 $0xFFFFFFF8, v16  }
0x106: {  	v9 =	vadd.f32 v56, v9;
	v1 =	vand.u32 $0x3F, v1;
	v41 =	vand.u32 $0xFFFFFFF8, v17  }
0x107: {  	v17 =	vand.u32 $0x7, v17;
	v50 =	vand.u32 $0x7, v23;
	v23 =	vand.u32 $0xFFFFFFF8, v23  }
0x108: {  	v54 =	vand.u32 $0x7, v25;
	v25 =	vand.u32 $0xFFFFFFF8, v25;
	v16 =	vadd.s32 v2, v16  }
0x109: {  	v0 =	vadd.f32 v0, v10;
	v10 =	vmul.f32 v22, v22;
	v20 =	vadd.s32 v4, v1  }
0x10a: {  	v41 =	vadd.s32 v2, v41;
	v16 =	vor.u32 v42, v16;
	v23 =	vadd.s32 v2, v23  }
0x10b: {  	v25 =	vadd.s32 v2, v25;
	v3 =	vadd.f32 v55, v9;
	v9 =	vand.u32 $0x3F, v31  }
0x10c: {  	v46 =	vand.u32 $0x7, v20;
	v0 =	vadd.f32 v10, v0;
	v10 =	vmul.f32 v14, v14  }
0x10d: {  	v20 =	vand.u32 $0xFFFFFFF8, v20;
	v17 =	vor.u32 v17, v41;
	v23 =	vor.u32 v50, v23;
	[tilespmem:$0x1FFD0] =	vst v3;
	v3 =	vld [tilespmem:$0x1FE80]  }
0x10e: {  	v13 =	vadd.s32 v4, v9;
	v0 =	vadd.f32 v10, v0;
	v10 =	vmul.f32 v60, v60  }
0x10f: {  	v25 =	vor.u32 v54, v25;
	v32 =	vand.u32 $0x7, v13;
	v13 =	vand.u32 $0xFFFFFFF8, v13  }
0x110: {  	s9 =	sadd.s32 $0x1, s24;
	v20 =	vadd.s32 v2, v20;
	v13 =	vadd.s32 v2, v13;
	v0 =	vadd.f32 v10, v0  }
0x111: {  	s5 =	sadd.s32 $0x2, s24;
	v20 =	vor.u32 v46, v20;
	v13 =	vor.u32 v32, v13;
	v10 =	vadd.s32 s9, v5  }
0x112: {  	v10 =	vand.u32 $0x3F, v10;
	[tilespmem:$0x1FFE0] =	vst v0;
	v0 =	vadd.s32 s5, v5;
	v14 =	vadd.s32 v3, v9  }
0x113: {  	v18 =	vadd.s32 v3, v12;
	v21 =	vadd.s32 v3, v11;
	v24 =	vadd.s32 v3, v1  }
0x114: {  	v27 =	vadd.s32 v3, v8;
	v30 =	vadd.s32 v3, v7;
	v33 =	vadd.s32 v4, v10  }
0x115: {  	v39 =	vadd.s32 v3, v10;
	v0 =	vand.u32 $0x3F, v0;
	v36 =	vand.u32 $0x7, v14  }
0x116: {  	v14 =	vand.u32 $0xFFFFFFF8, v14;
	v43 =	vand.u32 $0x7, v18;
	v18 =	vand.u32 $0xFFFFFFF8, v18  }
0x117: {  	v47 =	vand.u32 $0x7, v21;
	v21 =	vand.u32 $0xFFFFFFF8, v21;
	v52 =	vand.u32 $0x7, v24  }
0x118: {  	v16 =	vld.idx.msk [tilespmem:v16+s31+$0x0], $0xffff;
	v24 =	vand.u32 $0xFFFFFFF8, v24;
	v55 =	vand.u32 $0x7, v27;
	v27 =	vand.u32 $0xFFFFFFF8, v27  }
0x119: {  	v59 =	vand.u32 $0x7, v30;
	v30 =	vand.u32 $0xFFFFFFF8, v30;
	v62 =	vand.u32 $0x7, v33  }
0x11a: {  	v33 =	vand.u32 $0xFFFFFFF8, v33;
	v29 =	vadd.s32 v4, v0;
	v34 =	vadd.s32 v3, v0  }
0x11b: {  	v17 =	vld.idx.msk [tilespmem:v17+s31+$0x0], $0xffff;
	v14 =	vadd.s32 v2, v14;
	v18 =	vadd.s32 v2, v18;
	v21 =	vadd.s32 v2, v21  }
0x11c: {  	v25 =	vld.idx.msk [tilespmem:v25+s31+$0x0], $0xffff;
	v24 =	vadd.s32 v2, v24;
	v27 =	vadd.s32 v2, v27;
	v30 =	vadd.s32 v2, v30  }
0x11d: {  	v6 =	vld [tilespmem:$0x1FEA0];
	v46 =	vadd.s32 v2, v33;
	v41 =	vand.u32 $0xFFFF0000, v16;
	v58 =	vand.u32 $0x7, v29  }
0x11e: {  	v5 =	vld [tilespmem:$0x1FE90];
	v29 =	vand.u32 $0xFFFFFFF8, v29;
	v63 =	vand.u32 $0x7, v34;
	v34 =	vand.u32 $0xFFFFFFF8, v34  }
0x11f: {  	v14 =	vor.u32 v36, v14;
	v18 =	vor.u32 v43, v18;
	v21 =	vor.u32 v47, v21  }
0x120: {  	v24 =	vor.u32 v52, v24;
	v27 =	vor.u32 v55, v27;
	v30 =	vor.u32 v59, v30  }
0x121: {  	v32 =	vor.u32 v62, v46;
	v43 =	vand.u32 $0xFFFF0000, v17;
	v59 =	vand.u32 $0xFFFF0000, v25  }
0x122: {  	v25 =	vshll.u32 v25, $0x10;
	v29 =	vadd.s32 v2, v29;
	v47 =	vadd.s32 v2, v34  }
0x123: {  	v25 =	vsel vm2, v25, v59;
	v15 =	vadd.s32 v5, v9;
	v9 =	vadd.s32 v6, v9  }
0x124: {  	v19 =	vadd.s32 v5, v12;
	v12 =	vadd.s32 v6, v12;
	v22 =	vadd.s32 v5, v11  }
0x125: {  	v20 =	vld.idx.msk [tilespmem:v20+s31+$0x0], $0xffff;
	v11 =	vadd.s32 v6, v11;
	v26 =	vadd.s32 v5, v1;
	v1 =	vadd.s32 v6, v1  }
0x126: {  	v28 =	vadd.s32 v5, v8;
	v8 =	vadd.s32 v6, v8;
	v31 =	vadd.s32 v5, v7  }
0x127: {  	v7 =	vadd.s32 v6, v7;
	v35 =	vadd.s32 v5, v0;
	v0 =	vadd.s32 v6, v0  }
0x128: {  	v40 =	vadd.s32 v5, v10;
	v10 =	vadd.s32 v6, v10;
	v5 =	vand.u32 $0x7, v39  }
0x129: {  	v39 =	vand.u32 $0xFFFFFFF8, v39;
	v29 =	vor.u32 v58, v29;
	v33 =	vor.u32 v63, v47  }
0x12a: {  	v47 =	vand.u32 $0xFFFF0000, v20;
	v20 =	vshll.u32 v20, $0x10;
	v37 =	vand.u32 $0x7, v15  }
0x12b: {  	v38 =	vand.u32 $0x7, v9;
	v15 =	vand.u32 $0xFFFFFFF8, v15;
	v9 =	vand.u32 $0xFFFFFFF8, v9  }
0x12c: {  	v44 =	vand.u32 $0x7, v19;
	v45 =	vand.u32 $0x7, v12;
	v19 =	vand.u32 $0xFFFFFFF8, v19  }
0x12d: {  	v12 =	vand.u32 $0xFFFFFFF8, v12;
	v48 =	vand.u32 $0x7, v22;
	v51 =	vand.u32 $0x7, v11  }
0x12e: {  	v22 =	vand.u32 $0xFFFFFFF8, v22;
	v11 =	vand.u32 $0xFFFFFFF8, v11;
	v53 =	vand.u32 $0x7, v26  }
0x12f: {  	v3 =	vand.u32 $0x7, v1;
	v26 =	vand.u32 $0xFFFFFFF8, v26;
	v1 =	vand.u32 $0xFFFFFFF8, v1  }
0x130: {  	v56 =	vand.u32 $0x7, v28;
	v57 =	vand.u32 $0x7, v8;
	v28 =	vand.u32 $0xFFFFFFF8, v28  }
0x131: {  	v23 =	vld.idx.msk [tilespmem:v23+s31+$0x0], $0xffff;
	v8 =	vand.u32 $0xFFFFFFF8, v8;
	v60 =	vand.u32 $0x7, v31;
	v61 =	vand.u32 $0x7, v7  }
0x132: {  	v13 =	vld.idx.msk [tilespmem:v13+s31+$0x0], $0xffff;
	v31 =	vand.u32 $0xFFFFFFF8, v31;
	v7 =	vand.u32 $0xFFFFFFF8, v7;
	v4 =	vand.u32 $0x7, v35  }
0x133: {  	v49 =	vand.u32 $0x7, v0;
	v35 =	vand.u32 $0xFFFFFFF8, v35;
	v0 =	vand.u32 $0xFFFFFFF8, v0;
	v14 =	vld.idx.msk [tilespmem:v14+s28+$0x0], $0xffff  }
0x134: {  	v6 =	vand.u32 $0x7, v40;
	v40 =	vand.u32 $0xFFFFFFF8, v40;
	[tilespmem:$0x1FDE0] =	vst v3;
	v3 =	vand.u32 $0x7, v10;
	v18 =	vld.idx.msk [tilespmem:v18+s28+$0x0], $0xffff  }
0x135: {  	v10 =	vand.u32 $0xFFFFFFF8, v10;
	v15 =	vadd.s32 v2, v15;
	v9 =	vadd.s32 v2, v9;
	v21 =	vld.idx.msk [tilespmem:v21+s28+$0x0], $0xffff  }
0x136: {  	v19 =	vadd.s32 v2, v19;
	v12 =	vadd.s32 v2, v12;
	v22 =	vadd.s32 v2, v22;
	v55 =	vld [tilespmem:$0x1FDE0]  }
0x137: {  	v11 =	vadd.s32 v2, v11;
	v26 =	vadd.s32 v2, v26;
	v15 =	vor.u32 v37, v15;
	v24 =	vld.idx.msk [tilespmem:v24+s28+$0x0], $0xffff  }
0x138: {  	v1 =	vadd.s32 v2, v1;
	v28 =	vadd.s32 v2, v28;
	v9 =	vor.u32 v38, v9;
	v27 =	vld.idx.msk [tilespmem:v27+s28+$0x0], $0xffff  }
0x139: {  	v8 =	vadd.s32 v2, v8;
	v31 =	vadd.s32 v2, v31;
	v19 =	vor.u32 v44, v19;
	v30 =	vld.idx.msk [tilespmem:v30+s28+$0x0], $0xffff  }
0x13a: {  	v7 =	vadd.s32 v2, v7;
	v0 =	vadd.s32 v2, v0;
	v12 =	vor.u32 v45, v12;
	v29 =	vld.idx.msk [tilespmem:v29+s31+$0x0], $0xffff  }
0x13b: {  	v52 =	vadd.s32 v2, v40;
	v42 =	vand.u32 $0xFFFF0000, v13;
	v22 =	vor.u32 v48, v22;
	v33 =	vld.idx.msk [tilespmem:v33+s28+$0x0], $0xffff  }
0x13c: {  	v40 =	vshll.u32 v13, $0x10;
	v11 =	vor.u32 v51, v11;
	v48 =	vadd.s32 v2, v35;
	v15 =	vld.idx.msk [tilespmem:v15+s29+$0x0], $0xffff  }
0x13d: {  	v51 =	vadd.s32 v2, v39;
	v10 =	vadd.s32 v2, v10;
	v26 =	vor.u32 v53, v26;
	v9 =	vld.idx.msk [tilespmem:v9+s30+$0x0], $0xffff  }
0x13e: {  	v28 =	vor.u32 v56, v28;
	v8 =	vor.u32 v57, v8;
	v0 =	vor.u32 v49, v0;
	v19 =	vld.idx.msk [tilespmem:v19+s29+$0x0], $0xffff  }
0x13f: {  	v31 =	vor.u32 v60, v31;
	v7 =	vor.u32 v61, v7;
	v4 =	vor.u32 v4, v48;
	v12 =	vld.idx.msk [tilespmem:v12+s30+$0x0], $0xffff  }
0x140: {  	v6 =	vor.u32 v6, v52;
	v39 =	vshll.u32 v17, $0x10;
	v3 =	vor.u32 v3, v10;
	v22 =	vld.idx.msk [tilespmem:v22+s29+$0x0], $0xffff  }
0x141: {  	v35 =	vshll.u32 v16, $0x10;
	v5 =	vor.u32 v5, v51;
	v1 =	vor.u32 v55, v1;
	v11 =	vld.idx.msk [tilespmem:v11+s30+$0x0], $0xffff  }
0x142: {  	v26 =	vld.idx.msk [tilespmem:v26+s29+$0x0], $0xffff;
	v10 =	vand.u32 $0xFFFF0000, v14;
	v44 =	vand.u32 $0xFFFF0000, v18;
	v34 =	vshll.u32 v18, $0x10  }
0x143: {  	v48 =	vand.u32 $0xFFFF0000, v21;
	v21 =	vshll.u32 v21, $0x10;
	v54 =	vand.u32 $0xFFFF0000, v24;
	v0 =	vld.idx.msk [tilespmem:v0+s30+$0x0], $0xffff  }
0x144: {  	v24 =	vshll.u32 v24, $0x10;
	v61 =	vand.u32 $0xFFFF0000, v27;
	v27 =	vshll.u32 v27, $0x10;
	v4 =	vld.idx.msk [tilespmem:v4+s29+$0x0], $0xffff  }
0x145: {  	v13 =	vand.u32 $0xFFFF0000, v30;
	[tilespmem:$0x1FDF0] =	vst v10;
	v10 =	vshll.u32 v14, $0x10;
	v3 =	vld.idx.msk [tilespmem:v3+s30+$0x0], $0xffff;
	v14 =	vand.u32 $0xFFFF0000, v29  }
0x146: {  	v36 =	vld.idx.msk [tilespmem:v31+s29+$0x0], $0xffff;
	[tilespmem:$0x1FE00] =	vst v10;
	v31 =	vand.u32 $0xFFFF0000, v33;
	v17 =	vshll.u32 v33, $0x10;
	v10 =	vand.u32 $0xFFFF0000, v15  }
0x147: {  	v28 =	vld.idx.msk [tilespmem:v28+s29+$0x0], $0xffff;
	v56 =	vand.u32 $0xFFFF0000, v9;
	v55 =	vshll.u32 v9, $0x10;
	v45 =	vand.u32 $0xFFFF0000, v19  }
0x148: {  	v7 =	vld.idx.msk [tilespmem:v7+s30+$0x0], $0xffff;
	v19 =	vshll.u32 v19, $0x10;
	v46 =	vand.u32 $0xFFFF0000, v12;
	v33 =	vshll.u32 v0, $0x10  }
0x149: {  	v37 =	vand.u32 $0xFFFF0000, v4;
	v38 =	vshll.u32 v4, $0x10;
	v4 =	vand.u32 $0xFFFF0000, v0;
	v0 =	vld [tilespmem:$0x1FDF0]  }
0x14a: {  	v12 =	vshll.u32 v12, $0x10;
	v52 =	vand.u32 $0xFFFF0000, v3;
	v53 =	vshll.u32 v3, $0x10;
	v3 =	vld [tilespmem:$0x1FE00]  }
0x14b: {  	v6 =	vld.idx.msk [tilespmem:v6+s29+$0x0], $0xffff;
	v49 =	vand.u32 $0xFFFF0000, v22;
	v50 =	vshll.u32 v22, $0x10;
	v51 =	vand.u32 $0xFFFF0000, v11  }
0x14c: {  	v11 =	vshll.u32 v11, $0x10;
	v22 =	vld.idx.msk [tilespmem:v32+s31+$0x0], $0xffff;
	v32 =	vand.u32 $0xFFFF0000, v23;
	v23 =	vshll.u32 v23, $0x10  }
0x14d: {  	v57 =	vand.u32 $0xFFFF0000, v26;
	v58 =	vshll.u32 v26, $0x10;
	v62 =	vand.u32 $0xFFFF0000, v28  }
0x14e: {  	v8 =	vld.idx.msk [tilespmem:v8+s30+$0x0], $0xffff;
	v63 =	vshll.u32 v28, $0x10;
	v9 =	vshll.u32 v29, $0x10;
	[tilespmem:$0x1FE10] =	vst v10;
	v10 =	vshll.u32 v15, $0x10  }
0x14f: {  	v16 =	vand.u32 $0xFFFF0000, v36;
	v18 =	vshll.u32 v36, $0x10;
	[tilespmem:$0x1FE20] =	vst v10;
	v36 =	vsel vm3, v3, v0;
	v0 =	vld [tilespmem:$0x1FE10]  }
0x150: {  	v28 =	vshll.u32 v30, $0x10;
	v30 =	vand.u32 $0xFFFF0000, v7;
	v7 =	vshll.u32 v7, $0x10;
	v3 =	vld [tilespmem:$0x1FE20]  }
0x151: {  	v29 =	vsel vm2, v40, v42;
	v40 =	vand.u32 $0xFFFF0000, v6;
	v42 =	vshll.u32 v6, $0x10  }
0x152: {  	v26 =	vsel vm2, v20, v47;
	v6 =	vsel vm1, v55, v56;
	v47 =	vsel vm0, v19, v45  }
0x153: {  	v12 =	vsel vm1, v12, v46;
	v11 =	vsel vm1, v11, v51;
	v32 =	vsel vm2, v23, v32  }
0x154: {  	v1 =	vld.idx.msk [tilespmem:v1+s30+$0x0], $0xffff;
	v51 =	vmul.f32 v29, v29;
	v23 =	vsel vm0, v58, v57;
	v46 =	vsel vm3, v28, v13  }
0x155: {  	v57 =	vmul.f32 v25, v25;
	v10 =	vand.u32 $0xFFFF0000, v8;
	v0 =	vsel vm0, v3, v0  }
0x156: {  	v3 =	vsel vm2, v35, v41;
	v35 =	vsel vm3, v34, v44;
	v55 =	vmul.f32 v6, v0  }
0x157: {  	v8 =	vshll.u32 v8, $0x10;
	v56 =	vmul.f32 v0, v36;
	v0 =	vmul.f32 v35, v35  }
0x158: {  	v5 =	vld.idx.msk [tilespmem:v5+s28+$0x0], $0xffff;
	v45 =	vmul.f32 v32, v32;
	v59 =	vmul.f32 v46, v46;
	v19 =	vsel vm1, v8, v10  }
0x159: {  	v60 =	vand.u32 $0xFFFF0000, v1;
	v15 =	vand.u32 $0xFFFF0000, v22;
	[tilespmem:$0x1FF20] =	vst v0;
	v0 =	vmul.f32 v12, v12  }
0x15a: {  	v1 =	vshll.u32 v1, $0x10;
	[tilespmem:$0x1FE40] =	vst v15;
	v15 =	vshll.u32 v22, $0x10;
	v34 =	vsel vm2, v39, v43  }
0x15b: {  	v22 =	vsel vm3, v21, v48;
	v48 =	vsel vm0, v50, v49;
	[tilespmem:$0x1FF30] =	vst v0;
	v0 =	vmul.f32 v34, v34  }
0x15c: {  	v49 =	vmul.f32 v6, v6;
	v1 =	vsel vm1, v1, v60;
	v60 =	vmul.f32 v12, v47;
	[tilespmem:$0x1FE50] =	vst v15  }
0x15d: {  	v15 =	vand.u32 $0xFFFF0000, v5;
	v50 =	vmul.f32 v36, v36;
	[tilespmem:$0x1FF40] =	vst v0;
	v0 =	vmul.f32 v11, v11  }
0x15e: {  	v21 =	vmul.f32 v22, v22;
	v39 =	vsel vm3, v24, v54;
	v41 =	vsel vm3, v27, v61  }
0x15f: {  	v27 =	vmul.f32 v26, v26;
	v24 =	vsel vm2, v9, v14;
	[tilespmem:$0x1FF50] =	vst v0;
	v0 =	vmul.f32 v3, v3  }
0x160: {  	v44 =	vmul.f32 v19, v19;
	v14 =	vmul.f32 v11, v48;
	v11 =	vsel vm1, v33, v4;
	v4 =	vld [tilespmem:$0x1FE50]  }
0x161: {  	p0 =	slt.u32 s24, $0x38;
	v6 =	vmul.f32 v1, v1;
	[tilespmem:$0x1FF60] =	vst v0;
	v0 =	vsel vm0, v63, v62;
	v63 =	vmul.f32 v1, v23;
	v1 =	vld [tilespmem:$0x1FE40]  }
.Ltmp0:
0x162: {  	v9 =	vsel vm1, v7, v30;
	v48 =	vmul.f32 v48, v22;
	v20 =	vmul.f32 v39, v39;
	(pc) =	sbr.rel @p0 .LBB2_3-.Ltmp0, $4  }
0x163: {  	v43 =	vsel vm3, v17, v31;
	v61 =	vmul.f32 v47, v35;
	v47 =	vmul.f32 v41, v41  }
0x164: {  	v5 =	vshll.u32 v5, $0x10;
	v58 =	vmul.f32 v9, v9;
	v10 =	vmul.f32 v43, v43  }
0x165: {  	v54 =	vsel vm3, v5, v15;
	v8 =	vmul.f32 v24, v24;
	v7 =	vmul.f32 v11, v11  }
0x166: {  	s24 =	sadd.s32 $0x8, s24;
	v30 =	vld [tilespmem:$0x1FE30];
	v17 =	vmovc v16;
	v62 =	vmul.f32 v23, v39;
	v23 =	vsel vm2, v4, v1;
	v1 =	vmul.f32 v19, v0  }
0x167: {  	v16 =	vmul.f32 v36, v55  }
0x168: {  	v5 =	vsel vm0, v18, v17;
	v17 =	vmul.f32 v29, v55;
	v19 =	vmul.f32 v29, v56  }
0x169: {  	v28 =	vmul.f32 v54, v54;
	v33 =	vmul.f32 v23, v23  }
0x16a: {  	v4 =	vsel vm1, v53, v52;
	v2 =	vld [tilespmem:$0x1FE60];
	v53 =	vmul.f32 v0, v41;
	v0 =	vmul.f32 v26, v63  }
0x16b: {  	v13 =	vsel vm0, v38, v37;
	v55 =	vmul.f32 v26, v62;
	v9 =	vmul.f32 v9, v5  }
0x16c: {  	v11 =	vmul.f32 v11, v13;
	v13 =	vmul.f32 v13, v43  }
0x16d: {  	v5 =	vmul.f32 v5, v46;
	v56 =	vmul.f32 v32, v53  }
0x16e: {  	v15 =	vsel vm0, v42, v40;
	v19 =	vmul.f32 v19, v19;
	v13 =	vmul.f32 v24, v13  }
0x16f: {  	v5 =	vmul.f32 v25, v5;
	v40 =	vmul.f32 v56, v56;
	v12 =	vadd.f32 v50, v2  }
0x170: {  	v49 =	vadd.f32 v49, v30;
	v50 =	vmul.f32 v4, v4;
	v4 =	vmul.f32 v4, v15  }
0x171: {  	v15 =	vmul.f32 v15, v54;
	v13 =	vmul.f32 v13, v13;
	v28 =	vadd.f32 v28, v12  }
0x172: {  	v2 =	vld [tilespmem:$0x1FFA0];
	v5 =	vmul.f32 v5, v5;
	v12 =	vmul.f32 v34, v60;
	v29 =	vadd.f32 v50, v49  }
0x173: {  	v15 =	vmul.f32 v23, v15;
	v28 =	vadd.f32 v10, v28;
	v10 =	vmul.f32 v39, v63  }
0x174: {  	v29 =	vadd.f32 v7, v29;
	v7 =	vmul.f32 v41, v1;
	v1 =	vmul.f32 v32, v1  }
0x175: {  	v32 =	vmul.f32 v54, v4;
	v15 =	vmul.f32 v15, v15  }
0x176: {  	v39 =	vmul.f32 v3, v48;
	v4 =	vmul.f32 v23, v4  }
0x177: {  	v3 =	vmul.f32 v3, v14;
	v31 =	vadd.f32 v51, v2;
	v2 =	vmul.f32 v35, v60  }
0x178: {  	v51 =	vmul.f32 v34, v61;
	v35 =	vmul.f32 v43, v11;
	v61 =	vld [tilespmem:$0x1FFE0]  }
0x179: {  	v43 =	vmul.f32 v55, v55;
	v11 =	vmul.f32 v24, v11;
	v28 =	vadd.f32 v59, v28  }
0x17a: {  	v29 =	vadd.f32 v58, v29;
	v58 =	vmul.f32 v16, v16;
	v59 =	vld [tilespmem:$0x1FFC0];
	v52 =	vadd.f32 v33, v31  }
0x17b: {  	v42 =	vld [tilespmem:$0x1FF50];
	v60 =	vmul.f32 v32, v32;
	v38 =	vmul.f32 v7, v7;
	v28 =	vadd.f32 v47, v28  }
0x17c: {  	v41 =	vmul.f32 v10, v10;
	v29 =	vadd.f32 v44, v29;
	v8 =	vadd.f32 v8, v52  }
0x17d: {  	v31 =	vmul.f32 v46, v9;
	v46 =	vld [tilespmem:$0x1FF20];
	v19 =	vadd.f32 v19, v61;
	v28 =	vadd.f32 v20, v28  }
0x17e: {  	v9 =	vmul.f32 v25, v9;
	v47 =	vld [tilespmem:$0x1FF30];
	v6 =	vadd.f32 v6, v29;
	v8 =	vadd.f32 v57, v8  }
0x17f: {  	v63 =	vmul.f32 v35, v35;
	v33 =	vadd.f32 v58, v59;
	v15 =	vadd.f32 v15, v19  }
0x180: {  	v48 =	vmul.f32 v2, v2;
	v18 =	vadd.f32 v21, v28;
	v6 =	vadd.f32 v42, v6  }
0x181: {  	v49 =	vmul.f32 v51, v51;
	v44 =	vld [tilespmem:$0x1FF60];
	v8 =	vadd.f32 v45, v8;
	v62 =	vadd.f32 v60, v33  }
0x182: {  	v37 =	vmul.f32 v31, v31;
	v13 =	vadd.f32 v13, v15;
	v18 =	vadd.f32 v46, v18  }
0x183: {  	v15 =	vmul.f32 v22, v14;
	v6 =	vadd.f32 v47, v6;
	v36 =	vadd.f32 v63, v62  }
0x184: {  	v50 =	vld [tilespmem:$0x1FF40];
	v8 =	vadd.f32 v27, v8;
	v5 =	vadd.f32 v5, v13;
	v51 =	vshra.s32 v18, $0x1  }
0x185: {  	v18 =	vmul.f32 $-5.000000000e-01, v18;
	v54 =	vshra.s32 v6, $0x1;
	v6 =	vmul.f32 $-5.000000000e-01, v6  }
0x186: {  	v19 =	vadd.f32 v37, v36;
	v8 =	vadd.f32 v44, v8;
	v52 =	vsub.s32 $0x5F3759DF, v51  }
0x187: {  	v21 =	vsub.s32 $0x5F3759DF, v54;
	v5 =	vadd.f32 v40, v5;
	v53 =	vmul.f32 v52, v18  }
0x188: {  	v13 =	vmul.f32 v39, v39;
	v44 =	vld [tilespmem:$0x1FFD0];
	v56 =	vmul.f32 v21, v6;
	v19 =	vadd.f32 v38, v19  }
0x189: {  	v40 =	vld [tilespmem:$0x1FFB0];
	v8 =	vadd.f32 v50, v8;
	v5 =	vadd.f32 v43, v5;
	v20 =	vmul.f32 v52, v53  }
0x18a: {  	v45 =	vmul.f32 v15, v15;
	v24 =	vmul.f32 v21, v56;
	v19 =	vadd.f32 v41, v19  }
0x18b: {  	v55 =	vshra.s32 v8, $0x1;
	v5 =	vadd.f32 v13, v5;
	v20 =	vadd.f32 $1.500000000e+00, v20  }
0x18c: {  	v8 =	vmul.f32 $-5.000000000e-01, v8;
	v36 =	vadd.f32 $1.500000000e+00, v24;
	v19 =	vadd.f32 v45, v19  }
0x18d: {  	v22 =	vsub.s32 $0x5F3759DF, v55;
	v17 =	vadd.f32 v17, v44;
	v5 =	vadd.f32 v49, v5  }
0x18e: {  	v57 =	vmul.f32 v22, v8;
	v16 =	vadd.f32 v16, v40;
	v19 =	vadd.f32 v48, v19  }
0x18f: {  	v13 =	vmul.f32 v52, v20;
	v60 =	vshra.s32 v5, $0x1;
	v61 =	vmul.f32 $-5.000000000e-01, v5  }
0x190: {  	v58 =	vshra.s32 v19, $0x1;
	v59 =	vmul.f32 $-5.000000000e-01, v19;
	v28 =	vsub.s32 $0x5F3759DF, v60  }
0x191: {  	v21 =	vmul.f32 v21, v36;
	v26 =	vsub.s32 $0x5F3759DF, v58;
	v63 =	vmul.f32 v28, v61  }
0x192: {  	v25 =	vmul.f32 v22, v57;
	v62 =	vmul.f32 v26, v59  }
0x193: {  	v4 =	vadd.f32 v4, v17;
	v16 =	vadd.f32 v32, v16;
	v39 =	vmul.f32 v28, v63  }
0x194: {  	v45 =	vmul.f32 v21, v6;
	v38 =	vadd.f32 $1.500000000e+00, v25;
	v37 =	vmul.f32 v26, v62  }
0x195: {  	v42 =	vmul.f32 v13, v18;
	v4 =	vadd.f32 v11, v4;
	v43 =	vadd.f32 $1.500000000e+00, v39  }
0x196: {  	v46 =	vmul.f32 v45, v21;
	v20 =	vmul.f32 v22, v38;
	v41 =	vadd.f32 $1.500000000e+00, v37  }
0x197: {  	v16 =	vadd.f32 v35, v16;
	v22 =	vmul.f32 v42, v13;
	v24 =	vmul.f32 v28, v43  }
0x198: {  	v4 =	vadd.f32 v9, v4;
	v47 =	vmul.f32 v20, v8;
	v23 =	vmul.f32 v26, v41  }
0x199: {  	v16 =	vadd.f32 v31, v16;
	v17 =	vadd.f32 $1.500000000e+00, v46;
	v28 =	vmul.f32 v24, v61  }
0x19a: {  	v48 =	vadd.f32 $1.500000000e+00, v22;
	v49 =	vmul.f32 v47, v20;
	v26 =	vmul.f32 v23, v59  }
0x19b: {  	v1 =	vadd.f32 v1, v4;
	v17 =	vmul.f32 v17, v21;
	v51 =	vmul.f32 v28, v24  }
0x19c: {  	v11 =	vmul.f32 v48, v13;
	v52 =	vadd.f32 $1.500000000e+00, v49;
	v50 =	vmul.f32 v26, v23  }
0x19d: {  	v7 =	vadd.f32 v7, v16;
	v6 =	vmul.f32 v17, v6;
	v54 =	vadd.f32 $1.500000000e+00, v51  }
0x19e: {  	v56 =	vmul.f32 v11, v18;
	v55 =	vmul.f32 v52, v20;
	v53 =	vadd.f32 $1.500000000e+00, v50  }
0x19f: {  	v0 =	vadd.f32 v0, v1;
	v1 =	vmul.f32 v6, v17;
	v58 =	vmul.f32 v54, v24  }
0x1a0: {  	v7 =	vadd.f32 v10, v7;
	v8 =	vmul.f32 v55, v8;
	v57 =	vmul.f32 v53, v23  }
0x1a1: {  	v0 =	vadd.f32 v3, v0;
	v4 =	vmul.f32 v56, v11;
	v60 =	vmul.f32 v58, v61  }
0x1a2: {  	v7 =	vadd.f32 v15, v7;
	v8 =	vmul.f32 v8, v55;
	v59 =	vmul.f32 v57, v59  }
0x1a3: {  	v1 =	vadd.f32 $1.500000000e+00, v1;
	v4 =	vadd.f32 $1.500000000e+00, v4;
	v6 =	vmul.f32 v60, v58  }
0x1a4: {  	v0 =	vadd.f32 v12, v0;
	v8 =	vadd.f32 $1.500000000e+00, v8;
	v10 =	vmul.f32 v59, v57  }
0x1a5: {  	v1 =	vmul.f32 v1, v17;
	v4 =	vmul.f32 v4, v11;
	v6 =	vadd.f32 $1.500000000e+00, v6  }
0x1a6: {  	v2 =	vadd.f32 v2, v7;
	v3 =	vmul.f32 v8, v55;
	v10 =	vadd.f32 $1.500000000e+00, v10  }
0x1a7: {  	v1 =	vmin.f32 v1, $9.999999950e+11;
	v4 =	vmin.f32 v4, $9.999999950e+11;
	v6 =	vmul.f32 v6, v58  }
0x1a8: {  	v62 =	vmul.f32 v1, v4;
	v3 =	vmin.f32 v3, $9.999999950e+11;
	v61 =	vmul.f32 v10, v57  }
0x1a9: {  	v0 =	vmul.f32 v3, v0;
	v5 =	vmul.f32 v6, v5  }
0x1aa: {  	v2 =	vmul.f32 v62, v2;
	v8 =	vmul.f32 v61, v19  }
0x1ab: {  	s22 =	sadd.s32 $0x1, s22;
	v0 =	vmul.f32 v0, v1;
	v4 =	vmul.f32 v5, v4  }
0x1ac: {  	p0 =	sne.s32 s22, $0x8;
	v1 =	vsub.f32 $0.0e+00, v2;
	v63 =	vmul.f32 v8, v62  }
.Ltmp1:
0x1ad: {  	v0 =	vsub.f32 $0.0e+00, v0;
	v2 =	vmul.f32 v4, v3;
	(pc) =	sbr.rel @p0 .LBB2_2-.Ltmp1, $4  }
0x1ae: {  	[tilespmem:s23+$0x11800] =	vst v1;
	v3 =	vsub.f32 $0.0e+00, v63  }
0x1af: {  	[tilespmem:s23+$0x11C00] =	vst v0;
	v1 =	vsub.f32 $0.0e+00, v2  }
0x1b0: {  	[tilespmem:s23+$0x11A00] =	vst v3  }
0x1b1: {  	v3 =	vlaneseq.u32;
	[tilespmem:s23+$0x11E00] =	vst v1  }
0x1b2: {  	[tilespmem:s28], [sflag:$0x1] =	stream.indirect.gather [hbm4b:s3+s26], $0x80, s26, s26, $0xb8;
	[tilespmem:$0x12000] =	vst v63  }
0x1b3: {  	s5 =	simm.s32 $0x280  }
0x1b4: {  	[tilespmem:s29], [sflag:$0x1] =	stream.indirect.gather [hbm4b:s4+s26], $0x80, s5, s26, $0xb8;
	[tilespmem:$0x12000] =	vst v63  }
0x1b5: {  	s23 =	simm.s32 $0x480  }
0x1b6: {  	[tilespmem:s30], [sflag:$0x1] =	stream.indirect.gather [hbm4b:s3+s26], $0x80, s23, s26, $0xb8;
	[tilespmem:$0x12000] =	vst v63  }
0x1b7: {  	s24 =	simm.s32 $0x680  }
0x1b8: {  	[tilespmem:s31], [sflag:$0x1] =	stream.indirect.gather [hbm4b:s3+s26], $0x80, s24, s26, $0xb8;
	[tilespmem:$0x12000] =	vst v63  }
0x1b9: {  	_ =	swait.ge [sflag:s25], $0x4000  }
0x1ba: {  	[sflag:s25] =	ssyncset.done $0x0  }
0x1bb: {  	[sflag:s25] =	ssyncadd.s32 $0xFFFFC000  }
0x1bc: {  	_ =	swait.ge [sflag:s25], $0x4000  }
0x1bd: {  	[sflag:s25] =	ssyncset.done $0x0  }
0x1be: {  	[sflag:s25] =	ssyncadd.s32 $0xFFFFC000  }
0x1bf: {  	_ =	swait.ge [sflag:s25], $0x4000  }
0x1c0: {  	[sflag:s25] =	ssyncset.done $0x0  }
0x1c1: {  	[sflag:s25] =	ssyncadd.s32 $0xFFFFC000  }
0x1c2: {  	_ =	swait.ge [sflag:s25], $0x4000  }
0x1c3: {  	[sflag:s25] =	ssyncset.done $0x0  }
0x1c4: {  	s22 =	simm.s32 $0x0;
	s23 =	simm.s32 $0x0;
	[sflag:s25] =	ssyncadd.s32 $0xFFFFC000  }
.LBB2_6:
0x1c5: {  	s5 =	sshll.u32 s23, $0x4;
	v6 =	vld [tilespmem:$0x1FFF0]  }
0x1c6: {  	v1 =	vld [tilespmem:s5+$0x1480]  }
0x1c7: {  	v7 =	vimm.f32 $0.0e+00;
	s7 =	simm.s32 $0x6;
	v4 =	vld [tilespmem:s5+$0x1680]  }
0x1c8: {  	s8 =	simm.s32 $0x5;
	s24 =	simm.s32 $0x4;
	s9 =	simm.s32 $0x1;
	v5 =	vld [tilespmem:s5+$0x1280];
	v2 =	vmov s5;
	[tilespmem:$0x1FC60] =	vst v7;
	v7 =	vadd.s32 s7, v3  }
0x1c9: {  	v0 =	vld [tilespmem:s5+$0x1080];
	s7 =	simm.s32 $0x3;
	v8 =	vadd.s32 s8, v3;
	v11 =	vadd.s32 s24, v3;
	v12 =	vadd.s32 s9, v3  }
0x1ca: {  	v2 =	vshll.u32 v2, $0x7;
	v10 =	vadd.s32 s7, v3;
	v11 =	vand.u32 $0x3F, v11  }
0x1cb: {  	v8 =	vand.u32 $0x3F, v8;
	v7 =	vand.u32 $0x3F, v7;
	v2 =	vor.u32 v6, v2;
	v6 =	vld [tilespmem:s5+$0x880]  }
0x1cc: {  	s6 =	simm.s32 $0x7;
	v41 =	vld [tilespmem:s5+$0xC80];
	v12 =	vand.u32 $0x3F, v12;
	v10 =	vand.u32 $0x3F, v10;
	vm2 =	veq.s32 v4, $0x0  }
0x1cd: {  	vm1 =	veq.s32 v1, $0x0;
	v4 =	vld [tilespmem:s5+$0xE80];
	vm0 =	veq.s32 v5, $0x0;
	v1 =	vadd.s32 s6, v3;
	s6 =	simm.s32 $0x2  }
0x1ce: {  	vm3 =	veq.s32 v0, $0x0;
	v0 =	vadd.s32 s22, v3;
	v5 =	vld [tilespmem:s5+$0xA80];
	v9 =	vadd.s32 s6, v3  }
0x1cf: {  	v0 =	vand.u32 $0x3F, v0;
	v1 =	vand.u32 $0x3F, v1;
	v9 =	vand.u32 $0x3F, v9  }
0x1d0: {  	v14 =	vadd.s32 v6, v0;
	v18 =	vadd.s32 v6, v1;
	v21 =	vadd.s32 v6, v7  }
0x1d1: {  	v24 =	vadd.s32 v6, v8;
	v27 =	vadd.s32 v6, v11;
	v30 =	vadd.s32 v6, v10  }
0x1d2: {  	v34 =	vadd.s32 v6, v9;
	v39 =	vadd.s32 v6, v12;
	v13 =	vadd.s32 v4, v0  }
0x1d3: {  	v15 =	vadd.s32 v5, v0;
	v0 =	vadd.s32 v41, v0;
	v16 =	vadd.s32 v4, v7  }
0x1d4: {  	v17 =	vadd.s32 v4, v1;
	v19 =	vadd.s32 v5, v1;
	v1 =	vadd.s32 v41, v1  }
0x1d5: {  	v20 =	vadd.s32 v4, v8;
	v22 =	vadd.s32 v5, v7;
	v23 =	vadd.s32 v4, v11  }
0x1d6: {  	v7 =	vadd.s32 v41, v7;
	v25 =	vadd.s32 v4, v10;
	v26 =	vadd.s32 v5, v8  }
0x1d7: {  	v8 =	vadd.s32 v41, v8;
	v28 =	vadd.s32 v5, v11;
	v11 =	vadd.s32 v41, v11  }
0x1d8: {  	v29 =	vadd.s32 v4, v9;
	v31 =	vadd.s32 v5, v10;
	v33 =	vadd.s32 v4, v12  }
0x1d9: {  	v10 =	vadd.s32 v41, v10;
	v35 =	vadd.s32 v5, v9;
	v9 =	vadd.s32 v41, v9  }
0x1da: {  	v36 =	vand.u32 $0x7, v14;
	v40 =	vadd.s32 v5, v12;
	v14 =	vand.u32 $0xFFFFFFF8, v14  }
0x1db: {  	v12 =	vadd.s32 v41, v12;
	v43 =	vand.u32 $0x7, v18;
	v18 =	vand.u32 $0xFFFFFFF8, v18  }
0x1dc: {  	v47 =	vand.u32 $0x7, v21;
	v21 =	vand.u32 $0xFFFFFFF8, v21;
	v51 =	vand.u32 $0x7, v24  }
0x1dd: {  	v24 =	vand.u32 $0xFFFFFFF8, v24;
	v55 =	vand.u32 $0x7, v27;
	v27 =	vand.u32 $0xFFFFFFF8, v27  }
0x1de: {  	v59 =	vand.u32 $0x7, v30;
	v30 =	vand.u32 $0xFFFFFFF8, v30;
	v32 =	vand.u32 $0x7, v13  }
0x1df: {  	v37 =	vand.u32 $0x7, v15;
	v13 =	vand.u32 $0xFFFFFFF8, v13;
	v38 =	vand.u32 $0x7, v0  }
0x1e0: {  	[tilespmem:$0x1FCA0] =	vst v41;
	v15 =	vand.u32 $0xFFFFFFF8, v15;
	v0 =	vand.u32 $0xFFFFFFF8, v0;
	v41 =	vand.u32 $0xFFFFFFF8, v17  }
0x1e1: {  	v17 =	vand.u32 $0x7, v17;
	v42 =	vand.u32 $0x7, v16;
	v44 =	vand.u32 $0x7, v19  }
0x1e2: {  	v16 =	vand.u32 $0xFFFFFFF8, v16;
	v45 =	vand.u32 $0x7, v1;
	v46 =	vand.u32 $0x7, v20  }
0x1e3: {  	v19 =	vand.u32 $0xFFFFFFF8, v19;
	v1 =	vand.u32 $0xFFFFFFF8, v1;
	v48 =	vand.u32 $0x7, v22  }
0x1e4: {  	v49 =	vand.u32 $0x7, v7;
	v20 =	vand.u32 $0xFFFFFFF8, v20;
	v22 =	vand.u32 $0xFFFFFFF8, v22  }
0x1e5: {  	v50 =	vand.u32 $0x7, v23;
	v7 =	vand.u32 $0xFFFFFFF8, v7;
	v23 =	vand.u32 $0xFFFFFFF8, v23  }
0x1e6: {  	v52 =	vand.u32 $0x7, v26;
	v53 =	vand.u32 $0x7, v8;
	v26 =	vand.u32 $0xFFFFFFF8, v26  }
0x1e7: {  	v8 =	vand.u32 $0xFFFFFFF8, v8;
	v54 =	vand.u32 $0x7, v25;
	v56 =	vand.u32 $0x7, v28  }
0x1e8: {  	v25 =	vand.u32 $0xFFFFFFF8, v25;
	v57 =	vand.u32 $0x7, v11;
	v58 =	vand.u32 $0x7, v29  }
0x1e9: {  	v28 =	vand.u32 $0xFFFFFFF8, v28;
	v11 =	vand.u32 $0xFFFFFFF8, v11;
	v60 =	vand.u32 $0x7, v31  }
0x1ea: {  	v61 =	vand.u32 $0x7, v10;
	v29 =	vand.u32 $0xFFFFFFF8, v29;
	v31 =	vand.u32 $0xFFFFFFF8, v31  }
0x1eb: {  	v62 =	vand.u32 $0x7, v33;
	v10 =	vand.u32 $0xFFFFFFF8, v10;
	v14 =	vadd.s32 v2, v14  }
0x1ec: {  	v33 =	vand.u32 $0xFFFFFFF8, v33;
	v63 =	vand.u32 $0x7, v12;
	v12 =	vand.u32 $0xFFFFFFF8, v12  }
0x1ed: {  	v18 =	vadd.s32 v2, v18;
	v21 =	vadd.s32 v2, v21;
	v24 =	vadd.s32 v2, v24  }
0x1ee: {  	v27 =	vadd.s32 v2, v27;
	v30 =	vadd.s32 v2, v30;
	v13 =	vadd.s32 v2, v13  }
0x1ef: {  	v14 =	vor.u32 v36, v14;
	v15 =	vadd.s32 v2, v15;
	v36 =	vand.u32 $0x7, v35  }
0x1f0: {  	v35 =	vand.u32 $0xFFFFFFF8, v35;
	v0 =	vadd.s32 v2, v0;
	v18 =	vor.u32 v43, v18  }
0x1f1: {  	v41 =	vadd.s32 v2, v41;
	v16 =	vadd.s32 v2, v16;
	v21 =	vor.u32 v47, v21  }
0x1f2: {  	v19 =	vadd.s32 v2, v19;
	v20 =	vadd.s32 v2, v20;
	v24 =	vor.u32 v51, v24  }
0x1f3: {  	v1 =	vadd.s32 v2, v1;
	v22 =	vadd.s32 v2, v22;
	v27 =	vor.u32 v55, v27  }
0x1f4: {  	v23 =	vadd.s32 v2, v23;
	v7 =	vadd.s32 v2, v7;
	v13 =	vor.u32 v32, v13;
	v14 =	vld.idx.msk [tilespmem:v14+s28+$0x0], $0xffff  }
0x1f5: {  	v26 =	vadd.s32 v2, v26;
	v25 =	vadd.s32 v2, v25;
	v15 =	vor.u32 v37, v15;
	v18 =	vld.idx.msk [tilespmem:v18+s28+$0x0], $0xffff  }
0x1f6: {  	v8 =	vadd.s32 v2, v8;
	v28 =	vadd.s32 v2, v28;
	v0 =	vor.u32 v38, v0;
	v21 =	vld.idx.msk [tilespmem:v21+s28+$0x0], $0xffff  }
0x1f7: {  	v29 =	vadd.s32 v2, v29;
	v11 =	vadd.s32 v2, v11;
	v17 =	vor.u32 v17, v41;
	v24 =	vld.idx.msk [tilespmem:v24+s28+$0x0], $0xffff  }
0x1f8: {  	v31 =	vadd.s32 v2, v31;
	v33 =	vadd.s32 v2, v33;
	v16 =	vor.u32 v42, v16;
	v27 =	vld.idx.msk [tilespmem:v27+s28+$0x0], $0xffff  }
0x1f9: {  	v10 =	vadd.s32 v2, v10;
	v12 =	vadd.s32 v2, v12;
	v19 =	vor.u32 v44, v19;
	v13 =	vld.idx.msk [tilespmem:v13+s31+$0x0], $0xffff  }
0x1fa: {  	v30 =	vor.u32 v59, v30;
	v32 =	vand.u32 $0x7, v34;
	v1 =	vor.u32 v45, v1;
	v15 =	vld.idx.msk [tilespmem:v15+s29+$0x0], $0xffff  }
0x1fb: {  	v37 =	vand.u32 $0x7, v9;
	v34 =	vand.u32 $0xFFFFFFF8, v34;
	v20 =	vor.u32 v46, v20;
	v0 =	vld.idx.msk [tilespmem:v0+s30+$0x0], $0xffff  }
0x1fc: {  	v9 =	vand.u32 $0xFFFFFFF8, v9;
	v38 =	vand.u32 $0x7, v39;
	v22 =	vor.u32 v48, v22;
	v17 =	vld.idx.msk [tilespmem:v17+s31+$0x0], $0xffff  }
0x1fd: {  	v41 =	vand.u32 $0x7, v40;
	v39 =	vand.u32 $0xFFFFFFF8, v39;
	v7 =	vor.u32 v49, v7;
	v16 =	vld.idx.msk [tilespmem:v16+s31+$0x0], $0xffff  }
0x1fe: {  	v40 =	vand.u32 $0xFFFFFFF8, v40;
	v35 =	vadd.s32 v2, v35;
	v23 =	vor.u32 v50, v23;
	v19 =	vld.idx.msk [tilespmem:v19+s29+$0x0], $0xffff  }
0x1ff: {  	v26 =	vor.u32 v52, v26;
	v25 =	vor.u32 v54, v25;
	v28 =	vor.u32 v56, v28;
	v1 =	vld.idx.msk [tilespmem:v1+s30+$0x0], $0xffff  }
0x200: {  	v8 =	vor.u32 v53, v8;
	v29 =	vor.u32 v58, v29;
	v11 =	vor.u32 v57, v11;
	v20 =	vld.idx.msk [tilespmem:v20+s31+$0x0], $0xffff  }
0x201: {  	v31 =	vor.u32 v60, v31;
	v10 =	vor.u32 v61, v10;
	v33 =	vor.u32 v62, v33;
	v22 =	vld.idx.msk [tilespmem:v22+s29+$0x0], $0xffff  }
0x202: {  	v34 =	vadd.s32 v2, v34;
	v39 =	vadd.s32 v2, v39;
	v9 =	vadd.s32 v2, v9;
	v7 =	vld.idx.msk [tilespmem:v7+s30+$0x0], $0xffff  }
0x203: {  	v40 =	vadd.s32 v2, v40;
	v32 =	vor.u32 v32, v34;
	v34 =	vor.u32 v36, v35;
	v23 =	vld.idx.msk [tilespmem:v23+s31+$0x0], $0xffff  }
0x204: {  	v35 =	vor.u32 v38, v39;
	v40 =	vor.u32 v41, v40;
	v9 =	vor.u32 v37, v9;
	v28 =	vld.idx.msk [tilespmem:v28+s29+$0x0], $0xffff  }
0x205: {  	v26 =	vld.idx.msk [tilespmem:v26+s29+$0x0], $0xffff;
	v38 =	vand.u32 $0xFFFF0000, v14;
	v36 =	vshll.u32 v14, $0x10;
	v55 =	vand.u32 $0xFFFF0000, v18  }
0x206: {  	v8 =	vld.idx.msk [tilespmem:v8+s30+$0x0], $0xffff;
	v52 =	vshll.u32 v18, $0x10;
	v18 =	vand.u32 $0xFFFF0000, v24;
	v24 =	vshll.u32 v24, $0x10  }
0x207: {  	v29 =	vld.idx.msk [tilespmem:v29+s31+$0x0], $0xffff;
	v61 =	vand.u32 $0xFFFF0000, v27;
	v27 =	vshll.u32 v27, $0x10;
	v37 =	vand.u32 $0xFFFF0000, v13  }
0x208: {  	v53 =	vshll.u32 v13, $0x10;
	v49 =	vand.u32 $0xFFFF0000, v22;
	v50 =	vshll.u32 v22, $0x10;
	v22 =	vld.idx.msk [tilespmem:v30+s28+$0x0], $0xffff  }
0x209: {  	v13 =	vor.u32 v63, v12;
	v62 =	vand.u32 $0xFFFF0000, v28;
	v63 =	vshll.u32 v28, $0x10;
	v28 =	vld.idx.msk [tilespmem:v34+s29+$0x0], $0xffff  }
0x20a: {  	[tilespmem:$0x1FC90] =	vst v5;
	v3 =	vand.u32 $0xFFFF0000, v15;
	v5 =	vand.u32 $0xFFFF0000, v26;
	v58 =	vshll.u32 v26, $0x10;
	v26 =	vld.idx.msk [tilespmem:v33+s31+$0x0], $0xffff  }
0x20b: {  	[tilespmem:$0x1FC70] =	vst v4;
	v25 =	vld.idx.msk [tilespmem:v25+s31+$0x0], $0xffff;
	v12 =	vshll.u32 v15, $0x10;
	v4 =	vand.u32 $0xFFFF0000, v0;
	v0 =	vshll.u32 v0, $0x10  }
0x20c: {  	[tilespmem:$0x1FC80] =	vst v6;
	v54 =	vld.idx.msk [tilespmem:v31+s29+$0x0], $0xffff;
	v6 =	vand.u32 $0xFFFF0000, v17;
	v51 =	vand.u32 $0xFFFF0000, v7;
	v56 =	vshll.u32 v7, $0x10  }
0x20d: {  	v9 =	vld.idx.msk [tilespmem:v9+s30+$0x0], $0xffff;
	v47 =	vand.u32 $0xFFFF0000, v29;
	v44 =	vshll.u32 v29, $0x10;
	v36 =	vsel vm3, v36, v38;
	[tilespmem:$0x1FCB0] =	vst v4  }
0x20e: {  	v34 =	vld.idx.msk [tilespmem:v40+s29+$0x0], $0xffff;
	[tilespmem:$0x1FCC0] =	vst v0;
	v29 =	vsel vm2, v53, v37;
	v7 =	vand.u32 $0xFFFF0000, v22;
	v37 =	vand.u32 $0xFFFF0000, v28  }
0x20f: {  	v38 =	vshll.u32 v28, $0x10;
	v28 =	vsel vm0, v12, v3;
	v3 =	vld [tilespmem:$0x1FCB0];
	[tilespmem:$0x1FD50] =	vst v7;
	v7 =	vshll.u32 v26, $0x10  }
0x210: {  	v17 =	vshll.u32 v17, $0x10;
	v14 =	vshll.u32 v16, $0x10;
	v41 =	vand.u32 $0xFFFF0000, v20;
	[tilespmem:$0x1FD60] =	vst v7;
	v7 =	vld [tilespmem:$0x1FCC0]  }
0x211: {  	v11 =	vld.idx.msk [tilespmem:v11+s30+$0x0], $0xffff;
	v20 =	vshll.u32 v20, $0x10;
	v30 =	vand.u32 $0xFFFF0000, v23;
	v0 =	vand.u32 $0xFFFF0000, v16  }
0x212: {  	v10 =	vld.idx.msk [tilespmem:v10+s30+$0x0], $0xffff;
	v39 =	vshll.u32 v23, $0x10;
	v60 =	vand.u32 $0xFFFF0000, v8;
	[tilespmem:$0x1FCD0] =	vst v0;
	v0 =	vand.u32 $0xFFFF0000, v19  }
0x213: {  	v32 =	vld.idx.msk [tilespmem:v32+s28+$0x0], $0xffff;
	v31 =	vshll.u32 v54, $0x10;
	v16 =	vand.u32 $0xFFFF0000, v54;
	[tilespmem:$0x1FCE0] =	vst v0;
	v0 =	vshll.u32 v19, $0x10  }
0x214: {  	[tilespmem:$0x1FCF0] =	vst v0;
	v40 =	vand.u32 $0xFFFF0000, v34;
	v42 =	vshll.u32 v34, $0x10;
	v34 =	vsel vm2, v17, v6;
	v6 =	vld [tilespmem:$0x1FCE0]  }
0x215: {  	v54 =	vand.u32 $0xFFFF0000, v9;
	v23 =	vshll.u32 v9, $0x10;
	v9 =	vsel vm1, v7, v3;
	v7 =	vld [tilespmem:$0x1FCF0]  }
0x216: {  	v46 =	vand.u32 $0xFFFF0000, v11;
	v15 =	vshll.u32 v11, $0x10;
	v45 =	vshll.u32 v22, $0x10;
	v22 =	vld.idx.msk [tilespmem:v35+s28+$0x0], $0xffff  }
0x217: {  	v59 =	vand.u32 $0xFFFF0000, v10;
	v48 =	vshll.u32 v10, $0x10;
	v4 =	vand.u32 $0xFFFF0000, v21  }
0x218: {  	v21 =	vshll.u32 v21, $0x10;
	v11 =	vsel vm1, v56, v51;
	v0 =	vand.u32 $0xFFFF0000, v1  }
0x219: {  	v57 =	vand.u32 $0xFFFF0000, v32;
	v43 =	vshll.u32 v32, $0x10;
	v32 =	vsel vm2, v39, v30;
	[tilespmem:$0x1FD00] =	vst v0  }
0x21a: {  	v51 =	vmul.f32 v29, v29;
	v39 =	vsel vm3, v24, v18;
	v10 =	vsel vm0, v7, v6;
	v6 =	vld [tilespmem:$0x1FD00]  }
0x21b: {  	v24 =	vsel vm2, v44, v47;
	v19 =	vand.u32 $0xFFFF0000, v25;
	v3 =	vand.u32 $0xFFFF0000, v22  }
0x21c: {  	v25 =	vshll.u32 v25, $0x10;
	[tilespmem:$0x1FD70] =	vst v3;
	v3 =	vshll.u32 v22, $0x10;
	v22 =	vsel vm3, v21, v4;
	v4 =	vld [tilespmem:$0x1FD50]  }
0x21d: {  	v18 =	vmul.f32 v39, v39;
	v43 =	vsel vm3, v43, v57;
	v1 =	vshll.u32 v1, $0x10  }
0x21e: {  	v25 =	vsel vm2, v25, v19;
	v33 =	vand.u32 $0xFFFF0000, v26;
	v35 =	vsel vm3, v52, v55;
	v26 =	vld.idx.msk [tilespmem:v13+s30+$0x0], $0xffff  }
0x21f: {  	v0 =	vshll.u32 v8, $0x10;
	v7 =	vsel vm1, v1, v6;
	v1 =	vmul.f32 v35, v35  }
0x220: {  	v12 =	vsel vm0, v58, v5;
	v57 =	vmul.f32 v25, v25;
	v13 =	vsel vm0, v50, v49;
	[tilespmem:$0x1FD80] =	vst v3;
	v3 =	vld [tilespmem:$0x1FCD0]  }
0x221: {  	v50 =	vmul.f32 v36, v36;
	[tilespmem:$0x1FD10] =	vst v1;
	v1 =	vsel vm1, v15, v46;
	v46 =	vsel vm3, v45, v4;
	v4 =	vld [tilespmem:$0x1FD60]  }
0x222: {  	v56 =	vmul.f32 v28, v36;
	v8 =	vsel vm1, v0, v60;
	v0 =	vmul.f32 v7, v7  }
0x223: {  	v52 =	vand.u32 $0xFFFF0000, v26;
	v53 =	vshll.u32 v26, $0x10;
	v26 =	vsel vm2, v20, v41  }
0x224: {  	v41 =	vsel vm3, v27, v61;
	v27 =	vmul.f32 v26, v26;
	[tilespmem:$0x1FD20] =	vst v0;
	v0 =	vmul.f32 v34, v34  }
0x225: {  	v47 =	vmul.f32 v41, v41;
	v5 =	vld [tilespmem:$0x1FD80];
	v3 =	vsel vm2, v14, v3;
	v14 =	vmul.f32 v11, v13  }
0x226: {  	[tilespmem:$0x1FD30] =	vst v0;
	v0 =	vmul.f32 v11, v11;
	v11 =	vsel vm1, v23, v54;
	v23 =	vsel vm2, v4, v33;
	v4 =	vld [tilespmem:$0x1FD70]  }
0x227: {  	v49 =	vmul.f32 v9, v9;
	v55 =	vmul.f32 v9, v28  }
0x228: {  	v9 =	vsel vm1, v48, v59;
	v21 =	vmul.f32 v22, v22;
	v48 =	vmul.f32 v13, v22  }
0x229: {  	v58 =	vmul.f32 v9, v9;
	v61 =	vmul.f32 v10, v35  }
0x22a: {  	v20 =	vmul.f32 v3, v3;
	v6 =	vmul.f32 v8, v8  }
0x22b: {  	v60 =	vmul.f32 v7, v10;
	[tilespmem:$0x1FD40] =	vst v0;
	v54 =	vsel vm3, v5, v4;
	v4 =	vimm.f32 $0.0e+00  }
0x22c: {  	v10 =	vmul.f32 v43, v43;
	v45 =	vmul.f32 v32, v32;
	[tilespmem:$0x1FD90] =	vst v4;
	v4 =	vimm.f32 $0.0e+00  }
0x22d: {  	v44 =	vmul.f32 v1, v1;
	v59 =	vmul.f32 v46, v46;
	[tilespmem:$0x1FDA0] =	vst v4;
	v4 =	vimm.f32 $0.0e+00  }
0x22e: {  	v7 =	vmul.f32 v11, v11;
	v0 =	vsel vm0, v63, v62;
	[tilespmem:$0x1FDB0] =	vst v4;
	v4 =	vimm.f32 $0.0e+00  }
0x22f: {  	v63 =	vmul.f32 v8, v12;
	v62 =	vmul.f32 v12, v39;
	[tilespmem:$0x1FDC0] =	vst v4;
	v4 =	vimm.f32 $0.0e+00  }
0x230: {  	s24 =	sor.u32 $0x80, s5;
	s5 =	simm.s32 $0x8;
	v30 =	vimm.f32 $0.0e+00;
	v8 =	vmul.f32 v24, v24;
	v1 =	vmul.f32 v1, v0;
	[tilespmem:$0x1FDD0] =	vst v4  }
.LBB2_7:
0x231: {  	_ = 	snop  }
0x232: {  	v4 =	vld [tilespmem:$0x1FC60]  }
0x233: {  	v52 =	vsel vm1, v53, v52  }
0x234: {  	v12 =	vmul.f32 v52, v52;
	v49 =	vadd.f32 v49, v30;
	_ =	sdelay $0x1  }
0x235: {  	v53 =	vmul.f32 v54, v54;
	v12 =	vadd.f32 v12, v49  }
0x236: {  	v33 =	vsel vm0, v38, v37;
	v38 =	vsel vm0, v42, v40;
	v50 =	vadd.f32 v50, v4  }
0x237: {  	v42 =	vmul.f32 v52, v38;
	v7 =	vadd.f32 v7, v12  }
0x238: {  	v52 =	vmul.f32 v29, v55;
	v29 =	vmul.f32 v29, v56;
	v50 =	vadd.f32 v53, v50  }
0x239: {  	v56 =	vmul.f32 v3, v14;
	v31 =	vsel vm0, v31, v16;
	v7 =	vadd.f32 v58, v7  }
0x23a: {  	v16 =	vmul.f32 v22, v14;
	v14 =	vmul.f32 v3, v48;
	v3 =	vld [tilespmem:$0x1FD40];
	v10 =	vadd.f32 v10, v50  }
0x23b: {  	v7 =	vadd.f32 v44, v7  }
0x23c: {  	v10 =	vadd.f32 v59, v10  }
0x23d: {  	v7 =	vadd.f32 v6, v7  }
0x23e: {  	v4 =	vld [tilespmem:$0x1FD90];
	v10 =	vadd.f32 v47, v10  }
0x23f: {  	v7 =	vadd.f32 v3, v7;
	v3 =	vld [tilespmem:$0x1FD10]  }
0x240: {  	v10 =	vadd.f32 v18, v10;
	_ =	sdelay $0x1  }
0x241: {  	v10 =	vadd.f32 v21, v10;
	_ =	sdelay $0x1  }
0x242: {  	v13 =	vmul.f32 v23, v23;
	v51 =	vadd.f32 v51, v4;
	v3 =	vadd.f32 v3, v10;
	_ =	sdelay $0x1  }
0x243: {  	v13 =	vadd.f32 v13, v51;
	[tilespmem:$0x1FC60] =	vst v3;
	v3 =	vld [tilespmem:$0x1FD20];
	_ =	sdelay $0x1  }
0x244: {  	v8 =	vadd.f32 v8, v13;
	_ =	sdelay $0x1  }
0x245: {  	v8 =	vadd.f32 v57, v8  }
0x246: {  	v3 =	vadd.f32 v3, v7  }
0x247: {  	v8 =	vadd.f32 v45, v8  }
0x248: {  	[tilespmem:$0x1FC20] =	vst v3;
	v3 =	vld [tilespmem:$0x1FD30]  }
0x249: {  	v8 =	vadd.f32 v27, v8;
	_ =	sdelay $0x1  }
0x24a: {  	v8 =	vadd.f32 v20, v8;
	_ =	sdelay $0x1  }
0x24b: {  	v3 =	vadd.f32 v3, v8;
	_ =	sdelay $0x1  }
0x24c: {  	[tilespmem:$0x1FD90] =	vst v3;
	v3 =	vld [tilespmem:$0x1FDA0]  }
0x24d: {  	v0 =	vmul.f32 v0, v41;
	v36 =	vmul.f32 v36, v55  }
0x24e: {  	v11 =	vmul.f32 v11, v33;
	v40 =	vmul.f32 v33, v43  }
0x24f: {  	v38 =	vmul.f32 v38, v54;
	v55 =	vmul.f32 v34, v60  }
0x250: {  	v35 =	vmul.f32 v35, v60;
	v60 =	vmul.f32 v34, v61  }
0x251: {  	v61 =	vmul.f32 v26, v63;
	v0 =	vmul.f32 v32, v0;
	v7 =	vadd.f32 v36, v3;
	v3 =	vld [tilespmem:$0x1FDB0]  }
0x252: {  	v19 =	vmul.f32 v36, v36;
	v28 =	vmul.f32 v23, v42  }
0x253: {  	v22 =	vmul.f32 v26, v62;
	v0 =	vmul.f32 v0, v0  }
0x254: {  	v5 =	vlaneseq.u32;
	s6 =	sadd.s32 $0x7, s5;
	v9 =	vmul.f32 v9, v31;
	v21 =	vmul.f32 v54, v42  }
0x255: {  	v33 =	vadd.s32 s6, v5;
	v13 =	vmul.f32 v39, v63;
	v39 =	vmul.f32 v24, v11  }
0x256: {  	v11 =	vmul.f32 v43, v11;
	v7 =	vadd.f32 v21, v7;
	v8 =	vadd.f32 v19, v3;
	v3 =	vld [tilespmem:$0x1FDC0]  }
0x257: {  	v37 =	vmul.f32 v31, v46;
	v31 =	vadd.s32 s5, v5;
	v15 =	vmul.f32 v21, v21  }
0x258: {  	v26 =	vmul.f32 v25, v9;
	v9 =	vmul.f32 v46, v9;
	v7 =	vadd.f32 v11, v7  }
0x259: {  	v25 =	vmul.f32 v25, v37;
	v8 =	vadd.f32 v15, v8;
	v15 =	vmul.f32 v11, v11  }
0x25a: {  	v12 =	vmul.f32 v32, v1;
	v1 =	vmul.f32 v41, v1;
	v7 =	vadd.f32 v9, v7  }
0x25b: {  	v11 =	vmul.f32 v9, v9;
	v8 =	vadd.f32 v15, v8;
	v17 =	vadd.f32 v52, v3;
	v3 =	vld [tilespmem:$0x1FDD0]  }
0x25c: {  	v20 =	vmul.f32 v23, v38;
	v9 =	vmul.f32 v1, v1;
	v1 =	vadd.f32 v1, v7  }
0x25d: {  	v24 =	vmul.f32 v24, v40;
	v8 =	vadd.f32 v11, v8;
	v17 =	vadd.f32 v28, v17  }
0x25e: {  	v10 =	vmul.f32 v29, v29;
	v18 =	vmul.f32 v20, v20;
	v1 =	vadd.f32 v13, v1  }
0x25f: {  	v7 =	vadd.f32 v9, v8;
	v8 =	vmul.f32 v13, v13;
	v15 =	vadd.f32 v39, v17  }
0x260: {  	v1 =	vadd.f32 v16, v1;
	v17 =	vmul.f32 v25, v25;
	v10 =	vadd.f32 v10, v3  }
0x261: {  	v7 =	vadd.f32 v8, v7;
	v8 =	vmul.f32 v16, v16;
	v11 =	vadd.f32 v26, v15  }
0x262: {  	v4 =	vld [tilespmem:$0x1FC70];
	v1 =	vadd.f32 v35, v1;
	v10 =	vadd.f32 v18, v10;
	v18 =	vmul.f32 v24, v24  }
0x263: {  	s9 =	sadd.s32 $0x6, s5;
	v7 =	vadd.f32 v8, v7;
	v8 =	vmul.f32 v35, v35;
	v9 =	vadd.f32 v12, v11  }
0x264: {  	s8 =	sadd.s32 $0x3, s5;
	v11 =	vadd.s32 s9, v5;
	s9 =	sadd.s32 $0x4, s5;
	v12 =	vand.u32 $0x3F, v33;
	v10 =	vadd.f32 v18, v10  }
0x265: {  	[tilespmem:$0x1FDA0] =	vst v1;
	v1 =	vadd.f32 v8, v7;
	v7 =	vadd.s32 s8, v5;
	v8 =	vadd.s32 s9, v5  }
0x266: {  	v11 =	vand.u32 $0x3F, v11;
	v9 =	vadd.f32 v61, v9;
	v8 =	vand.u32 $0x3F, v8  }
0x267: {  	s7 =	sadd.s32 $0x5, s5;
	v7 =	vand.u32 $0x3F, v7;
	v16 =	vadd.s32 v4, v11;
	v10 =	vadd.f32 v17, v10  }
0x268: {  	[tilespmem:$0x1FDB0] =	vst v1;
	v1 =	vadd.s32 s7, v5;
	v17 =	vadd.s32 v4, v12;
	v23 =	vadd.s32 v4, v8  }
0x269: {  	v25 =	vadd.s32 v4, v7;
	v42 =	vand.u32 $0x7, v16;
	v16 =	vand.u32 $0xFFFFFFF8, v16  }
0x26a: {  	v9 =	vadd.f32 v56, v9;
	v1 =	vand.u32 $0x3F, v1;
	v41 =	vand.u32 $0xFFFFFFF8, v17  }
0x26b: {  	v17 =	vand.u32 $0x7, v17;
	v50 =	vand.u32 $0x7, v23;
	v23 =	vand.u32 $0xFFFFFFF8, v23  }
0x26c: {  	v54 =	vand.u32 $0x7, v25;
	v25 =	vand.u32 $0xFFFFFFF8, v25;
	v16 =	vadd.s32 v2, v16  }
0x26d: {  	v0 =	vadd.f32 v0, v10;
	v10 =	vmul.f32 v22, v22;
	v20 =	vadd.s32 v4, v1  }
0x26e: {  	v41 =	vadd.s32 v2, v41;
	v16 =	vor.u32 v42, v16;
	v23 =	vadd.s32 v2, v23  }
0x26f: {  	v25 =	vadd.s32 v2, v25;
	v3 =	vadd.f32 v55, v9;
	v9 =	vand.u32 $0x3F, v31  }
0x270: {  	v46 =	vand.u32 $0x7, v20;
	v0 =	vadd.f32 v10, v0;
	v10 =	vmul.f32 v14, v14  }
0x271: {  	v20 =	vand.u32 $0xFFFFFFF8, v20;
	v17 =	vor.u32 v17, v41;
	v23 =	vor.u32 v50, v23;
	[tilespmem:$0x1FDC0] =	vst v3;
	v3 =	vld [tilespmem:$0x1FC80]  }
0x272: {  	v13 =	vadd.s32 v4, v9;
	v0 =	vadd.f32 v10, v0;
	v10 =	vmul.f32 v60, v60  }
0x273: {  	v25 =	vor.u32 v54, v25;
	v32 =	vand.u32 $0x7, v13;
	v13 =	vand.u32 $0xFFFFFFF8, v13  }
0x274: {  	s7 =	sadd.s32 $0x1, s5;
	v20 =	vadd.s32 v2, v20;
	v13 =	vadd.s32 v2, v13;
	v0 =	vadd.f32 v10, v0  }
0x275: {  	s6 =	sadd.s32 $0x2, s5;
	v20 =	vor.u32 v46, v20;
	v13 =	vor.u32 v32, v13;
	v10 =	vadd.s32 s7, v5  }
0x276: {  	v10 =	vand.u32 $0x3F, v10;
	[tilespmem:$0x1FDD0] =	vst v0;
	v0 =	vadd.s32 s6, v5;
	v14 =	vadd.s32 v3, v9  }
0x277: {  	v18 =	vadd.s32 v3, v12;
	v21 =	vadd.s32 v3, v11;
	v24 =	vadd.s32 v3, v1  }
0x278: {  	v27 =	vadd.s32 v3, v8;
	v30 =	vadd.s32 v3, v7;
	v33 =	vadd.s32 v4, v10  }
0x279: {  	v39 =	vadd.s32 v3, v10;
	v0 =	vand.u32 $0x3F, v0;
	v36 =	vand.u32 $0x7, v14  }
0x27a: {  	v14 =	vand.u32 $0xFFFFFFF8, v14;
	v43 =	vand.u32 $0x7, v18;
	v18 =	vand.u32 $0xFFFFFFF8, v18  }
0x27b: {  	v47 =	vand.u32 $0x7, v21;
	v21 =	vand.u32 $0xFFFFFFF8, v21;
	v52 =	vand.u32 $0x7, v24  }
0x27c: {  	v16 =	vld.idx.msk [tilespmem:v16+s31+$0x0], $0xffff;
	v24 =	vand.u32 $0xFFFFFFF8, v24;
	v55 =	vand.u32 $0x7, v27;
	v27 =	vand.u32 $0xFFFFFFF8, v27  }
0x27d: {  	v59 =	vand.u32 $0x7, v30;
	v30 =	vand.u32 $0xFFFFFFF8, v30;
	v62 =	vand.u32 $0x7, v33  }
0x27e: {  	v33 =	vand.u32 $0xFFFFFFF8, v33;
	v29 =	vadd.s32 v4, v0;
	v34 =	vadd.s32 v3, v0  }
0x27f: {  	v17 =	vld.idx.msk [tilespmem:v17+s31+$0x0], $0xffff;
	v14 =	vadd.s32 v2, v14;
	v18 =	vadd.s32 v2, v18;
	v21 =	vadd.s32 v2, v21  }
0x280: {  	v25 =	vld.idx.msk [tilespmem:v25+s31+$0x0], $0xffff;
	v24 =	vadd.s32 v2, v24;
	v27 =	vadd.s32 v2, v27;
	v30 =	vadd.s32 v2, v30  }
0x281: {  	v46 =	vadd.s32 v2, v33;
	v41 =	vand.u32 $0xFFFF0000, v16;
	v58 =	vand.u32 $0x7, v29  }
0x282: {  	v5 =	vld [tilespmem:$0x1FC90];
	v29 =	vand.u32 $0xFFFFFFF8, v29;
	v63 =	vand.u32 $0x7, v34;
	v34 =	vand.u32 $0xFFFFFFF8, v34  }
0x283: {  	v6 =	vld [tilespmem:$0x1FCA0];
	v14 =	vor.u32 v36, v14;
	v18 =	vor.u32 v43, v18;
	v21 =	vor.u32 v47, v21  }
0x284: {  	v24 =	vor.u32 v52, v24;
	v27 =	vor.u32 v55, v27;
	v30 =	vor.u32 v59, v30  }
0x285: {  	v32 =	vor.u32 v62, v46;
	v43 =	vand.u32 $0xFFFF0000, v17;
	v59 =	vand.u32 $0xFFFF0000, v25  }
0x286: {  	v25 =	vshll.u32 v25, $0x10;
	v29 =	vadd.s32 v2, v29;
	v47 =	vadd.s32 v2, v34  }
0x287: {  	v34 =	vshll.u32 v16, $0x10;
	v25 =	vsel vm2, v25, v59;
	v15 =	vadd.s32 v5, v9  }
0x288: {  	v9 =	vadd.s32 v6, v9;
	v19 =	vadd.s32 v5, v12;
	v12 =	vadd.s32 v6, v12  }
0x289: {  	v20 =	vld.idx.msk [tilespmem:v20+s31+$0x0], $0xffff;
	v22 =	vadd.s32 v5, v11;
	v11 =	vadd.s32 v6, v11;
	v26 =	vadd.s32 v5, v1  }
0x28a: {  	v1 =	vadd.s32 v6, v1;
	v28 =	vadd.s32 v5, v8;
	v8 =	vadd.s32 v6, v8  }
0x28b: {  	v31 =	vadd.s32 v5, v7;
	v7 =	vadd.s32 v6, v7;
	v35 =	vadd.s32 v5, v0  }
0x28c: {  	v0 =	vadd.s32 v6, v0;
	v40 =	vadd.s32 v5, v10;
	v10 =	vadd.s32 v6, v10  }
0x28d: {  	v5 =	vand.u32 $0x7, v39;
	v39 =	vand.u32 $0xFFFFFFF8, v39;
	v29 =	vor.u32 v58, v29  }
0x28e: {  	v33 =	vor.u32 v63, v47;
	v47 =	vand.u32 $0xFFFF0000, v20;
	v20 =	vshll.u32 v20, $0x10  }
0x28f: {  	v37 =	vand.u32 $0x7, v15;
	v38 =	vand.u32 $0x7, v9;
	v15 =	vand.u32 $0xFFFFFFF8, v15  }
0x290: {  	v9 =	vand.u32 $0xFFFFFFF8, v9;
	v44 =	vand.u32 $0x7, v19;
	v45 =	vand.u32 $0x7, v12  }
0x291: {  	v19 =	vand.u32 $0xFFFFFFF8, v19;
	v12 =	vand.u32 $0xFFFFFFF8, v12;
	v48 =	vand.u32 $0x7, v22  }
0x292: {  	v51 =	vand.u32 $0x7, v11;
	v22 =	vand.u32 $0xFFFFFFF8, v22;
	v11 =	vand.u32 $0xFFFFFFF8, v11  }
0x293: {  	v53 =	vand.u32 $0x7, v26;
	v3 =	vand.u32 $0x7, v1;
	v26 =	vand.u32 $0xFFFFFFF8, v26  }
0x294: {  	v1 =	vand.u32 $0xFFFFFFF8, v1;
	v56 =	vand.u32 $0x7, v28;
	v57 =	vand.u32 $0x7, v8  }
0x295: {  	v28 =	vand.u32 $0xFFFFFFF8, v28;
	v8 =	vand.u32 $0xFFFFFFF8, v8;
	v60 =	vand.u32 $0x7, v31  }
0x296: {  	v23 =	vld.idx.msk [tilespmem:v23+s31+$0x0], $0xffff;
	v61 =	vand.u32 $0x7, v7;
	v31 =	vand.u32 $0xFFFFFFF8, v31;
	v7 =	vand.u32 $0xFFFFFFF8, v7  }
0x297: {  	v13 =	vld.idx.msk [tilespmem:v13+s31+$0x0], $0xffff;
	v4 =	vand.u32 $0x7, v35;
	v49 =	vand.u32 $0x7, v0;
	v35 =	vand.u32 $0xFFFFFFF8, v35  }
0x298: {  	v0 =	vand.u32 $0xFFFFFFF8, v0;
	v6 =	vand.u32 $0x7, v40;
	v40 =	vand.u32 $0xFFFFFFF8, v40;
	v14 =	vld.idx.msk [tilespmem:v14+s28+$0x0], $0xffff  }
0x299: {  	[tilespmem:$0x1FBE0] =	vst v3;
	v3 =	vand.u32 $0x7, v10;
	v10 =	vand.u32 $0xFFFFFFF8, v10;
	v15 =	vadd.s32 v2, v15;
	v18 =	vld.idx.msk [tilespmem:v18+s28+$0x0], $0xffff  }
0x29a: {  	v9 =	vadd.s32 v2, v9;
	v19 =	vadd.s32 v2, v19;
	v12 =	vadd.s32 v2, v12;
	v21 =	vld.idx.msk [tilespmem:v21+s28+$0x0], $0xffff  }
0x29b: {  	v22 =	vadd.s32 v2, v22;
	v11 =	vadd.s32 v2, v11;
	v26 =	vadd.s32 v2, v26;
	v55 =	vld [tilespmem:$0x1FBE0]  }
0x29c: {  	v1 =	vadd.s32 v2, v1;
	v28 =	vadd.s32 v2, v28;
	v15 =	vor.u32 v37, v15;
	v24 =	vld.idx.msk [tilespmem:v24+s28+$0x0], $0xffff  }
0x29d: {  	v8 =	vadd.s32 v2, v8;
	v31 =	vadd.s32 v2, v31;
	v9 =	vor.u32 v38, v9;
	v27 =	vld.idx.msk [tilespmem:v27+s28+$0x0], $0xffff  }
0x29e: {  	v7 =	vadd.s32 v2, v7;
	v0 =	vadd.s32 v2, v0;
	v19 =	vor.u32 v44, v19;
	v30 =	vld.idx.msk [tilespmem:v30+s28+$0x0], $0xffff  }
0x29f: {  	v52 =	vadd.s32 v2, v40;
	v42 =	vand.u32 $0xFFFF0000, v13;
	v12 =	vor.u32 v45, v12;
	v29 =	vld.idx.msk [tilespmem:v29+s31+$0x0], $0xffff  }
0x2a0: {  	v40 =	vshll.u32 v13, $0x10;
	v22 =	vor.u32 v48, v22;
	v11 =	vor.u32 v51, v11;
	v33 =	vld.idx.msk [tilespmem:v33+s28+$0x0], $0xffff  }
0x2a1: {  	v48 =	vadd.s32 v2, v35;
	v51 =	vadd.s32 v2, v39;
	v10 =	vadd.s32 v2, v10;
	v15 =	vld.idx.msk [tilespmem:v15+s29+$0x0], $0xffff  }
0x2a2: {  	v26 =	vor.u32 v53, v26;
	v28 =	vor.u32 v56, v28;
	v8 =	vor.u32 v57, v8;
	v9 =	vld.idx.msk [tilespmem:v9+s30+$0x0], $0xffff  }
0x2a3: {  	v31 =	vor.u32 v60, v31;
	v7 =	vor.u32 v61, v7;
	v6 =	vor.u32 v6, v52;
	v19 =	vld.idx.msk [tilespmem:v19+s29+$0x0], $0xffff  }
0x2a4: {  	v0 =	vor.u32 v49, v0;
	v39 =	vshll.u32 v17, $0x10;
	v4 =	vor.u32 v4, v48;
	v12 =	vld.idx.msk [tilespmem:v12+s30+$0x0], $0xffff  }
0x2a5: {  	v5 =	vor.u32 v5, v51;
	v3 =	vor.u32 v3, v10;
	v1 =	vor.u32 v55, v1;
	v22 =	vld.idx.msk [tilespmem:v22+s29+$0x0], $0xffff  }
0x2a6: {  	v11 =	vld.idx.msk [tilespmem:v11+s30+$0x0], $0xffff;
	v10 =	vand.u32 $0xFFFF0000, v14;
	v44 =	vand.u32 $0xFFFF0000, v18;
	v18 =	vshll.u32 v18, $0x10  }
0x2a7: {  	v26 =	vld.idx.msk [tilespmem:v26+s29+$0x0], $0xffff;
	v48 =	vand.u32 $0xFFFF0000, v21;
	v21 =	vshll.u32 v21, $0x10;
	v54 =	vand.u32 $0xFFFF0000, v24  }
0x2a8: {  	v36 =	vld.idx.msk [tilespmem:v31+s29+$0x0], $0xffff;
	v24 =	vshll.u32 v24, $0x10;
	v61 =	vand.u32 $0xFFFF0000, v27;
	v27 =	vshll.u32 v27, $0x10  }
0x2a9: {  	v13 =	vand.u32 $0xFFFF0000, v30;
	[tilespmem:$0x1FBF0] =	vst v10;
	v10 =	vshll.u32 v14, $0x10;
	v4 =	vld.idx.msk [tilespmem:v4+s29+$0x0], $0xffff;
	v14 =	vand.u32 $0xFFFF0000, v29  }
0x2aa: {  	v17 =	vand.u32 $0xFFFF0000, v33;
	v49 =	vand.u32 $0xFFFF0000, v22;
	v50 =	vshll.u32 v22, $0x10;
	v22 =	vld.idx.msk [tilespmem:v32+s31+$0x0], $0xffff  }
0x2ab: {  	v3 =	vld.idx.msk [tilespmem:v3+s30+$0x0], $0xffff;
	[tilespmem:$0x1FC00] =	vst v10;
	v33 =	vshll.u32 v33, $0x10;
	v10 =	vand.u32 $0xFFFF0000, v15;
	v55 =	vshll.u32 v15, $0x10  }
0x2ac: {  	v0 =	vld.idx.msk [tilespmem:v0+s30+$0x0], $0xffff;
	v56 =	vand.u32 $0xFFFF0000, v9;
	v35 =	vshll.u32 v9, $0x10;
	v45 =	vand.u32 $0xFFFF0000, v19  }
0x2ad: {  	v28 =	vld.idx.msk [tilespmem:v28+s29+$0x0], $0xffff;
	v19 =	vshll.u32 v19, $0x10;
	v46 =	vand.u32 $0xFFFF0000, v12;
	v12 =	vshll.u32 v12, $0x10  }
0x2ae: {  	v7 =	vld.idx.msk [tilespmem:v7+s30+$0x0], $0xffff;
	v51 =	vand.u32 $0xFFFF0000, v11;
	v11 =	vshll.u32 v11, $0x10;
	v15 =	vand.u32 $0xFFFF0000, v36  }
0x2af: {  	v6 =	vld.idx.msk [tilespmem:v6+s29+$0x0], $0xffff;
	v32 =	vand.u32 $0xFFFF0000, v23;
	[tilespmem:$0x1FC50] =	vst v15;
	v37 =	vand.u32 $0xFFFF0000, v4;
	v15 =	vand.u32 $0xFFFF0000, v22  }
0x2b0: {  	v52 =	vand.u32 $0xFFFF0000, v3;
	v53 =	vshll.u32 v3, $0x10;
	v3 =	vld [tilespmem:$0x1FC00];
	[tilespmem:$0x1FC30] =	vst v15;
	v15 =	vshll.u32 v22, $0x10  }
0x2b1: {  	v38 =	vshll.u32 v4, $0x10;
	v4 =	vand.u32 $0xFFFF0000, v0;
	[tilespmem:$0x1FC40] =	vst v15;
	v15 =	vshll.u32 v0, $0x10;
	v0 =	vld [tilespmem:$0x1FBF0]  }
0x2b2: {  	v8 =	vld.idx.msk [tilespmem:v8+s30+$0x0], $0xffff;
	v23 =	vshll.u32 v23, $0x10;
	v57 =	vand.u32 $0xFFFF0000, v26;
	v58 =	vshll.u32 v26, $0x10  }
0x2b3: {  	v62 =	vand.u32 $0xFFFF0000, v28;
	v63 =	vshll.u32 v28, $0x10;
	v9 =	vshll.u32 v29, $0x10  }
0x2b4: {  	v28 =	vshll.u32 v30, $0x10;
	v31 =	vshll.u32 v36, $0x10;
	v30 =	vand.u32 $0xFFFF0000, v7  }
0x2b5: {  	v7 =	vshll.u32 v7, $0x10;
	v29 =	vsel vm2, v40, v42;
	v40 =	vand.u32 $0xFFFF0000, v6;
	[tilespmem:$0x1FC10] =	vst v10  }
0x2b6: {  	v42 =	vshll.u32 v6, $0x10;
	v26 =	vsel vm2, v20, v47;
	v36 =	vsel vm3, v3, v0;
	v0 =	vld [tilespmem:$0x1FC10]  }
0x2b7: {  	v10 =	vand.u32 $0xFFFF0000, v8;
	v8 =	vshll.u32 v8, $0x10;
	v6 =	vsel vm1, v35, v56  }
0x2b8: {  	v1 =	vld.idx.msk [tilespmem:v1+s30+$0x0], $0xffff;
	v47 =	vsel vm0, v19, v45;
	v12 =	vsel vm1, v12, v46;
	v11 =	vsel vm1, v11, v51  }
0x2b9: {  	v32 =	vsel vm2, v23, v32;
	v51 =	vmul.f32 v29, v29;
	v23 =	vsel vm0, v58, v57  }
0x2ba: {  	v46 =	vsel vm3, v28, v13;
	v57 =	vmul.f32 v25, v25;
	v19 =	vsel vm1, v8, v10  }
0x2bb: {  	v45 =	vmul.f32 v32, v32;
	v59 =	vmul.f32 v46, v46;
	v0 =	vsel vm0, v55, v0  }
0x2bc: {  	v5 =	vld.idx.msk [tilespmem:v5+s28+$0x0], $0xffff;
	v35 =	vsel vm3, v18, v44;
	v44 =	vmul.f32 v19, v19;
	v55 =	vmul.f32 v6, v0  }
0x2bd: {  	v60 =	vand.u32 $0xFFFF0000, v1;
	v56 =	vmul.f32 v0, v36;
	v0 =	vmul.f32 v35, v35  }
0x2be: {  	v1 =	vshll.u32 v1, $0x10;
	v22 =	vsel vm3, v21, v48;
	v48 =	vsel vm0, v50, v49  }
0x2bf: {  	v49 =	vmul.f32 v6, v6;
	v1 =	vsel vm1, v1, v60;
	[tilespmem:$0x1FD10] =	vst v0;
	v0 =	vmul.f32 v12, v12  }
0x2c0: {  	v60 =	vmul.f32 v12, v47;
	v3 =	vsel vm2, v34, v41;
	v34 =	vsel vm2, v39, v43  }
0x2c1: {  	v16 =	vand.u32 $0xFFFF0000, v5;
	v21 =	vmul.f32 v22, v22;
	[tilespmem:$0x1FD20] =	vst v0;
	v0 =	vmul.f32 v34, v34  }
0x2c2: {  	v39 =	vsel vm3, v24, v54;
	v41 =	vsel vm3, v27, v61;
	v27 =	vmul.f32 v26, v26  }
0x2c3: {  	v61 =	vmul.f32 v47, v35;
	v24 =	vsel vm2, v9, v14;
	[tilespmem:$0x1FD30] =	vst v0;
	v0 =	vmul.f32 v11, v11  }
0x2c4: {  	v14 =	vmul.f32 v11, v48;
	v48 =	vmul.f32 v48, v22;
	v11 =	vsel vm1, v15, v4;
	v4 =	vld [tilespmem:$0x1FC40]  }
0x2c5: {  	p0 =	slt.u32 s5, $0x38;
	v6 =	vmul.f32 v1, v1;
	[tilespmem:$0x1FD40] =	vst v0;
	v0 =	vsel vm0, v63, v62;
	v63 =	vmul.f32 v1, v23;
	v1 =	vld [tilespmem:$0x1FC30]  }
.Ltmp2:
0x2c6: {  	v9 =	vsel vm1, v7, v30;
	v50 =	vmul.f32 v36, v36;
	v18 =	vmul.f32 v39, v39;
	(pc) =	sbr.rel @p0 .LBB2_7-.Ltmp2, $4  }
0x2c7: {  	v43 =	vsel vm3, v33, v17;
	v20 =	vmul.f32 v3, v3;
	v47 =	vmul.f32 v41, v41  }
0x2c8: {  	v5 =	vshll.u32 v5, $0x10;
	v58 =	vmul.f32 v9, v9;
	v10 =	vmul.f32 v43, v43  }
0x2c9: {  	v30 =	vld [tilespmem:$0x1FC20];
	v54 =	vsel vm3, v5, v16;
	v8 =	vmul.f32 v24, v24;
	v7 =	vmul.f32 v11, v11  }
0x2ca: {  	s5 =	sadd.s32 $0x8, s5;
	v16 =	vld [tilespmem:$0x1FC50];
	v62 =	vmul.f32 v23, v39;
	v23 =	vsel vm2, v4, v1;
	v1 =	vmul.f32 v19, v0  }
0x2cb: {  	v17 =	vmul.f32 v29, v55  }
0x2cc: {  	v4 =	vsel vm1, v53, v52;
	v19 =	vmul.f32 v29, v56;
	v28 =	vmul.f32 v54, v54  }
0x2cd: {  	v13 =	vsel vm0, v38, v37;
	v33 =	vmul.f32 v23, v23;
	v53 =	vmul.f32 v0, v41  }
0x2ce: {  	v15 =	vsel vm0, v42, v40;
	v0 =	vmul.f32 v26, v63;
	v40 =	vmul.f32 v3, v48  }
0x2cf: {  	v2 =	vld [tilespmem:$0x1FC60];
	v3 =	vmul.f32 v3, v14;
	v11 =	vmul.f32 v11, v13  }
0x2d0: {  	v13 =	vmul.f32 v13, v43;
	v56 =	vmul.f32 v32, v53  }
0x2d1: {  	v19 =	vmul.f32 v19, v19;
	v42 =	vadd.f32 v49, v30;
	v49 =	vmul.f32 v4, v4  }
0x2d2: {  	v4 =	vmul.f32 v4, v15;
	v15 =	vmul.f32 v15, v54  }
0x2d3: {  	v13 =	vmul.f32 v24, v13;
	v5 =	vsel vm0, v31, v16;
	v16 =	vmul.f32 v36, v55  }
0x2d4: {  	v55 =	vmul.f32 v26, v62;
	v12 =	vadd.f32 v50, v2;
	v9 =	vmul.f32 v9, v5  }
0x2d5: {  	v29 =	vadd.f32 v49, v42;
	v5 =	vmul.f32 v5, v46;
	v15 =	vmul.f32 v23, v15  }
0x2d6: {  	v13 =	vmul.f32 v13, v13;
	v28 =	vadd.f32 v28, v12;
	v12 =	vmul.f32 v34, v60  }
0x2d7: {  	v29 =	vadd.f32 v7, v29;
	v7 =	vmul.f32 v41, v1;
	v1 =	vmul.f32 v32, v1  }
0x2d8: {  	v2 =	vld [tilespmem:$0x1FD90];
	v31 =	vmul.f32 v46, v9;
	v9 =	vmul.f32 v25, v9  }
0x2d9: {  	v62 =	vld [tilespmem:$0x1FDD0];
	v32 =	vmul.f32 v54, v4;
	v15 =	vmul.f32 v15, v15  }
0x2da: {  	v5 =	vmul.f32 v25, v5;
	v41 =	vmul.f32 v56, v56  }
0x2db: {  	v4 =	vmul.f32 v23, v4;
	v28 =	vadd.f32 v10, v28;
	v10 =	vmul.f32 v39, v63  }
0x2dc: {  	v29 =	vadd.f32 v58, v29;
	v38 =	vmul.f32 v31, v31;
	v5 =	vmul.f32 v5, v5  }
0x2dd: {  	v39 =	vmul.f32 v7, v7;
	v50 =	vadd.f32 v51, v2;
	v2 =	vmul.f32 v35, v60  }
0x2de: {  	v19 =	vadd.f32 v19, v62;
	v51 =	vmul.f32 v34, v61;
	v35 =	vmul.f32 v43, v11;
	v60 =	vld [tilespmem:$0x1FDB0]  }
0x2df: {  	v61 =	vmul.f32 v32, v32;
	v43 =	vld [tilespmem:$0x1FD40];
	v28 =	vadd.f32 v59, v28;
	v29 =	vadd.f32 v44, v29  }
0x2e0: {  	v11 =	vmul.f32 v24, v11;
	v15 =	vadd.f32 v15, v19;
	v52 =	vadd.f32 v33, v50  }
0x2e1: {  	v59 =	vmul.f32 v16, v16;
	v28 =	vadd.f32 v47, v28;
	v6 =	vadd.f32 v6, v29  }
0x2e2: {  	v42 =	vmul.f32 v10, v10;
	v13 =	vadd.f32 v13, v15;
	v47 =	vld [tilespmem:$0x1FD20];
	v8 =	vadd.f32 v8, v52  }
0x2e3: {  	v46 =	vld [tilespmem:$0x1FD10];
	v44 =	vmul.f32 v55, v55;
	v33 =	vadd.f32 v59, v60;
	v18 =	vadd.f32 v18, v28  }
0x2e4: {  	v36 =	vmul.f32 v35, v35;
	v5 =	vadd.f32 v5, v13;
	v6 =	vadd.f32 v43, v6  }
0x2e5: {  	v13 =	vmul.f32 v40, v40;
	v40 =	vld [tilespmem:$0x1FDA0];
	v8 =	vadd.f32 v57, v8;
	v63 =	vadd.f32 v61, v33  }
0x2e6: {  	v48 =	vmul.f32 v2, v2;
	v18 =	vadd.f32 v21, v18;
	v5 =	vadd.f32 v41, v5  }
0x2e7: {  	v15 =	vmul.f32 v22, v14;
	v8 =	vadd.f32 v45, v8;
	v6 =	vadd.f32 v47, v6  }
0x2e8: {  	v49 =	vmul.f32 v51, v51;
	v37 =	vadd.f32 v36, v63;
	v18 =	vadd.f32 v46, v18  }
0x2e9: {  	v45 =	vmul.f32 v15, v15;
	v5 =	vadd.f32 v44, v5;
	v8 =	vadd.f32 v27, v8  }
0x2ea: {  	v50 =	vld [tilespmem:$0x1FD30];
	v54 =	vshra.s32 v6, $0x1;
	v6 =	vmul.f32 $-5.000000000e-01, v6;
	v16 =	vadd.f32 v16, v40  }
0x2eb: {  	v44 =	vld [tilespmem:$0x1FDC0];
	v19 =	vadd.f32 v38, v37;
	v5 =	vadd.f32 v13, v5;
	v51 =	vshra.s32 v18, $0x1  }
0x2ec: {  	v18 =	vmul.f32 $-5.000000000e-01, v18;
	v21 =	vsub.s32 $0x5F3759DF, v54;
	v8 =	vadd.f32 v20, v8  }
0x2ed: {  	v52 =	vsub.s32 $0x5F3759DF, v51;
	v56 =	vmul.f32 v21, v6;
	v19 =	vadd.f32 v39, v19  }
0x2ee: {  	v16 =	vadd.f32 v32, v16;
	v5 =	vadd.f32 v49, v5;
	v53 =	vmul.f32 v52, v18  }
0x2ef: {  	v8 =	vadd.f32 v50, v8;
	v24 =	vmul.f32 v21, v56;
	v19 =	vadd.f32 v42, v19  }
0x2f0: {  	v17 =	vadd.f32 v17, v44;
	v16 =	vadd.f32 v35, v16;
	v20 =	vmul.f32 v52, v53  }
0x2f1: {  	v60 =	vshra.s32 v5, $0x1;
	v61 =	vmul.f32 $-5.000000000e-01, v5;
	v19 =	vadd.f32 v45, v19  }
0x2f2: {  	v55 =	vshra.s32 v8, $0x1;
	v8 =	vmul.f32 $-5.000000000e-01, v8;
	v28 =	vsub.s32 $0x5F3759DF, v60  }
0x2f3: {  	v36 =	vadd.f32 $1.500000000e+00, v24;
	v22 =	vsub.s32 $0x5F3759DF, v55;
	v19 =	vadd.f32 v48, v19  }
0x2f4: {  	v20 =	vadd.f32 $1.500000000e+00, v20;
	v63 =	vmul.f32 v28, v61;
	v57 =	vmul.f32 v22, v8  }
0x2f5: {  	v21 =	vmul.f32 v21, v36;
	v58 =	vshra.s32 v19, $0x1;
	v59 =	vmul.f32 $-5.000000000e-01, v19  }
0x2f6: {  	v39 =	vmul.f32 v28, v63;
	v25 =	vmul.f32 v22, v57;
	v26 =	vsub.s32 $0x5F3759DF, v58  }
0x2f7: {  	v4 =	vadd.f32 v4, v17;
	v13 =	vmul.f32 v52, v20;
	v62 =	vmul.f32 v26, v59  }
0x2f8: {  	v45 =	vmul.f32 v21, v6;
	v43 =	vadd.f32 $1.500000000e+00, v39;
	v38 =	vadd.f32 $1.500000000e+00, v25  }
0x2f9: {  	v16 =	vadd.f32 v31, v16;
	v42 =	vmul.f32 v13, v18;
	v37 =	vmul.f32 v26, v62  }
0x2fa: {  	v4 =	vadd.f32 v11, v4;
	v24 =	vmul.f32 v28, v43;
	v20 =	vmul.f32 v22, v38  }
0x2fb: {  	v46 =	vmul.f32 v45, v21;
	v22 =	vmul.f32 v42, v13;
	v41 =	vadd.f32 $1.500000000e+00, v37  }
0x2fc: {  	v7 =	vadd.f32 v7, v16;
	v28 =	vmul.f32 v24, v61;
	v47 =	vmul.f32 v20, v8  }
0x2fd: {  	v4 =	vadd.f32 v9, v4;
	v17 =	vadd.f32 $1.500000000e+00, v46;
	v23 =	vmul.f32 v26, v41  }
0x2fe: {  	v48 =	vadd.f32 $1.500000000e+00, v22;
	v51 =	vmul.f32 v28, v24;
	v49 =	vmul.f32 v47, v20  }
0x2ff: {  	v1 =	vadd.f32 v1, v4;
	v17 =	vmul.f32 v17, v21;
	v26 =	vmul.f32 v23, v59  }
0x300: {  	v11 =	vmul.f32 v48, v13;
	v54 =	vadd.f32 $1.500000000e+00, v51;
	v52 =	vadd.f32 $1.500000000e+00, v49  }
0x301: {  	v7 =	vadd.f32 v10, v7;
	v6 =	vmul.f32 v17, v6;
	v50 =	vmul.f32 v26, v23  }
0x302: {  	v0 =	vadd.f32 v0, v1;
	v58 =	vmul.f32 v54, v24;
	v55 =	vmul.f32 v52, v20  }
0x303: {  	v56 =	vmul.f32 v11, v18;
	v1 =	vmul.f32 v6, v17;
	v53 =	vadd.f32 $1.500000000e+00, v50  }
0x304: {  	v60 =	vmul.f32 v58, v61;
	v8 =	vmul.f32 v55, v8  }
0x305: {  	v7 =	vadd.f32 v15, v7;
	v4 =	vmul.f32 v56, v11;
	v57 =	vmul.f32 v53, v23  }
0x306: {  	v1 =	vadd.f32 $1.500000000e+00, v1;
	v6 =	vmul.f32 v60, v58;
	v8 =	vmul.f32 v8, v55  }
0x307: {  	v0 =	vadd.f32 v3, v0;
	v4 =	vadd.f32 $1.500000000e+00, v4;
	v59 =	vmul.f32 v57, v59  }
0x308: {  	v1 =	vmul.f32 v1, v17;
	v6 =	vadd.f32 $1.500000000e+00, v6;
	v8 =	vadd.f32 $1.500000000e+00, v8  }
0x309: {  	v2 =	vadd.f32 v2, v7;
	v4 =	vmul.f32 v4, v11;
	v10 =	vmul.f32 v59, v57  }
0x30a: {  	v0 =	vadd.f32 v12, v0;
	v6 =	vmul.f32 v6, v58;
	v3 =	vmul.f32 v8, v55  }
0x30b: {  	v1 =	vmin.f32 v1, $9.999999950e+11;
	v4 =	vmin.f32 v4, $9.999999950e+11;
	v10 =	vadd.f32 $1.500000000e+00, v10  }
0x30c: {  	v62 =	vmul.f32 v1, v4;
	v5 =	vmul.f32 v6, v5;
	v3 =	vmin.f32 v3, $9.999999950e+11  }
0x30d: {  	v0 =	vmul.f32 v3, v0;
	v61 =	vmul.f32 v10, v57  }
0x30e: {  	v2 =	vmul.f32 v62, v2;
	v4 =	vmul.f32 v5, v4  }
0x30f: {  	s23 =	sadd.s32 $0x1, s23;
	v0 =	vmul.f32 v0, v1;
	v8 =	vmul.f32 v61, v19  }
0x310: {  	p0 =	sne.s32 s23, $0x8;
	v1 =	vsub.f32 $0.0e+00, v2;
	v2 =	vmul.f32 v4, v3  }
.Ltmp3:
0x311: {  	v0 =	vsub.f32 $0.0e+00, v0;
	v63 =	vmul.f32 v8, v62;
	(pc) =	sbr.rel @p0 .LBB2_6-.Ltmp3, $4  }
0x312: {  	[tilespmem:s24+$0x11800] =	vst v1;
	v1 =	vsub.f32 $0.0e+00, v2  }
0x313: {  	[tilespmem:s24+$0x11C00] =	vst v0;
	v3 =	vsub.f32 $0.0e+00, v63  }
0x314: {  	[tilespmem:s24+$0x11E00] =	vst v1  }
0x315: {  	[tilespmem:s24+$0x11A00] =	vst v3;
	v3 =	vlaneseq.u32  }
0x316: {  	s5 =	simm.s32 $0x100  }
0x317: {  	[tilespmem:s28], [sflag:$0x1] =	stream.indirect.gather [hbm4b:s3+s26], $0x80, s5, s26, $0xb8;
	[tilespmem:$0x12000] =	vst v63  }
0x318: {  	s22 =	simm.s32 $0x300  }
0x319: {  	[tilespmem:s29], [sflag:$0x1] =	stream.indirect.gather [hbm4b:s4+s26], $0x80, s22, s26, $0xb8;
	[tilespmem:$0x12000] =	vst v63  }
0x31a: {  	s23 =	simm.s32 $0x500  }
0x31b: {  	[tilespmem:s30], [sflag:$0x1] =	stream.indirect.gather [hbm4b:s3+s26], $0x80, s23, s26, $0xb8;
	[tilespmem:$0x12000] =	vst v63  }
0x31c: {  	s24 =	simm.s32 $0x700  }
0x31d: {  	[tilespmem:s31], [sflag:$0x1] =	stream.indirect.gather [hbm4b:s3+s26], $0x80, s24, s26, $0xb8;
	[tilespmem:$0x12000] =	vst v63  }
0x31e: {  	_ =	swait.ge [sflag:s25], $0x4000  }
0x31f: {  	[sflag:s25] =	ssyncset.done $0x0  }
0x320: {  	[sflag:s25] =	ssyncadd.s32 $0xFFFFC000  }
0x321: {  	_ =	swait.ge [sflag:s25], $0x4000  }
0x322: {  	[sflag:s25] =	ssyncset.done $0x0  }
0x323: {  	[sflag:s25] =	ssyncadd.s32 $0xFFFFC000  }
0x324: {  	_ =	swait.ge [sflag:s25], $0x4000  }
0x325: {  	[sflag:s25] =	ssyncset.done $0x0  }
0x326: {  	[sflag:s25] =	ssyncadd.s32 $0xFFFFC000  }
0x327: {  	_ =	swait.ge [sflag:s25], $0x4000  }
0x328: {  	[sflag:s25] =	ssyncset.done $0x0  }
0x329: {  	s22 =	simm.s32 $0x0;
	s23 =	simm.s32 $0x0;
	[sflag:s25] =	ssyncadd.s32 $0xFFFFC000  }
.LBB2_10:
0x32a: {  	s5 =	sshll.u32 s23, $0x4;
	v6 =	vld [tilespmem:$0x1FFF0]  }
0x32b: {  	v1 =	vld [tilespmem:s5+$0x1500]  }
0x32c: {  	v7 =	vimm.f32 $0.0e+00;
	s7 =	simm.s32 $0x6;
	v4 =	vld [tilespmem:s5+$0x1700]  }
0x32d: {  	s8 =	simm.s32 $0x5;
	s9 =	simm.s32 $0x4;
	s24 =	simm.s32 $0x1;
	v5 =	vld [tilespmem:s5+$0x1300];
	v2 =	vmov s5;
	[tilespmem:$0x1FA60] =	vst v7;
	v7 =	vadd.s32 s7, v3  }
0x32e: {  	v0 =	vld [tilespmem:s5+$0x1100];
	s7 =	simm.s32 $0x3;
	v8 =	vadd.s32 s8, v3;
	v11 =	vadd.s32 s9, v3;
	v12 =	vadd.s32 s24, v3  }
0x32f: {  	v2 =	vshll.u32 v2, $0x7;
	v10 =	vadd.s32 s7, v3;
	v11 =	vand.u32 $0x3F, v11  }
0x330: {  	v8 =	vand.u32 $0x3F, v8;
	v7 =	vand.u32 $0x3F, v7;
	v2 =	vor.u32 v6, v2;
	v6 =	vld [tilespmem:s5+$0x900]  }
0x331: {  	s6 =	simm.s32 $0x7;
	v41 =	vld [tilespmem:s5+$0xD00];
	v12 =	vand.u32 $0x3F, v12;
	v10 =	vand.u32 $0x3F, v10;
	vm2 =	veq.s32 v4, $0x0  }
0x332: {  	vm1 =	veq.s32 v1, $0x0;
	v4 =	vld [tilespmem:s5+$0xF00];
	vm0 =	veq.s32 v5, $0x0;
	v1 =	vadd.s32 s6, v3;
	s6 =	simm.s32 $0x2  }
0x333: {  	vm3 =	veq.s32 v0, $0x0;
	v0 =	vadd.s32 s22, v3;
	v5 =	vld [tilespmem:s5+$0xB00];
	v9 =	vadd.s32 s6, v3  }
0x334: {  	v0 =	vand.u32 $0x3F, v0;
	v1 =	vand.u32 $0x3F, v1;
	v9 =	vand.u32 $0x3F, v9  }
0x335: {  	v14 =	vadd.s32 v6, v0;
	v18 =	vadd.s32 v6, v1;
	v21 =	vadd.s32 v6, v7  }
0x336: {  	v24 =	vadd.s32 v6, v8;
	v27 =	vadd.s32 v6, v11;
	v30 =	vadd.s32 v6, v10  }
0x337: {  	v34 =	vadd.s32 v6, v9;
	v39 =	vadd.s32 v6, v12;
	v13 =	vadd.s32 v4, v0  }
0x338: {  	v15 =	vadd.s32 v5, v0;
	v0 =	vadd.s32 v41, v0;
	v16 =	vadd.s32 v4, v7  }
0x339: {  	v17 =	vadd.s32 v4, v1;
	v19 =	vadd.s32 v5, v1;
	v1 =	vadd.s32 v41, v1  }
0x33a: {  	v20 =	vadd.s32 v4, v8;
	v22 =	vadd.s32 v5, v7;
	v23 =	vadd.s32 v4, v11  }
0x33b: {  	v7 =	vadd.s32 v41, v7;
	v25 =	vadd.s32 v4, v10;
	v26 =	vadd.s32 v5, v8  }
0x33c: {  	v8 =	vadd.s32 v41, v8;
	v28 =	vadd.s32 v5, v11;
	v11 =	vadd.s32 v41, v11  }
0x33d: {  	v29 =	vadd.s32 v4, v9;
	v31 =	vadd.s32 v5, v10;
	v33 =	vadd.s32 v4, v12  }
0x33e: {  	v10 =	vadd.s32 v41, v10;
	v35 =	vadd.s32 v5, v9;
	v9 =	vadd.s32 v41, v9  }
0x33f: {  	v36 =	vand.u32 $0x7, v14;
	v40 =	vadd.s32 v5, v12;
	v14 =	vand.u32 $0xFFFFFFF8, v14  }
0x340: {  	v12 =	vadd.s32 v41, v12;
	v43 =	vand.u32 $0x7, v18;
	v18 =	vand.u32 $0xFFFFFFF8, v18  }
0x341: {  	v47 =	vand.u32 $0x7, v21;
	v21 =	vand.u32 $0xFFFFFFF8, v21;
	v51 =	vand.u32 $0x7, v24  }
0x342: {  	v24 =	vand.u32 $0xFFFFFFF8, v24;
	v55 =	vand.u32 $0x7, v27;
	v27 =	vand.u32 $0xFFFFFFF8, v27  }
0x343: {  	v59 =	vand.u32 $0x7, v30;
	v30 =	vand.u32 $0xFFFFFFF8, v30;
	v32 =	vand.u32 $0x7, v13  }
0x344: {  	v37 =	vand.u32 $0x7, v15;
	v13 =	vand.u32 $0xFFFFFFF8, v13;
	v38 =	vand.u32 $0x7, v0  }
0x345: {  	[tilespmem:$0x1FAA0] =	vst v41;
	v15 =	vand.u32 $0xFFFFFFF8, v15;
	v0 =	vand.u32 $0xFFFFFFF8, v0;
	v41 =	vand.u32 $0xFFFFFFF8, v17  }
0x346: {  	v17 =	vand.u32 $0x7, v17;
	v42 =	vand.u32 $0x7, v16;
	v44 =	vand.u32 $0x7, v19  }
0x347: {  	v16 =	vand.u32 $0xFFFFFFF8, v16;
	v45 =	vand.u32 $0x7, v1;
	v46 =	vand.u32 $0x7, v20  }
0x348: {  	v19 =	vand.u32 $0xFFFFFFF8, v19;
	v1 =	vand.u32 $0xFFFFFFF8, v1;
	v48 =	vand.u32 $0x7, v22  }
0x349: {  	v49 =	vand.u32 $0x7, v7;
	v20 =	vand.u32 $0xFFFFFFF8, v20;
	v22 =	vand.u32 $0xFFFFFFF8, v22  }
0x34a: {  	v50 =	vand.u32 $0x7, v23;
	v7 =	vand.u32 $0xFFFFFFF8, v7;
	v23 =	vand.u32 $0xFFFFFFF8, v23  }
0x34b: {  	v52 =	vand.u32 $0x7, v26;
	v53 =	vand.u32 $0x7, v8;
	v26 =	vand.u32 $0xFFFFFFF8, v26  }
0x34c: {  	v8 =	vand.u32 $0xFFFFFFF8, v8;
	v54 =	vand.u32 $0x7, v25;
	v56 =	vand.u32 $0x7, v28  }
0x34d: {  	v25 =	vand.u32 $0xFFFFFFF8, v25;
	v57 =	vand.u32 $0x7, v11;
	v58 =	vand.u32 $0x7, v29  }
0x34e: {  	v28 =	vand.u32 $0xFFFFFFF8, v28;
	v11 =	vand.u32 $0xFFFFFFF8, v11;
	v60 =	vand.u32 $0x7, v31  }
0x34f: {  	v61 =	vand.u32 $0x7, v10;
	v29 =	vand.u32 $0xFFFFFFF8, v29;
	v31 =	vand.u32 $0xFFFFFFF8, v31  }
0x350: {  	v62 =	vand.u32 $0x7, v33;
	v10 =	vand.u32 $0xFFFFFFF8, v10;
	v14 =	vadd.s32 v2, v14  }
0x351: {  	v33 =	vand.u32 $0xFFFFFFF8, v33;
	v63 =	vand.u32 $0x7, v12;
	v12 =	vand.u32 $0xFFFFFFF8, v12  }
0x352: {  	v18 =	vadd.s32 v2, v18;
	v21 =	vadd.s32 v2, v21;
	v24 =	vadd.s32 v2, v24  }
0x353: {  	v27 =	vadd.s32 v2, v27;
	v30 =	vadd.s32 v2, v30;
	v13 =	vadd.s32 v2, v13  }
0x354: {  	v14 =	vor.u32 v36, v14;
	v15 =	vadd.s32 v2, v15;
	v36 =	vand.u32 $0x7, v35  }
0x355: {  	v35 =	vand.u32 $0xFFFFFFF8, v35;
	v0 =	vadd.s32 v2, v0;
	v18 =	vor.u32 v43, v18  }
0x356: {  	v41 =	vadd.s32 v2, v41;
	v16 =	vadd.s32 v2, v16;
	v21 =	vor.u32 v47, v21  }
0x357: {  	v19 =	vadd.s32 v2, v19;
	v20 =	vadd.s32 v2, v20;
	v24 =	vor.u32 v51, v24  }
0x358: {  	v1 =	vadd.s32 v2, v1;
	v22 =	vadd.s32 v2, v22;
	v27 =	vor.u32 v55, v27  }
0x359: {  	v23 =	vadd.s32 v2, v23;
	v7 =	vadd.s32 v2, v7;
	v13 =	vor.u32 v32, v13;
	v14 =	vld.idx.msk [tilespmem:v14+s28+$0x0], $0xffff  }
0x35a: {  	v26 =	vadd.s32 v2, v26;
	v25 =	vadd.s32 v2, v25;
	v15 =	vor.u32 v37, v15;
	v18 =	vld.idx.msk [tilespmem:v18+s28+$0x0], $0xffff  }
0x35b: {  	v8 =	vadd.s32 v2, v8;
	v28 =	vadd.s32 v2, v28;
	v0 =	vor.u32 v38, v0;
	v21 =	vld.idx.msk [tilespmem:v21+s28+$0x0], $0xffff  }
0x35c: {  	v29 =	vadd.s32 v2, v29;
	v11 =	vadd.s32 v2, v11;
	v17 =	vor.u32 v17, v41;
	v24 =	vld.idx.msk [tilespmem:v24+s28+$0x0], $0xffff  }
0x35d: {  	v31 =	vadd.s32 v2, v31;
	v33 =	vadd.s32 v2, v33;
	v16 =	vor.u32 v42, v16;
	v27 =	vld.idx.msk [tilespmem:v27+s28+$0x0], $0xffff  }
0x35e: {  	v10 =	vadd.s32 v2, v10;
	v12 =	vadd.s32 v2, v12;
	v19 =	vor.u32 v44, v19;
	v13 =	vld.idx.msk [tilespmem:v13+s31+$0x0], $0xffff  }
0x35f: {  	v30 =	vor.u32 v59, v30;
	v32 =	vand.u32 $0x7, v34;
	v1 =	vor.u32 v45, v1;
	v15 =	vld.idx.msk [tilespmem:v15+s29+$0x0], $0xffff  }
0x360: {  	v37 =	vand.u32 $0x7, v9;
	v34 =	vand.u32 $0xFFFFFFF8, v34;
	v20 =	vor.u32 v46, v20;
	v0 =	vld.idx.msk [tilespmem:v0+s30+$0x0], $0xffff  }
0x361: {  	v9 =	vand.u32 $0xFFFFFFF8, v9;
	v38 =	vand.u32 $0x7, v39;
	v22 =	vor.u32 v48, v22;
	v17 =	vld.idx.msk [tilespmem:v17+s31+$0x0], $0xffff  }
0x362: {  	v41 =	vand.u32 $0x7, v40;
	v39 =	vand.u32 $0xFFFFFFF8, v39;
	v7 =	vor.u32 v49, v7;
	v16 =	vld.idx.msk [tilespmem:v16+s31+$0x0], $0xffff  }
0x363: {  	v40 =	vand.u32 $0xFFFFFFF8, v40;
	v35 =	vadd.s32 v2, v35;
	v23 =	vor.u32 v50, v23;
	v19 =	vld.idx.msk [tilespmem:v19+s29+$0x0], $0xffff  }
0x364: {  	v26 =	vor.u32 v52, v26;
	v25 =	vor.u32 v54, v25;
	v28 =	vor.u32 v56, v28;
	v1 =	vld.idx.msk [tilespmem:v1+s30+$0x0], $0xffff  }
0x365: {  	v8 =	vor.u32 v53, v8;
	v29 =	vor.u32 v58, v29;
	v11 =	vor.u32 v57, v11;
	v20 =	vld.idx.msk [tilespmem:v20+s31+$0x0], $0xffff  }
0x366: {  	v31 =	vor.u32 v60, v31;
	v10 =	vor.u32 v61, v10;
	v33 =	vor.u32 v62, v33;
	v22 =	vld.idx.msk [tilespmem:v22+s29+$0x0], $0xffff  }
0x367: {  	v34 =	vadd.s32 v2, v34;
	v39 =	vadd.s32 v2, v39;
	v9 =	vadd.s32 v2, v9;
	v7 =	vld.idx.msk [tilespmem:v7+s30+$0x0], $0xffff  }
0x368: {  	v40 =	vadd.s32 v2, v40;
	v32 =	vor.u32 v32, v34;
	v34 =	vor.u32 v36, v35;
	v23 =	vld.idx.msk [tilespmem:v23+s31+$0x0], $0xffff  }
0x369: {  	v35 =	vor.u32 v38, v39;
	v40 =	vor.u32 v41, v40;
	v9 =	vor.u32 v37, v9;
	v28 =	vld.idx.msk [tilespmem:v28+s29+$0x0], $0xffff  }
0x36a: {  	v26 =	vld.idx.msk [tilespmem:v26+s29+$0x0], $0xffff;
	v38 =	vand.u32 $0xFFFF0000, v14;
	v36 =	vshll.u32 v14, $0x10;
	v55 =	vand.u32 $0xFFFF0000, v18  }
0x36b: {  	v8 =	vld.idx.msk [tilespmem:v8+s30+$0x0], $0xffff;
	v52 =	vshll.u32 v18, $0x10;
	v18 =	vand.u32 $0xFFFF0000, v24;
	v24 =	vshll.u32 v24, $0x10  }
0x36c: {  	v29 =	vld.idx.msk [tilespmem:v29+s31+$0x0], $0xffff;
	v61 =	vand.u32 $0xFFFF0000, v27;
	v27 =	vshll.u32 v27, $0x10;
	v37 =	vand.u32 $0xFFFF0000, v13  }
0x36d: {  	v53 =	vshll.u32 v13, $0x10;
	v49 =	vand.u32 $0xFFFF0000, v22;
	v50 =	vshll.u32 v22, $0x10;
	v22 =	vld.idx.msk [tilespmem:v30+s28+$0x0], $0xffff  }
0x36e: {  	v13 =	vor.u32 v63, v12;
	v62 =	vand.u32 $0xFFFF0000, v28;
	v63 =	vshll.u32 v28, $0x10;
	v28 =	vld.idx.msk [tilespmem:v34+s29+$0x0], $0xffff  }
0x36f: {  	[tilespmem:$0x1FA90] =	vst v5;
	v3 =	vand.u32 $0xFFFF0000, v15;
	v5 =	vand.u32 $0xFFFF0000, v26;
	v58 =	vshll.u32 v26, $0x10;
	v26 =	vld.idx.msk [tilespmem:v33+s31+$0x0], $0xffff  }
0x370: {  	[tilespmem:$0x1FA70] =	vst v4;
	v25 =	vld.idx.msk [tilespmem:v25+s31+$0x0], $0xffff;
	v12 =	vshll.u32 v15, $0x10;
	v4 =	vand.u32 $0xFFFF0000, v0;
	v0 =	vshll.u32 v0, $0x10  }
0x371: {  	[tilespmem:$0x1FA80] =	vst v6;
	v54 =	vld.idx.msk [tilespmem:v31+s29+$0x0], $0xffff;
	v6 =	vand.u32 $0xFFFF0000, v17;
	v51 =	vand.u32 $0xFFFF0000, v7;
	v56 =	vshll.u32 v7, $0x10  }
0x372: {  	v9 =	vld.idx.msk [tilespmem:v9+s30+$0x0], $0xffff;
	v47 =	vand.u32 $0xFFFF0000, v29;
	v44 =	vshll.u32 v29, $0x10;
	v36 =	vsel vm3, v36, v38;
	[tilespmem:$0x1FAB0] =	vst v4  }
0x373: {  	v34 =	vld.idx.msk [tilespmem:v40+s29+$0x0], $0xffff;
	[tilespmem:$0x1FAC0] =	vst v0;
	v29 =	vsel vm2, v53, v37;
	v7 =	vand.u32 $0xFFFF0000, v22;
	v37 =	vand.u32 $0xFFFF0000, v28  }
0x374: {  	v38 =	vshll.u32 v28, $0x10;
	v28 =	vsel vm0, v12, v3;
	v3 =	vld [tilespmem:$0x1FAB0];
	[tilespmem:$0x1FB50] =	vst v7;
	v7 =	vshll.u32 v26, $0x10  }
0x375: {  	v17 =	vshll.u32 v17, $0x10;
	v14 =	vshll.u32 v16, $0x10;
	v41 =	vand.u32 $0xFFFF0000, v20;
	[tilespmem:$0x1FB60] =	vst v7;
	v7 =	vld [tilespmem:$0x1FAC0]  }
0x376: {  	v11 =	vld.idx.msk [tilespmem:v11+s30+$0x0], $0xffff;
	v20 =	vshll.u32 v20, $0x10;
	v30 =	vand.u32 $0xFFFF0000, v23;
	v0 =	vand.u32 $0xFFFF0000, v16  }
0x377: {  	v10 =	vld.idx.msk [tilespmem:v10+s30+$0x0], $0xffff;
	v39 =	vshll.u32 v23, $0x10;
	v60 =	vand.u32 $0xFFFF0000, v8;
	[tilespmem:$0x1FAD0] =	vst v0;
	v0 =	vand.u32 $0xFFFF0000, v19  }
0x378: {  	v32 =	vld.idx.msk [tilespmem:v32+s28+$0x0], $0xffff;
	v31 =	vshll.u32 v54, $0x10;
	v16 =	vand.u32 $0xFFFF0000, v54;
	[tilespmem:$0x1FAE0] =	vst v0;
	v0 =	vshll.u32 v19, $0x10  }
0x379: {  	[tilespmem:$0x1FAF0] =	vst v0;
	v40 =	vand.u32 $0xFFFF0000, v34;
	v42 =	vshll.u32 v34, $0x10;
	v34 =	vsel vm2, v17, v6;
	v6 =	vld [tilespmem:$0x1FAE0]  }
0x37a: {  	v54 =	vand.u32 $0xFFFF0000, v9;
	v23 =	vshll.u32 v9, $0x10;
	v9 =	vsel vm1, v7, v3;
	v7 =	vld [tilespmem:$0x1FAF0]  }
0x37b: {  	v46 =	vand.u32 $0xFFFF0000, v11;
	v15 =	vshll.u32 v11, $0x10;
	v45 =	vshll.u32 v22, $0x10;
	v22 =	vld.idx.msk [tilespmem:v35+s28+$0x0], $0xffff  }
0x37c: {  	v59 =	vand.u32 $0xFFFF0000, v10;
	v48 =	vshll.u32 v10, $0x10;
	v4 =	vand.u32 $0xFFFF0000, v21  }
0x37d: {  	v21 =	vshll.u32 v21, $0x10;
	v11 =	vsel vm1, v56, v51;
	v0 =	vand.u32 $0xFFFF0000, v1  }
0x37e: {  	v57 =	vand.u32 $0xFFFF0000, v32;
	v43 =	vshll.u32 v32, $0x10;
	v32 =	vsel vm2, v39, v30;
	[tilespmem:$0x1FB00] =	vst v0  }
0x37f: {  	v51 =	vmul.f32 v29, v29;
	v39 =	vsel vm3, v24, v18;
	v10 =	vsel vm0, v7, v6;
	v6 =	vld [tilespmem:$0x1FB00]  }
0x380: {  	v24 =	vsel vm2, v44, v47;
	v19 =	vand.u32 $0xFFFF0000, v25;
	v3 =	vand.u32 $0xFFFF0000, v22  }
0x381: {  	v25 =	vshll.u32 v25, $0x10;
	[tilespmem:$0x1FB70] =	vst v3;
	v3 =	vshll.u32 v22, $0x10;
	v22 =	vsel vm3, v21, v4;
	v4 =	vld [tilespmem:$0x1FB50]  }
0x382: {  	v18 =	vmul.f32 v39, v39;
	v43 =	vsel vm3, v43, v57;
	v1 =	vshll.u32 v1, $0x10  }
0x383: {  	v25 =	vsel vm2, v25, v19;
	v33 =	vand.u32 $0xFFFF0000, v26;
	v35 =	vsel vm3, v52, v55;
	v26 =	vld.idx.msk [tilespmem:v13+s30+$0x0], $0xffff  }
0x384: {  	v0 =	vshll.u32 v8, $0x10;
	v7 =	vsel vm1, v1, v6;
	v1 =	vmul.f32 v35, v35  }
0x385: {  	v12 =	vsel vm0, v58, v5;
	v57 =	vmul.f32 v25, v25;
	v13 =	vsel vm0, v50, v49;
	[tilespmem:$0x1FB80] =	vst v3;
	v3 =	vld [tilespmem:$0x1FAD0]  }
0x386: {  	v50 =	vmul.f32 v36, v36;
	[tilespmem:$0x1FB10] =	vst v1;
	v1 =	vsel vm1, v15, v46;
	v46 =	vsel vm3, v45, v4;
	v4 =	vld [tilespmem:$0x1FB60]  }
0x387: {  	v56 =	vmul.f32 v28, v36;
	v8 =	vsel vm1, v0, v60;
	v0 =	vmul.f32 v7, v7  }
0x388: {  	v52 =	vand.u32 $0xFFFF0000, v26;
	v53 =	vshll.u32 v26, $0x10;
	v26 =	vsel vm2, v20, v41  }
0x389: {  	v41 =	vsel vm3, v27, v61;
	v27 =	vmul.f32 v26, v26;
	[tilespmem:$0x1FB20] =	vst v0;
	v0 =	vmul.f32 v34, v34  }
0x38a: {  	v47 =	vmul.f32 v41, v41;
	v5 =	vld [tilespmem:$0x1FB80];
	v3 =	vsel vm2, v14, v3;
	v14 =	vmul.f32 v11, v13  }
0x38b: {  	[tilespmem:$0x1FB30] =	vst v0;
	v0 =	vmul.f32 v11, v11;
	v11 =	vsel vm1, v23, v54;
	v23 =	vsel vm2, v4, v33;
	v4 =	vld [tilespmem:$0x1FB70]  }
0x38c: {  	v49 =	vmul.f32 v9, v9;
	v55 =	vmul.f32 v9, v28  }
0x38d: {  	v9 =	vsel vm1, v48, v59;
	v21 =	vmul.f32 v22, v22;
	v48 =	vmul.f32 v13, v22  }
0x38e: {  	v58 =	vmul.f32 v9, v9;
	v61 =	vmul.f32 v10, v35  }
0x38f: {  	v20 =	vmul.f32 v3, v3;
	v6 =	vmul.f32 v8, v8  }
0x390: {  	v60 =	vmul.f32 v7, v10;
	[tilespmem:$0x1FB40] =	vst v0;
	v54 =	vsel vm3, v5, v4;
	v4 =	vimm.f32 $0.0e+00  }
0x391: {  	v10 =	vmul.f32 v43, v43;
	v45 =	vmul.f32 v32, v32;
	[tilespmem:$0x1FB90] =	vst v4;
	v4 =	vimm.f32 $0.0e+00  }
0x392: {  	v44 =	vmul.f32 v1, v1;
	v59 =	vmul.f32 v46, v46;
	[tilespmem:$0x1FBA0] =	vst v4;
	v4 =	vimm.f32 $0.0e+00  }
0x393: {  	v7 =	vmul.f32 v11, v11;
	v0 =	vsel vm0, v63, v62;
	[tilespmem:$0x1FBB0] =	vst v4;
	v4 =	vimm.f32 $0.0e+00  }
0x394: {  	v63 =	vmul.f32 v8, v12;
	v62 =	vmul.f32 v12, v39;
	[tilespmem:$0x1FBC0] =	vst v4;
	v4 =	vimm.f32 $0.0e+00  }
0x395: {  	s24 =	sor.u32 $0x100, s5;
	s5 =	simm.s32 $0x8;
	v30 =	vimm.f32 $0.0e+00;
	v8 =	vmul.f32 v24, v24;
	v1 =	vmul.f32 v1, v0;
	[tilespmem:$0x1FBD0] =	vst v4  }
.LBB2_11:
0x396: {  	_ = 	snop  }
0x397: {  	v4 =	vld [tilespmem:$0x1FA60]  }
0x398: {  	v52 =	vsel vm1, v53, v52  }
0x399: {  	v12 =	vmul.f32 v52, v52;
	v49 =	vadd.f32 v49, v30;
	_ =	sdelay $0x1  }
0x39a: {  	v53 =	vmul.f32 v54, v54;
	v12 =	vadd.f32 v12, v49  }
0x39b: {  	v33 =	vsel vm0, v38, v37;
	v38 =	vsel vm0, v42, v40;
	v50 =	vadd.f32 v50, v4  }
0x39c: {  	v42 =	vmul.f32 v52, v38;
	v7 =	vadd.f32 v7, v12  }
0x39d: {  	v52 =	vmul.f32 v29, v55;
	v29 =	vmul.f32 v29, v56;
	v50 =	vadd.f32 v53, v50  }
0x39e: {  	v56 =	vmul.f32 v3, v14;
	v31 =	vsel vm0, v31, v16;
	v7 =	vadd.f32 v58, v7  }
0x39f: {  	v16 =	vmul.f32 v22, v14;
	v14 =	vmul.f32 v3, v48;
	v3 =	vld [tilespmem:$0x1FB40];
	v10 =	vadd.f32 v10, v50  }
0x3a0: {  	v7 =	vadd.f32 v44, v7  }
0x3a1: {  	v10 =	vadd.f32 v59, v10  }
0x3a2: {  	v7 =	vadd.f32 v6, v7  }
0x3a3: {  	v4 =	vld [tilespmem:$0x1FB90];
	v10 =	vadd.f32 v47, v10  }
0x3a4: {  	v7 =	vadd.f32 v3, v7;
	v3 =	vld [tilespmem:$0x1FB10]  }
0x3a5: {  	v10 =	vadd.f32 v18, v10;
	_ =	sdelay $0x1  }
0x3a6: {  	v10 =	vadd.f32 v21, v10;
	_ =	sdelay $0x1  }
0x3a7: {  	v13 =	vmul.f32 v23, v23;
	v51 =	vadd.f32 v51, v4;
	v3 =	vadd.f32 v3, v10;
	_ =	sdelay $0x1  }
0x3a8: {  	v13 =	vadd.f32 v13, v51;
	[tilespmem:$0x1FA60] =	vst v3;
	v3 =	vld [tilespmem:$0x1FB20];
	_ =	sdelay $0x1  }
0x3a9: {  	v8 =	vadd.f32 v8, v13;
	_ =	sdelay $0x1  }
0x3aa: {  	v8 =	vadd.f32 v57, v8  }
0x3ab: {  	v3 =	vadd.f32 v3, v7  }
0x3ac: {  	v8 =	vadd.f32 v45, v8  }
0x3ad: {  	[tilespmem:$0x1FA20] =	vst v3;
	v3 =	vld [tilespmem:$0x1FB30]  }
0x3ae: {  	v8 =	vadd.f32 v27, v8;
	_ =	sdelay $0x1  }
0x3af: {  	v8 =	vadd.f32 v20, v8;
	_ =	sdelay $0x1  }
0x3b0: {  	v3 =	vadd.f32 v3, v8;
	_ =	sdelay $0x1  }
0x3b1: {  	[tilespmem:$0x1FB90] =	vst v3;
	v3 =	vld [tilespmem:$0x1FBA0]  }
0x3b2: {  	v0 =	vmul.f32 v0, v41;
	v36 =	vmul.f32 v36, v55  }
0x3b3: {  	v11 =	vmul.f32 v11, v33;
	v40 =	vmul.f32 v33, v43  }
0x3b4: {  	v38 =	vmul.f32 v38, v54;
	v55 =	vmul.f32 v34, v60  }
0x3b5: {  	v35 =	vmul.f32 v35, v60;
	v60 =	vmul.f32 v34, v61  }
0x3b6: {  	v61 =	vmul.f32 v26, v63;
	v0 =	vmul.f32 v32, v0;
	v7 =	vadd.f32 v36, v3;
	v3 =	vld [tilespmem:$0x1FBB0]  }
0x3b7: {  	v19 =	vmul.f32 v36, v36;
	v28 =	vmul.f32 v23, v42  }
0x3b8: {  	v22 =	vmul.f32 v26, v62;
	v0 =	vmul.f32 v0, v0  }
0x3b9: {  	v5 =	vlaneseq.u32;
	s6 =	sadd.s32 $0x7, s5;
	v9 =	vmul.f32 v9, v31;
	v21 =	vmul.f32 v54, v42  }
0x3ba: {  	v33 =	vadd.s32 s6, v5;
	v13 =	vmul.f32 v39, v63;
	v39 =	vmul.f32 v24, v11  }
0x3bb: {  	v11 =	vmul.f32 v43, v11;
	v7 =	vadd.f32 v21, v7;
	v8 =	vadd.f32 v19, v3;
	v3 =	vld [tilespmem:$0x1FBC0]  }
0x3bc: {  	v37 =	vmul.f32 v31, v46;
	v31 =	vadd.s32 s5, v5;
	v15 =	vmul.f32 v21, v21  }
0x3bd: {  	v26 =	vmul.f32 v25, v9;
	v9 =	vmul.f32 v46, v9;
	v7 =	vadd.f32 v11, v7  }
0x3be: {  	v25 =	vmul.f32 v25, v37;
	v8 =	vadd.f32 v15, v8;
	v15 =	vmul.f32 v11, v11  }
0x3bf: {  	v12 =	vmul.f32 v32, v1;
	v1 =	vmul.f32 v41, v1;
	v7 =	vadd.f32 v9, v7  }
0x3c0: {  	v11 =	vmul.f32 v9, v9;
	v8 =	vadd.f32 v15, v8;
	v17 =	vadd.f32 v52, v3;
	v3 =	vld [tilespmem:$0x1FBD0]  }
0x3c1: {  	v20 =	vmul.f32 v23, v38;
	v9 =	vmul.f32 v1, v1;
	v1 =	vadd.f32 v1, v7  }
0x3c2: {  	v24 =	vmul.f32 v24, v40;
	v8 =	vadd.f32 v11, v8;
	v17 =	vadd.f32 v28, v17  }
0x3c3: {  	v10 =	vmul.f32 v29, v29;
	v18 =	vmul.f32 v20, v20;
	v1 =	vadd.f32 v13, v1  }
0x3c4: {  	v7 =	vadd.f32 v9, v8;
	v8 =	vmul.f32 v13, v13;
	v15 =	vadd.f32 v39, v17  }
0x3c5: {  	v1 =	vadd.f32 v16, v1;
	v17 =	vmul.f32 v25, v25;
	v10 =	vadd.f32 v10, v3  }
0x3c6: {  	v7 =	vadd.f32 v8, v7;
	v8 =	vmul.f32 v16, v16;
	v11 =	vadd.f32 v26, v15  }
0x3c7: {  	v4 =	vld [tilespmem:$0x1FA70];
	v1 =	vadd.f32 v35, v1;
	v10 =	vadd.f32 v18, v10;
	v18 =	vmul.f32 v24, v24  }
0x3c8: {  	s9 =	sadd.s32 $0x6, s5;
	v7 =	vadd.f32 v8, v7;
	v8 =	vmul.f32 v35, v35;
	v9 =	vadd.f32 v12, v11  }
0x3c9: {  	s8 =	sadd.s32 $0x3, s5;
	v11 =	vadd.s32 s9, v5;
	s9 =	sadd.s32 $0x4, s5;
	v12 =	vand.u32 $0x3F, v33;
	v10 =	vadd.f32 v18, v10  }
0x3ca: {  	[tilespmem:$0x1FBA0] =	vst v1;
	v1 =	vadd.f32 v8, v7;
	v7 =	vadd.s32 s8, v5;
	v8 =	vadd.s32 s9, v5  }
0x3cb: {  	v11 =	vand.u32 $0x3F, v11;
	v9 =	vadd.f32 v61, v9;
	v8 =	vand.u32 $0x3F, v8  }
0x3cc: {  	s7 =	sadd.s32 $0x5, s5;
	v7 =	vand.u32 $0x3F, v7;
	v16 =	vadd.s32 v4, v11;
	v10 =	vadd.f32 v17, v10  }
0x3cd: {  	[tilespmem:$0x1FBB0] =	vst v1;
	v1 =	vadd.s32 s7, v5;
	v17 =	vadd.s32 v4, v12;
	v23 =	vadd.s32 v4, v8  }
0x3ce: {  	v25 =	vadd.s32 v4, v7;
	v42 =	vand.u32 $0x7, v16;
	v16 =	vand.u32 $0xFFFFFFF8, v16  }
0x3cf: {  	v9 =	vadd.f32 v56, v9;
	v1 =	vand.u32 $0x3F, v1;
	v41 =	vand.u32 $0xFFFFFFF8, v17  }
0x3d0: {  	v17 =	vand.u32 $0x7, v17;
	v50 =	vand.u32 $0x7, v23;
	v23 =	vand.u32 $0xFFFFFFF8, v23  }
0x3d1: {  	v54 =	vand.u32 $0x7, v25;
	v25 =	vand.u32 $0xFFFFFFF8, v25;
	v16 =	vadd.s32 v2, v16  }
0x3d2: {  	v0 =	vadd.f32 v0, v10;
	v10 =	vmul.f32 v22, v22;
	v20 =	vadd.s32 v4, v1  }
0x3d3: {  	v41 =	vadd.s32 v2, v41;
	v16 =	vor.u32 v42, v16;
	v23 =	vadd.s32 v2, v23  }
0x3d4: {  	v25 =	vadd.s32 v2, v25;
	v3 =	vadd.f32 v55, v9;
	v9 =	vand.u32 $0x3F, v31  }
0x3d5: {  	v46 =	vand.u32 $0x7, v20;
	v0 =	vadd.f32 v10, v0;
	v10 =	vmul.f32 v14, v14  }
0x3d6: {  	v20 =	vand.u32 $0xFFFFFFF8, v20;
	v17 =	vor.u32 v17, v41;
	v23 =	vor.u32 v50, v23;
	[tilespmem:$0x1FBC0] =	vst v3;
	v3 =	vld [tilespmem:$0x1FA80]  }
0x3d7: {  	v13 =	vadd.s32 v4, v9;
	v0 =	vadd.f32 v10, v0;
	v10 =	vmul.f32 v60, v60  }
0x3d8: {  	v25 =	vor.u32 v54, v25;
	v32 =	vand.u32 $0x7, v13;
	v13 =	vand.u32 $0xFFFFFFF8, v13  }
0x3d9: {  	s7 =	sadd.s32 $0x1, s5;
	v20 =	vadd.s32 v2, v20;
	v13 =	vadd.s32 v2, v13;
	v0 =	vadd.f32 v10, v0  }
0x3da: {  	s6 =	sadd.s32 $0x2, s5;
	v20 =	vor.u32 v46, v20;
	v13 =	vor.u32 v32, v13;
	v10 =	vadd.s32 s7, v5  }
0x3db: {  	v10 =	vand.u32 $0x3F, v10;
	[tilespmem:$0x1FBD0] =	vst v0;
	v0 =	vadd.s32 s6, v5;
	v14 =	vadd.s32 v3, v9  }
0x3dc: {  	v18 =	vadd.s32 v3, v12;
	v21 =	vadd.s32 v3, v11;
	v24 =	vadd.s32 v3, v1  }
0x3dd: {  	v27 =	vadd.s32 v3, v8;
	v30 =	vadd.s32 v3, v7;
	v33 =	vadd.s32 v4, v10  }
0x3de: {  	v39 =	vadd.s32 v3, v10;
	v0 =	vand.u32 $0x3F, v0;
	v36 =	vand.u32 $0x7, v14  }
0x3df: {  	v14 =	vand.u32 $0xFFFFFFF8, v14;
	v43 =	vand.u32 $0x7, v18;
	v18 =	vand.u32 $0xFFFFFFF8, v18  }
0x3e0: {  	v47 =	vand.u32 $0x7, v21;
	v21 =	vand.u32 $0xFFFFFFF8, v21;
	v52 =	vand.u32 $0x7, v24  }
0x3e1: {  	v16 =	vld.idx.msk [tilespmem:v16+s31+$0x0], $0xffff;
	v24 =	vand.u32 $0xFFFFFFF8, v24;
	v55 =	vand.u32 $0x7, v27;
	v27 =	vand.u32 $0xFFFFFFF8, v27  }
0x3e2: {  	v59 =	vand.u32 $0x7, v30;
	v30 =	vand.u32 $0xFFFFFFF8, v30;
	v62 =	vand.u32 $0x7, v33  }
0x3e3: {  	v33 =	vand.u32 $0xFFFFFFF8, v33;
	v29 =	vadd.s32 v4, v0;
	v34 =	vadd.s32 v3, v0  }
0x3e4: {  	v17 =	vld.idx.msk [tilespmem:v17+s31+$0x0], $0xffff;
	v14 =	vadd.s32 v2, v14;
	v18 =	vadd.s32 v2, v18;
	v21 =	vadd.s32 v2, v21  }
0x3e5: {  	v25 =	vld.idx.msk [tilespmem:v25+s31+$0x0], $0xffff;
	v24 =	vadd.s32 v2, v24;
	v27 =	vadd.s32 v2, v27;
	v30 =	vadd.s32 v2, v30  }
0x3e6: {  	v46 =	vadd.s32 v2, v33;
	v41 =	vand.u32 $0xFFFF0000, v16;
	v58 =	vand.u32 $0x7, v29  }
0x3e7: {  	v5 =	vld [tilespmem:$0x1FA90];
	v29 =	vand.u32 $0xFFFFFFF8, v29;
	v63 =	vand.u32 $0x7, v34;
	v34 =	vand.u32 $0xFFFFFFF8, v34  }
0x3e8: {  	v6 =	vld [tilespmem:$0x1FAA0];
	v14 =	vor.u32 v36, v14;
	v18 =	vor.u32 v43, v18;
	v21 =	vor.u32 v47, v21  }
0x3e9: {  	v24 =	vor.u32 v52, v24;
	v27 =	vor.u32 v55, v27;
	v30 =	vor.u32 v59, v30  }
0x3ea: {  	v32 =	vor.u32 v62, v46;
	v43 =	vand.u32 $0xFFFF0000, v17;
	v59 =	vand.u32 $0xFFFF0000, v25  }
0x3eb: {  	v25 =	vshll.u32 v25, $0x10;
	v29 =	vadd.s32 v2, v29;
	v47 =	vadd.s32 v2, v34  }
0x3ec: {  	v34 =	vshll.u32 v16, $0x10;
	v25 =	vsel vm2, v25, v59;
	v15 =	vadd.s32 v5, v9  }
0x3ed: {  	v9 =	vadd.s32 v6, v9;
	v19 =	vadd.s32 v5, v12;
	v12 =	vadd.s32 v6, v12  }
0x3ee: {  	v20 =	vld.idx.msk [tilespmem:v20+s31+$0x0], $0xffff;
	v22 =	vadd.s32 v5, v11;
	v11 =	vadd.s32 v6, v11;
	v26 =	vadd.s32 v5, v1  }
0x3ef: {  	v1 =	vadd.s32 v6, v1;
	v28 =	vadd.s32 v5, v8;
	v8 =	vadd.s32 v6, v8  }
0x3f0: {  	v31 =	vadd.s32 v5, v7;
	v7 =	vadd.s32 v6, v7;
	v35 =	vadd.s32 v5, v0  }
0x3f1: {  	v0 =	vadd.s32 v6, v0;
	v40 =	vadd.s32 v5, v10;
	v10 =	vadd.s32 v6, v10  }
0x3f2: {  	v5 =	vand.u32 $0x7, v39;
	v39 =	vand.u32 $0xFFFFFFF8, v39;
	v29 =	vor.u32 v58, v29  }
0x3f3: {  	v33 =	vor.u32 v63, v47;
	v47 =	vand.u32 $0xFFFF0000, v20;
	v20 =	vshll.u32 v20, $0x10  }
0x3f4: {  	v37 =	vand.u32 $0x7, v15;
	v38 =	vand.u32 $0x7, v9;
	v15 =	vand.u32 $0xFFFFFFF8, v15  }
0x3f5: {  	v9 =	vand.u32 $0xFFFFFFF8, v9;
	v44 =	vand.u32 $0x7, v19;
	v45 =	vand.u32 $0x7, v12  }
0x3f6: {  	v19 =	vand.u32 $0xFFFFFFF8, v19;
	v12 =	vand.u32 $0xFFFFFFF8, v12;
	v48 =	vand.u32 $0x7, v22  }
0x3f7: {  	v51 =	vand.u32 $0x7, v11;
	v22 =	vand.u32 $0xFFFFFFF8, v22;
	v11 =	vand.u32 $0xFFFFFFF8, v11  }
0x3f8: {  	v53 =	vand.u32 $0x7, v26;
	v3 =	vand.u32 $0x7, v1;
	v26 =	vand.u32 $0xFFFFFFF8, v26  }
0x3f9: {  	v1 =	vand.u32 $0xFFFFFFF8, v1;
	v56 =	vand.u32 $0x7, v28;
	v57 =	vand.u32 $0x7, v8  }
0x3fa: {  	v28 =	vand.u32 $0xFFFFFFF8, v28;
	v8 =	vand.u32 $0xFFFFFFF8, v8;
	v60 =	vand.u32 $0x7, v31  }
0x3fb: {  	v23 =	vld.idx.msk [tilespmem:v23+s31+$0x0], $0xffff;
	v61 =	vand.u32 $0x7, v7;
	v31 =	vand.u32 $0xFFFFFFF8, v31;
	v7 =	vand.u32 $0xFFFFFFF8, v7  }
0x3fc: {  	v13 =	vld.idx.msk [tilespmem:v13+s31+$0x0], $0xffff;
	v4 =	vand.u32 $0x7, v35;
	v49 =	vand.u32 $0x7, v0;
	v35 =	vand.u32 $0xFFFFFFF8, v35  }
0x3fd: {  	v0 =	vand.u32 $0xFFFFFFF8, v0;
	v6 =	vand.u32 $0x7, v40;
	v40 =	vand.u32 $0xFFFFFFF8, v40;
	v14 =	vld.idx.msk [tilespmem:v14+s28+$0x0], $0xffff  }
0x3fe: {  	[tilespmem:$0x1F9E0] =	vst v3;
	v3 =	vand.u32 $0x7, v10;
	v10 =	vand.u32 $0xFFFFFFF8, v10;
	v15 =	vadd.s32 v2, v15;
	v18 =	vld.idx.msk [tilespmem:v18+s28+$0x0], $0xffff  }
0x3ff: {  	v9 =	vadd.s32 v2, v9;
	v19 =	vadd.s32 v2, v19;
	v12 =	vadd.s32 v2, v12;
	v21 =	vld.idx.msk [tilespmem:v21+s28+$0x0], $0xffff  }
0x400: {  	v22 =	vadd.s32 v2, v22;
	v11 =	vadd.s32 v2, v11;
	v26 =	vadd.s32 v2, v26;
	v55 =	vld [tilespmem:$0x1F9E0]  }
0x401: {  	v1 =	vadd.s32 v2, v1;
	v28 =	vadd.s32 v2, v28;
	v15 =	vor.u32 v37, v15;
	v24 =	vld.idx.msk [tilespmem:v24+s28+$0x0], $0xffff  }
0x402: {  	v8 =	vadd.s32 v2, v8;
	v31 =	vadd.s32 v2, v31;
	v9 =	vor.u32 v38, v9;
	v27 =	vld.idx.msk [tilespmem:v27+s28+$0x0], $0xffff  }
0x403: {  	v7 =	vadd.s32 v2, v7;
	v0 =	vadd.s32 v2, v0;
	v19 =	vor.u32 v44, v19;
	v30 =	vld.idx.msk [tilespmem:v30+s28+$0x0], $0xffff  }
0x404: {  	v52 =	vadd.s32 v2, v40;
	v42 =	vand.u32 $0xFFFF0000, v13;
	v12 =	vor.u32 v45, v12;
	v29 =	vld.idx.msk [tilespmem:v29+s31+$0x0], $0xffff  }
0x405: {  	v40 =	vshll.u32 v13, $0x10;
	v22 =	vor.u32 v48, v22;
	v11 =	vor.u32 v51, v11;
	v33 =	vld.idx.msk [tilespmem:v33+s28+$0x0], $0xffff  }
0x406: {  	v48 =	vadd.s32 v2, v35;
	v51 =	vadd.s32 v2, v39;
	v10 =	vadd.s32 v2, v10;
	v15 =	vld.idx.msk [tilespmem:v15+s29+$0x0], $0xffff  }
0x407: {  	v26 =	vor.u32 v53, v26;
	v28 =	vor.u32 v56, v28;
	v8 =	vor.u32 v57, v8;
	v9 =	vld.idx.msk [tilespmem:v9+s30+$0x0], $0xffff  }
0x408: {  	v31 =	vor.u32 v60, v31;
	v7 =	vor.u32 v61, v7;
	v6 =	vor.u32 v6, v52;
	v19 =	vld.idx.msk [tilespmem:v19+s29+$0x0], $0xffff  }
0x409: {  	v0 =	vor.u32 v49, v0;
	v39 =	vshll.u32 v17, $0x10;
	v4 =	vor.u32 v4, v48;
	v12 =	vld.idx.msk [tilespmem:v12+s30+$0x0], $0xffff  }
0x40a: {  	v5 =	vor.u32 v5, v51;
	v3 =	vor.u32 v3, v10;
	v1 =	vor.u32 v55, v1;
	v22 =	vld.idx.msk [tilespmem:v22+s29+$0x0], $0xffff  }
0x40b: {  	v11 =	vld.idx.msk [tilespmem:v11+s30+$0x0], $0xffff;
	v10 =	vand.u32 $0xFFFF0000, v14;
	v44 =	vand.u32 $0xFFFF0000, v18;
	v18 =	vshll.u32 v18, $0x10  }
0x40c: {  	v26 =	vld.idx.msk [tilespmem:v26+s29+$0x0], $0xffff;
	v48 =	vand.u32 $0xFFFF0000, v21;
	v21 =	vshll.u32 v21, $0x10;
	v54 =	vand.u32 $0xFFFF0000, v24  }
0x40d: {  	v36 =	vld.idx.msk [tilespmem:v31+s29+$0x0], $0xffff;
	v24 =	vshll.u32 v24, $0x10;
	v61 =	vand.u32 $0xFFFF0000, v27;
	v27 =	vshll.u32 v27, $0x10  }
0x40e: {  	v13 =	vand.u32 $0xFFFF0000, v30;
	[tilespmem:$0x1F9F0] =	vst v10;
	v10 =	vshll.u32 v14, $0x10;
	v4 =	vld.idx.msk [tilespmem:v4+s29+$0x0], $0xffff;
	v14 =	vand.u32 $0xFFFF0000, v29  }
0x40f: {  	v17 =	vand.u32 $0xFFFF0000, v33;
	v49 =	vand.u32 $0xFFFF0000, v22;
	v50 =	vshll.u32 v22, $0x10;
	v22 =	vld.idx.msk [tilespmem:v32+s31+$0x0], $0xffff  }
0x410: {  	v3 =	vld.idx.msk [tilespmem:v3+s30+$0x0], $0xffff;
	[tilespmem:$0x1FA00] =	vst v10;
	v33 =	vshll.u32 v33, $0x10;
	v10 =	vand.u32 $0xFFFF0000, v15;
	v55 =	vshll.u32 v15, $0x10  }
0x411: {  	v0 =	vld.idx.msk [tilespmem:v0+s30+$0x0], $0xffff;
	v56 =	vand.u32 $0xFFFF0000, v9;
	v35 =	vshll.u32 v9, $0x10;
	v45 =	vand.u32 $0xFFFF0000, v19  }
0x412: {  	v28 =	vld.idx.msk [tilespmem:v28+s29+$0x0], $0xffff;
	v19 =	vshll.u32 v19, $0x10;
	v46 =	vand.u32 $0xFFFF0000, v12;
	v12 =	vshll.u32 v12, $0x10  }
0x413: {  	v7 =	vld.idx.msk [tilespmem:v7+s30+$0x0], $0xffff;
	v51 =	vand.u32 $0xFFFF0000, v11;
	v11 =	vshll.u32 v11, $0x10;
	v15 =	vand.u32 $0xFFFF0000, v36  }
0x414: {  	v6 =	vld.idx.msk [tilespmem:v6+s29+$0x0], $0xffff;
	v32 =	vand.u32 $0xFFFF0000, v23;
	[tilespmem:$0x1FA50] =	vst v15;
	v37 =	vand.u32 $0xFFFF0000, v4;
	v15 =	vand.u32 $0xFFFF0000, v22  }
0x415: {  	v52 =	vand.u32 $0xFFFF0000, v3;
	v53 =	vshll.u32 v3, $0x10;
	v3 =	vld [tilespmem:$0x1FA00];
	[tilespmem:$0x1FA30] =	vst v15;
	v15 =	vshll.u32 v22, $0x10  }
0x416: {  	v38 =	vshll.u32 v4, $0x10;
	v4 =	vand.u32 $0xFFFF0000, v0;
	[tilespmem:$0x1FA40] =	vst v15;
	v15 =	vshll.u32 v0, $0x10;
	v0 =	vld [tilespmem:$0x1F9F0]  }
0x417: {  	v8 =	vld.idx.msk [tilespmem:v8+s30+$0x0], $0xffff;
	v23 =	vshll.u32 v23, $0x10;
	v57 =	vand.u32 $0xFFFF0000, v26;
	v58 =	vshll.u32 v26, $0x10  }
0x418: {  	v62 =	vand.u32 $0xFFFF0000, v28;
	v63 =	vshll.u32 v28, $0x10;
	v9 =	vshll.u32 v29, $0x10  }
0x419: {  	v28 =	vshll.u32 v30, $0x10;
	v31 =	vshll.u32 v36, $0x10;
	v30 =	vand.u32 $0xFFFF0000, v7  }
0x41a: {  	v7 =	vshll.u32 v7, $0x10;
	v29 =	vsel vm2, v40, v42;
	v40 =	vand.u32 $0xFFFF0000, v6;
	[tilespmem:$0x1FA10] =	vst v10  }
0x41b: {  	v42 =	vshll.u32 v6, $0x10;
	v26 =	vsel vm2, v20, v47;
	v36 =	vsel vm3, v3, v0;
	v0 =	vld [tilespmem:$0x1FA10]  }
0x41c: {  	v10 =	vand.u32 $0xFFFF0000, v8;
	v8 =	vshll.u32 v8, $0x10;
	v6 =	vsel vm1, v35, v56  }
0x41d: {  	v1 =	vld.idx.msk [tilespmem:v1+s30+$0x0], $0xffff;
	v47 =	vsel vm0, v19, v45;
	v12 =	vsel vm1, v12, v46;
	v11 =	vsel vm1, v11, v51  }
0x41e: {  	v32 =	vsel vm2, v23, v32;
	v51 =	vmul.f32 v29, v29;
	v23 =	vsel vm0, v58, v57  }
0x41f: {  	v46 =	vsel vm3, v28, v13;
	v57 =	vmul.f32 v25, v25;
	v19 =	vsel vm1, v8, v10  }
0x420: {  	v45 =	vmul.f32 v32, v32;
	v59 =	vmul.f32 v46, v46;
	v0 =	vsel vm0, v55, v0  }
0x421: {  	v5 =	vld.idx.msk [tilespmem:v5+s28+$0x0], $0xffff;
	v35 =	vsel vm3, v18, v44;
	v44 =	vmul.f32 v19, v19;
	v55 =	vmul.f32 v6, v0  }
0x422: {  	v60 =	vand.u32 $0xFFFF0000, v1;
	v56 =	vmul.f32 v0, v36;
	v0 =	vmul.f32 v35, v35  }
0x423: {  	v1 =	vshll.u32 v1, $0x10;
	v22 =	vsel vm3, v21, v48;
	v48 =	vsel vm0, v50, v49  }
0x424: {  	v49 =	vmul.f32 v6, v6;
	v1 =	vsel vm1, v1, v60;
	[tilespmem:$0x1FB10] =	vst v0;
	v0 =	vmul.f32 v12, v12  }
0x425: {  	v60 =	vmul.f32 v12, v47;
	v3 =	vsel vm2, v34, v41;
	v34 =	vsel vm2, v39, v43  }
0x426: {  	v16 =	vand.u32 $0xFFFF0000, v5;
	v21 =	vmul.f32 v22, v22;
	[tilespmem:$0x1FB20] =	vst v0;
	v0 =	vmul.f32 v34, v34  }
0x427: {  	v39 =	vsel vm3, v24, v54;
	v41 =	vsel vm3, v27, v61;
	v27 =	vmul.f32 v26, v26  }
0x428: {  	v61 =	vmul.f32 v47, v35;
	v24 =	vsel vm2, v9, v14;
	[tilespmem:$0x1FB30] =	vst v0;
	v0 =	vmul.f32 v11, v11  }
0x429: {  	v14 =	vmul.f32 v11, v48;
	v48 =	vmul.f32 v48, v22;
	v11 =	vsel vm1, v15, v4;
	v4 =	vld [tilespmem:$0x1FA40]  }
0x42a: {  	p0 =	slt.u32 s5, $0x38;
	v6 =	vmul.f32 v1, v1;
	[tilespmem:$0x1FB40] =	vst v0;
	v0 =	vsel vm0, v63, v62;
	v63 =	vmul.f32 v1, v23;
	v1 =	vld [tilespmem:$0x1FA30]  }
.Ltmp4:
0x42b: {  	v9 =	vsel vm1, v7, v30;
	v50 =	vmul.f32 v36, v36;
	v18 =	vmul.f32 v39, v39;
	(pc) =	sbr.rel @p0 .LBB2_11-.Ltmp4, $4  }
0x42c: {  	v43 =	vsel vm3, v33, v17;
	v20 =	vmul.f32 v3, v3;
	v47 =	vmul.f32 v41, v41  }
0x42d: {  	v5 =	vshll.u32 v5, $0x10;
	v58 =	vmul.f32 v9, v9;
	v10 =	vmul.f32 v43, v43  }
0x42e: {  	v30 =	vld [tilespmem:$0x1FA20];
	v54 =	vsel vm3, v5, v16;
	v8 =	vmul.f32 v24, v24;
	v7 =	vmul.f32 v11, v11  }
0x42f: {  	s5 =	sadd.s32 $0x8, s5;
	v16 =	vld [tilespmem:$0x1FA50];
	v62 =	vmul.f32 v23, v39;
	v23 =	vsel vm2, v4, v1;
	v1 =	vmul.f32 v19, v0  }
0x430: {  	v17 =	vmul.f32 v29, v55  }
0x431: {  	v4 =	vsel vm1, v53, v52;
	v19 =	vmul.f32 v29, v56;
	v28 =	vmul.f32 v54, v54  }
0x432: {  	v13 =	vsel vm0, v38, v37;
	v33 =	vmul.f32 v23, v23;
	v53 =	vmul.f32 v0, v41  }
0x433: {  	v15 =	vsel vm0, v42, v40;
	v0 =	vmul.f32 v26, v63;
	v40 =	vmul.f32 v3, v48  }
0x434: {  	v2 =	vld [tilespmem:$0x1FA60];
	v3 =	vmul.f32 v3, v14;
	v11 =	vmul.f32 v11, v13  }
0x435: {  	v13 =	vmul.f32 v13, v43;
	v56 =	vmul.f32 v32, v53  }
0x436: {  	v19 =	vmul.f32 v19, v19;
	v42 =	vadd.f32 v49, v30;
	v49 =	vmul.f32 v4, v4  }
0x437: {  	v4 =	vmul.f32 v4, v15;
	v15 =	vmul.f32 v15, v54  }
0x438: {  	v13 =	vmul.f32 v24, v13;
	v5 =	vsel vm0, v31, v16;
	v16 =	vmul.f32 v36, v55  }
0x439: {  	v55 =	vmul.f32 v26, v62;
	v12 =	vadd.f32 v50, v2;
	v9 =	vmul.f32 v9, v5  }
0x43a: {  	v29 =	vadd.f32 v49, v42;
	v5 =	vmul.f32 v5, v46;
	v15 =	vmul.f32 v23, v15  }
0x43b: {  	v13 =	vmul.f32 v13, v13;
	v28 =	vadd.f32 v28, v12;
	v12 =	vmul.f32 v34, v60  }
0x43c: {  	v29 =	vadd.f32 v7, v29;
	v7 =	vmul.f32 v41, v1;
	v1 =	vmul.f32 v32, v1  }
0x43d: {  	v2 =	vld [tilespmem:$0x1FB90];
	v31 =	vmul.f32 v46, v9;
	v9 =	vmul.f32 v25, v9  }
0x43e: {  	v62 =	vld [tilespmem:$0x1FBD0];
	v32 =	vmul.f32 v54, v4;
	v15 =	vmul.f32 v15, v15  }
0x43f: {  	v5 =	vmul.f32 v25, v5;
	v41 =	vmul.f32 v56, v56  }
0x440: {  	v4 =	vmul.f32 v23, v4;
	v28 =	vadd.f32 v10, v28;
	v10 =	vmul.f32 v39, v63  }
0x441: {  	v29 =	vadd.f32 v58, v29;
	v38 =	vmul.f32 v31, v31;
	v5 =	vmul.f32 v5, v5  }
0x442: {  	v39 =	vmul.f32 v7, v7;
	v50 =	vadd.f32 v51, v2;
	v2 =	vmul.f32 v35, v60  }
0x443: {  	v19 =	vadd.f32 v19, v62;
	v51 =	vmul.f32 v34, v61;
	v35 =	vmul.f32 v43, v11;
	v60 =	vld [tilespmem:$0x1FBB0]  }
0x444: {  	v61 =	vmul.f32 v32, v32;
	v43 =	vld [tilespmem:$0x1FB40];
	v28 =	vadd.f32 v59, v28;
	v29 =	vadd.f32 v44, v29  }
0x445: {  	v11 =	vmul.f32 v24, v11;
	v15 =	vadd.f32 v15, v19;
	v52 =	vadd.f32 v33, v50  }
0x446: {  	v59 =	vmul.f32 v16, v16;
	v28 =	vadd.f32 v47, v28;
	v6 =	vadd.f32 v6, v29  }
0x447: {  	v42 =	vmul.f32 v10, v10;
	v13 =	vadd.f32 v13, v15;
	v47 =	vld [tilespmem:$0x1FB20];
	v8 =	vadd.f32 v8, v52  }
0x448: {  	v46 =	vld [tilespmem:$0x1FB10];
	v44 =	vmul.f32 v55, v55;
	v33 =	vadd.f32 v59, v60;
	v18 =	vadd.f32 v18, v28  }
0x449: {  	v36 =	vmul.f32 v35, v35;
	v5 =	vadd.f32 v5, v13;
	v6 =	vadd.f32 v43, v6  }
0x44a: {  	v13 =	vmul.f32 v40, v40;
	v40 =	vld [tilespmem:$0x1FBA0];
	v8 =	vadd.f32 v57, v8;
	v63 =	vadd.f32 v61, v33  }
0x44b: {  	v48 =	vmul.f32 v2, v2;
	v18 =	vadd.f32 v21, v18;
	v5 =	vadd.f32 v41, v5  }
0x44c: {  	v15 =	vmul.f32 v22, v14;
	v8 =	vadd.f32 v45, v8;
	v6 =	vadd.f32 v47, v6  }
0x44d: {  	v49 =	vmul.f32 v51, v51;
	v37 =	vadd.f32 v36, v63;
	v18 =	vadd.f32 v46, v18  }
0x44e: {  	v45 =	vmul.f32 v15, v15;
	v5 =	vadd.f32 v44, v5;
	v8 =	vadd.f32 v27, v8  }
0x44f: {  	v50 =	vld [tilespmem:$0x1FB30];
	v54 =	vshra.s32 v6, $0x1;
	v6 =	vmul.f32 $-5.000000000e-01, v6;
	v16 =	vadd.f32 v16, v40  }
0x450: {  	v44 =	vld [tilespmem:$0x1FBC0];
	v19 =	vadd.f32 v38, v37;
	v5 =	vadd.f32 v13, v5;
	v51 =	vshra.s32 v18, $0x1  }
0x451: {  	v18 =	vmul.f32 $-5.000000000e-01, v18;
	v21 =	vsub.s32 $0x5F3759DF, v54;
	v8 =	vadd.f32 v20, v8  }
0x452: {  	v52 =	vsub.s32 $0x5F3759DF, v51;
	v56 =	vmul.f32 v21, v6;
	v19 =	vadd.f32 v39, v19  }
0x453: {  	v16 =	vadd.f32 v32, v16;
	v5 =	vadd.f32 v49, v5;
	v53 =	vmul.f32 v52, v18  }
0x454: {  	v8 =	vadd.f32 v50, v8;
	v24 =	vmul.f32 v21, v56;
	v19 =	vadd.f32 v42, v19  }
0x455: {  	v17 =	vadd.f32 v17, v44;
	v16 =	vadd.f32 v35, v16;
	v20 =	vmul.f32 v52, v53  }
0x456: {  	v60 =	vshra.s32 v5, $0x1;
	v61 =	vmul.f32 $-5.000000000e-01, v5;
	v19 =	vadd.f32 v45, v19  }
0x457: {  	v55 =	vshra.s32 v8, $0x1;
	v8 =	vmul.f32 $-5.000000000e-01, v8;
	v28 =	vsub.s32 $0x5F3759DF, v60  }
0x458: {  	v36 =	vadd.f32 $1.500000000e+00, v24;
	v22 =	vsub.s32 $0x5F3759DF, v55;
	v19 =	vadd.f32 v48, v19  }
0x459: {  	v20 =	vadd.f32 $1.500000000e+00, v20;
	v63 =	vmul.f32 v28, v61;
	v57 =	vmul.f32 v22, v8  }
0x45a: {  	v21 =	vmul.f32 v21, v36;
	v58 =	vshra.s32 v19, $0x1;
	v59 =	vmul.f32 $-5.000000000e-01, v19  }
0x45b: {  	v39 =	vmul.f32 v28, v63;
	v25 =	vmul.f32 v22, v57;
	v26 =	vsub.s32 $0x5F3759DF, v58  }
0x45c: {  	v4 =	vadd.f32 v4, v17;
	v13 =	vmul.f32 v52, v20;
	v62 =	vmul.f32 v26, v59  }
0x45d: {  	v45 =	vmul.f32 v21, v6;
	v43 =	vadd.f32 $1.500000000e+00, v39;
	v38 =	vadd.f32 $1.500000000e+00, v25  }
0x45e: {  	v16 =	vadd.f32 v31, v16;
	v42 =	vmul.f32 v13, v18;
	v37 =	vmul.f32 v26, v62  }
0x45f: {  	v4 =	vadd.f32 v11, v4;
	v24 =	vmul.f32 v28, v43;
	v20 =	vmul.f32 v22, v38  }
0x460: {  	v46 =	vmul.f32 v45, v21;
	v22 =	vmul.f32 v42, v13;
	v41 =	vadd.f32 $1.500000000e+00, v37  }
0x461: {  	v7 =	vadd.f32 v7, v16;
	v28 =	vmul.f32 v24, v61;
	v47 =	vmul.f32 v20, v8  }
0x462: {  	v4 =	vadd.f32 v9, v4;
	v17 =	vadd.f32 $1.500000000e+00, v46;
	v23 =	vmul.f32 v26, v41  }
0x463: {  	v48 =	vadd.f32 $1.500000000e+00, v22;
	v51 =	vmul.f32 v28, v24;
	v49 =	vmul.f32 v47, v20  }
0x464: {  	v1 =	vadd.f32 v1, v4;
	v17 =	vmul.f32 v17, v21;
	v26 =	vmul.f32 v23, v59  }
0x465: {  	v11 =	vmul.f32 v48, v13;
	v54 =	vadd.f32 $1.500000000e+00, v51;
	v52 =	vadd.f32 $1.500000000e+00, v49  }
0x466: {  	v7 =	vadd.f32 v10, v7;
	v6 =	vmul.f32 v17, v6;
	v50 =	vmul.f32 v26, v23  }
0x467: {  	v0 =	vadd.f32 v0, v1;
	v58 =	vmul.f32 v54, v24;
	v55 =	vmul.f32 v52, v20  }
0x468: {  	v56 =	vmul.f32 v11, v18;
	v1 =	vmul.f32 v6, v17;
	v53 =	vadd.f32 $1.500000000e+00, v50  }
0x469: {  	v60 =	vmul.f32 v58, v61;
	v8 =	vmul.f32 v55, v8  }
0x46a: {  	v7 =	vadd.f32 v15, v7;
	v4 =	vmul.f32 v56, v11;
	v57 =	vmul.f32 v53, v23  }
0x46b: {  	v1 =	vadd.f32 $1.500000000e+00, v1;
	v6 =	vmul.f32 v60, v58;
	v8 =	vmul.f32 v8, v55  }
0x46c: {  	v0 =	vadd.f32 v3, v0;
	v4 =	vadd.f32 $1.500000000e+00, v4;
	v59 =	vmul.f32 v57, v59  }
0x46d: {  	v1 =	vmul.f32 v1, v17;
	v6 =	vadd.f32 $1.500000000e+00, v6;
	v8 =	vadd.f32 $1.500000000e+00, v8  }
0x46e: {  	v2 =	vadd.f32 v2, v7;
	v4 =	vmul.f32 v4, v11;
	v10 =	vmul.f32 v59, v57  }
0x46f: {  	v0 =	vadd.f32 v12, v0;
	v6 =	vmul.f32 v6, v58;
	v3 =	vmul.f32 v8, v55  }
0x470: {  	v1 =	vmin.f32 v1, $9.999999950e+11;
	v4 =	vmin.f32 v4, $9.999999950e+11;
	v10 =	vadd.f32 $1.500000000e+00, v10  }
0x471: {  	v62 =	vmul.f32 v1, v4;
	v5 =	vmul.f32 v6, v5;
	v3 =	vmin.f32 v3, $9.999999950e+11  }
0x472: {  	v0 =	vmul.f32 v3, v0;
	v61 =	vmul.f32 v10, v57  }
0x473: {  	v2 =	vmul.f32 v62, v2;
	v4 =	vmul.f32 v5, v4  }
0x474: {  	s23 =	sadd.s32 $0x1, s23;
	v0 =	vmul.f32 v0, v1;
	v8 =	vmul.f32 v61, v19  }
0x475: {  	p0 =	sne.s32 s23, $0x8;
	v1 =	vsub.f32 $0.0e+00, v2;
	v2 =	vmul.f32 v4, v3  }
.Ltmp5:
0x476: {  	v0 =	vsub.f32 $0.0e+00, v0;
	v63 =	vmul.f32 v8, v62;
	(pc) =	sbr.rel @p0 .LBB2_10-.Ltmp5, $4  }
0x477: {  	[tilespmem:s24+$0x11800] =	vst v1;
	v1 =	vsub.f32 $0.0e+00, v2  }
0x478: {  	[tilespmem:s24+$0x11C00] =	vst v0;
	v3 =	vsub.f32 $0.0e+00, v63  }
0x479: {  	[tilespmem:s24+$0x11E00] =	vst v1  }
0x47a: {  	[tilespmem:s24+$0x11A00] =	vst v3;
	v3 =	vlaneseq.u32  }
0x47b: {  	s5 =	simm.s32 $0x180  }
0x47c: {  	[tilespmem:s28], [sflag:$0x1] =	stream.indirect.gather [hbm4b:s3+s26], $0x80, s5, s26, $0xb8;
	[tilespmem:$0x12000] =	vst v63  }
0x47d: {  	s22 =	simm.s32 $0x380  }
0x47e: {  	[tilespmem:s29], [sflag:$0x1] =	stream.indirect.gather [hbm4b:s4+s26], $0x80, s22, s26, $0xb8;
	[tilespmem:$0x12000] =	vst v63  }
0x47f: {  	s23 =	simm.s32 $0x580  }
0x480: {  	[tilespmem:s30], [sflag:$0x1] =	stream.indirect.gather [hbm4b:s3+s26], $0x80, s23, s26, $0xb8;
	[tilespmem:$0x12000] =	vst v63  }
0x481: {  	s24 =	simm.s32 $0x780  }
0x482: {  	[tilespmem:s31], [sflag:$0x1] =	stream.indirect.gather [hbm4b:s3+s26], $0x80, s24, s26, $0xb8;
	[tilespmem:$0x12000] =	vst v63  }
0x483: {  	_ =	swait.ge [sflag:s25], $0x4000  }
0x484: {  	[sflag:s25] =	ssyncset.done $0x0  }
0x485: {  	[sflag:s25] =	ssyncadd.s32 $0xFFFFC000  }
0x486: {  	_ =	swait.ge [sflag:s25], $0x4000  }
0x487: {  	[sflag:s25] =	ssyncset.done $0x0  }
0x488: {  	[sflag:s25] =	ssyncadd.s32 $0xFFFFC000  }
0x489: {  	_ =	swait.ge [sflag:s25], $0x4000  }
0x48a: {  	[sflag:s25] =	ssyncset.done $0x0  }
0x48b: {  	[sflag:s25] =	ssyncadd.s32 $0xFFFFC000  }
0x48c: {  	_ =	swait.ge [sflag:s25], $0x4000  }
0x48d: {  	[sflag:s25] =	ssyncset.done $0x0  }
0x48e: {  	s22 =	simm.s32 $0x0;
	s23 =	simm.s32 $0x0;
	[sflag:s25] =	ssyncadd.s32 $0xFFFFC000  }
.LBB2_14:
0x48f: {  	s5 =	sshll.u32 s23, $0x4;
	v6 =	vld [tilespmem:$0x1FFF0]  }
0x490: {  	v1 =	vld [tilespmem:s5+$0x1580]  }
0x491: {  	v7 =	vimm.f32 $0.0e+00;
	s7 =	simm.s32 $0x6;
	v4 =	vld [tilespmem:s5+$0x1780]  }
0x492: {  	s8 =	simm.s32 $0x5;
	s9 =	simm.s32 $0x4;
	s24 =	simm.s32 $0x1;
	v5 =	vld [tilespmem:s5+$0x1380];
	v2 =	vmov s5;
	[tilespmem:$0x1F860] =	vst v7;
	v7 =	vadd.s32 s7, v3  }
0x493: {  	v0 =	vld [tilespmem:s5+$0x1180];
	s7 =	simm.s32 $0x3;
	v8 =	vadd.s32 s8, v3;
	v11 =	vadd.s32 s9, v3;
	v12 =	vadd.s32 s24, v3  }
0x494: {  	v2 =	vshll.u32 v2, $0x7;
	v10 =	vadd.s32 s7, v3;
	v11 =	vand.u32 $0x3F, v11  }
0x495: {  	v8 =	vand.u32 $0x3F, v8;
	v7 =	vand.u32 $0x3F, v7;
	v2 =	vor.u32 v6, v2;
	v6 =	vld [tilespmem:s5+$0x980]  }
0x496: {  	s6 =	simm.s32 $0x7;
	v41 =	vld [tilespmem:s5+$0xD80];
	v12 =	vand.u32 $0x3F, v12;
	v10 =	vand.u32 $0x3F, v10;
	vm2 =	veq.s32 v4, $0x0  }
0x497: {  	vm1 =	veq.s32 v1, $0x0;
	v4 =	vld [tilespmem:s5+$0xF80];
	vm0 =	veq.s32 v5, $0x0;
	v1 =	vadd.s32 s6, v3;
	s6 =	simm.s32 $0x2  }
0x498: {  	vm3 =	veq.s32 v0, $0x0;
	v0 =	vadd.s32 s22, v3;
	v5 =	vld [tilespmem:s5+$0xB80];
	v9 =	vadd.s32 s6, v3  }
0x499: {  	v0 =	vand.u32 $0x3F, v0;
	v1 =	vand.u32 $0x3F, v1;
	v9 =	vand.u32 $0x3F, v9  }
0x49a: {  	v14 =	vadd.s32 v6, v0;
	v18 =	vadd.s32 v6, v1;
	v21 =	vadd.s32 v6, v7  }
0x49b: {  	v24 =	vadd.s32 v6, v8;
	v27 =	vadd.s32 v6, v11;
	v30 =	vadd.s32 v6, v10  }
0x49c: {  	v34 =	vadd.s32 v6, v9;
	v39 =	vadd.s32 v6, v12;
	v13 =	vadd.s32 v4, v0  }
0x49d: {  	v15 =	vadd.s32 v5, v0;
	v0 =	vadd.s32 v41, v0;
	v16 =	vadd.s32 v4, v7  }
0x49e: {  	v17 =	vadd.s32 v4, v1;
	v19 =	vadd.s32 v5, v1;
	v1 =	vadd.s32 v41, v1  }
0x49f: {  	v20 =	vadd.s32 v4, v8;
	v22 =	vadd.s32 v5, v7;
	v23 =	vadd.s32 v4, v11  }
0x4a0: {  	v7 =	vadd.s32 v41, v7;
	v25 =	vadd.s32 v4, v10;
	v26 =	vadd.s32 v5, v8  }
0x4a1: {  	v8 =	vadd.s32 v41, v8;
	v28 =	vadd.s32 v5, v11;
	v11 =	vadd.s32 v41, v11  }
0x4a2: {  	v29 =	vadd.s32 v4, v9;
	v31 =	vadd.s32 v5, v10;
	v33 =	vadd.s32 v4, v12  }
0x4a3: {  	v10 =	vadd.s32 v41, v10;
	v35 =	vadd.s32 v5, v9;
	v9 =	vadd.s32 v41, v9  }
0x4a4: {  	v36 =	vand.u32 $0x7, v14;
	v40 =	vadd.s32 v5, v12;
	v14 =	vand.u32 $0xFFFFFFF8, v14  }
0x4a5: {  	v12 =	vadd.s32 v41, v12;
	v43 =	vand.u32 $0x7, v18;
	v18 =	vand.u32 $0xFFFFFFF8, v18  }
0x4a6: {  	v47 =	vand.u32 $0x7, v21;
	v21 =	vand.u32 $0xFFFFFFF8, v21;
	v51 =	vand.u32 $0x7, v24  }
0x4a7: {  	v24 =	vand.u32 $0xFFFFFFF8, v24;
	v55 =	vand.u32 $0x7, v27;
	v27 =	vand.u32 $0xFFFFFFF8, v27  }
0x4a8: {  	v59 =	vand.u32 $0x7, v30;
	v30 =	vand.u32 $0xFFFFFFF8, v30;
	v32 =	vand.u32 $0x7, v13  }
0x4a9: {  	v37 =	vand.u32 $0x7, v15;
	v13 =	vand.u32 $0xFFFFFFF8, v13;
	v38 =	vand.u32 $0x7, v0  }
0x4aa: {  	[tilespmem:$0x1F8A0] =	vst v41;
	v15 =	vand.u32 $0xFFFFFFF8, v15;
	v0 =	vand.u32 $0xFFFFFFF8, v0;
	v41 =	vand.u32 $0xFFFFFFF8, v17  }
0x4ab: {  	v17 =	vand.u32 $0x7, v17;
	v42 =	vand.u32 $0x7, v16;
	v44 =	vand.u32 $0x7, v19  }
0x4ac: {  	v16 =	vand.u32 $0xFFFFFFF8, v16;
	v45 =	vand.u32 $0x7, v1;
	v46 =	vand.u32 $0x7, v20  }
0x4ad: {  	v19 =	vand.u32 $0xFFFFFFF8, v19;
	v1 =	vand.u32 $0xFFFFFFF8, v1;
	v48 =	vand.u32 $0x7, v22  }
0x4ae: {  	v49 =	vand.u32 $0x7, v7;
	v20 =	vand.u32 $0xFFFFFFF8, v20;
	v22 =	vand.u32 $0xFFFFFFF8, v22  }
0x4af: {  	v50 =	vand.u32 $0x7, v23;
	v7 =	vand.u32 $0xFFFFFFF8, v7;
	v23 =	vand.u32 $0xFFFFFFF8, v23  }
0x4b0: {  	v52 =	vand.u32 $0x7, v26;
	v53 =	vand.u32 $0x7, v8;
	v26 =	vand.u32 $0xFFFFFFF8, v26  }
0x4b1: {  	v8 =	vand.u32 $0xFFFFFFF8, v8;
	v54 =	vand.u32 $0x7, v25;
	v56 =	vand.u32 $0x7, v28  }
0x4b2: {  	v25 =	vand.u32 $0xFFFFFFF8, v25;
	v57 =	vand.u32 $0x7, v11;
	v58 =	vand.u32 $0x7, v29  }
0x4b3: {  	v28 =	vand.u32 $0xFFFFFFF8, v28;
	v11 =	vand.u32 $0xFFFFFFF8, v11;
	v60 =	vand.u32 $0x7, v31  }
0x4b4: {  	v61 =	vand.u32 $0x7, v10;
	v29 =	vand.u32 $0xFFFFFFF8, v29;
	v31 =	vand.u32 $0xFFFFFFF8, v31  }
0x4b5: {  	v62 =	vand.u32 $0x7, v33;
	v10 =	vand.u32 $0xFFFFFFF8, v10;
	v14 =	vadd.s32 v2, v14  }
0x4b6: {  	v33 =	vand.u32 $0xFFFFFFF8, v33;
	v63 =	vand.u32 $0x7, v12;
	v12 =	vand.u32 $0xFFFFFFF8, v12  }
0x4b7: {  	v18 =	vadd.s32 v2, v18;
	v21 =	vadd.s32 v2, v21;
	v24 =	vadd.s32 v2, v24  }
0x4b8: {  	v27 =	vadd.s32 v2, v27;
	v30 =	vadd.s32 v2, v30;
	v13 =	vadd.s32 v2, v13  }
0x4b9: {  	v14 =	vor.u32 v36, v14;
	v15 =	vadd.s32 v2, v15;
	v36 =	vand.u32 $0x7, v35  }
0x4ba: {  	v35 =	vand.u32 $0xFFFFFFF8, v35;
	v0 =	vadd.s32 v2, v0;
	v18 =	vor.u32 v43, v18  }
0x4bb: {  	v41 =	vadd.s32 v2, v41;
	v16 =	vadd.s32 v2, v16;
	v21 =	vor.u32 v47, v21  }
0x4bc: {  	v19 =	vadd.s32 v2, v19;
	v20 =	vadd.s32 v2, v20;
	v24 =	vor.u32 v51, v24  }
0x4bd: {  	v1 =	vadd.s32 v2, v1;
	v22 =	vadd.s32 v2, v22;
	v27 =	vor.u32 v55, v27  }
0x4be: {  	v23 =	vadd.s32 v2, v23;
	v7 =	vadd.s32 v2, v7;
	v13 =	vor.u32 v32, v13;
	v14 =	vld.idx.msk [tilespmem:v14+s28+$0x0], $0xffff  }
0x4bf: {  	v26 =	vadd.s32 v2, v26;
	v25 =	vadd.s32 v2, v25;
	v15 =	vor.u32 v37, v15;
	v18 =	vld.idx.msk [tilespmem:v18+s28+$0x0], $0xffff  }
0x4c0: {  	v8 =	vadd.s32 v2, v8;
	v28 =	vadd.s32 v2, v28;
	v0 =	vor.u32 v38, v0;
	v21 =	vld.idx.msk [tilespmem:v21+s28+$0x0], $0xffff  }
0x4c1: {  	v29 =	vadd.s32 v2, v29;
	v11 =	vadd.s32 v2, v11;
	v17 =	vor.u32 v17, v41;
	v24 =	vld.idx.msk [tilespmem:v24+s28+$0x0], $0xffff  }
0x4c2: {  	v31 =	vadd.s32 v2, v31;
	v33 =	vadd.s32 v2, v33;
	v16 =	vor.u32 v42, v16;
	v27 =	vld.idx.msk [tilespmem:v27+s28+$0x0], $0xffff  }
0x4c3: {  	v10 =	vadd.s32 v2, v10;
	v12 =	vadd.s32 v2, v12;
	v19 =	vor.u32 v44, v19;
	v13 =	vld.idx.msk [tilespmem:v13+s31+$0x0], $0xffff  }
0x4c4: {  	v30 =	vor.u32 v59, v30;
	v32 =	vand.u32 $0x7, v34;
	v1 =	vor.u32 v45, v1;
	v15 =	vld.idx.msk [tilespmem:v15+s29+$0x0], $0xffff  }
0x4c5: {  	v37 =	vand.u32 $0x7, v9;
	v34 =	vand.u32 $0xFFFFFFF8, v34;
	v20 =	vor.u32 v46, v20;
	v0 =	vld.idx.msk [tilespmem:v0+s30+$0x0], $0xffff  }
0x4c6: {  	v9 =	vand.u32 $0xFFFFFFF8, v9;
	v38 =	vand.u32 $0x7, v39;
	v22 =	vor.u32 v48, v22;
	v17 =	vld.idx.msk [tilespmem:v17+s31+$0x0], $0xffff  }
0x4c7: {  	v41 =	vand.u32 $0x7, v40;
	v39 =	vand.u32 $0xFFFFFFF8, v39;
	v7 =	vor.u32 v49, v7;
	v16 =	vld.idx.msk [tilespmem:v16+s31+$0x0], $0xffff  }
0x4c8: {  	v40 =	vand.u32 $0xFFFFFFF8, v40;
	v35 =	vadd.s32 v2, v35;
	v23 =	vor.u32 v50, v23;
	v19 =	vld.idx.msk [tilespmem:v19+s29+$0x0], $0xffff  }
0x4c9: {  	v26 =	vor.u32 v52, v26;
	v25 =	vor.u32 v54, v25;
	v28 =	vor.u32 v56, v28;
	v1 =	vld.idx.msk [tilespmem:v1+s30+$0x0], $0xffff  }
0x4ca: {  	v8 =	vor.u32 v53, v8;
	v29 =	vor.u32 v58, v29;
	v11 =	vor.u32 v57, v11;
	v20 =	vld.idx.msk [tilespmem:v20+s31+$0x0], $0xffff  }
0x4cb: {  	v31 =	vor.u32 v60, v31;
	v10 =	vor.u32 v61, v10;
	v33 =	vor.u32 v62, v33;
	v22 =	vld.idx.msk [tilespmem:v22+s29+$0x0], $0xffff  }
0x4cc: {  	v34 =	vadd.s32 v2, v34;
	v39 =	vadd.s32 v2, v39;
	v9 =	vadd.s32 v2, v9;
	v7 =	vld.idx.msk [tilespmem:v7+s30+$0x0], $0xffff  }
0x4cd: {  	v40 =	vadd.s32 v2, v40;
	v32 =	vor.u32 v32, v34;
	v34 =	vor.u32 v36, v35;
	v23 =	vld.idx.msk [tilespmem:v23+s31+$0x0], $0xffff  }
0x4ce: {  	v35 =	vor.u32 v38, v39;
	v40 =	vor.u32 v41, v40;
	v9 =	vor.u32 v37, v9;
	v28 =	vld.idx.msk [tilespmem:v28+s29+$0x0], $0xffff  }
0x4cf: {  	v26 =	vld.idx.msk [tilespmem:v26+s29+$0x0], $0xffff;
	v38 =	vand.u32 $0xFFFF0000, v14;
	v36 =	vshll.u32 v14, $0x10;
	v55 =	vand.u32 $0xFFFF0000, v18  }
0x4d0: {  	v8 =	vld.idx.msk [tilespmem:v8+s30+$0x0], $0xffff;
	v52 =	vshll.u32 v18, $0x10;
	v18 =	vand.u32 $0xFFFF0000, v24;
	v24 =	vshll.u32 v24, $0x10  }
0x4d1: {  	v29 =	vld.idx.msk [tilespmem:v29+s31+$0x0], $0xffff;
	v61 =	vand.u32 $0xFFFF0000, v27;
	v27 =	vshll.u32 v27, $0x10;
	v37 =	vand.u32 $0xFFFF0000, v13  }
0x4d2: {  	v53 =	vshll.u32 v13, $0x10;
	v49 =	vand.u32 $0xFFFF0000, v22;
	v50 =	vshll.u32 v22, $0x10;
	v22 =	vld.idx.msk [tilespmem:v30+s28+$0x0], $0xffff  }
0x4d3: {  	v13 =	vor.u32 v63, v12;
	v62 =	vand.u32 $0xFFFF0000, v28;
	v63 =	vshll.u32 v28, $0x10;
	v28 =	vld.idx.msk [tilespmem:v34+s29+$0x0], $0xffff  }
0x4d4: {  	[tilespmem:$0x1F890] =	vst v5;
	v3 =	vand.u32 $0xFFFF0000, v15;
	v5 =	vand.u32 $0xFFFF0000, v26;
	v58 =	vshll.u32 v26, $0x10;
	v26 =	vld.idx.msk [tilespmem:v33+s31+$0x0], $0xffff  }
0x4d5: {  	[tilespmem:$0x1F870] =	vst v4;
	v25 =	vld.idx.msk [tilespmem:v25+s31+$0x0], $0xffff;
	v12 =	vshll.u32 v15, $0x10;
	v4 =	vand.u32 $0xFFFF0000, v0;
	v0 =	vshll.u32 v0, $0x10  }
0x4d6: {  	[tilespmem:$0x1F880] =	vst v6;
	v54 =	vld.idx.msk [tilespmem:v31+s29+$0x0], $0xffff;
	v6 =	vand.u32 $0xFFFF0000, v17;
	v51 =	vand.u32 $0xFFFF0000, v7;
	v56 =	vshll.u32 v7, $0x10  }
0x4d7: {  	v9 =	vld.idx.msk [tilespmem:v9+s30+$0x0], $0xffff;
	v47 =	vand.u32 $0xFFFF0000, v29;
	v44 =	vshll.u32 v29, $0x10;
	v36 =	vsel vm3, v36, v38;
	[tilespmem:$0x1F8B0] =	vst v4  }
0x4d8: {  	v34 =	vld.idx.msk [tilespmem:v40+s29+$0x0], $0xffff;
	[tilespmem:$0x1F8C0] =	vst v0;
	v29 =	vsel vm2, v53, v37;
	v7 =	vand.u32 $0xFFFF0000, v22;
	v37 =	vand.u32 $0xFFFF0000, v28  }
0x4d9: {  	v38 =	vshll.u32 v28, $0x10;
	v28 =	vsel vm0, v12, v3;
	v3 =	vld [tilespmem:$0x1F8B0];
	[tilespmem:$0x1F950] =	vst v7;
	v7 =	vshll.u32 v26, $0x10  }
0x4da: {  	v17 =	vshll.u32 v17, $0x10;
	v14 =	vshll.u32 v16, $0x10;
	v41 =	vand.u32 $0xFFFF0000, v20;
	[tilespmem:$0x1F960] =	vst v7;
	v7 =	vld [tilespmem:$0x1F8C0]  }
0x4db: {  	v11 =	vld.idx.msk [tilespmem:v11+s30+$0x0], $0xffff;
	v20 =	vshll.u32 v20, $0x10;
	v30 =	vand.u32 $0xFFFF0000, v23;
	v0 =	vand.u32 $0xFFFF0000, v16  }
0x4dc: {  	v10 =	vld.idx.msk [tilespmem:v10+s30+$0x0], $0xffff;
	v39 =	vshll.u32 v23, $0x10;
	v60 =	vand.u32 $0xFFFF0000, v8;
	[tilespmem:$0x1F8D0] =	vst v0;
	v0 =	vand.u32 $0xFFFF0000, v19  }
0x4dd: {  	v32 =	vld.idx.msk [tilespmem:v32+s28+$0x0], $0xffff;
	v31 =	vshll.u32 v54, $0x10;
	v16 =	vand.u32 $0xFFFF0000, v54;
	[tilespmem:$0x1F8E0] =	vst v0;
	v0 =	vshll.u32 v19, $0x10  }
0x4de: {  	[tilespmem:$0x1F8F0] =	vst v0;
	v40 =	vand.u32 $0xFFFF0000, v34;
	v42 =	vshll.u32 v34, $0x10;
	v34 =	vsel vm2, v17, v6;
	v6 =	vld [tilespmem:$0x1F8E0]  }
0x4df: {  	v54 =	vand.u32 $0xFFFF0000, v9;
	v23 =	vshll.u32 v9, $0x10;
	v9 =	vsel vm1, v7, v3;
	v7 =	vld [tilespmem:$0x1F8F0]  }
0x4e0: {  	v46 =	vand.u32 $0xFFFF0000, v11;
	v15 =	vshll.u32 v11, $0x10;
	v45 =	vshll.u32 v22, $0x10;
	v22 =	vld.idx.msk [tilespmem:v35+s28+$0x0], $0xffff  }
0x4e1: {  	v59 =	vand.u32 $0xFFFF0000, v10;
	v48 =	vshll.u32 v10, $0x10;
	v4 =	vand.u32 $0xFFFF0000, v21  }
0x4e2: {  	v21 =	vshll.u32 v21, $0x10;
	v11 =	vsel vm1, v56, v51;
	v0 =	vand.u32 $0xFFFF0000, v1  }
0x4e3: {  	v57 =	vand.u32 $0xFFFF0000, v32;
	v43 =	vshll.u32 v32, $0x10;
	v32 =	vsel vm2, v39, v30;
	[tilespmem:$0x1F900] =	vst v0  }
0x4e4: {  	v51 =	vmul.f32 v29, v29;
	v39 =	vsel vm3, v24, v18;
	v10 =	vsel vm0, v7, v6;
	v6 =	vld [tilespmem:$0x1F900]  }
0x4e5: {  	v24 =	vsel vm2, v44, v47;
	v19 =	vand.u32 $0xFFFF0000, v25;
	v3 =	vand.u32 $0xFFFF0000, v22  }
0x4e6: {  	v25 =	vshll.u32 v25, $0x10;
	[tilespmem:$0x1F970] =	vst v3;
	v3 =	vshll.u32 v22, $0x10;
	v22 =	vsel vm3, v21, v4;
	v4 =	vld [tilespmem:$0x1F950]  }
0x4e7: {  	v18 =	vmul.f32 v39, v39;
	v43 =	vsel vm3, v43, v57;
	v1 =	vshll.u32 v1, $0x10  }
0x4e8: {  	v25 =	vsel vm2, v25, v19;
	v33 =	vand.u32 $0xFFFF0000, v26;
	v35 =	vsel vm3, v52, v55;
	v26 =	vld.idx.msk [tilespmem:v13+s30+$0x0], $0xffff  }
0x4e9: {  	v0 =	vshll.u32 v8, $0x10;
	v7 =	vsel vm1, v1, v6;
	v1 =	vmul.f32 v35, v35  }
0x4ea: {  	v12 =	vsel vm0, v58, v5;
	v57 =	vmul.f32 v25, v25;
	v13 =	vsel vm0, v50, v49;
	[tilespmem:$0x1F980] =	vst v3;
	v3 =	vld [tilespmem:$0x1F8D0]  }
0x4eb: {  	v50 =	vmul.f32 v36, v36;
	[tilespmem:$0x1F910] =	vst v1;
	v1 =	vsel vm1, v15, v46;
	v46 =	vsel vm3, v45, v4;
	v4 =	vld [tilespmem:$0x1F960]  }
0x4ec: {  	v56 =	vmul.f32 v28, v36;
	v8 =	vsel vm1, v0, v60;
	v0 =	vmul.f32 v7, v7  }
0x4ed: {  	v52 =	vand.u32 $0xFFFF0000, v26;
	v53 =	vshll.u32 v26, $0x10;
	v26 =	vsel vm2, v20, v41  }
0x4ee: {  	v41 =	vsel vm3, v27, v61;
	v27 =	vmul.f32 v26, v26;
	[tilespmem:$0x1F920] =	vst v0;
	v0 =	vmul.f32 v34, v34  }
0x4ef: {  	v47 =	vmul.f32 v41, v41;
	v5 =	vld [tilespmem:$0x1F980];
	v3 =	vsel vm2, v14, v3;
	v14 =	vmul.f32 v11, v13  }
0x4f0: {  	[tilespmem:$0x1F930] =	vst v0;
	v0 =	vmul.f32 v11, v11;
	v11 =	vsel vm1, v23, v54;
	v23 =	vsel vm2, v4, v33;
	v4 =	vld [tilespmem:$0x1F970]  }
0x4f1: {  	v49 =	vmul.f32 v9, v9;
	v55 =	vmul.f32 v9, v28  }
0x4f2: {  	v9 =	vsel vm1, v48, v59;
	v21 =	vmul.f32 v22, v22;
	v48 =	vmul.f32 v13, v22  }
0x4f3: {  	v58 =	vmul.f32 v9, v9;
	v61 =	vmul.f32 v10, v35  }
0x4f4: {  	v20 =	vmul.f32 v3, v3;
	v6 =	vmul.f32 v8, v8  }
0x4f5: {  	v60 =	vmul.f32 v7, v10;
	[tilespmem:$0x1F940] =	vst v0;
	v54 =	vsel vm3, v5, v4;
	v4 =	vimm.f32 $0.0e+00  }
0x4f6: {  	v10 =	vmul.f32 v43, v43;
	v45 =	vmul.f32 v32, v32;
	[tilespmem:$0x1F990] =	vst v4;
	v4 =	vimm.f32 $0.0e+00  }
0x4f7: {  	v44 =	vmul.f32 v1, v1;
	v59 =	vmul.f32 v46, v46;
	[tilespmem:$0x1F9A0] =	vst v4;
	v4 =	vimm.f32 $0.0e+00  }
0x4f8: {  	v7 =	vmul.f32 v11, v11;
	v0 =	vsel vm0, v63, v62;
	[tilespmem:$0x1F9B0] =	vst v4;
	v4 =	vimm.f32 $0.0e+00  }
0x4f9: {  	v63 =	vmul.f32 v8, v12;
	v62 =	vmul.f32 v12, v39;
	[tilespmem:$0x1F9C0] =	vst v4;
	v4 =	vimm.f32 $0.0e+00  }
0x4fa: {  	s24 =	sor.u32 $0x180, s5;
	s5 =	simm.s32 $0x8;
	v30 =	vimm.f32 $0.0e+00;
	v8 =	vmul.f32 v24, v24;
	v1 =	vmul.f32 v1, v0;
	[tilespmem:$0x1F9D0] =	vst v4  }
.LBB2_15:
0x4fb: {  	_ = 	snop  }
0x4fc: {  	v4 =	vld [tilespmem:$0x1F860]  }
0x4fd: {  	v52 =	vsel vm1, v53, v52  }
0x4fe: {  	v12 =	vmul.f32 v52, v52;
	v49 =	vadd.f32 v49, v30;
	_ =	sdelay $0x1  }
0x4ff: {  	v53 =	vmul.f32 v54, v54;
	v12 =	vadd.f32 v12, v49  }
0x500: {  	v33 =	vsel vm0, v38, v37;
	v38 =	vsel vm0, v42, v40;
	v50 =	vadd.f32 v50, v4  }
0x501: {  	v42 =	vmul.f32 v52, v38;
	v7 =	vadd.f32 v7, v12  }
0x502: {  	v52 =	vmul.f32 v29, v55;
	v29 =	vmul.f32 v29, v56;
	v50 =	vadd.f32 v53, v50  }
0x503: {  	v56 =	vmul.f32 v3, v14;
	v31 =	vsel vm0, v31, v16;
	v7 =	vadd.f32 v58, v7  }
0x504: {  	v16 =	vmul.f32 v22, v14;
	v14 =	vmul.f32 v3, v48;
	v3 =	vld [tilespmem:$0x1F940];
	v10 =	vadd.f32 v10, v50  }
0x505: {  	v7 =	vadd.f32 v44, v7  }
0x506: {  	v10 =	vadd.f32 v59, v10  }
0x507: {  	v7 =	vadd.f32 v6, v7  }
0x508: {  	v4 =	vld [tilespmem:$0x1F990];
	v10 =	vadd.f32 v47, v10  }
0x509: {  	v7 =	vadd.f32 v3, v7;
	v3 =	vld [tilespmem:$0x1F910]  }
0x50a: {  	v10 =	vadd.f32 v18, v10;
	_ =	sdelay $0x1  }
0x50b: {  	v10 =	vadd.f32 v21, v10;
	_ =	sdelay $0x1  }
0x50c: {  	v13 =	vmul.f32 v23, v23;
	v51 =	vadd.f32 v51, v4;
	v3 =	vadd.f32 v3, v10;
	_ =	sdelay $0x1  }
0x50d: {  	v13 =	vadd.f32 v13, v51;
	[tilespmem:$0x1F860] =	vst v3;
	v3 =	vld [tilespmem:$0x1F920];
	_ =	sdelay $0x1  }
0x50e: {  	v8 =	vadd.f32 v8, v13;
	_ =	sdelay $0x1  }
0x50f: {  	v8 =	vadd.f32 v57, v8  }
0x510: {  	v3 =	vadd.f32 v3, v7  }
0x511: {  	v8 =	vadd.f32 v45, v8  }
0x512: {  	[tilespmem:$0x1F820] =	vst v3;
	v3 =	vld [tilespmem:$0x1F930]  }
0x513: {  	v8 =	vadd.f32 v27, v8;
	_ =	sdelay $0x1  }
0x514: {  	v8 =	vadd.f32 v20, v8;
	_ =	sdelay $0x1  }
0x515: {  	v3 =	vadd.f32 v3, v8;
	_ =	sdelay $0x1  }
0x516: {  	[tilespmem:$0x1F990] =	vst v3;
	v3 =	vld [tilespmem:$0x1F9A0]  }
0x517: {  	v0 =	vmul.f32 v0, v41;
	v36 =	vmul.f32 v36, v55  }
0x518: {  	v11 =	vmul.f32 v11, v33;
	v40 =	vmul.f32 v33, v43  }
0x519: {  	v38 =	vmul.f32 v38, v54;
	v55 =	vmul.f32 v34, v60  }
0x51a: {  	v35 =	vmul.f32 v35, v60;
	v60 =	vmul.f32 v34, v61  }
0x51b: {  	v61 =	vmul.f32 v26, v63;
	v0 =	vmul.f32 v32, v0;
	v7 =	vadd.f32 v36, v3;
	v3 =	vld [tilespmem:$0x1F9B0]  }
0x51c: {  	v19 =	vmul.f32 v36, v36;
	v28 =	vmul.f32 v23, v42  }
0x51d: {  	v22 =	vmul.f32 v26, v62;
	v0 =	vmul.f32 v0, v0  }
0x51e: {  	v5 =	vlaneseq.u32;
	s6 =	sadd.s32 $0x7, s5;
	v9 =	vmul.f32 v9, v31;
	v21 =	vmul.f32 v54, v42  }
0x51f: {  	v33 =	vadd.s32 s6, v5;
	v13 =	vmul.f32 v39, v63;
	v39 =	vmul.f32 v24, v11  }
0x520: {  	v11 =	vmul.f32 v43, v11;
	v7 =	vadd.f32 v21, v7;
	v8 =	vadd.f32 v19, v3;
	v3 =	vld [tilespmem:$0x1F9C0]  }
0x521: {  	v37 =	vmul.f32 v31, v46;
	v31 =	vadd.s32 s5, v5;
	v15 =	vmul.f32 v21, v21  }
0x522: {  	v26 =	vmul.f32 v25, v9;
	v9 =	vmul.f32 v46, v9;
	v7 =	vadd.f32 v11, v7  }
0x523: {  	v25 =	vmul.f32 v25, v37;
	v8 =	vadd.f32 v15, v8;
	v15 =	vmul.f32 v11, v11  }
0x524: {  	v12 =	vmul.f32 v32, v1;
	v1 =	vmul.f32 v41, v1;
	v7 =	vadd.f32 v9, v7  }
0x525: {  	v11 =	vmul.f32 v9, v9;
	v8 =	vadd.f32 v15, v8;
	v17 =	vadd.f32 v52, v3;
	v3 =	vld [tilespmem:$0x1F9D0]  }
0x526: {  	v20 =	vmul.f32 v23, v38;
	v9 =	vmul.f32 v1, v1;
	v1 =	vadd.f32 v1, v7  }
0x527: {  	v24 =	vmul.f32 v24, v40;
	v8 =	vadd.f32 v11, v8;
	v17 =	vadd.f32 v28, v17  }
0x528: {  	v10 =	vmul.f32 v29, v29;
	v18 =	vmul.f32 v20, v20;
	v1 =	vadd.f32 v13, v1  }
0x529: {  	v7 =	vadd.f32 v9, v8;
	v8 =	vmul.f32 v13, v13;
	v15 =	vadd.f32 v39, v17  }
0x52a: {  	v1 =	vadd.f32 v16, v1;
	v17 =	vmul.f32 v25, v25;
	v10 =	vadd.f32 v10, v3  }
0x52b: {  	v7 =	vadd.f32 v8, v7;
	v8 =	vmul.f32 v16, v16;
	v11 =	vadd.f32 v26, v15  }
0x52c: {  	v4 =	vld [tilespmem:$0x1F870];
	v1 =	vadd.f32 v35, v1;
	v10 =	vadd.f32 v18, v10;
	v18 =	vmul.f32 v24, v24  }
0x52d: {  	s9 =	sadd.s32 $0x6, s5;
	v7 =	vadd.f32 v8, v7;
	v8 =	vmul.f32 v35, v35;
	v9 =	vadd.f32 v12, v11  }
0x52e: {  	s8 =	sadd.s32 $0x3, s5;
	v11 =	vadd.s32 s9, v5;
	s9 =	sadd.s32 $0x4, s5;
	v12 =	vand.u32 $0x3F, v33;
	v10 =	vadd.f32 v18, v10  }
0x52f: {  	[tilespmem:$0x1F9A0] =	vst v1;
	v1 =	vadd.f32 v8, v7;
	v7 =	vadd.s32 s8, v5;
	v8 =	vadd.s32 s9, v5  }
0x530: {  	v11 =	vand.u32 $0x3F, v11;
	v9 =	vadd.f32 v61, v9;
	v8 =	vand.u32 $0x3F, v8  }
0x531: {  	s7 =	sadd.s32 $0x5, s5;
	v7 =	vand.u32 $0x3F, v7;
	v16 =	vadd.s32 v4, v11;
	v10 =	vadd.f32 v17, v10  }
0x532: {  	[tilespmem:$0x1F9B0] =	vst v1;
	v1 =	vadd.s32 s7, v5;
	v17 =	vadd.s32 v4, v12;
	v23 =	vadd.s32 v4, v8  }
0x533: {  	v25 =	vadd.s32 v4, v7;
	v42 =	vand.u32 $0x7, v16;
	v16 =	vand.u32 $0xFFFFFFF8, v16  }
0x534: {  	v9 =	vadd.f32 v56, v9;
	v1 =	vand.u32 $0x3F, v1;
	v41 =	vand.u32 $0xFFFFFFF8, v17  }
0x535: {  	v17 =	vand.u32 $0x7, v17;
	v50 =	vand.u32 $0x7, v23;
	v23 =	vand.u32 $0xFFFFFFF8, v23  }
0x536: {  	v54 =	vand.u32 $0x7, v25;
	v25 =	vand.u32 $0xFFFFFFF8, v25;
	v16 =	vadd.s32 v2, v16  }
0x537: {  	v0 =	vadd.f32 v0, v10;
	v10 =	vmul.f32 v22, v22;
	v20 =	vadd.s32 v4, v1  }
0x538: {  	v41 =	vadd.s32 v2, v41;
	v16 =	vor.u32 v42, v16;
	v23 =	vadd.s32 v2, v23  }
0x539: {  	v25 =	vadd.s32 v2, v25;
	v3 =	vadd.f32 v55, v9;
	v9 =	vand.u32 $0x3F, v31  }
0x53a: {  	v46 =	vand.u32 $0x7, v20;
	v0 =	vadd.f32 v10, v0;
	v10 =	vmul.f32 v14, v14  }
0x53b: {  	v20 =	vand.u32 $0xFFFFFFF8, v20;
	v17 =	vor.u32 v17, v41;
	v23 =	vor.u32 v50, v23;
	[tilespmem:$0x1F9C0] =	vst v3;
	v3 =	vld [tilespmem:$0x1F880]  }
0x53c: {  	v13 =	vadd.s32 v4, v9;
	v0 =	vadd.f32 v10, v0;
	v10 =	vmul.f32 v60, v60  }
0x53d: {  	v25 =	vor.u32 v54, v25;
	v32 =	vand.u32 $0x7, v13;
	v13 =	vand.u32 $0xFFFFFFF8, v13  }
0x53e: {  	s7 =	sadd.s32 $0x1, s5;
	v20 =	vadd.s32 v2, v20;
	v13 =	vadd.s32 v2, v13;
	v0 =	vadd.f32 v10, v0  }
0x53f: {  	s6 =	sadd.s32 $0x2, s5;
	v20 =	vor.u32 v46, v20;
	v13 =	vor.u32 v32, v13;
	v10 =	vadd.s32 s7, v5  }
0x540: {  	v10 =	vand.u32 $0x3F, v10;
	[tilespmem:$0x1F9D0] =	vst v0;
	v0 =	vadd.s32 s6, v5;
	v14 =	vadd.s32 v3, v9  }
0x541: {  	v18 =	vadd.s32 v3, v12;
	v21 =	vadd.s32 v3, v11;
	v24 =	vadd.s32 v3, v1  }
0x542: {  	v27 =	vadd.s32 v3, v8;
	v30 =	vadd.s32 v3, v7;
	v33 =	vadd.s32 v4, v10  }
0x543: {  	v39 =	vadd.s32 v3, v10;
	v0 =	vand.u32 $0x3F, v0;
	v36 =	vand.u32 $0x7, v14  }
0x544: {  	v14 =	vand.u32 $0xFFFFFFF8, v14;
	v43 =	vand.u32 $0x7, v18;
	v18 =	vand.u32 $0xFFFFFFF8, v18  }
0x545: {  	v47 =	vand.u32 $0x7, v21;
	v21 =	vand.u32 $0xFFFFFFF8, v21;
	v52 =	vand.u32 $0x7, v24  }
0x546: {  	v16 =	vld.idx.msk [tilespmem:v16+s31+$0x0], $0xffff;
	v24 =	vand.u32 $0xFFFFFFF8, v24;
	v55 =	vand.u32 $0x7, v27;
	v27 =	vand.u32 $0xFFFFFFF8, v27  }
0x547: {  	v59 =	vand.u32 $0x7, v30;
	v30 =	vand.u32 $0xFFFFFFF8, v30;
	v62 =	vand.u32 $0x7, v33  }
0x548: {  	v33 =	vand.u32 $0xFFFFFFF8, v33;
	v29 =	vadd.s32 v4, v0;
	v34 =	vadd.s32 v3, v0  }
0x549: {  	v17 =	vld.idx.msk [tilespmem:v17+s31+$0x0], $0xffff;
	v14 =	vadd.s32 v2, v14;
	v18 =	vadd.s32 v2, v18;
	v21 =	vadd.s32 v2, v21  }
0x54a: {  	v25 =	vld.idx.msk [tilespmem:v25+s31+$0x0], $0xffff;
	v24 =	vadd.s32 v2, v24;
	v27 =	vadd.s32 v2, v27;
	v30 =	vadd.s32 v2, v30  }
0x54b: {  	v46 =	vadd.s32 v2, v33;
	v41 =	vand.u32 $0xFFFF0000, v16;
	v58 =	vand.u32 $0x7, v29  }
0x54c: {  	v5 =	vld [tilespmem:$0x1F890];
	v29 =	vand.u32 $0xFFFFFFF8, v29;
	v63 =	vand.u32 $0x7, v34;
	v34 =	vand.u32 $0xFFFFFFF8, v34  }
0x54d: {  	v6 =	vld [tilespmem:$0x1F8A0];
	v14 =	vor.u32 v36, v14;
	v18 =	vor.u32 v43, v18;
	v21 =	vor.u32 v47, v21  }
0x54e: {  	v24 =	vor.u32 v52, v24;
	v27 =	vor.u32 v55, v27;
	v30 =	vor.u32 v59, v30  }
0x54f: {  	v32 =	vor.u32 v62, v46;
	v43 =	vand.u32 $0xFFFF0000, v17;
	v59 =	vand.u32 $0xFFFF0000, v25  }
0x550: {  	v25 =	vshll.u32 v25, $0x10;
	v29 =	vadd.s32 v2, v29;
	v47 =	vadd.s32 v2, v34  }
0x551: {  	v34 =	vshll.u32 v16, $0x10;
	v25 =	vsel vm2, v25, v59;
	v15 =	vadd.s32 v5, v9  }
0x552: {  	v9 =	vadd.s32 v6, v9;
	v19 =	vadd.s32 v5, v12;
	v12 =	vadd.s32 v6, v12  }
0x553: {  	v20 =	vld.idx.msk [tilespmem:v20+s31+$0x0], $0xffff;
	v22 =	vadd.s32 v5, v11;
	v11 =	vadd.s32 v6, v11;
	v26 =	vadd.s32 v5, v1  }
0x554: {  	v1 =	vadd.s32 v6, v1;
	v28 =	vadd.s32 v5, v8;
	v8 =	vadd.s32 v6, v8  }
0x555: {  	v31 =	vadd.s32 v5, v7;
	v7 =	vadd.s32 v6, v7;
	v35 =	vadd.s32 v5, v0  }
0x556: {  	v0 =	vadd.s32 v6, v0;
	v40 =	vadd.s32 v5, v10;
	v10 =	vadd.s32 v6, v10  }
0x557: {  	v5 =	vand.u32 $0x7, v39;
	v39 =	vand.u32 $0xFFFFFFF8, v39;
	v29 =	vor.u32 v58, v29  }
0x558: {  	v33 =	vor.u32 v63, v47;
	v47 =	vand.u32 $0xFFFF0000, v20;
	v20 =	vshll.u32 v20, $0x10  }
0x559: {  	v37 =	vand.u32 $0x7, v15;
	v38 =	vand.u32 $0x7, v9;
	v15 =	vand.u32 $0xFFFFFFF8, v15  }
0x55a: {  	v9 =	vand.u32 $0xFFFFFFF8, v9;
	v44 =	vand.u32 $0x7, v19;
	v45 =	vand.u32 $0x7, v12  }
0x55b: {  	v19 =	vand.u32 $0xFFFFFFF8, v19;
	v12 =	vand.u32 $0xFFFFFFF8, v12;
	v48 =	vand.u32 $0x7, v22  }
0x55c: {  	v51 =	vand.u32 $0x7, v11;
	v22 =	vand.u32 $0xFFFFFFF8, v22;
	v11 =	vand.u32 $0xFFFFFFF8, v11  }
0x55d: {  	v53 =	vand.u32 $0x7, v26;
	v3 =	vand.u32 $0x7, v1;
	v26 =	vand.u32 $0xFFFFFFF8, v26  }
0x55e: {  	v1 =	vand.u32 $0xFFFFFFF8, v1;
	v56 =	vand.u32 $0x7, v28;
	v57 =	vand.u32 $0x7, v8  }
0x55f: {  	v28 =	vand.u32 $0xFFFFFFF8, v28;
	v8 =	vand.u32 $0xFFFFFFF8, v8;
	v60 =	vand.u32 $0x7, v31  }
0x560: {  	v23 =	vld.idx.msk [tilespmem:v23+s31+$0x0], $0xffff;
	v61 =	vand.u32 $0x7, v7;
	v31 =	vand.u32 $0xFFFFFFF8, v31;
	v7 =	vand.u32 $0xFFFFFFF8, v7  }
0x561: {  	v13 =	vld.idx.msk [tilespmem:v13+s31+$0x0], $0xffff;
	v4 =	vand.u32 $0x7, v35;
	v49 =	vand.u32 $0x7, v0;
	v35 =	vand.u32 $0xFFFFFFF8, v35  }
0x562: {  	v0 =	vand.u32 $0xFFFFFFF8, v0;
	v6 =	vand.u32 $0x7, v40;
	v40 =	vand.u32 $0xFFFFFFF8, v40;
	v14 =	vld.idx.msk [tilespmem:v14+s28+$0x0], $0xffff  }
0x563: {  	[tilespmem:$0x1F7E0] =	vst v3;
	v3 =	vand.u32 $0x7, v10;
	v10 =	vand.u32 $0xFFFFFFF8, v10;
	v15 =	vadd.s32 v2, v15;
	v18 =	vld.idx.msk [tilespmem:v18+s28+$0x0], $0xffff  }
0x564: {  	v9 =	vadd.s32 v2, v9;
	v19 =	vadd.s32 v2, v19;
	v12 =	vadd.s32 v2, v12;
	v21 =	vld.idx.msk [tilespmem:v21+s28+$0x0], $0xffff  }
0x565: {  	v22 =	vadd.s32 v2, v22;
	v11 =	vadd.s32 v2, v11;
	v26 =	vadd.s32 v2, v26;
	v55 =	vld [tilespmem:$0x1F7E0]  }
0x566: {  	v1 =	vadd.s32 v2, v1;
	v28 =	vadd.s32 v2, v28;
	v15 =	vor.u32 v37, v15;
	v24 =	vld.idx.msk [tilespmem:v24+s28+$0x0], $0xffff  }
0x567: {  	v8 =	vadd.s32 v2, v8;
	v31 =	vadd.s32 v2, v31;
	v9 =	vor.u32 v38, v9;
	v27 =	vld.idx.msk [tilespmem:v27+s28+$0x0], $0xffff  }
0x568: {  	v7 =	vadd.s32 v2, v7;
	v0 =	vadd.s32 v2, v0;
	v19 =	vor.u32 v44, v19;
	v30 =	vld.idx.msk [tilespmem:v30+s28+$0x0], $0xffff  }
0x569: {  	v52 =	vadd.s32 v2, v40;
	v42 =	vand.u32 $0xFFFF0000, v13;
	v12 =	vor.u32 v45, v12;
	v29 =	vld.idx.msk [tilespmem:v29+s31+$0x0], $0xffff  }
0x56a: {  	v40 =	vshll.u32 v13, $0x10;
	v22 =	vor.u32 v48, v22;
	v11 =	vor.u32 v51, v11;
	v33 =	vld.idx.msk [tilespmem:v33+s28+$0x0], $0xffff  }
0x56b: {  	v48 =	vadd.s32 v2, v35;
	v51 =	vadd.s32 v2, v39;
	v10 =	vadd.s32 v2, v10;
	v15 =	vld.idx.msk [tilespmem:v15+s29+$0x0], $0xffff  }
0x56c: {  	v26 =	vor.u32 v53, v26;
	v28 =	vor.u32 v56, v28;
	v8 =	vor.u32 v57, v8;
	v9 =	vld.idx.msk [tilespmem:v9+s30+$0x0], $0xffff  }
0x56d: {  	v31 =	vor.u32 v60, v31;
	v7 =	vor.u32 v61, v7;
	v6 =	vor.u32 v6, v52;
	v19 =	vld.idx.msk [tilespmem:v19+s29+$0x0], $0xffff  }
0x56e: {  	v0 =	vor.u32 v49, v0;
	v39 =	vshll.u32 v17, $0x10;
	v4 =	vor.u32 v4, v48;
	v12 =	vld.idx.msk [tilespmem:v12+s30+$0x0], $0xffff  }
0x56f: {  	v5 =	vor.u32 v5, v51;
	v3 =	vor.u32 v3, v10;
	v1 =	vor.u32 v55, v1;
	v22 =	vld.idx.msk [tilespmem:v22+s29+$0x0], $0xffff  }
0x570: {  	v11 =	vld.idx.msk [tilespmem:v11+s30+$0x0], $0xffff;
	v10 =	vand.u32 $0xFFFF0000, v14;
	v44 =	vand.u32 $0xFFFF0000, v18;
	v18 =	vshll.u32 v18, $0x10  }
0x571: {  	v26 =	vld.idx.msk [tilespmem:v26+s29+$0x0], $0xffff;
	v48 =	vand.u32 $0xFFFF0000, v21;
	v21 =	vshll.u32 v21, $0x10;
	v54 =	vand.u32 $0xFFFF0000, v24  }
0x572: {  	v36 =	vld.idx.msk [tilespmem:v31+s29+$0x0], $0xffff;
	v24 =	vshll.u32 v24, $0x10;
	v61 =	vand.u32 $0xFFFF0000, v27;
	v27 =	vshll.u32 v27, $0x10  }
0x573: {  	v13 =	vand.u32 $0xFFFF0000, v30;
	[tilespmem:$0x1F7F0] =	vst v10;
	v10 =	vshll.u32 v14, $0x10;
	v4 =	vld.idx.msk [tilespmem:v4+s29+$0x0], $0xffff;
	v14 =	vand.u32 $0xFFFF0000, v29  }
0x574: {  	v17 =	vand.u32 $0xFFFF0000, v33;
	v49 =	vand.u32 $0xFFFF0000, v22;
	v50 =	vshll.u32 v22, $0x10;
	v22 =	vld.idx.msk [tilespmem:v32+s31+$0x0], $0xffff  }
0x575: {  	v3 =	vld.idx.msk [tilespmem:v3+s30+$0x0], $0xffff;
	[tilespmem:$0x1F800] =	vst v10;
	v33 =	vshll.u32 v33, $0x10;
	v10 =	vand.u32 $0xFFFF0000, v15;
	v55 =	vshll.u32 v15, $0x10  }
0x576: {  	v0 =	vld.idx.msk [tilespmem:v0+s30+$0x0], $0xffff;
	v56 =	vand.u32 $0xFFFF0000, v9;
	v35 =	vshll.u32 v9, $0x10;
	v45 =	vand.u32 $0xFFFF0000, v19  }
0x577: {  	v28 =	vld.idx.msk [tilespmem:v28+s29+$0x0], $0xffff;
	v19 =	vshll.u32 v19, $0x10;
	v46 =	vand.u32 $0xFFFF0000, v12;
	v12 =	vshll.u32 v12, $0x10  }
0x578: {  	v7 =	vld.idx.msk [tilespmem:v7+s30+$0x0], $0xffff;
	v51 =	vand.u32 $0xFFFF0000, v11;
	v11 =	vshll.u32 v11, $0x10;
	v15 =	vand.u32 $0xFFFF0000, v36  }
0x579: {  	v6 =	vld.idx.msk [tilespmem:v6+s29+$0x0], $0xffff;
	v32 =	vand.u32 $0xFFFF0000, v23;
	[tilespmem:$0x1F850] =	vst v15;
	v37 =	vand.u32 $0xFFFF0000, v4;
	v15 =	vand.u32 $0xFFFF0000, v22  }
0x57a: {  	v52 =	vand.u32 $0xFFFF0000, v3;
	v53 =	vshll.u32 v3, $0x10;
	v3 =	vld [tilespmem:$0x1F800];
	[tilespmem:$0x1F830] =	vst v15;
	v15 =	vshll.u32 v22, $0x10  }
0x57b: {  	v38 =	vshll.u32 v4, $0x10;
	v4 =	vand.u32 $0xFFFF0000, v0;
	[tilespmem:$0x1F840] =	vst v15;
	v15 =	vshll.u32 v0, $0x10;
	v0 =	vld [tilespmem:$0x1F7F0]  }
0x57c: {  	v8 =	vld.idx.msk [tilespmem:v8+s30+$0x0], $0xffff;
	v23 =	vshll.u32 v23, $0x10;
	v57 =	vand.u32 $0xFFFF0000, v26;
	v58 =	vshll.u32 v26, $0x10  }
0x57d: {  	v62 =	vand.u32 $0xFFFF0000, v28;
	v63 =	vshll.u32 v28, $0x10;
	v9 =	vshll.u32 v29, $0x10  }
0x57e: {  	v28 =	vshll.u32 v30, $0x10;
	v31 =	vshll.u32 v36, $0x10;
	v30 =	vand.u32 $0xFFFF0000, v7  }
0x57f: {  	v7 =	vshll.u32 v7, $0x10;
	v29 =	vsel vm2, v40, v42;
	v40 =	vand.u32 $0xFFFF0000, v6;
	[tilespmem:$0x1F810] =	vst v10  }
0x580: {  	v42 =	vshll.u32 v6, $0x10;
	v26 =	vsel vm2, v20, v47;
	v36 =	vsel vm3, v3, v0;
	v0 =	vld [tilespmem:$0x1F810]  }
0x581: {  	v10 =	vand.u32 $0xFFFF0000, v8;
	v8 =	vshll.u32 v8, $0x10;
	v6 =	vsel vm1, v35, v56  }
0x582: {  	v1 =	vld.idx.msk [tilespmem:v1+s30+$0x0], $0xffff;
	v47 =	vsel vm0, v19, v45;
	v12 =	vsel vm1, v12, v46;
	v11 =	vsel vm1, v11, v51  }
0x583: {  	v32 =	vsel vm2, v23, v32;
	v51 =	vmul.f32 v29, v29;
	v23 =	vsel vm0, v58, v57  }
0x584: {  	v46 =	vsel vm3, v28, v13;
	v57 =	vmul.f32 v25, v25;
	v19 =	vsel vm1, v8, v10  }
0x585: {  	v45 =	vmul.f32 v32, v32;
	v59 =	vmul.f32 v46, v46;
	v0 =	vsel vm0, v55, v0  }
0x586: {  	v5 =	vld.idx.msk [tilespmem:v5+s28+$0x0], $0xffff;
	v35 =	vsel vm3, v18, v44;
	v44 =	vmul.f32 v19, v19;
	v55 =	vmul.f32 v6, v0  }
0x587: {  	v60 =	vand.u32 $0xFFFF0000, v1;
	v56 =	vmul.f32 v0, v36;
	v0 =	vmul.f32 v35, v35  }
0x588: {  	v1 =	vshll.u32 v1, $0x10;
	v22 =	vsel vm3, v21, v48;
	v48 =	vsel vm0, v50, v49  }
0x589: {  	v49 =	vmul.f32 v6, v6;
	v1 =	vsel vm1, v1, v60;
	[tilespmem:$0x1F910] =	vst v0;
	v0 =	vmul.f32 v12, v12  }
0x58a: {  	v60 =	vmul.f32 v12, v47;
	v3 =	vsel vm2, v34, v41;
	v34 =	vsel vm2, v39, v43  }
0x58b: {  	v16 =	vand.u32 $0xFFFF0000, v5;
	v21 =	vmul.f32 v22, v22;
	[tilespmem:$0x1F920] =	vst v0;
	v0 =	vmul.f32 v34, v34  }
0x58c: {  	v39 =	vsel vm3, v24, v54;
	v41 =	vsel vm3, v27, v61;
	v27 =	vmul.f32 v26, v26  }
0x58d: {  	v61 =	vmul.f32 v47, v35;
	v24 =	vsel vm2, v9, v14;
	[tilespmem:$0x1F930] =	vst v0;
	v0 =	vmul.f32 v11, v11  }
0x58e: {  	v14 =	vmul.f32 v11, v48;
	v48 =	vmul.f32 v48, v22;
	v11 =	vsel vm1, v15, v4;
	v4 =	vld [tilespmem:$0x1F840]  }
0x58f: {  	p0 =	slt.u32 s5, $0x38;
	v6 =	vmul.f32 v1, v1;
	[tilespmem:$0x1F940] =	vst v0;
	v0 =	vsel vm0, v63, v62;
	v63 =	vmul.f32 v1, v23;
	v1 =	vld [tilespmem:$0x1F830]  }
.Ltmp6:
0x590: {  	v9 =	vsel vm1, v7, v30;
	v50 =	vmul.f32 v36, v36;
	v18 =	vmul.f32 v39, v39;
	(pc) =	sbr.rel @p0 .LBB2_15-.Ltmp6, $4  }
0x591: {  	v43 =	vsel vm3, v33, v17;
	v20 =	vmul.f32 v3, v3;
	v47 =	vmul.f32 v41, v41  }
0x592: {  	v5 =	vshll.u32 v5, $0x10;
	v58 =	vmul.f32 v9, v9;
	v10 =	vmul.f32 v43, v43  }
0x593: {  	v30 =	vld [tilespmem:$0x1F820];
	v54 =	vsel vm3, v5, v16;
	v8 =	vmul.f32 v24, v24;
	v7 =	vmul.f32 v11, v11  }
0x594: {  	s5 =	sadd.s32 $0x8, s5;
	v16 =	vld [tilespmem:$0x1F850];
	v62 =	vmul.f32 v23, v39;
	v23 =	vsel vm2, v4, v1;
	v1 =	vmul.f32 v19, v0  }
0x595: {  	v17 =	vmul.f32 v29, v55  }
0x596: {  	v4 =	vsel vm1, v53, v52;
	v19 =	vmul.f32 v29, v56;
	v28 =	vmul.f32 v54, v54  }
0x597: {  	v13 =	vsel vm0, v38, v37;
	v33 =	vmul.f32 v23, v23;
	v53 =	vmul.f32 v0, v41  }
0x598: {  	v15 =	vsel vm0, v42, v40;
	v0 =	vmul.f32 v26, v63;
	v40 =	vmul.f32 v3, v48  }
0x599: {  	v2 =	vld [tilespmem:$0x1F860];
	v3 =	vmul.f32 v3, v14;
	v11 =	vmul.f32 v11, v13  }
0x59a: {  	v13 =	vmul.f32 v13, v43;
	v56 =	vmul.f32 v32, v53  }
0x59b: {  	v19 =	vmul.f32 v19, v19;
	v42 =	vadd.f32 v49, v30;
	v49 =	vmul.f32 v4, v4  }
0x59c: {  	v4 =	vmul.f32 v4, v15;
	v15 =	vmul.f32 v15, v54  }
0x59d: {  	v13 =	vmul.f32 v24, v13;
	v5 =	vsel vm0, v31, v16;
	v16 =	vmul.f32 v36, v55  }
0x59e: {  	v55 =	vmul.f32 v26, v62;
	v12 =	vadd.f32 v50, v2;
	v9 =	vmul.f32 v9, v5  }
0x59f: {  	v29 =	vadd.f32 v49, v42;
	v5 =	vmul.f32 v5, v46;
	v15 =	vmul.f32 v23, v15  }
0x5a0: {  	v13 =	vmul.f32 v13, v13;
	v28 =	vadd.f32 v28, v12;
	v12 =	vmul.f32 v34, v60  }
0x5a1: {  	v29 =	vadd.f32 v7, v29;
	v7 =	vmul.f32 v41, v1;
	v1 =	vmul.f32 v32, v1  }
0x5a2: {  	v2 =	vld [tilespmem:$0x1F990];
	v31 =	vmul.f32 v46, v9;
	v9 =	vmul.f32 v25, v9  }
0x5a3: {  	v62 =	vld [tilespmem:$0x1F9D0];
	v32 =	vmul.f32 v54, v4;
	v15 =	vmul.f32 v15, v15  }
0x5a4: {  	v5 =	vmul.f32 v25, v5;
	v41 =	vmul.f32 v56, v56  }
0x5a5: {  	v4 =	vmul.f32 v23, v4;
	v28 =	vadd.f32 v10, v28;
	v10 =	vmul.f32 v39, v63  }
0x5a6: {  	v29 =	vadd.f32 v58, v29;
	v38 =	vmul.f32 v31, v31;
	v5 =	vmul.f32 v5, v5  }
0x5a7: {  	v39 =	vmul.f32 v7, v7;
	v50 =	vadd.f32 v51, v2;
	v2 =	vmul.f32 v35, v60  }
0x5a8: {  	v19 =	vadd.f32 v19, v62;
	v51 =	vmul.f32 v34, v61;
	v35 =	vmul.f32 v43, v11;
	v60 =	vld [tilespmem:$0x1F9B0]  }
0x5a9: {  	v61 =	vmul.f32 v32, v32;
	v43 =	vld [tilespmem:$0x1F940];
	v28 =	vadd.f32 v59, v28;
	v29 =	vadd.f32 v44, v29  }
0x5aa: {  	v11 =	vmul.f32 v24, v11;
	v15 =	vadd.f32 v15, v19;
	v52 =	vadd.f32 v33, v50  }
0x5ab: {  	v59 =	vmul.f32 v16, v16;
	v28 =	vadd.f32 v47, v28;
	v6 =	vadd.f32 v6, v29  }
0x5ac: {  	v42 =	vmul.f32 v10, v10;
	v13 =	vadd.f32 v13, v15;
	v47 =	vld [tilespmem:$0x1F920];
	v8 =	vadd.f32 v8, v52  }
0x5ad: {  	v46 =	vld [tilespmem:$0x1F910];
	v44 =	vmul.f32 v55, v55;
	v33 =	vadd.f32 v59, v60;
	v18 =	vadd.f32 v18, v28  }
0x5ae: {  	v36 =	vmul.f32 v35, v35;
	v5 =	vadd.f32 v5, v13;
	v6 =	vadd.f32 v43, v6  }
0x5af: {  	v13 =	vmul.f32 v40, v40;
	v40 =	vld [tilespmem:$0x1F9A0];
	v8 =	vadd.f32 v57, v8;
	v63 =	vadd.f32 v61, v33  }
0x5b0: {  	v48 =	vmul.f32 v2, v2;
	v18 =	vadd.f32 v21, v18;
	v5 =	vadd.f32 v41, v5  }
0x5b1: {  	v15 =	vmul.f32 v22, v14;
	v8 =	vadd.f32 v45, v8;
	v6 =	vadd.f32 v47, v6  }
0x5b2: {  	v49 =	vmul.f32 v51, v51;
	v37 =	vadd.f32 v36, v63;
	v18 =	vadd.f32 v46, v18  }
0x5b3: {  	v45 =	vmul.f32 v15, v15;
	v5 =	vadd.f32 v44, v5;
	v8 =	vadd.f32 v27, v8  }
0x5b4: {  	v50 =	vld [tilespmem:$0x1F930];
	v54 =	vshra.s32 v6, $0x1;
	v6 =	vmul.f32 $-5.000000000e-01, v6;
	v16 =	vadd.f32 v16, v40  }
0x5b5: {  	v44 =	vld [tilespmem:$0x1F9C0];
	v19 =	vadd.f32 v38, v37;
	v5 =	vadd.f32 v13, v5;
	v51 =	vshra.s32 v18, $0x1  }
0x5b6: {  	v18 =	vmul.f32 $-5.000000000e-01, v18;
	v21 =	vsub.s32 $0x5F3759DF, v54;
	v8 =	vadd.f32 v20, v8  }
0x5b7: {  	v52 =	vsub.s32 $0x5F3759DF, v51;
	v56 =	vmul.f32 v21, v6;
	v19 =	vadd.f32 v39, v19  }
0x5b8: {  	v16 =	vadd.f32 v32, v16;
	v5 =	vadd.f32 v49, v5;
	v53 =	vmul.f32 v52, v18  }
0x5b9: {  	v8 =	vadd.f32 v50, v8;
	v24 =	vmul.f32 v21, v56;
	v19 =	vadd.f32 v42, v19  }
0x5ba: {  	v17 =	vadd.f32 v17, v44;
	v16 =	vadd.f32 v35, v16;
	v20 =	vmul.f32 v52, v53  }
0x5bb: {  	v60 =	vshra.s32 v5, $0x1;
	v61 =	vmul.f32 $-5.000000000e-01, v5;
	v19 =	vadd.f32 v45, v19  }
0x5bc: {  	v55 =	vshra.s32 v8, $0x1;
	v8 =	vmul.f32 $-5.000000000e-01, v8;
	v28 =	vsub.s32 $0x5F3759DF, v60  }
0x5bd: {  	v36 =	vadd.f32 $1.500000000e+00, v24;
	v22 =	vsub.s32 $0x5F3759DF, v55;
	v19 =	vadd.f32 v48, v19  }
0x5be: {  	v20 =	vadd.f32 $1.500000000e+00, v20;
	v63 =	vmul.f32 v28, v61;
	v57 =	vmul.f32 v22, v8  }
0x5bf: {  	v21 =	vmul.f32 v21, v36;
	v58 =	vshra.s32 v19, $0x1;
	v59 =	vmul.f32 $-5.000000000e-01, v19  }
0x5c0: {  	v39 =	vmul.f32 v28, v63;
	v25 =	vmul.f32 v22, v57;
	v26 =	vsub.s32 $0x5F3759DF, v58  }
0x5c1: {  	v4 =	vadd.f32 v4, v17;
	v13 =	vmul.f32 v52, v20;
	v62 =	vmul.f32 v26, v59  }
0x5c2: {  	v45 =	vmul.f32 v21, v6;
	v43 =	vadd.f32 $1.500000000e+00, v39;
	v38 =	vadd.f32 $1.500000000e+00, v25  }
0x5c3: {  	v16 =	vadd.f32 v31, v16;
	v42 =	vmul.f32 v13, v18;
	v37 =	vmul.f32 v26, v62  }
0x5c4: {  	v4 =	vadd.f32 v11, v4;
	v24 =	vmul.f32 v28, v43;
	v20 =	vmul.f32 v22, v38  }
0x5c5: {  	v46 =	vmul.f32 v45, v21;
	v22 =	vmul.f32 v42, v13;
	v41 =	vadd.f32 $1.500000000e+00, v37  }
0x5c6: {  	v7 =	vadd.f32 v7, v16;
	v28 =	vmul.f32 v24, v61;
	v47 =	vmul.f32 v20, v8  }
0x5c7: {  	v4 =	vadd.f32 v9, v4;
	v17 =	vadd.f32 $1.500000000e+00, v46;
	v23 =	vmul.f32 v26, v41  }
0x5c8: {  	v48 =	vadd.f32 $1.500000000e+00, v22;
	v51 =	vmul.f32 v28, v24;
	v49 =	vmul.f32 v47, v20  }
0x5c9: {  	v1 =	vadd.f32 v1, v4;
	v17 =	vmul.f32 v17, v21;
	v26 =	vmul.f32 v23, v59  }
0x5ca: {  	v11 =	vmul.f32 v48, v13;
	v54 =	vadd.f32 $1.500000000e+00, v51;
	v52 =	vadd.f32 $1.500000000e+00, v49  }
0x5cb: {  	v7 =	vadd.f32 v10, v7;
	v6 =	vmul.f32 v17, v6;
	v50 =	vmul.f32 v26, v23  }
0x5cc: {  	v0 =	vadd.f32 v0, v1;
	v58 =	vmul.f32 v54, v24;
	v55 =	vmul.f32 v52, v20  }
0x5cd: {  	v56 =	vmul.f32 v11, v18;
	v1 =	vmul.f32 v6, v17;
	v53 =	vadd.f32 $1.500000000e+00, v50  }
0x5ce: {  	v60 =	vmul.f32 v58, v61;
	v8 =	vmul.f32 v55, v8  }
0x5cf: {  	v7 =	vadd.f32 v15, v7;
	v4 =	vmul.f32 v56, v11;
	v57 =	vmul.f32 v53, v23  }
0x5d0: {  	v1 =	vadd.f32 $1.500000000e+00, v1;
	v6 =	vmul.f32 v60, v58;
	v8 =	vmul.f32 v8, v55  }
0x5d1: {  	v0 =	vadd.f32 v3, v0;
	v4 =	vadd.f32 $1.500000000e+00, v4;
	v59 =	vmul.f32 v57, v59  }
0x5d2: {  	v1 =	vmul.f32 v1, v17;
	v6 =	vadd.f32 $1.500000000e+00, v6;
	v8 =	vadd.f32 $1.500000000e+00, v8  }
0x5d3: {  	v2 =	vadd.f32 v2, v7;
	v4 =	vmul.f32 v4, v11;
	v10 =	vmul.f32 v59, v57  }
0x5d4: {  	v0 =	vadd.f32 v12, v0;
	v6 =	vmul.f32 v6, v58;
	v3 =	vmul.f32 v8, v55  }
0x5d5: {  	v1 =	vmin.f32 v1, $9.999999950e+11;
	v4 =	vmin.f32 v4, $9.999999950e+11;
	v10 =	vadd.f32 $1.500000000e+00, v10  }
0x5d6: {  	v62 =	vmul.f32 v1, v4;
	v5 =	vmul.f32 v6, v5;
	v3 =	vmin.f32 v3, $9.999999950e+11  }
0x5d7: {  	v0 =	vmul.f32 v3, v0;
	v61 =	vmul.f32 v10, v57  }
0x5d8: {  	v2 =	vmul.f32 v62, v2;
	v4 =	vmul.f32 v5, v4  }
0x5d9: {  	s23 =	sadd.s32 $0x1, s23;
	v0 =	vmul.f32 v0, v1;
	v8 =	vmul.f32 v61, v19  }
0x5da: {  	p0 =	sne.s32 s23, $0x8;
	v1 =	vsub.f32 $0.0e+00, v2;
	v2 =	vmul.f32 v4, v3  }
.Ltmp7:
0x5db: {  	v0 =	vsub.f32 $0.0e+00, v0;
	v63 =	vmul.f32 v8, v62;
	(pc) =	sbr.rel @p0 .LBB2_14-.Ltmp7, $4  }
0x5dc: {  	[tilespmem:s24+$0x11800] =	vst v1;
	v1 =	vsub.f32 $0.0e+00, v2  }
0x5dd: {  	[tilespmem:s24+$0x11C00] =	vst v0;
	v3 =	vsub.f32 $0.0e+00, v63  }
0x5de: {  	[tilespmem:s24+$0x11E00] =	vst v1  }
0x5df: {  	[tilespmem:s24+$0x11A00] =	vst v3;
	v3 =	vlaneseq.u32  }
0x5e0: {  	s5 =	simm.s32 $0x11800  }
0x5e1: {  	[hbm4b:s17+s2] =	stream.linear.scatter [tilespmem:s5], [sflag:$0x2], $0x200, $0x38;
	[tilespmem:$0x12000] =	vst v63  }
0x5e2: {  	_ =	swait.ge [sflag:s0], $0x200  }
0x5e3: {  	[sflag:s0] =	ssyncset.done $0x0  }
0x5e4: {  	s22 =	simm.s32 $0x11A00;
	[sflag:s0] =	ssyncadd.s32 $0xFFFFFE00  }
0x5e5: {  	[hbm4b:s18+s2] =	stream.linear.scatter [tilespmem:s22], [sflag:$0x2], $0x200, $0x38;
	[tilespmem:$0x12000] =	vst v63  }
0x5e6: {  	_ =	swait.ge [sflag:s0], $0x200  }
0x5e7: {  	[sflag:s0] =	ssyncset.done $0x0  }
0x5e8: {  	s23 =	simm.s32 $0x11C00;
	[sflag:s0] =	ssyncadd.s32 $0xFFFFFE00  }
0x5e9: {  	[hbm4b:s19+s2] =	stream.linear.scatter [tilespmem:s23], [sflag:$0x2], $0x200, $0x38;
	[tilespmem:$0x12000] =	vst v63  }
0x5ea: {  	s1 =	sadd.s32 $0x1, s1;
	_ =	swait.ge [sflag:s0], $0x200  }
0x5eb: {  	p0 =	sne.s32 s1, s21;
	[sflag:s0] =	ssyncset.done $0x0  }
.Ltmp8:
0x5ec: {  	s24 =	simm.s32 $0x11E00;
	[sflag:s0] =	ssyncadd.s32 $0xFFFFFE00;
	(pc) =	sbr.rel @p0 .LBB2_1-.Ltmp8, $4  }
0x5ed: {  	[hbm4b:s20+s2] =	stream.linear.scatter [tilespmem:s24], [sflag:$0x2], $0x200, $0x38;
	[tilespmem:$0x12000] =	vst v63  }
0x5ee: {  	_ =	swait.ge [sflag:s0], $0x200  }
0x5ef: {  	[sflag:s0] =	ssyncset.done $0x0  }
0x5f0: {  	[sflag:s0] =	ssyncadd.s32 $0xFFFFFE00  }
0x5f1: {  	_ =	sfence.sel $0x180000  }
0x5f2: {  	[bflag:$0x0] =	sbarrier.arrive $0xFFFF  }
0x5f3: {  	_ =	strace $0x90000047  }
0x5f4: {  	s0 =	stileid.u32;
	[bflag:$0x2] =	sbarrier.arrive $0xFFFF  }
0x5f5: {  	p0 =	sne.s32 s0, $0x0;
	s0 =	rddreg [dreg:$0x3]  }
0x5f6: {  	s0 =	sadd.s32 @!p0 $0x100000, s0  }
0x5f7: {  	[sflag:s0] =	ssyncadd.tile.s32 @!p0 $0x1;
	_ =	shalt  }
.Lfunc_end2:
_tile_overlayer_lowered:
.L_overlay_start_2:
0x5f8: {  	(tag) =	ssettag $0x2  }
0x5f9: {  	s0 =	rddreg [dreg:$0x0];
	s2 =	stileid.u32  }
0x5fa: {  	s1 =	rddreg [dreg:$0x1];
	p0 =	sne.s32 s2, $0x0  }
0x5fb: {  	s3 =	rddreg [dreg:$0x2];
	[bflag:$0x3] =	sbarrier.arrive $0xFFFF;
	s2 =	simm.s32 @!p0 $0x1C02  }
0x5fc: {  	[timem:s3], [sflag:s2] =	dma.local @!p0 [hbm:s0], s1  }
0x5fd: {  	s0 =	simm.s32 @!p0 $0x2  }
0x5fe: {  	_ =	swait.ge @!p0 [sflag:s0], s1  }
0x5ff: {  	s1 =	ssub.s32 @!p0 $0x0, s1;
	[sflag:s0] =	ssyncset.done @!p0 $0x0  }
0x600: {  	[sflag:s0] =	ssyncadd.s32 @!p0 s1  }
0x601: {  	[bflag:$0x3] =	sbarrier.arrive $0xFFFF  }
0x602: {  	_ =	shalt  }

</sc_bundles>
